<compile_context>
chip_gen: v7x
topology: tpu7x:2x2x1
jax: 0.10.2.dev20260603
libtpu: 0.0.44.dev20260713+nightly
codegen_flags: <defaults>
</compile_context>

<pallas_src>
import functools

import jax
import jax.numpy as jnp
from jax import lax
from jax.experimental import pallas as pl
from jax.experimental.pallas import tpu as pltpu
from jax.experimental.pallas import tpu_sc as plsc

_B, _S, _D, _K = 1024, 200, 128, 32
_NW = 32
_BC = 128
_NBC = _B // _BC
_UNITS = _S * _NBC
_UPW = _UNITS // _NW
_NBUF = 5


def _sc_scatter(inp, idx_t, val16):
    mesh = plsc.VectorSubcoreMesh(core_axis_name="c", subcore_axis_name="s")

    @functools.partial(
        pl.kernel,
        mesh=mesh,
        compiler_params=pltpu.CompilerParams(needs_layout_passes=False),
        out_type=jax.ShapeDtypeStruct((_B, _S, _D), jnp.float32),
        scratch_types=(
            [pltpu.VMEM((_BC, _D), jnp.float32) for _ in range(_NBUF)]
            + [pltpu.VMEM((_K, _BC), jnp.int32) for _ in range(_NBUF)]
            + [pltpu.VMEM((16,), jnp.float32)]
            + [pltpu.SemaphoreType.DMA for _ in range(2 * _NBUF)]
        ),
    )
    def k(inp_hbm, idx_hbm, val_hbm, out_hbm, *scratch):
        row_bufs = scratch[0:_NBUF]
        idx_bufs = scratch[_NBUF:2 * _NBUF]
        val_buf = scratch[2 * _NBUF]
        sem_in = scratch[2 * _NBUF + 1:2 * _NBUF + 1 + _NBUF]
        sem_out = scratch[2 * _NBUF + 1 + _NBUF:]

        cid = lax.axis_index("c")
        sid = lax.axis_index("s")
        wid = sid * 2 + cid
        u0 = wid * _UPW

        pltpu.sync_copy(val_hbm, val_buf)
        vval = val_buf[...]
        iota = lax.broadcasted_iota(jnp.int32, (16,), 0)

        def unit_si(u):
            return u // _NBC, (u % _NBC) * _BC

        def in_copies(u, b):
            si, b0 = unit_si(u)
            return (
                pltpu.make_async_copy(
                    inp_hbm.at[pl.ds(b0, _BC), si], row_bufs[b], sem_in[b]),
                pltpu.make_async_copy(
                    idx_hbm.at[si, :, pl.ds(b0, _BC)], idx_bufs[b], sem_in[b]),
            )

        def out_copy(u, b):
            si, b0 = unit_si(u)
            return pltpu.make_async_copy(
                row_bufs[b], out_hbm.at[pl.ds(b0, _BC), si], sem_out[b])

        rowvecs = [iota + 16 * g for g in range(_BC // 16)]

        def scatter(b):
            rb = row_bufs[b]
            ib = idx_bufs[b]

            for g in range(_BC // 16):
                rv = rowvecs[g]

                @plsc.parallel_loop(0, _K, unroll=8)
                def _kk(kk, rv=rv):
                    vec = ib[kk, pl.ds(16 * g, 16)]
                    plsc.store_scatter(rb, [rv, vec], vval)

        for c in in_copies(u0, 0):
            c.start()

        def group(p, carry):
            for b in range(_NBUF):
                j = p * _NBUF + b
                u = u0 + j
                nb = (b + 1) % _NBUF

                @pl.when(j + 1 < _UPW)
                def _prefetch():
                    @pl.when(j >= _NBUF - 1)
                    def _drain():
                        out_copy(u - (_NBUF - 1), nb).wait()

                    for c in in_copies(u + 1, nb):
                        c.start()

                for c in in_copies(u, b):
                    c.wait()
                scatter(b)
                out_copy(u, b).start()
            return carry

        lax.fori_loop(0, _UPW // _NBUF, group, 0)

        for b in range(_NBUF):
            out_copy(u0 + _UPW - _NBUF + b, b).wait()

    return k(inp, idx_t, val16)


def kernel(input, index, value):
    idx_t = jnp.transpose(index, (1, 2, 0))
    val16 = jnp.broadcast_to(jnp.asarray(value, input.dtype), (16,))
    return _sc_scatter(input, idx_t, val16)

# --- scband reference (transcript-rebuilt; emitter-appended) ---
"""Pipeline reference for scband-scatter-value-float-module-72782515798842 (READ-ONLY COPY).

The authoritative reference and input builder live on the scoring server;
editing this copy changes nothing except your own understanding.
"""

import jax, jax.numpy as jnp
import numpy as np

B, S, D, K = 1024, 200, 128, 32


def setup_inputs(seed: int = 0) -> dict:
    key = jax.random.key(seed)
    k1, k2 = jax.random.split(key)
    inp = jax.random.normal(k1, (B, S, D), dtype=jnp.float32)
    index = jax.random.randint(k2, (B, S, K), 0, D, dtype=jnp.int32)
    value = jnp.asarray(1.0, dtype=jnp.float32)
    return {"input": inp, "index": index, "value": value}


def reference(input, index, value):
    # torch.ops.aten.scatter(input, dim=2, index, scalar_value)
    # Overwrite entries of `input` along axis 2 at positions given by `index`
    # with the scalar `value`.
    bB, bS, bK = index.shape
    bi = jnp.arange(bB)[:, None, None]
    si = jnp.arange(bS)[None, :, None]
    full = jnp.broadcast_to(jnp.asarray(value, dtype=input.dtype), index.shape)
    out = input.at[bi, si, index].set(full)
    return out

if __name__ == "__main__":
    import jax
    _d = setup_inputs()
    print(jax.jit(kernel)(*tuple(_d.values())))

</pallas_src>

<mosaic_0001>
#map = affine_map<(d0, d1) -> (0, 0, 0)>
#map1 = affine_map<(d0, d1) -> (0)>
module attributes {stable_mosaic.version = 14 : i64} {
  func.func @k(%arg0: i32, %arg1: i32, %arg2: memref<1024x200x128xf32, #tpu.memory_space<hbm>>, %arg3: memref<200x32x1024xi32, #tpu.memory_space<hbm>>, %arg4: memref<16xf32, #tpu.memory_space<hbm>>, %arg5: memref<1024x200x128xf32, #tpu.memory_space<hbm>>, %arg6: memref<128x128xf32, #tpu.memory_space<vmem>>, %arg7: memref<128x128xf32, #tpu.memory_space<vmem>>, %arg8: memref<128x128xf32, #tpu.memory_space<vmem>>, %arg9: memref<128x128xf32, #tpu.memory_space<vmem>>, %arg10: memref<128x128xf32, #tpu.memory_space<vmem>>, %arg11: memref<32x128xi32, #tpu.memory_space<vmem>>, %arg12: memref<32x128xi32, #tpu.memory_space<vmem>>, %arg13: memref<32x128xi32, #tpu.memory_space<vmem>>, %arg14: memref<32x128xi32, #tpu.memory_space<vmem>>, %arg15: memref<32x128xi32, #tpu.memory_space<vmem>>, %arg16: memref<16xf32, #tpu.memory_space<vmem>>, %arg17: memref<!tpu.dma_semaphore, #tpu.memory_space<semaphore_mem>>, %arg18: memref<!tpu.dma_semaphore, #tpu.memory_space<semaphore_mem>>, %arg19: memref<!tpu.dma_semaphore, #tpu.memory_space<semaphore_mem>>, %arg20: memref<!tpu.dma_semaphore, #tpu.memory_space<semaphore_mem>>, %arg21: memref<!tpu.dma_semaphore, #tpu.memory_space<semaphore_mem>>, %arg22: memref<!tpu.dma_semaphore, #tpu.memory_space<semaphore_mem>>, %arg23: memref<!tpu.dma_semaphore, #tpu.memory_space<semaphore_mem>>, %arg24: memref<!tpu.dma_semaphore, #tpu.memory_space<semaphore_mem>>, %arg25: memref<!tpu.dma_semaphore, #tpu.memory_space<semaphore_mem>>, %arg26: memref<!tpu.dma_semaphore, #tpu.memory_space<semaphore_mem>>) attributes {dimension_semantics = [#tpu.dimension_semantics<core_parallel>, #tpu.dimension_semantics<subcore_parallel>], iteration_bounds = array<i64: 2, 16>, scalar_prefetch = 0 : i64, scratch_operands = 21 : i64, tpu.core_type = #tpu.core_type<sc_vector_subcore>, window_params = [{transform_indices = #map}, {transform_indices = #map}, {transform_indices = #map1}, {transform_indices = #map}]} {
    %mul3A = arith.constant 2 : i32
    %mul3A_0 = arith.muli %arg1, %mul3A : i32
    %add3A = arith.addi %mul3A_0, %arg0 : i32
    %mul3A_1 = arith.constant 50 : i32
    %mul3A_2 = arith.muli %add3A, %mul3A_1 : i32
    "tpu.region"() ({
      %run_scoped3A = tpu.sem_alloc : memref<!tpu.dma_semaphore, #tpu.memory_space<semaphore_mem>>
      tpu.enqueue_dma source(%arg4 : memref<16xf32, #tpu.memory_space<hbm>>) target(%arg16 : memref<16xf32, #tpu.memory_space<vmem>>) target_semaphore(%run_scoped3A : memref<!tpu.dma_semaphore, #tpu.memory_space<semaphore_mem>>)
      tpu.wait_dma2 semaphore(%run_scoped3A : memref<!tpu.dma_semaphore, #tpu.memory_space<semaphore_mem>>) src(%arg4 : memref<16xf32, #tpu.memory_space<hbm>>) dst(%arg16 : memref<16xf32, #tpu.memory_space<vmem>>)
      tpu.yield
    }) : () -> ()
    %get3A = arith.constant 0 : index
    %get3A_3 = tpu.vector_load %arg16[%get3A] {strides = array<i32>} : memref<16xf32, #tpu.memory_space<vmem>>, vector<16xf32>,
    %iota3A = tpu.iota {dimensions = array<i32: 0>} : vector<16xi32>
    %add3A_4 = arith.constant 0 : i32
    %add3A_5 = vector.broadcast %add3A_4 : i32 to vector<16xi32>
    %add3A_6 = arith.addi %iota3A, %add3A_5 : vector<16xi32>
    %add3A_7 = arith.constant 16 : i32
    %add3A_8 = vector.broadcast %add3A_7 : i32 to vector<16xi32>
    %add3A_9 = arith.addi %iota3A, %add3A_8 : vector<16xi32>
    %add3A_10 = arith.constant 32 : i32
    %add3A_11 = vector.broadcast %add3A_10 : i32 to vector<16xi32>
    %add3A_12 = arith.addi %iota3A, %add3A_11 : vector<16xi32>
    %add3A_13 = arith.constant 48 : i32
    %add3A_14 = vector.broadcast %add3A_13 : i32 to vector<16xi32>
    %add3A_15 = arith.addi %iota3A, %add3A_14 : vector<16xi32>
    %add3A_16 = arith.constant 64 : i32
    %add3A_17 = vector.broadcast %add3A_16 : i32 to vector<16xi32>
    %add3A_18 = arith.addi %iota3A, %add3A_17 : vector<16xi32>
    %add3A_19 = arith.constant 80 : i32
    %add3A_20 = vector.broadcast %add3A_19 : i32 to vector<16xi32>
    %add3A_21 = arith.addi %iota3A, %add3A_20 : vector<16xi32>
    %add3A_22 = arith.constant 96 : i32
    %add3A_23 = vector.broadcast %add3A_22 : i32 to vector<16xi32>
    %add3A_24 = arith.addi %iota3A, %add3A_23 : vector<16xi32>
    %add3A_25 = arith.constant 112 : i32
    %add3A_26 = vector.broadcast %add3A_25 : i32 to vector<16xi32>
    %add3A_27 = arith.addi %iota3A, %add3A_26 : vector<16xi32>
    %jit3A = arith.constant 8 : i32
    %div3A = arith.divsi %mul3A_2, %jit3A : i32
    %sign3A = arith.constant 0 : i32
    %sign3A_28 = arith.cmpi sgt, %mul3A_2, %sign3A : i32
    %sign3A_29 = arith.extui %sign3A_28 : i1 to i32
    %sign3A_30 = arith.constant 0 : i32
    %sign3A_31 = arith.cmpi slt, %mul3A_2, %sign3A_30 : i32
    %sign3A_32 = arith.extui %sign3A_31 : i1 to i32
    %sign3A_33 = arith.subi %sign3A_29, %sign3A_32 : i32
    %sign3A_34 = arith.constant 0 : i32
    %sign3A_35 = arith.cmpi sgt, %jit3A, %sign3A_34 : i32
    %sign3A_36 = arith.extui %sign3A_35 : i1 to i32
    %sign3A_37 = arith.constant 0 : i32
    %sign3A_38 = arith.cmpi slt, %jit3A, %sign3A_37 : i32
    %sign3A_39 = arith.extui %sign3A_38 : i1 to i32
    %sign3A_40 = arith.subi %sign3A_36, %sign3A_39 : i32
    %ne3A = arith.cmpi ne, %sign3A_33, %sign3A_40 : i32
    %rem3A = arith.remsi %mul3A_2, %jit3A : i32
    %ne3A_41 = arith.constant 0 : i32
    %ne3A_42 = arith.cmpi ne, %rem3A, %ne3A_41 : i32
    %and3A = arith.andi %ne3A, %ne3A_42 : i1
    %sub3A = arith.constant 1 : i32
    %sub3A_43 = arith.subi %div3A, %sub3A : i32
    %select_n3A = arith.select %and3A, %sub3A_43, %div3A : i32
    %jit3A_44 = arith.constant 8 : i32
    %eq3A = arith.constant 0 : i32
    %eq3A_45 = arith.cmpi eq, %jit3A_44, %eq3A : i32
    %jit3A_46 = arith.constant 1 : i32
    %select_n3A_47 = arith.select %eq3A_45, %jit3A_46, %jit3A_44 : i32
    %rem3A_48 = arith.remsi %mul3A_2, %select_n3A_47 : i32
    %ne3A_49 = arith.constant 0 : i32
    %ne3A_50 = arith.cmpi ne, %rem3A_48, %ne3A_49 : i32
    %lt3A = arith.constant 0 : i32
    %lt3A_51 = arith.cmpi slt, %rem3A_48, %lt3A : i32
    %lt3A_52 = arith.constant 0 : i32
    %lt3A_53 = arith.cmpi slt, %select_n3A_47, %lt3A_52 : i32
    %ne3A_54 = arith.xori %lt3A_51, %lt3A_53 : i1
    %and3A_55 = arith.andi %ne3A_54, %ne3A_50 : i1
    %add3A_56 = arith.addi %rem3A_48, %select_n3A_47 : i32
    %select_n3A_57 = arith.select %and3A_55, %add3A_56, %rem3A_48 : i32
    %mul3A_58 = arith.constant 128 : i32
    %mul3A_59 = arith.muli %select_n3A_57, %mul3A_58 : i32
    %dma_start3A = arith.constant 0 : i32
    %dma_start3A_60 = tpu.memref_slice %arg2[%mul3A_59, %select_n3A, %dma_start3A] : memref<1024x200x128xf32, #tpu.memory_space<hbm>> -> memref<128x1x128xf32, #tpu.memory_space<hbm>>
    %dma_start3A_61 = tpu.memref_squeeze %dma_start3A_60 : memref<128x1x128xf32, #tpu.memory_space<hbm>> -> memref<128x128xf32, #tpu.memory_space<hbm>>
    %dma_start3A_62 = arith.constant 0 : i32
    %dma_start3A_63 = tpu.memref_slice %arg2[%mul3A_59, %select_n3A, %dma_start3A_62] : memref<1024x200x128xf32, #tpu.memory_space<hbm>> -> memref<128x1x128xf32, #tpu.memory_space<hbm>>
    %dma_start3A_64 = tpu.memref_squeeze %dma_start3A_63 : memref<128x1x128xf32, #tpu.memory_space<hbm>> -> memref<128x128xf32, #tpu.memory_space<hbm>>
    tpu.enqueue_dma source(%dma_start3A_64 : memref<128x128xf32, #tpu.memory_space<hbm>>) target(%arg6 : memref<128x128xf32, #tpu.memory_space<vmem>>) target_semaphore(%arg17 : memref<!tpu.dma_semaphore, #tpu.memory_space<semaphore_mem>>)
    %dma_start3A_65 = arith.constant 0 : i32
    %dma_start3A_66 = tpu.memref_slice %arg3[%select_n3A, %dma_start3A_65, %mul3A_59] : memref<200x32x1024xi32, #tpu.memory_space<hbm>> -> memref<1x32x128xi32, #tpu.memory_space<hbm>>
    %dma_start3A_67 = tpu.memref_squeeze %dma_start3A_66 : memref<1x32x128xi32, #tpu.memory_space<hbm>> -> memref<32x128xi32, #tpu.memory_space<hbm>>
    %dma_start3A_68 = arith.constant 0 : i32
    %dma_start3A_69 = tpu.memref_slice %arg3[%select_n3A, %dma_start3A_68, %mul3A_59] : memref<200x32x1024xi32, #tpu.memory_space<hbm>> -> memref<1x32x128xi32, #tpu.memory_space<hbm>>
    %dma_start3A_70 = tpu.memref_squeeze %dma_start3A_69 : memref<1x32x128xi32, #tpu.memory_space<hbm>> -> memref<32x128xi32, #tpu.memory_space<hbm>>
    tpu.enqueue_dma source(%dma_start3A_70 : memref<32x128xi32, #tpu.memory_space<hbm>>) target(%arg11 : memref<32x128xi32, #tpu.memory_space<vmem>>) target_semaphore(%arg17 : memref<!tpu.dma_semaphore, #tpu.memory_space<semaphore_mem>>)
    %scan3A = arith.constant 0 : i32
    %scan3A_71 = arith.constant 0 : i32
    %scan3A_72 = arith.constant 10 : i32
    %scan3A_73 = arith.addi %scan3A_71, %scan3A_72 : i32
    %scan3A_74 = arith.constant 1 : i32
    scf.for %scan3A_345 = %scan3A_71 to %scan3A_73 step %scan3A_74  : i32 {
      %mul3A_346 = arith.constant 5 : i32
      %mul3A_347 = arith.muli %scan3A_345, %mul3A_346 : i32
      %add3A_348 = arith.constant 0 : i32
      %add3A_349 = arith.addi %mul3A_347, %add3A_348 : i32
      %add3A_350 = arith.addi %mul3A_2, %add3A_349 : i32
      %add3A_351 = arith.constant 1 : i32
      %add3A_352 = arith.addi %add3A_349, %add3A_351 : i32
      %lt3A_353 = arith.constant 50 : i32
      %lt3A_354 = arith.cmpi slt, %add3A_352, %lt3A_353 : i32
      %convert_element_type3A = arith.extui %lt3A_354 : i1 to i32
      %cond3A = arith.constant 0 : i32
      %cond3A_355 = arith.cmpi ne, %convert_element_type3A, %cond3A : i32
      scf.if %cond3A_355 {
        %ge3A = arith.constant 4 : i32
        %ge3A_1033 = arith.cmpi sge, %add3A_349, %ge3A : i32
        %convert_element_type3A_1034 = arith.extui %ge3A_1033 : i1 to i32
        %cond3A_1035 = arith.constant 0 : i32
        %cond3A_1036 = arith.cmpi ne, %convert_element_type3A_1034, %cond3A_1035 : i32
        scf.if %cond3A_1036 {
          %sub3A_1093 = arith.constant 4 : i32
          %sub3A_1094 = arith.subi %add3A_350, %sub3A_1093 : i32
          %jit3A_1095 = arith.constant 8 : i32
          %div3A_1096 = arith.divsi %sub3A_1094, %jit3A_1095 : i32
          %sign3A_1097 = arith.constant 0 : i32
          %sign3A_1098 = arith.cmpi sgt, %sub3A_1094, %sign3A_1097 : i32
          %sign3A_1099 = arith.extui %sign3A_1098 : i1 to i32
          %sign3A_1100 = arith.constant 0 : i32
          %sign3A_1101 = arith.cmpi slt, %sub3A_1094, %sign3A_1100 : i32
          %sign3A_1102 = arith.extui %sign3A_1101 : i1 to i32
          %sign3A_1103 = arith.subi %sign3A_1099, %sign3A_1102 : i32
          %sign3A_1104 = arith.constant 0 : i32
          %sign3A_1105 = arith.cmpi sgt, %jit3A_1095, %sign3A_1104 : i32
          %sign3A_1106 = arith.extui %sign3A_1105 : i1 to i32
          %sign3A_1107 = arith.constant 0 : i32
          %sign3A_1108 = arith.cmpi slt, %jit3A_1095, %sign3A_1107 : i32
          %sign3A_1109 = arith.extui %sign3A_1108 : i1 to i32
          %sign3A_1110 = arith.subi %sign3A_1106, %sign3A_1109 : i32
          %ne3A_1111 = arith.cmpi ne, %sign3A_1103, %sign3A_1110 : i32
          %rem3A_1112 = arith.remsi %sub3A_1094, %jit3A_1095 : i32
          %ne3A_1113 = arith.constant 0 : i32
          %ne3A_1114 = arith.cmpi ne, %rem3A_1112, %ne3A_1113 : i32
          %and3A_1115 = arith.andi %ne3A_1111, %ne3A_1114 : i1
          %sub3A_1116 = arith.constant 1 : i32
          %sub3A_1117 = arith.subi %div3A_1096, %sub3A_1116 : i32
          %select_n3A_1118 = arith.select %and3A_1115, %sub3A_1117, %div3A_1096 : i32
          %jit3A_1119 = arith.constant 8 : i32
          %eq3A_1120 = arith.constant 0 : i32
          %eq3A_1121 = arith.cmpi eq, %jit3A_1119, %eq3A_1120 : i32
          %jit3A_1122 = arith.constant 1 : i32
          %select_n3A_1123 = arith.select %eq3A_1121, %jit3A_1122, %jit3A_1119 : i32
          %rem3A_1124 = arith.remsi %sub3A_1094, %select_n3A_1123 : i32
          %ne3A_1125 = arith.constant 0 : i32
          %ne3A_1126 = arith.cmpi ne, %rem3A_1124, %ne3A_1125 : i32
          %lt3A_1127 = arith.constant 0 : i32
          %lt3A_1128 = arith.cmpi slt, %rem3A_1124, %lt3A_1127 : i32
          %lt3A_1129 = arith.constant 0 : i32
          %lt3A_1130 = arith.cmpi slt, %select_n3A_1123, %lt3A_1129 : i32
          %ne3A_1131 = arith.xori %lt3A_1128, %lt3A_1130 : i1
          %and3A_1132 = arith.andi %ne3A_1131, %ne3A_1126 : i1
          %add3A_1133 = arith.addi %rem3A_1124, %select_n3A_1123 : i32
          %select_n3A_1134 = arith.select %and3A_1132, %add3A_1133, %rem3A_1124 : i32
          %mul3A_1135 = arith.constant 128 : i32
          %mul3A_1136 = arith.muli %select_n3A_1134, %mul3A_1135 : i32
          %dma_wait3A_1137 = arith.constant 0 : i32
          %dma_wait3A_1138 = tpu.memref_slice %arg5[%mul3A_1136, %select_n3A_1118, %dma_wait3A_1137] : memref<1024x200x128xf32, #tpu.memory_space<hbm>> -> memref<128x1x128xf32, #tpu.memory_space<hbm>>
          %dma_wait3A_1139 = tpu.memref_squeeze %dma_wait3A_1138 : memref<128x1x128xf32, #tpu.memory_space<hbm>> -> memref<128x128xf32, #tpu.memory_space<hbm>>
          %dma_wait3A_1140 = arith.constant 0 : i32
          %dma_wait3A_1141 = tpu.memref_slice %arg5[%mul3A_1136, %select_n3A_1118, %dma_wait3A_1140] : memref<1024x200x128xf32, #tpu.memory_space<hbm>> -> memref<128x1x128xf32, #tpu.memory_space<hbm>>
          %dma_wait3A_1142 = tpu.memref_squeeze %dma_wait3A_1141 : memref<128x1x128xf32, #tpu.memory_space<hbm>> -> memref<128x128xf32, #tpu.memory_space<hbm>>
          tpu.wait_dma2 semaphore(%arg23 : memref<!tpu.dma_semaphore, #tpu.memory_space<semaphore_mem>>) src(%arg7 : memref<128x128xf32, #tpu.memory_space<vmem>>) dst(%dma_wait3A_1142 : memref<128x128xf32, #tpu.memory_space<hbm>>)
        } else {
        }
        %add3A_1037 = arith.constant 1 : i32
        %add3A_1038 = arith.addi %add3A_350, %add3A_1037 : i32
        %jit3A_1039 = arith.constant 8 : i32
        %div3A_1040 = arith.divsi %add3A_1038, %jit3A_1039 : i32
        %sign3A_1041 = arith.constant 0 : i32
        %sign3A_1042 = arith.cmpi sgt, %add3A_1038, %sign3A_1041 : i32
        %sign3A_1043 = arith.extui %sign3A_1042 : i1 to i32
        %sign3A_1044 = arith.constant 0 : i32
        %sign3A_1045 = arith.cmpi slt, %add3A_1038, %sign3A_1044 : i32
        %sign3A_1046 = arith.extui %sign3A_1045 : i1 to i32
        %sign3A_1047 = arith.subi %sign3A_1043, %sign3A_1046 : i32
        %sign3A_1048 = arith.constant 0 : i32
        %sign3A_1049 = arith.cmpi sgt, %jit3A_1039, %sign3A_1048 : i32
        %sign3A_1050 = arith.extui %sign3A_1049 : i1 to i32
        %sign3A_1051 = arith.constant 0 : i32
        %sign3A_1052 = arith.cmpi slt, %jit3A_1039, %sign3A_1051 : i32
        %sign3A_1053 = arith.extui %sign3A_1052 : i1 to i32
        %sign3A_1054 = arith.subi %sign3A_1050, %sign3A_1053 : i32
        %ne3A_1055 = arith.cmpi ne, %sign3A_1047, %sign3A_1054 : i32
        %rem3A_1056 = arith.remsi %add3A_1038, %jit3A_1039 : i32
        %ne3A_1057 = arith.constant 0 : i32
        %ne3A_1058 = arith.cmpi ne, %rem3A_1056, %ne3A_1057 : i32
        %and3A_1059 = arith.andi %ne3A_1055, %ne3A_1058 : i1
        %sub3A_1060 = arith.constant 1 : i32
        %sub3A_1061 = arith.subi %div3A_1040, %sub3A_1060 : i32
        %select_n3A_1062 = arith.select %and3A_1059, %sub3A_1061, %div3A_1040 : i32
        %jit3A_1063 = arith.constant 8 : i32
        %eq3A_1064 = arith.constant 0 : i32
        %eq3A_1065 = arith.cmpi eq, %jit3A_1063, %eq3A_1064 : i32
        %jit3A_1066 = arith.constant 1 : i32
        %select_n3A_1067 = arith.select %eq3A_1065, %jit3A_1066, %jit3A_1063 : i32
        %rem3A_1068 = arith.remsi %add3A_1038, %select_n3A_1067 : i32
        %ne3A_1069 = arith.constant 0 : i32
        %ne3A_1070 = arith.cmpi ne, %rem3A_1068, %ne3A_1069 : i32
        %lt3A_1071 = arith.constant 0 : i32
        %lt3A_1072 = arith.cmpi slt, %rem3A_1068, %lt3A_1071 : i32
        %lt3A_1073 = arith.constant 0 : i32
        %lt3A_1074 = arith.cmpi slt, %select_n3A_1067, %lt3A_1073 : i32
        %ne3A_1075 = arith.xori %lt3A_1072, %lt3A_1074 : i1
        %and3A_1076 = arith.andi %ne3A_1075, %ne3A_1070 : i1
        %add3A_1077 = arith.addi %rem3A_1068, %select_n3A_1067 : i32
        %select_n3A_1078 = arith.select %and3A_1076, %add3A_1077, %rem3A_1068 : i32
        %mul3A_1079 = arith.constant 128 : i32
        %mul3A_1080 = arith.muli %select_n3A_1078, %mul3A_1079 : i32
        %dma_start3A_1081 = arith.constant 0 : i32
        %dma_start3A_1082 = tpu.memref_slice %arg2[%mul3A_1080, %select_n3A_1062, %dma_start3A_1081] : memref<1024x200x128xf32, #tpu.memory_space<hbm>> -> memref<128x1x128xf32, #tpu.memory_space<hbm>>
        %dma_start3A_1083 = tpu.memref_squeeze %dma_start3A_1082 : memref<128x1x128xf32, #tpu.memory_space<hbm>> -> memref<128x128xf32, #tpu.memory_space<hbm>>
        %dma_start3A_1084 = arith.constant 0 : i32
        %dma_start3A_1085 = tpu.memref_slice %arg2[%mul3A_1080, %select_n3A_1062, %dma_start3A_1084] : memref<1024x200x128xf32, #tpu.memory_space<hbm>> -> memref<128x1x128xf32, #tpu.memory_space<hbm>>
        %dma_start3A_1086 = tpu.memref_squeeze %dma_start3A_1085 : memref<128x1x128xf32, #tpu.memory_space<hbm>> -> memref<128x128xf32, #tpu.memory_space<hbm>>
        tpu.enqueue_dma source(%dma_start3A_1086 : memref<128x128xf32, #tpu.memory_space<hbm>>) target(%arg7 : memref<128x128xf32, #tpu.memory_space<vmem>>) target_semaphore(%arg18 : memref<!tpu.dma_semaphore, #tpu.memory_space<semaphore_mem>>)
        %dma_start3A_1087 = arith.constant 0 : i32
        %dma_start3A_1088 = tpu.memref_slice %arg3[%select_n3A_1062, %dma_start3A_1087, %mul3A_1080] : memref<200x32x1024xi32, #tpu.memory_space<hbm>> -> memref<1x32x128xi32, #tpu.memory_space<hbm>>
        %dma_start3A_1089 = tpu.memref_squeeze %dma_start3A_1088 : memref<1x32x128xi32, #tpu.memory_space<hbm>> -> memref<32x128xi32, #tpu.memory_space<hbm>>
        %dma_start3A_1090 = arith.constant 0 : i32
        %dma_start3A_1091 = tpu.memref_slice %arg3[%select_n3A_1062, %dma_start3A_1090, %mul3A_1080] : memref<200x32x1024xi32, #tpu.memory_space<hbm>> -> memref<1x32x128xi32, #tpu.memory_space<hbm>>
        %dma_start3A_1092 = tpu.memref_squeeze %dma_start3A_1091 : memref<1x32x128xi32, #tpu.memory_space<hbm>> -> memref<32x128xi32, #tpu.memory_space<hbm>>
        tpu.enqueue_dma source(%dma_start3A_1092 : memref<32x128xi32, #tpu.memory_space<hbm>>) target(%arg12 : memref<32x128xi32, #tpu.memory_space<vmem>>) target_semaphore(%arg18 : memref<!tpu.dma_semaphore, #tpu.memory_space<semaphore_mem>>)
      } else {
      }
      %jit3A_356 = arith.constant 8 : i32
      %div3A_357 = arith.divsi %add3A_350, %jit3A_356 : i32
      %sign3A_358 = arith.constant 0 : i32
      %sign3A_359 = arith.cmpi sgt, %add3A_350, %sign3A_358 : i32
      %sign3A_360 = arith.extui %sign3A_359 : i1 to i32
      %sign3A_361 = arith.constant 0 : i32
      %sign3A_362 = arith.cmpi slt, %add3A_350, %sign3A_361 : i32
      %sign3A_363 = arith.extui %sign3A_362 : i1 to i32
      %sign3A_364 = arith.subi %sign3A_360, %sign3A_363 : i32
      %sign3A_365 = arith.constant 0 : i32
      %sign3A_366 = arith.cmpi sgt, %jit3A_356, %sign3A_365 : i32
      %sign3A_367 = arith.extui %sign3A_366 : i1 to i32
      %sign3A_368 = arith.constant 0 : i32
      %sign3A_369 = arith.cmpi slt, %jit3A_356, %sign3A_368 : i32
      %sign3A_370 = arith.extui %sign3A_369 : i1 to i32
      %sign3A_371 = arith.subi %sign3A_367, %sign3A_370 : i32
      %ne3A_372 = arith.cmpi ne, %sign3A_364, %sign3A_371 : i32
      %rem3A_373 = arith.remsi %add3A_350, %jit3A_356 : i32
      %ne3A_374 = arith.constant 0 : i32
      %ne3A_375 = arith.cmpi ne, %rem3A_373, %ne3A_374 : i32
      %and3A_376 = arith.andi %ne3A_372, %ne3A_375 : i1
      %sub3A_377 = arith.constant 1 : i32
      %sub3A_378 = arith.subi %div3A_357, %sub3A_377 : i32
      %select_n3A_379 = arith.select %and3A_376, %sub3A_378, %div3A_357 : i32
      %jit3A_380 = arith.constant 8 : i32
      %eq3A_381 = arith.constant 0 : i32
      %eq3A_382 = arith.cmpi eq, %jit3A_380, %eq3A_381 : i32
      %jit3A_383 = arith.constant 1 : i32
      %select_n3A_384 = arith.select %eq3A_382, %jit3A_383, %jit3A_380 : i32
      %rem3A_385 = arith.remsi %add3A_350, %select_n3A_384 : i32
      %ne3A_386 = arith.constant 0 : i32
      %ne3A_387 = arith.cmpi ne, %rem3A_385, %ne3A_386 : i32
      %lt3A_388 = arith.constant 0 : i32
      %lt3A_389 = arith.cmpi slt, %rem3A_385, %lt3A_388 : i32
      %lt3A_390 = arith.constant 0 : i32
      %lt3A_391 = arith.cmpi slt, %select_n3A_384, %lt3A_390 : i32
      %ne3A_392 = arith.xori %lt3A_389, %lt3A_391 : i1
      %and3A_393 = arith.andi %ne3A_392, %ne3A_387 : i1
      %add3A_394 = arith.addi %rem3A_385, %select_n3A_384 : i32
      %select_n3A_395 = arith.select %and3A_393, %add3A_394, %rem3A_385 : i32
      %mul3A_396 = arith.constant 128 : i32
      %mul3A_397 = arith.muli %select_n3A_395, %mul3A_396 : i32
      %dma_wait3A_398 = arith.constant 0 : i32
      %dma_wait3A_399 = tpu.memref_slice %arg2[%mul3A_397, %select_n3A_379, %dma_wait3A_398] : memref<1024x200x128xf32, #tpu.memory_space<hbm>> -> memref<128x1x128xf32, #tpu.memory_space<hbm>>
      %dma_wait3A_400 = tpu.memref_squeeze %dma_wait3A_399 : memref<128x1x128xf32, #tpu.memory_space<hbm>> -> memref<128x128xf32, #tpu.memory_space<hbm>>
      %dma_wait3A_401 = arith.constant 0 : i32
      %dma_wait3A_402 = tpu.memref_slice %arg2[%mul3A_397, %select_n3A_379, %dma_wait3A_401] : memref<1024x200x128xf32, #tpu.memory_space<hbm>> -> memref<128x1x128xf32, #tpu.memory_space<hbm>>
      %dma_wait3A_403 = tpu.memref_squeeze %dma_wait3A_402 : memref<128x1x128xf32, #tpu.memory_space<hbm>> -> memref<128x128xf32, #tpu.memory_space<hbm>>
      tpu.wait_dma2 semaphore(%arg17 : memref<!tpu.dma_semaphore, #tpu.memory_space<semaphore_mem>>) src(%dma_wait3A_403 : memref<128x128xf32, #tpu.memory_space<hbm>>) dst(%arg6 : memref<128x128xf32, #tpu.memory_space<vmem>>)
      %dma_wait3A_404 = arith.constant 0 : i32
      %dma_wait3A_405 = tpu.memref_slice %arg3[%select_n3A_379, %dma_wait3A_404, %mul3A_397] : memref<200x32x1024xi32, #tpu.memory_space<hbm>> -> memref<1x32x128xi32, #tpu.memory_space<hbm>>
      %dma_wait3A_406 = tpu.memref_squeeze %dma_wait3A_405 : memref<1x32x128xi32, #tpu.memory_space<hbm>> -> memref<32x128xi32, #tpu.memory_space<hbm>>
      %dma_wait3A_407 = arith.constant 0 : i32
      %dma_wait3A_408 = tpu.memref_slice %arg3[%select_n3A_379, %dma_wait3A_407, %mul3A_397] : memref<200x32x1024xi32, #tpu.memory_space<hbm>> -> memref<1x32x128xi32, #tpu.memory_space<hbm>>
      %dma_wait3A_409 = tpu.memref_squeeze %dma_wait3A_408 : memref<1x32x128xi32, #tpu.memory_space<hbm>> -> memref<32x128xi32, #tpu.memory_space<hbm>>
      tpu.wait_dma2 semaphore(%arg17 : memref<!tpu.dma_semaphore, #tpu.memory_space<semaphore_mem>>) src(%dma_wait3A_409 : memref<32x128xi32, #tpu.memory_space<hbm>>) dst(%arg11 : memref<32x128xi32, #tpu.memory_space<vmem>>)
      %parallel_loop3A = arith.constant 0 : i32
      %parallel_loop3A_410 = arith.constant 32 : i32
      %parallel_loop3A_411 = arith.constant 1 : i32
      scf.for %parallel_loop3A_1033 = %parallel_loop3A to %parallel_loop3A_410 step %parallel_loop3A_411  : i32 {
        %parallel_loop3A_1034 = arith.index_cast %parallel_loop3A_1033 : i32 to index
        %parallel_loop3A_1035 = arith.constant 0 : index
        %parallel_loop3A_1036 = tpu.vector_load %arg11[%parallel_loop3A_1034, %parallel_loop3A_1035] {strides = array<i32>} : memref<32x128xi32, #tpu.memory_space<vmem>>, vector<16xi32>,
        tpu.vector_store_idx %arg6[%add3A_6, %parallel_loop3A_1036], %get3A_3 : memref<128x128xf32, #tpu.memory_space<vmem>>[vector<16xi32>, vector<16xi32>], vector<16xf32>,
      } {sc.loop_unroll_factor = 8 : i64, sc.parallel_access}
      %parallel_loop3A_412 = arith.constant 0 : i32
      %parallel_loop3A_413 = arith.constant 32 : i32
      %parallel_loop3A_414 = arith.constant 1 : i32
      scf.for %parallel_loop3A_1033 = %parallel_loop3A_412 to %parallel_loop3A_413 step %parallel_loop3A_414  : i32 {
        %parallel_loop3A_1034 = arith.index_cast %parallel_loop3A_1033 : i32 to index
        %parallel_loop3A_1035 = arith.constant 16 : index
        %parallel_loop3A_1036 = tpu.vector_load %arg11[%parallel_loop3A_1034, %parallel_loop3A_1035] {strides = array<i32>} : memref<32x128xi32, #tpu.memory_space<vmem>>, vector<16xi32>,
        tpu.vector_store_idx %arg6[%add3A_9, %parallel_loop3A_1036], %get3A_3 : memref<128x128xf32, #tpu.memory_space<vmem>>[vector<16xi32>, vector<16xi32>], vector<16xf32>,
      } {sc.loop_unroll_factor = 8 : i64, sc.parallel_access}
      %parallel_loop3A_415 = arith.constant 0 : i32
      %parallel_loop3A_416 = arith.constant 32 : i32
      %parallel_loop3A_417 = arith.constant 1 : i32
      scf.for %parallel_loop3A_1033 = %parallel_loop3A_415 to %parallel_loop3A_416 step %parallel_loop3A_417  : i32 {
        %parallel_loop3A_1034 = arith.index_cast %parallel_loop3A_1033 : i32 to index
        %parallel_loop3A_1035 = arith.constant 32 : index
        %parallel_loop3A_1036 = tpu.vector_load %arg11[%parallel_loop3A_1034, %parallel_loop3A_1035] {strides = array<i32>} : memref<32x128xi32, #tpu.memory_space<vmem>>, vector<16xi32>,
        tpu.vector_store_idx %arg6[%add3A_12, %parallel_loop3A_1036], %get3A_3 : memref<128x128xf32, #tpu.memory_space<vmem>>[vector<16xi32>, vector<16xi32>], vector<16xf32>,
      } {sc.loop_unroll_factor = 8 : i64, sc.parallel_access}
      %parallel_loop3A_418 = arith.constant 0 : i32
      %parallel_loop3A_419 = arith.constant 32 : i32
      %parallel_loop3A_420 = arith.constant 1 : i32
      scf.for %parallel_loop3A_1033 = %parallel_loop3A_418 to %parallel_loop3A_419 step %parallel_loop3A_420  : i32 {
        %parallel_loop3A_1034 = arith.index_cast %parallel_loop3A_1033 : i32 to index
        %parallel_loop3A_1035 = arith.constant 48 : index
        %parallel_loop3A_1036 = tpu.vector_load %arg11[%parallel_loop3A_1034, %parallel_loop3A_1035] {strides = array<i32>} : memref<32x128xi32, #tpu.memory_space<vmem>>, vector<16xi32>,
        tpu.vector_store_idx %arg6[%add3A_15, %parallel_loop3A_1036], %get3A_3 : memref<128x128xf32, #tpu.memory_space<vmem>>[vector<16xi32>, vector<16xi32>], vector<16xf32>,
      } {sc.loop_unroll_factor = 8 : i64, sc.parallel_access}
      %parallel_loop3A_421 = arith.constant 0 : i32
      %parallel_loop3A_422 = arith.constant 32 : i32
      %parallel_loop3A_423 = arith.constant 1 : i32
      scf.for %parallel_loop3A_1033 = %parallel_loop3A_421 to %parallel_loop3A_422 step %parallel_loop3A_423  : i32 {
        %parallel_loop3A_1034 = arith.index_cast %parallel_loop3A_1033 : i32 to index
        %parallel_loop3A_1035 = arith.constant 64 : index
        %parallel_loop3A_1036 = tpu.vector_load %arg11[%parallel_loop3A_1034, %parallel_loop3A_1035] {strides = array<i32>} : memref<32x128xi32, #tpu.memory_space<vmem>>, vector<16xi32>,
        tpu.vector_store_idx %arg6[%add3A_18, %parallel_loop3A_1036], %get3A_3 : memref<128x128xf32, #tpu.memory_space<vmem>>[vector<16xi32>, vector<16xi32>], vector<16xf32>,
      } {sc.loop_unroll_factor = 8 : i64, sc.parallel_access}
      %parallel_loop3A_424 = arith.constant 0 : i32
      %parallel_loop3A_425 = arith.constant 32 : i32
      %parallel_loop3A_426 = arith.constant 1 : i32
      scf.for %parallel_loop3A_1033 = %parallel_loop3A_424 to %parallel_loop3A_425 step %parallel_loop3A_426  : i32 {
        %parallel_loop3A_1034 = arith.index_cast %parallel_loop3A_1033 : i32 to index
        %parallel_loop3A_1035 = arith.constant 80 : index
        %parallel_loop3A_1036 = tpu.vector_load %arg11[%parallel_loop3A_1034, %parallel_loop3A_1035] {strides = array<i32>} : memref<32x128xi32, #tpu.memory_space<vmem>>, vector<16xi32>,
        tpu.vector_store_idx %arg6[%add3A_21, %parallel_loop3A_1036], %get3A_3 : memref<128x128xf32, #tpu.memory_space<vmem>>[vector<16xi32>, vector<16xi32>], vector<16xf32>,
      } {sc.loop_unroll_factor = 8 : i64, sc.parallel_access}
      %parallel_loop3A_427 = arith.constant 0 : i32
      %parallel_loop3A_428 = arith.constant 32 : i32
      %parallel_loop3A_429 = arith.constant 1 : i32
      scf.for %parallel_loop3A_1033 = %parallel_loop3A_427 to %parallel_loop3A_428 step %parallel_loop3A_429  : i32 {
        %parallel_loop3A_1034 = arith.index_cast %parallel_loop3A_1033 : i32 to index
        %parallel_loop3A_1035 = arith.constant 96 : index
        %parallel_loop3A_1036 = tpu.vector_load %arg11[%parallel_loop3A_1034, %parallel_loop3A_1035] {strides = array<i32>} : memref<32x128xi32, #tpu.memory_space<vmem>>, vector<16xi32>,
        tpu.vector_store_idx %arg6[%add3A_24, %parallel_loop3A_1036], %get3A_3 : memref<128x128xf32, #tpu.memory_space<vmem>>[vector<16xi32>, vector<16xi32>], vector<16xf32>,
      } {sc.loop_unroll_factor = 8 : i64, sc.parallel_access}
      %parallel_loop3A_430 = arith.constant 0 : i32
      %parallel_loop3A_431 = arith.constant 32 : i32
      %parallel_loop3A_432 = arith.constant 1 : i32
      scf.for %parallel_loop3A_1033 = %parallel_loop3A_430 to %parallel_loop3A_431 step %parallel_loop3A_432  : i32 {
        %parallel_loop3A_1034 = arith.index_cast %parallel_loop3A_1033 : i32 to index
        %parallel_loop3A_1035 = arith.constant 112 : index
        %parallel_loop3A_1036 = tpu.vector_load %arg11[%parallel_loop3A_1034, %parallel_loop3A_1035] {strides = array<i32>} : memref<32x128xi32, #tpu.memory_space<vmem>>, vector<16xi32>,
        tpu.vector_store_idx %arg6[%add3A_27, %parallel_loop3A_1036], %get3A_3 : memref<128x128xf32, #tpu.memory_space<vmem>>[vector<16xi32>, vector<16xi32>], vector<16xf32>,
      } {sc.loop_unroll_factor = 8 : i64, sc.parallel_access}
      %jit3A_433 = arith.constant 8 : i32
      %div3A_434 = arith.divsi %add3A_350, %jit3A_433 : i32
      %sign3A_435 = arith.constant 0 : i32
      %sign3A_436 = arith.cmpi sgt, %add3A_350, %sign3A_435 : i32
      %sign3A_437 = arith.extui %sign3A_436 : i1 to i32
      %sign3A_438 = arith.constant 0 : i32
      %sign3A_439 = arith.cmpi slt, %add3A_350, %sign3A_438 : i32
      %sign3A_440 = arith.extui %sign3A_439 : i1 to i32
      %sign3A_441 = arith.subi %sign3A_437, %sign3A_440 : i32
      %sign3A_442 = arith.constant 0 : i32
      %sign3A_443 = arith.cmpi sgt, %jit3A_433, %sign3A_442 : i32
      %sign3A_444 = arith.extui %sign3A_443 : i1 to i32
      %sign3A_445 = arith.constant 0 : i32
      %sign3A_446 = arith.cmpi slt, %jit3A_433, %sign3A_445 : i32
      %sign3A_447 = arith.extui %sign3A_446 : i1 to i32
      %sign3A_448 = arith.subi %sign3A_444, %sign3A_447 : i32
      %ne3A_449 = arith.cmpi ne, %sign3A_441, %sign3A_448 : i32
      %rem3A_450 = arith.remsi %add3A_350, %jit3A_433 : i32
      %ne3A_451 = arith.constant 0 : i32
      %ne3A_452 = arith.cmpi ne, %rem3A_450, %ne3A_451 : i32
      %and3A_453 = arith.andi %ne3A_449, %ne3A_452 : i1
      %sub3A_454 = arith.constant 1 : i32
      %sub3A_455 = arith.subi %div3A_434, %sub3A_454 : i32
      %select_n3A_456 = arith.select %and3A_453, %sub3A_455, %div3A_434 : i32
      %jit3A_457 = arith.constant 8 : i32
      %eq3A_458 = arith.constant 0 : i32
      %eq3A_459 = arith.cmpi eq, %jit3A_457, %eq3A_458 : i32
      %jit3A_460 = arith.constant 1 : i32
      %select_n3A_461 = arith.select %eq3A_459, %jit3A_460, %jit3A_457 : i32
      %rem3A_462 = arith.remsi %add3A_350, %select_n3A_461 : i32
      %ne3A_463 = arith.constant 0 : i32
      %ne3A_464 = arith.cmpi ne, %rem3A_462, %ne3A_463 : i32
      %lt3A_465 = arith.constant 0 : i32
      %lt3A_466 = arith.cmpi slt, %rem3A_462, %lt3A_465 : i32
      %lt3A_467 = arith.constant 0 : i32
      %lt3A_468 = arith.cmpi slt, %select_n3A_461, %lt3A_467 : i32
      %ne3A_469 = arith.xori %lt3A_466, %lt3A_468 : i1
      %and3A_470 = arith.andi %ne3A_469, %ne3A_464 : i1
      %add3A_471 = arith.addi %rem3A_462, %select_n3A_461 : i32
      %select_n3A_472 = arith.select %and3A_470, %add3A_471, %rem3A_462 : i32
      %mul3A_473 = arith.constant 128 : i32
      %mul3A_474 = arith.muli %select_n3A_472, %mul3A_473 : i32
      %dma_start3A_475 = arith.constant 0 : i32
      %dma_start3A_476 = tpu.memref_slice %arg5[%mul3A_474, %select_n3A_456, %dma_start3A_475] : memref<1024x200x128xf32, #tpu.memory_space<hbm>> -> memref<128x1x128xf32, #tpu.memory_space<hbm>>
      %dma_start3A_477 = tpu.memref_squeeze %dma_start3A_476 : memref<128x1x128xf32, #tpu.memory_space<hbm>> -> memref<128x128xf32, #tpu.memory_space<hbm>>
      %dma_start3A_478 = arith.constant 0 : i32
      %dma_start3A_479 = tpu.memref_slice %arg5[%mul3A_474, %select_n3A_456, %dma_start3A_478] : memref<1024x200x128xf32, #tpu.memory_space<hbm>> -> memref<128x1x128xf32, #tpu.memory_space<hbm>>
      %dma_start3A_480 = tpu.memref_squeeze %dma_start3A_479 : memref<128x1x128xf32, #tpu.memory_space<hbm>> -> memref<128x128xf32, #tpu.memory_space<hbm>>
      tpu.enqueue_dma source(%arg6 : memref<128x128xf32, #tpu.memory_space<vmem>>) target(%dma_start3A_480 : memref<128x128xf32, #tpu.memory_space<hbm>>) target_semaphore(%arg22 : memref<!tpu.dma_semaphore, #tpu.memory_space<semaphore_mem>>)
      %mul3A_481 = arith.constant 5 : i32
      %mul3A_482 = arith.muli %scan3A_345, %mul3A_481 : i32
      %add3A_483 = arith.constant 1 : i32
      %add3A_484 = arith.addi %mul3A_482, %add3A_483 : i32
      %add3A_485 = arith.addi %mul3A_2, %add3A_484 : i32
      %add3A_486 = arith.constant 1 : i32
      %add3A_487 = arith.addi %add3A_484, %add3A_486 : i32
      %lt3A_488 = arith.constant 50 : i32
      %lt3A_489 = arith.cmpi slt, %add3A_487, %lt3A_488 : i32
      %convert_element_type3A_490 = arith.extui %lt3A_489 : i1 to i32
      %cond3A_491 = arith.constant 0 : i32
      %cond3A_492 = arith.cmpi ne, %convert_element_type3A_490, %cond3A_491 : i32
      scf.if %cond3A_492 {
        %ge3A = arith.constant 4 : i32
        %ge3A_1033 = arith.cmpi sge, %add3A_484, %ge3A : i32
        %convert_element_type3A_1034 = arith.extui %ge3A_1033 : i1 to i32
        %cond3A_1035 = arith.constant 0 : i32
        %cond3A_1036 = arith.cmpi ne, %convert_element_type3A_1034, %cond3A_1035 : i32
        scf.if %cond3A_1036 {
          %sub3A_1093 = arith.constant 4 : i32
          %sub3A_1094 = arith.subi %add3A_485, %sub3A_1093 : i32
          %jit3A_1095 = arith.constant 8 : i32
          %div3A_1096 = arith.divsi %sub3A_1094, %jit3A_1095 : i32
          %sign3A_1097 = arith.constant 0 : i32
          %sign3A_1098 = arith.cmpi sgt, %sub3A_1094, %sign3A_1097 : i32
          %sign3A_1099 = arith.extui %sign3A_1098 : i1 to i32
          %sign3A_1100 = arith.constant 0 : i32
          %sign3A_1101 = arith.cmpi slt, %sub3A_1094, %sign3A_1100 : i32
          %sign3A_1102 = arith.extui %sign3A_1101 : i1 to i32
          %sign3A_1103 = arith.subi %sign3A_1099, %sign3A_1102 : i32
          %sign3A_1104 = arith.constant 0 : i32
          %sign3A_1105 = arith.cmpi sgt, %jit3A_1095, %sign3A_1104 : i32
          %sign3A_1106 = arith.extui %sign3A_1105 : i1 to i32
          %sign3A_1107 = arith.constant 0 : i32
          %sign3A_1108 = arith.cmpi slt, %jit3A_1095, %sign3A_1107 : i32
          %sign3A_1109 = arith.extui %sign3A_1108 : i1 to i32
          %sign3A_1110 = arith.subi %sign3A_1106, %sign3A_1109 : i32
          %ne3A_1111 = arith.cmpi ne, %sign3A_1103, %sign3A_1110 : i32
          %rem3A_1112 = arith.remsi %sub3A_1094, %jit3A_1095 : i32
          %ne3A_1113 = arith.constant 0 : i32
          %ne3A_1114 = arith.cmpi ne, %rem3A_1112, %ne3A_1113 : i32
          %and3A_1115 = arith.andi %ne3A_1111, %ne3A_1114 : i1
          %sub3A_1116 = arith.constant 1 : i32
          %sub3A_1117 = arith.subi %div3A_1096, %sub3A_1116 : i32
          %select_n3A_1118 = arith.select %and3A_1115, %sub3A_1117, %div3A_1096 : i32
          %jit3A_1119 = arith.constant 8 : i32
          %eq3A_1120 = arith.constant 0 : i32
          %eq3A_1121 = arith.cmpi eq, %jit3A_1119, %eq3A_1120 : i32
          %jit3A_1122 = arith.constant 1 : i32
          %select_n3A_1123 = arith.select %eq3A_1121, %jit3A_1122, %jit3A_1119 : i32
          %rem3A_1124 = arith.remsi %sub3A_1094, %select_n3A_1123 : i32
          %ne3A_1125 = arith.constant 0 : i32
          %ne3A_1126 = arith.cmpi ne, %rem3A_1124, %ne3A_1125 : i32
          %lt3A_1127 = arith.constant 0 : i32
          %lt3A_1128 = arith.cmpi slt, %rem3A_1124, %lt3A_1127 : i32
          %lt3A_1129 = arith.constant 0 : i32
          %lt3A_1130 = arith.cmpi slt, %select_n3A_1123, %lt3A_1129 : i32
          %ne3A_1131 = arith.xori %lt3A_1128, %lt3A_1130 : i1
          %and3A_1132 = arith.andi %ne3A_1131, %ne3A_1126 : i1
          %add3A_1133 = arith.addi %rem3A_1124, %select_n3A_1123 : i32
          %select_n3A_1134 = arith.select %and3A_1132, %add3A_1133, %rem3A_1124 : i32
          %mul3A_1135 = arith.constant 128 : i32
          %mul3A_1136 = arith.muli %select_n3A_1134, %mul3A_1135 : i32
          %dma_wait3A_1137 = arith.constant 0 : i32
          %dma_wait3A_1138 = tpu.memref_slice %arg5[%mul3A_1136, %select_n3A_1118, %dma_wait3A_1137] : memref<1024x200x128xf32, #tpu.memory_space<hbm>> -> memref<128x1x128xf32, #tpu.memory_space<hbm>>
          %dma_wait3A_1139 = tpu.memref_squeeze %dma_wait3A_1138 : memref<128x1x128xf32, #tpu.memory_space<hbm>> -> memref<128x128xf32, #tpu.memory_space<hbm>>
          %dma_wait3A_1140 = arith.constant 0 : i32
          %dma_wait3A_1141 = tpu.memref_slice %arg5[%mul3A_1136, %select_n3A_1118, %dma_wait3A_1140] : memref<1024x200x128xf32, #tpu.memory_space<hbm>> -> memref<128x1x128xf32, #tpu.memory_space<hbm>>
          %dma_wait3A_1142 = tpu.memref_squeeze %dma_wait3A_1141 : memref<128x1x128xf32, #tpu.memory_space<hbm>> -> memref<128x128xf32, #tpu.memory_space<hbm>>
          tpu.wait_dma2 semaphore(%arg24 : memref<!tpu.dma_semaphore, #tpu.memory_space<semaphore_mem>>) src(%arg8 : memref<128x128xf32, #tpu.memory_space<vmem>>) dst(%dma_wait3A_1142 : memref<128x128xf32, #tpu.memory_space<hbm>>)
        } else {
        }
        %add3A_1037 = arith.constant 1 : i32
        %add3A_1038 = arith.addi %add3A_485, %add3A_1037 : i32
        %jit3A_1039 = arith.constant 8 : i32
        %div3A_1040 = arith.divsi %add3A_1038, %jit3A_1039 : i32
        %sign3A_1041 = arith.constant 0 : i32
        %sign3A_1042 = arith.cmpi sgt, %add3A_1038, %sign3A_1041 : i32
        %sign3A_1043 = arith.extui %sign3A_1042 : i1 to i32
        %sign3A_1044 = arith.constant 0 : i32
        %sign3A_1045 = arith.cmpi slt, %add3A_1038, %sign3A_1044 : i32
        %sign3A_1046 = arith.extui %sign3A_1045 : i1 to i32
        %sign3A_1047 = arith.subi %sign3A_1043, %sign3A_1046 : i32
        %sign3A_1048 = arith.constant 0 : i32
        %sign3A_1049 = arith.cmpi sgt, %jit3A_1039, %sign3A_1048 : i32
        %sign3A_1050 = arith.extui %sign3A_1049 : i1 to i32
        %sign3A_1051 = arith.constant 0 : i32
        %sign3A_1052 = arith.cmpi slt, %jit3A_1039, %sign3A_1051 : i32
        %sign3A_1053 = arith.extui %sign3A_1052 : i1 to i32
        %sign3A_1054 = arith.subi %sign3A_1050, %sign3A_1053 : i32
        %ne3A_1055 = arith.cmpi ne, %sign3A_1047, %sign3A_1054 : i32
        %rem3A_1056 = arith.remsi %add3A_1038, %jit3A_1039 : i32
        %ne3A_1057 = arith.constant 0 : i32
        %ne3A_1058 = arith.cmpi ne, %rem3A_1056, %ne3A_1057 : i32
        %and3A_1059 = arith.andi %ne3A_1055, %ne3A_1058 : i1
        %sub3A_1060 = arith.constant 1 : i32
        %sub3A_1061 = arith.subi %div3A_1040, %sub3A_1060 : i32
        %select_n3A_1062 = arith.select %and3A_1059, %sub3A_1061, %div3A_1040 : i32
        %jit3A_1063 = arith.constant 8 : i32
        %eq3A_1064 = arith.constant 0 : i32
        %eq3A_1065 = arith.cmpi eq, %jit3A_1063, %eq3A_1064 : i32
        %jit3A_1066 = arith.constant 1 : i32
        %select_n3A_1067 = arith.select %eq3A_1065, %jit3A_1066, %jit3A_1063 : i32
        %rem3A_1068 = arith.remsi %add3A_1038, %select_n3A_1067 : i32
        %ne3A_1069 = arith.constant 0 : i32
        %ne3A_1070 = arith.cmpi ne, %rem3A_1068, %ne3A_1069 : i32
        %lt3A_1071 = arith.constant 0 : i32
        %lt3A_1072 = arith.cmpi slt, %rem3A_1068, %lt3A_1071 : i32
        %lt3A_1073 = arith.constant 0 : i32
        %lt3A_1074 = arith.cmpi slt, %select_n3A_1067, %lt3A_1073 : i32
        %ne3A_1075 = arith.xori %lt3A_1072, %lt3A_1074 : i1
        %and3A_1076 = arith.andi %ne3A_1075, %ne3A_1070 : i1
        %add3A_1077 = arith.addi %rem3A_1068, %select_n3A_1067 : i32
        %select_n3A_1078 = arith.select %and3A_1076, %add3A_1077, %rem3A_1068 : i32
        %mul3A_1079 = arith.constant 128 : i32
        %mul3A_1080 = arith.muli %select_n3A_1078, %mul3A_1079 : i32
        %dma_start3A_1081 = arith.constant 0 : i32
        %dma_start3A_1082 = tpu.memref_slice %arg2[%mul3A_1080, %select_n3A_1062, %dma_start3A_1081] : memref<1024x200x128xf32, #tpu.memory_space<hbm>> -> memref<128x1x128xf32, #tpu.memory_space<hbm>>
        %dma_start3A_1083 = tpu.memref_squeeze %dma_start3A_1082 : memref<128x1x128xf32, #tpu.memory_space<hbm>> -> memref<128x128xf32, #tpu.memory_space<hbm>>
        %dma_start3A_1084 = arith.constant 0 : i32
        %dma_start3A_1085 = tpu.memref_slice %arg2[%mul3A_1080, %select_n3A_1062, %dma_start3A_1084] : memref<1024x200x128xf32, #tpu.memory_space<hbm>> -> memref<128x1x128xf32, #tpu.memory_space<hbm>>
        %dma_start3A_1086 = tpu.memref_squeeze %dma_start3A_1085 : memref<128x1x128xf32, #tpu.memory_space<hbm>> -> memref<128x128xf32, #tpu.memory_space<hbm>>
        tpu.enqueue_dma source(%dma_start3A_1086 : memref<128x128xf32, #tpu.memory_space<hbm>>) target(%arg8 : memref<128x128xf32, #tpu.memory_space<vmem>>) target_semaphore(%arg19 : memref<!tpu.dma_semaphore, #tpu.memory_space<semaphore_mem>>)
        %dma_start3A_1087 = arith.constant 0 : i32
        %dma_start3A_1088 = tpu.memref_slice %arg3[%select_n3A_1062, %dma_start3A_1087, %mul3A_1080] : memref<200x32x1024xi32, #tpu.memory_space<hbm>> -> memref<1x32x128xi32, #tpu.memory_space<hbm>>
        %dma_start3A_1089 = tpu.memref_squeeze %dma_start3A_1088 : memref<1x32x128xi32, #tpu.memory_space<hbm>> -> memref<32x128xi32, #tpu.memory_space<hbm>>
        %dma_start3A_1090 = arith.constant 0 : i32
        %dma_start3A_1091 = tpu.memref_slice %arg3[%select_n3A_1062, %dma_start3A_1090, %mul3A_1080] : memref<200x32x1024xi32, #tpu.memory_space<hbm>> -> memref<1x32x128xi32, #tpu.memory_space<hbm>>
        %dma_start3A_1092 = tpu.memref_squeeze %dma_start3A_1091 : memref<1x32x128xi32, #tpu.memory_space<hbm>> -> memref<32x128xi32, #tpu.memory_space<hbm>>
        tpu.enqueue_dma source(%dma_start3A_1092 : memref<32x128xi32, #tpu.memory_space<hbm>>) target(%arg13 : memref<32x128xi32, #tpu.memory_space<vmem>>) target_semaphore(%arg19 : memref<!tpu.dma_semaphore, #tpu.memory_space<semaphore_mem>>)
      } else {
      }
      %jit3A_493 = arith.constant 8 : i32
      %div3A_494 = arith.divsi %add3A_485, %jit3A_493 : i32
      %sign3A_495 = arith.constant 0 : i32
      %sign3A_496 = arith.cmpi sgt, %add3A_485, %sign3A_495 : i32
      %sign3A_497 = arith.extui %sign3A_496 : i1 to i32
      %sign3A_498 = arith.constant 0 : i32
      %sign3A_499 = arith.cmpi slt, %add3A_485, %sign3A_498 : i32
      %sign3A_500 = arith.extui %sign3A_499 : i1 to i32
      %sign3A_501 = arith.subi %sign3A_497, %sign3A_500 : i32
      %sign3A_502 = arith.constant 0 : i32
      %sign3A_503 = arith.cmpi sgt, %jit3A_493, %sign3A_502 : i32
      %sign3A_504 = arith.extui %sign3A_503 : i1 to i32
      %sign3A_505 = arith.constant 0 : i32
      %sign3A_506 = arith.cmpi slt, %jit3A_493, %sign3A_505 : i32
      %sign3A_507 = arith.extui %sign3A_506 : i1 to i32
      %sign3A_508 = arith.subi %sign3A_504, %sign3A_507 : i32
      %ne3A_509 = arith.cmpi ne, %sign3A_501, %sign3A_508 : i32
      %rem3A_510 = arith.remsi %add3A_485, %jit3A_493 : i32
      %ne3A_511 = arith.constant 0 : i32
      %ne3A_512 = arith.cmpi ne, %rem3A_510, %ne3A_511 : i32
      %and3A_513 = arith.andi %ne3A_509, %ne3A_512 : i1
      %sub3A_514 = arith.constant 1 : i32
      %sub3A_515 = arith.subi %div3A_494, %sub3A_514 : i32
      %select_n3A_516 = arith.select %and3A_513, %sub3A_515, %div3A_494 : i32
      %jit3A_517 = arith.constant 8 : i32
      %eq3A_518 = arith.constant 0 : i32
      %eq3A_519 = arith.cmpi eq, %jit3A_517, %eq3A_518 : i32
      %jit3A_520 = arith.constant 1 : i32
      %select_n3A_521 = arith.select %eq3A_519, %jit3A_520, %jit3A_517 : i32
      %rem3A_522 = arith.remsi %add3A_485, %select_n3A_521 : i32
      %ne3A_523 = arith.constant 0 : i32
      %ne3A_524 = arith.cmpi ne, %rem3A_522, %ne3A_523 : i32
      %lt3A_525 = arith.constant 0 : i32
      %lt3A_526 = arith.cmpi slt, %rem3A_522, %lt3A_525 : i32
      %lt3A_527 = arith.constant 0 : i32
      %lt3A_528 = arith.cmpi slt, %select_n3A_521, %lt3A_527 : i32
      %ne3A_529 = arith.xori %lt3A_526, %lt3A_528 : i1
      %and3A_530 = arith.andi %ne3A_529, %ne3A_524 : i1
      %add3A_531 = arith.addi %rem3A_522, %select_n3A_521 : i32
      %select_n3A_532 = arith.select %and3A_530, %add3A_531, %rem3A_522 : i32
      %mul3A_533 = arith.constant 128 : i32
      %mul3A_534 = arith.muli %select_n3A_532, %mul3A_533 : i32
      %dma_wait3A_535 = arith.constant 0 : i32
      %dma_wait3A_536 = tpu.memref_slice %arg2[%mul3A_534, %select_n3A_516, %dma_wait3A_535] : memref<1024x200x128xf32, #tpu.memory_space<hbm>> -> memref<128x1x128xf32, #tpu.memory_space<hbm>>
      %dma_wait3A_537 = tpu.memref_squeeze %dma_wait3A_536 : memref<128x1x128xf32, #tpu.memory_space<hbm>> -> memref<128x128xf32, #tpu.memory_space<hbm>>
      %dma_wait3A_538 = arith.constant 0 : i32
      %dma_wait3A_539 = tpu.memref_slice %arg2[%mul3A_534, %select_n3A_516, %dma_wait3A_538] : memref<1024x200x128xf32, #tpu.memory_space<hbm>> -> memref<128x1x128xf32, #tpu.memory_space<hbm>>
      %dma_wait3A_540 = tpu.memref_squeeze %dma_wait3A_539 : memref<128x1x128xf32, #tpu.memory_space<hbm>> -> memref<128x128xf32, #tpu.memory_space<hbm>>
      tpu.wait_dma2 semaphore(%arg18 : memref<!tpu.dma_semaphore, #tpu.memory_space<semaphore_mem>>) src(%dma_wait3A_540 : memref<128x128xf32, #tpu.memory_space<hbm>>) dst(%arg7 : memref<128x128xf32, #tpu.memory_space<vmem>>)
      %dma_wait3A_541 = arith.constant 0 : i32
      %dma_wait3A_542 = tpu.memref_slice %arg3[%select_n3A_516, %dma_wait3A_541, %mul3A_534] : memref<200x32x1024xi32, #tpu.memory_space<hbm>> -> memref<1x32x128xi32, #tpu.memory_space<hbm>>
      %dma_wait3A_543 = tpu.memref_squeeze %dma_wait3A_542 : memref<1x32x128xi32, #tpu.memory_space<hbm>> -> memref<32x128xi32, #tpu.memory_space<hbm>>
      %dma_wait3A_544 = arith.constant 0 : i32
      %dma_wait3A_545 = tpu.memref_slice %arg3[%select_n3A_516, %dma_wait3A_544, %mul3A_534] : memref<200x32x1024xi32, #tpu.memory_space<hbm>> -> memref<1x32x128xi32, #tpu.memory_space<hbm>>
      %dma_wait3A_546 = tpu.memref_squeeze %dma_wait3A_545 : memref<1x32x128xi32, #tpu.memory_space<hbm>> -> memref<32x128xi32, #tpu.memory_space<hbm>>
      tpu.wait_dma2 semaphore(%arg18 : memref<!tpu.dma_semaphore, #tpu.memory_space<semaphore_mem>>) src(%dma_wait3A_546 : memref<32x128xi32, #tpu.memory_space<hbm>>) dst(%arg12 : memref<32x128xi32, #tpu.memory_space<vmem>>)
      %parallel_loop3A_547 = arith.constant 0 : i32
      %parallel_loop3A_548 = arith.constant 32 : i32
      %parallel_loop3A_549 = arith.constant 1 : i32
      scf.for %parallel_loop3A_1033 = %parallel_loop3A_547 to %parallel_loop3A_548 step %parallel_loop3A_549  : i32 {
        %parallel_loop3A_1034 = arith.index_cast %parallel_loop3A_1033 : i32 to index
        %parallel_loop3A_1035 = arith.constant 0 : index
        %parallel_loop3A_1036 = tpu.vector_load %arg12[%parallel_loop3A_1034, %parallel_loop3A_1035] {strides = array<i32>} : memref<32x128xi32, #tpu.memory_space<vmem>>, vector<16xi32>,
        tpu.vector_store_idx %arg7[%add3A_6, %parallel_loop3A_1036], %get3A_3 : memref<128x128xf32, #tpu.memory_space<vmem>>[vector<16xi32>, vector<16xi32>], vector<16xf32>,
      } {sc.loop_unroll_factor = 8 : i64, sc.parallel_access}
      %parallel_loop3A_550 = arith.constant 0 : i32
      %parallel_loop3A_551 = arith.constant 32 : i32
      %parallel_loop3A_552 = arith.constant 1 : i32
      scf.for %parallel_loop3A_1033 = %parallel_loop3A_550 to %parallel_loop3A_551 step %parallel_loop3A_552  : i32 {
        %parallel_loop3A_1034 = arith.index_cast %parallel_loop3A_1033 : i32 to index
        %parallel_loop3A_1035 = arith.constant 16 : index
        %parallel_loop3A_1036 = tpu.vector_load %arg12[%parallel_loop3A_1034, %parallel_loop3A_1035] {strides = array<i32>} : memref<32x128xi32, #tpu.memory_space<vmem>>, vector<16xi32>,
        tpu.vector_store_idx %arg7[%add3A_9, %parallel_loop3A_1036], %get3A_3 : memref<128x128xf32, #tpu.memory_space<vmem>>[vector<16xi32>, vector<16xi32>], vector<16xf32>,
      } {sc.loop_unroll_factor = 8 : i64, sc.parallel_access}
      %parallel_loop3A_553 = arith.constant 0 : i32
      %parallel_loop3A_554 = arith.constant 32 : i32
      %parallel_loop3A_555 = arith.constant 1 : i32
      scf.for %parallel_loop3A_1033 = %parallel_loop3A_553 to %parallel_loop3A_554 step %parallel_loop3A_555  : i32 {
        %parallel_loop3A_1034 = arith.index_cast %parallel_loop3A_1033 : i32 to index
        %parallel_loop3A_1035 = arith.constant 32 : index
        %parallel_loop3A_1036 = tpu.vector_load %arg12[%parallel_loop3A_1034, %parallel_loop3A_1035] {strides = array<i32>} : memref<32x128xi32, #tpu.memory_space<vmem>>, vector<16xi32>,
        tpu.vector_store_idx %arg7[%add3A_12, %parallel_loop3A_1036], %get3A_3 : memref<128x128xf32, #tpu.memory_space<vmem>>[vector<16xi32>, vector<16xi32>], vector<16xf32>,
      } {sc.loop_unroll_factor = 8 : i64, sc.parallel_access}
      %parallel_loop3A_556 = arith.constant 0 : i32
      %parallel_loop3A_557 = arith.constant 32 : i32
      %parallel_loop3A_558 = arith.constant 1 : i32
      scf.for %parallel_loop3A_1033 = %parallel_loop3A_556 to %parallel_loop3A_557 step %parallel_loop3A_558  : i32 {
        %parallel_loop3A_1034 = arith.index_cast %parallel_loop3A_1033 : i32 to index
        %parallel_loop3A_1035 = arith.constant 48 : index
        %parallel_loop3A_1036 = tpu.vector_load %arg12[%parallel_loop3A_1034, %parallel_loop3A_1035] {strides = array<i32>} : memref<32x128xi32, #tpu.memory_space<vmem>>, vector<16xi32>,
        tpu.vector_store_idx %arg7[%add3A_15, %parallel_loop3A_1036], %get3A_3 : memref<128x128xf32, #tpu.memory_space<vmem>>[vector<16xi32>, vector<16xi32>], vector<16xf32>,
      } {sc.loop_unroll_factor = 8 : i64, sc.parallel_access}
      %parallel_loop3A_559 = arith.constant 0 : i32
      %parallel_loop3A_560 = arith.constant 32 : i32
      %parallel_loop3A_561 = arith.constant 1 : i32
      scf.for %parallel_loop3A_1033 = %parallel_loop3A_559 to %parallel_loop3A_560 step %parallel_loop3A_561  : i32 {
        %parallel_loop3A_1034 = arith.index_cast %parallel_loop3A_1033 : i32 to index
        %parallel_loop3A_1035 = arith.constant 64 : index
        %parallel_loop3A_1036 = tpu.vector_load %arg12[%parallel_loop3A_1034, %parallel_loop3A_1035] {strides = array<i32>} : memref<32x128xi32, #tpu.memory_space<vmem>>, vector<16xi32>,
        tpu.vector_store_idx %arg7[%add3A_18, %parallel_loop3A_1036], %get3A_3 : memref<128x128xf32, #tpu.memory_space<vmem>>[vector<16xi32>, vector<16xi32>], vector<16xf32>,
      } {sc.loop_unroll_factor = 8 : i64, sc.parallel_access}
      %parallel_loop3A_562 = arith.constant 0 : i32
      %parallel_loop3A_563 = arith.constant 32 : i32
      %parallel_loop3A_564 = arith.constant 1 : i32
      scf.for %parallel_loop3A_1033 = %parallel_loop3A_562 to %parallel_loop3A_563 step %parallel_loop3A_564  : i32 {
        %parallel_loop3A_1034 = arith.index_cast %parallel_loop3A_1033 : i32 to index
        %parallel_loop3A_1035 = arith.constant 80 : index
        %parallel_loop3A_1036 = tpu.vector_load %arg12[%parallel_loop3A_1034, %parallel_loop3A_1035] {strides = array<i32>} : memref<32x128xi32, #tpu.memory_space<vmem>>, vector<16xi32>,
        tpu.vector_store_idx %arg7[%add3A_21, %parallel_loop3A_1036], %get3A_3 : memref<128x128xf32, #tpu.memory_space<vmem>>[vector<16xi32>, vector<16xi32>], vector<16xf32>,
      } {sc.loop_unroll_factor = 8 : i64, sc.parallel_access}
      %parallel_loop3A_565 = arith.constant 0 : i32
      %parallel_loop3A_566 = arith.constant 32 : i32
      %parallel_loop3A_567 = arith.constant 1 : i32
      scf.for %parallel_loop3A_1033 = %parallel_loop3A_565 to %parallel_loop3A_566 step %parallel_loop3A_567  : i32 {
        %parallel_loop3A_1034 = arith.index_cast %parallel_loop3A_1033 : i32 to index
        %parallel_loop3A_1035 = arith.constant 96 : index
        %parallel_loop3A_1036 = tpu.vector_load %arg12[%parallel_loop3A_1034, %parallel_loop3A_1035] {strides = array<i32>} : memref<32x128xi32, #tpu.memory_space<vmem>>, vector<16xi32>,
        tpu.vector_store_idx %arg7[%add3A_24, %parallel_loop3A_1036], %get3A_3 : memref<128x128xf32, #tpu.memory_space<vmem>>[vector<16xi32>, vector<16xi32>], vector<16xf32>,
      } {sc.loop_unroll_factor = 8 : i64, sc.parallel_access}
      %parallel_loop3A_568 = arith.constant 0 : i32
      %parallel_loop3A_569 = arith.constant 32 : i32
      %parallel_loop3A_570 = arith.constant 1 : i32
      scf.for %parallel_loop3A_1033 = %parallel_loop3A_568 to %parallel_loop3A_569 step %parallel_loop3A_570  : i32 {
        %parallel_loop3A_1034 = arith.index_cast %parallel_loop3A_1033 : i32 to index
        %parallel_loop3A_1035 = arith.constant 112 : index
        %parallel_loop3A_1036 = tpu.vector_load %arg12[%parallel_loop3A_1034, %parallel_loop3A_1035] {strides = array<i32>} : memref<32x128xi32, #tpu.memory_space<vmem>>, vector<16xi32>,
        tpu.vector_store_idx %arg7[%add3A_27, %parallel_loop3A_1036], %get3A_3 : memref<128x128xf32, #tpu.memory_space<vmem>>[vector<16xi32>, vector<16xi32>], vector<16xf32>,
      } {sc.loop_unroll_factor = 8 : i64, sc.parallel_access}
      %jit3A_571 = arith.constant 8 : i32
      %div3A_572 = arith.divsi %add3A_485, %jit3A_571 : i32
      %sign3A_573 = arith.constant 0 : i32
      %sign3A_574 = arith.cmpi sgt, %add3A_485, %sign3A_573 : i32
      %sign3A_575 = arith.extui %sign3A_574 : i1 to i32
      %sign3A_576 = arith.constant 0 : i32
      %sign3A_577 = arith.cmpi slt, %add3A_485, %sign3A_576 : i32
      %sign3A_578 = arith.extui %sign3A_577 : i1 to i32
      %sign3A_579 = arith.subi %sign3A_575, %sign3A_578 : i32
      %sign3A_580 = arith.constant 0 : i32
      %sign3A_581 = arith.cmpi sgt, %jit3A_571, %sign3A_580 : i32
      %sign3A_582 = arith.extui %sign3A_581 : i1 to i32
      %sign3A_583 = arith.constant 0 : i32
      %sign3A_584 = arith.cmpi slt, %jit3A_571, %sign3A_583 : i32
      %sign3A_585 = arith.extui %sign3A_584 : i1 to i32
      %sign3A_586 = arith.subi %sign3A_582, %sign3A_585 : i32
      %ne3A_587 = arith.cmpi ne, %sign3A_579, %sign3A_586 : i32
      %rem3A_588 = arith.remsi %add3A_485, %jit3A_571 : i32
      %ne3A_589 = arith.constant 0 : i32
      %ne3A_590 = arith.cmpi ne, %rem3A_588, %ne3A_589 : i32
      %and3A_591 = arith.andi %ne3A_587, %ne3A_590 : i1
      %sub3A_592 = arith.constant 1 : i32
      %sub3A_593 = arith.subi %div3A_572, %sub3A_592 : i32
      %select_n3A_594 = arith.select %and3A_591, %sub3A_593, %div3A_572 : i32
      %jit3A_595 = arith.constant 8 : i32
      %eq3A_596 = arith.constant 0 : i32
      %eq3A_597 = arith.cmpi eq, %jit3A_595, %eq3A_596 : i32
      %jit3A_598 = arith.constant 1 : i32
      %select_n3A_599 = arith.select %eq3A_597, %jit3A_598, %jit3A_595 : i32
      %rem3A_600 = arith.remsi %add3A_485, %select_n3A_599 : i32
      %ne3A_601 = arith.constant 0 : i32
      %ne3A_602 = arith.cmpi ne, %rem3A_600, %ne3A_601 : i32
      %lt3A_603 = arith.constant 0 : i32
      %lt3A_604 = arith.cmpi slt, %rem3A_600, %lt3A_603 : i32
      %lt3A_605 = arith.constant 0 : i32
      %lt3A_606 = arith.cmpi slt, %select_n3A_599, %lt3A_605 : i32
      %ne3A_607 = arith.xori %lt3A_604, %lt3A_606 : i1
      %and3A_608 = arith.andi %ne3A_607, %ne3A_602 : i1
      %add3A_609 = arith.addi %rem3A_600, %select_n3A_599 : i32
      %select_n3A_610 = arith.select %and3A_608, %add3A_609, %rem3A_600 : i32
      %mul3A_611 = arith.constant 128 : i32
      %mul3A_612 = arith.muli %select_n3A_610, %mul3A_611 : i32
      %dma_start3A_613 = arith.constant 0 : i32
      %dma_start3A_614 = tpu.memref_slice %arg5[%mul3A_612, %select_n3A_594, %dma_start3A_613] : memref<1024x200x128xf32, #tpu.memory_space<hbm>> -> memref<128x1x128xf32, #tpu.memory_space<hbm>>
      %dma_start3A_615 = tpu.memref_squeeze %dma_start3A_614 : memref<128x1x128xf32, #tpu.memory_space<hbm>> -> memref<128x128xf32, #tpu.memory_space<hbm>>
      %dma_start3A_616 = arith.constant 0 : i32
      %dma_start3A_617 = tpu.memref_slice %arg5[%mul3A_612, %select_n3A_594, %dma_start3A_616] : memref<1024x200x128xf32, #tpu.memory_space<hbm>> -> memref<128x1x128xf32, #tpu.memory_space<hbm>>
      %dma_start3A_618 = tpu.memref_squeeze %dma_start3A_617 : memref<128x1x128xf32, #tpu.memory_space<hbm>> -> memref<128x128xf32, #tpu.memory_space<hbm>>
      tpu.enqueue_dma source(%arg7 : memref<128x128xf32, #tpu.memory_space<vmem>>) target(%dma_start3A_618 : memref<128x128xf32, #tpu.memory_space<hbm>>) target_semaphore(%arg23 : memref<!tpu.dma_semaphore, #tpu.memory_space<semaphore_mem>>)
      %mul3A_619 = arith.constant 5 : i32
      %mul3A_620 = arith.muli %scan3A_345, %mul3A_619 : i32
      %add3A_621 = arith.constant 2 : i32
      %add3A_622 = arith.addi %mul3A_620, %add3A_621 : i32
      %add3A_623 = arith.addi %mul3A_2, %add3A_622 : i32
      %add3A_624 = arith.constant 1 : i32
      %add3A_625 = arith.addi %add3A_622, %add3A_624 : i32
      %lt3A_626 = arith.constant 50 : i32
      %lt3A_627 = arith.cmpi slt, %add3A_625, %lt3A_626 : i32
      %convert_element_type3A_628 = arith.extui %lt3A_627 : i1 to i32
      %cond3A_629 = arith.constant 0 : i32
      %cond3A_630 = arith.cmpi ne, %convert_element_type3A_628, %cond3A_629 : i32
      scf.if %cond3A_630 {
        %ge3A = arith.constant 4 : i32
        %ge3A_1033 = arith.cmpi sge, %add3A_622, %ge3A : i32
        %convert_element_type3A_1034 = arith.extui %ge3A_1033 : i1 to i32
        %cond3A_1035 = arith.constant 0 : i32
        %cond3A_1036 = arith.cmpi ne, %convert_element_type3A_1034, %cond3A_1035 : i32
        scf.if %cond3A_1036 {
          %sub3A_1093 = arith.constant 4 : i32
          %sub3A_1094 = arith.subi %add3A_623, %sub3A_1093 : i32
          %jit3A_1095 = arith.constant 8 : i32
          %div3A_1096 = arith.divsi %sub3A_1094, %jit3A_1095 : i32
          %sign3A_1097 = arith.constant 0 : i32
          %sign3A_1098 = arith.cmpi sgt, %sub3A_1094, %sign3A_1097 : i32
          %sign3A_1099 = arith.extui %sign3A_1098 : i1 to i32
          %sign3A_1100 = arith.constant 0 : i32
          %sign3A_1101 = arith.cmpi slt, %sub3A_1094, %sign3A_1100 : i32
          %sign3A_1102 = arith.extui %sign3A_1101 : i1 to i32
          %sign3A_1103 = arith.subi %sign3A_1099, %sign3A_1102 : i32
          %sign3A_1104 = arith.constant 0 : i32
          %sign3A_1105 = arith.cmpi sgt, %jit3A_1095, %sign3A_1104 : i32
          %sign3A_1106 = arith.extui %sign3A_1105 : i1 to i32
          %sign3A_1107 = arith.constant 0 : i32
          %sign3A_1108 = arith.cmpi slt, %jit3A_1095, %sign3A_1107 : i32
          %sign3A_1109 = arith.extui %sign3A_1108 : i1 to i32
          %sign3A_1110 = arith.subi %sign3A_1106, %sign3A_1109 : i32
          %ne3A_1111 = arith.cmpi ne, %sign3A_1103, %sign3A_1110 : i32
          %rem3A_1112 = arith.remsi %sub3A_1094, %jit3A_1095 : i32
          %ne3A_1113 = arith.constant 0 : i32
          %ne3A_1114 = arith.cmpi ne, %rem3A_1112, %ne3A_1113 : i32
          %and3A_1115 = arith.andi %ne3A_1111, %ne3A_1114 : i1
          %sub3A_1116 = arith.constant 1 : i32
          %sub3A_1117 = arith.subi %div3A_1096, %sub3A_1116 : i32
          %select_n3A_1118 = arith.select %and3A_1115, %sub3A_1117, %div3A_1096 : i32
          %jit3A_1119 = arith.constant 8 : i32
          %eq3A_1120 = arith.constant 0 : i32
          %eq3A_1121 = arith.cmpi eq, %jit3A_1119, %eq3A_1120 : i32
          %jit3A_1122 = arith.constant 1 : i32
          %select_n3A_1123 = arith.select %eq3A_1121, %jit3A_1122, %jit3A_1119 : i32
          %rem3A_1124 = arith.remsi %sub3A_1094, %select_n3A_1123 : i32
          %ne3A_1125 = arith.constant 0 : i32
          %ne3A_1126 = arith.cmpi ne, %rem3A_1124, %ne3A_1125 : i32
          %lt3A_1127 = arith.constant 0 : i32
          %lt3A_1128 = arith.cmpi slt, %rem3A_1124, %lt3A_1127 : i32
          %lt3A_1129 = arith.constant 0 : i32
          %lt3A_1130 = arith.cmpi slt, %select_n3A_1123, %lt3A_1129 : i32
          %ne3A_1131 = arith.xori %lt3A_1128, %lt3A_1130 : i1
          %and3A_1132 = arith.andi %ne3A_1131, %ne3A_1126 : i1
          %add3A_1133 = arith.addi %rem3A_1124, %select_n3A_1123 : i32
          %select_n3A_1134 = arith.select %and3A_1132, %add3A_1133, %rem3A_1124 : i32
          %mul3A_1135 = arith.constant 128 : i32
          %mul3A_1136 = arith.muli %select_n3A_1134, %mul3A_1135 : i32
          %dma_wait3A_1137 = arith.constant 0 : i32
          %dma_wait3A_1138 = tpu.memref_slice %arg5[%mul3A_1136, %select_n3A_1118, %dma_wait3A_1137] : memref<1024x200x128xf32, #tpu.memory_space<hbm>> -> memref<128x1x128xf32, #tpu.memory_space<hbm>>
          %dma_wait3A_1139 = tpu.memref_squeeze %dma_wait3A_1138 : memref<128x1x128xf32, #tpu.memory_space<hbm>> -> memref<128x128xf32, #tpu.memory_space<hbm>>
          %dma_wait3A_1140 = arith.constant 0 : i32
          %dma_wait3A_1141 = tpu.memref_slice %arg5[%mul3A_1136, %select_n3A_1118, %dma_wait3A_1140] : memref<1024x200x128xf32, #tpu.memory_space<hbm>> -> memref<128x1x128xf32, #tpu.memory_space<hbm>>
          %dma_wait3A_1142 = tpu.memref_squeeze %dma_wait3A_1141 : memref<128x1x128xf32, #tpu.memory_space<hbm>> -> memref<128x128xf32, #tpu.memory_space<hbm>>
          tpu.wait_dma2 semaphore(%arg25 : memref<!tpu.dma_semaphore, #tpu.memory_space<semaphore_mem>>) src(%arg9 : memref<128x128xf32, #tpu.memory_space<vmem>>) dst(%dma_wait3A_1142 : memref<128x128xf32, #tpu.memory_space<hbm>>)
        } else {
        }
        %add3A_1037 = arith.constant 1 : i32
        %add3A_1038 = arith.addi %add3A_623, %add3A_1037 : i32
        %jit3A_1039 = arith.constant 8 : i32
        %div3A_1040 = arith.divsi %add3A_1038, %jit3A_1039 : i32
        %sign3A_1041 = arith.constant 0 : i32
        %sign3A_1042 = arith.cmpi sgt, %add3A_1038, %sign3A_1041 : i32
        %sign3A_1043 = arith.extui %sign3A_1042 : i1 to i32
        %sign3A_1044 = arith.constant 0 : i32
        %sign3A_1045 = arith.cmpi slt, %add3A_1038, %sign3A_1044 : i32
        %sign3A_1046 = arith.extui %sign3A_1045 : i1 to i32
        %sign3A_1047 = arith.subi %sign3A_1043, %sign3A_1046 : i32
        %sign3A_1048 = arith.constant 0 : i32
        %sign3A_1049 = arith.cmpi sgt, %jit3A_1039, %sign3A_1048 : i32
        %sign3A_1050 = arith.extui %sign3A_1049 : i1 to i32
        %sign3A_1051 = arith.constant 0 : i32
        %sign3A_1052 = arith.cmpi slt, %jit3A_1039, %sign3A_1051 : i32
        %sign3A_1053 = arith.extui %sign3A_1052 : i1 to i32
        %sign3A_1054 = arith.subi %sign3A_1050, %sign3A_1053 : i32
        %ne3A_1055 = arith.cmpi ne, %sign3A_1047, %sign3A_1054 : i32
        %rem3A_1056 = arith.remsi %add3A_1038, %jit3A_1039 : i32
        %ne3A_1057 = arith.constant 0 : i32
        %ne3A_1058 = arith.cmpi ne, %rem3A_1056, %ne3A_1057 : i32
        %and3A_1059 = arith.andi %ne3A_1055, %ne3A_1058 : i1
        %sub3A_1060 = arith.constant 1 : i32
        %sub3A_1061 = arith.subi %div3A_1040, %sub3A_1060 : i32
        %select_n3A_1062 = arith.select %and3A_1059, %sub3A_1061, %div3A_1040 : i32
        %jit3A_1063 = arith.constant 8 : i32
        %eq3A_1064 = arith.constant 0 : i32
        %eq3A_1065 = arith.cmpi eq, %jit3A_1063, %eq3A_1064 : i32
        %jit3A_1066 = arith.constant 1 : i32
        %select_n3A_1067 = arith.select %eq3A_1065, %jit3A_1066, %jit3A_1063 : i32
        %rem3A_1068 = arith.remsi %add3A_1038, %select_n3A_1067 : i32
        %ne3A_1069 = arith.constant 0 : i32
        %ne3A_1070 = arith.cmpi ne, %rem3A_1068, %ne3A_1069 : i32
        %lt3A_1071 = arith.constant 0 : i32
        %lt3A_1072 = arith.cmpi slt, %rem3A_1068, %lt3A_1071 : i32
        %lt3A_1073 = arith.constant 0 : i32
        %lt3A_1074 = arith.cmpi slt, %select_n3A_1067, %lt3A_1073 : i32
        %ne3A_1075 = arith.xori %lt3A_1072, %lt3A_1074 : i1
        %and3A_1076 = arith.andi %ne3A_1075, %ne3A_1070 : i1
        %add3A_1077 = arith.addi %rem3A_1068, %select_n3A_1067 : i32
        %select_n3A_1078 = arith.select %and3A_1076, %add3A_1077, %rem3A_1068 : i32
        %mul3A_1079 = arith.constant 128 : i32
        %mul3A_1080 = arith.muli %select_n3A_1078, %mul3A_1079 : i32
        %dma_start3A_1081 = arith.constant 0 : i32
        %dma_start3A_1082 = tpu.memref_slice %arg2[%mul3A_1080, %select_n3A_1062, %dma_start3A_1081] : memref<1024x200x128xf32, #tpu.memory_space<hbm>> -> memref<128x1x128xf32, #tpu.memory_space<hbm>>
        %dma_start3A_1083 = tpu.memref_squeeze %dma_start3A_1082 : memref<128x1x128xf32, #tpu.memory_space<hbm>> -> memref<128x128xf32, #tpu.memory_space<hbm>>
        %dma_start3A_1084 = arith.constant 0 : i32
        %dma_start3A_1085 = tpu.memref_slice %arg2[%mul3A_1080, %select_n3A_1062, %dma_start3A_1084] : memref<1024x200x128xf32, #tpu.memory_space<hbm>> -> memref<128x1x128xf32, #tpu.memory_space<hbm>>
        %dma_start3A_1086 = tpu.memref_squeeze %dma_start3A_1085 : memref<128x1x128xf32, #tpu.memory_space<hbm>> -> memref<128x128xf32, #tpu.memory_space<hbm>>
        tpu.enqueue_dma source(%dma_start3A_1086 : memref<128x128xf32, #tpu.memory_space<hbm>>) target(%arg9 : memref<128x128xf32, #tpu.memory_space<vmem>>) target_semaphore(%arg20 : memref<!tpu.dma_semaphore, #tpu.memory_space<semaphore_mem>>)
        %dma_start3A_1087 = arith.constant 0 : i32
        %dma_start3A_1088 = tpu.memref_slice %arg3[%select_n3A_1062, %dma_start3A_1087, %mul3A_1080] : memref<200x32x1024xi32, #tpu.memory_space<hbm>> -> memref<1x32x128xi32, #tpu.memory_space<hbm>>
        %dma_start3A_1089 = tpu.memref_squeeze %dma_start3A_1088 : memref<1x32x128xi32, #tpu.memory_space<hbm>> -> memref<32x128xi32, #tpu.memory_space<hbm>>
        %dma_start3A_1090 = arith.constant 0 : i32
        %dma_start3A_1091 = tpu.memref_slice %arg3[%select_n3A_1062, %dma_start3A_1090, %mul3A_1080] : memref<200x32x1024xi32, #tpu.memory_space<hbm>> -> memref<1x32x128xi32, #tpu.memory_space<hbm>>
        %dma_start3A_1092 = tpu.memref_squeeze %dma_start3A_1091 : memref<1x32x128xi32, #tpu.memory_space<hbm>> -> memref<32x128xi32, #tpu.memory_space<hbm>>
        tpu.enqueue_dma source(%dma_start3A_1092 : memref<32x128xi32, #tpu.memory_space<hbm>>) target(%arg14 : memref<32x128xi32, #tpu.memory_space<vmem>>) target_semaphore(%arg20 : memref<!tpu.dma_semaphore, #tpu.memory_space<semaphore_mem>>)
      } else {
      }
      %jit3A_631 = arith.constant 8 : i32
      %div3A_632 = arith.divsi %add3A_623, %jit3A_631 : i32
      %sign3A_633 = arith.constant 0 : i32
      %sign3A_634 = arith.cmpi sgt, %add3A_623, %sign3A_633 : i32
      %sign3A_635 = arith.extui %sign3A_634 : i1 to i32
      %sign3A_636 = arith.constant 0 : i32
      %sign3A_637 = arith.cmpi slt, %add3A_623, %sign3A_636 : i32
      %sign3A_638 = arith.extui %sign3A_637 : i1 to i32
      %sign3A_639 = arith.subi %sign3A_635, %sign3A_638 : i32
      %sign3A_640 = arith.constant 0 : i32
      %sign3A_641 = arith.cmpi sgt, %jit3A_631, %sign3A_640 : i32
      %sign3A_642 = arith.extui %sign3A_641 : i1 to i32
      %sign3A_643 = arith.constant 0 : i32
      %sign3A_644 = arith.cmpi slt, %jit3A_631, %sign3A_643 : i32
      %sign3A_645 = arith.extui %sign3A_644 : i1 to i32
      %sign3A_646 = arith.subi %sign3A_642, %sign3A_645 : i32
      %ne3A_647 = arith.cmpi ne, %sign3A_639, %sign3A_646 : i32
      %rem3A_648 = arith.remsi %add3A_623, %jit3A_631 : i32
      %ne3A_649 = arith.constant 0 : i32
      %ne3A_650 = arith.cmpi ne, %rem3A_648, %ne3A_649 : i32
      %and3A_651 = arith.andi %ne3A_647, %ne3A_650 : i1
      %sub3A_652 = arith.constant 1 : i32
      %sub3A_653 = arith.subi %div3A_632, %sub3A_652 : i32
      %select_n3A_654 = arith.select %and3A_651, %sub3A_653, %div3A_632 : i32
      %jit3A_655 = arith.constant 8 : i32
      %eq3A_656 = arith.constant 0 : i32
      %eq3A_657 = arith.cmpi eq, %jit3A_655, %eq3A_656 : i32
      %jit3A_658 = arith.constant 1 : i32
      %select_n3A_659 = arith.select %eq3A_657, %jit3A_658, %jit3A_655 : i32
      %rem3A_660 = arith.remsi %add3A_623, %select_n3A_659 : i32
      %ne3A_661 = arith.constant 0 : i32
      %ne3A_662 = arith.cmpi ne, %rem3A_660, %ne3A_661 : i32
      %lt3A_663 = arith.constant 0 : i32
      %lt3A_664 = arith.cmpi slt, %rem3A_660, %lt3A_663 : i32
      %lt3A_665 = arith.constant 0 : i32
      %lt3A_666 = arith.cmpi slt, %select_n3A_659, %lt3A_665 : i32
      %ne3A_667 = arith.xori %lt3A_664, %lt3A_666 : i1
      %and3A_668 = arith.andi %ne3A_667, %ne3A_662 : i1
      %add3A_669 = arith.addi %rem3A_660, %select_n3A_659 : i32
      %select_n3A_670 = arith.select %and3A_668, %add3A_669, %rem3A_660 : i32
      %mul3A_671 = arith.constant 128 : i32
      %mul3A_672 = arith.muli %select_n3A_670, %mul3A_671 : i32
      %dma_wait3A_673 = arith.constant 0 : i32
      %dma_wait3A_674 = tpu.memref_slice %arg2[%mul3A_672, %select_n3A_654, %dma_wait3A_673] : memref<1024x200x128xf32, #tpu.memory_space<hbm>> -> memref<128x1x128xf32, #tpu.memory_space<hbm>>
      %dma_wait3A_675 = tpu.memref_squeeze %dma_wait3A_674 : memref<128x1x128xf32, #tpu.memory_space<hbm>> -> memref<128x128xf32, #tpu.memory_space<hbm>>
      %dma_wait3A_676 = arith.constant 0 : i32
      %dma_wait3A_677 = tpu.memref_slice %arg2[%mul3A_672, %select_n3A_654, %dma_wait3A_676] : memref<1024x200x128xf32, #tpu.memory_space<hbm>> -> memref<128x1x128xf32, #tpu.memory_space<hbm>>
      %dma_wait3A_678 = tpu.memref_squeeze %dma_wait3A_677 : memref<128x1x128xf32, #tpu.memory_space<hbm>> -> memref<128x128xf32, #tpu.memory_space<hbm>>
      tpu.wait_dma2 semaphore(%arg19 : memref<!tpu.dma_semaphore, #tpu.memory_space<semaphore_mem>>) src(%dma_wait3A_678 : memref<128x128xf32, #tpu.memory_space<hbm>>) dst(%arg8 : memref<128x128xf32, #tpu.memory_space<vmem>>)
      %dma_wait3A_679 = arith.constant 0 : i32
      %dma_wait3A_680 = tpu.memref_slice %arg3[%select_n3A_654, %dma_wait3A_679, %mul3A_672] : memref<200x32x1024xi32, #tpu.memory_space<hbm>> -> memref<1x32x128xi32, #tpu.memory_space<hbm>>
      %dma_wait3A_681 = tpu.memref_squeeze %dma_wait3A_680 : memref<1x32x128xi32, #tpu.memory_space<hbm>> -> memref<32x128xi32, #tpu.memory_space<hbm>>
      %dma_wait3A_682 = arith.constant 0 : i32
      %dma_wait3A_683 = tpu.memref_slice %arg3[%select_n3A_654, %dma_wait3A_682, %mul3A_672] : memref<200x32x1024xi32, #tpu.memory_space<hbm>> -> memref<1x32x128xi32, #tpu.memory_space<hbm>>
      %dma_wait3A_684 = tpu.memref_squeeze %dma_wait3A_683 : memref<1x32x128xi32, #tpu.memory_space<hbm>> -> memref<32x128xi32, #tpu.memory_space<hbm>>
      tpu.wait_dma2 semaphore(%arg19 : memref<!tpu.dma_semaphore, #tpu.memory_space<semaphore_mem>>) src(%dma_wait3A_684 : memref<32x128xi32, #tpu.memory_space<hbm>>) dst(%arg13 : memref<32x128xi32, #tpu.memory_space<vmem>>)
      %parallel_loop3A_685 = arith.constant 0 : i32
      %parallel_loop3A_686 = arith.constant 32 : i32
      %parallel_loop3A_687 = arith.constant 1 : i32
      scf.for %parallel_loop3A_1033 = %parallel_loop3A_685 to %parallel_loop3A_686 step %parallel_loop3A_687  : i32 {
        %parallel_loop3A_1034 = arith.index_cast %parallel_loop3A_1033 : i32 to index
        %parallel_loop3A_1035 = arith.constant 0 : index
        %parallel_loop3A_1036 = tpu.vector_load %arg13[%parallel_loop3A_1034, %parallel_loop3A_1035] {strides = array<i32>} : memref<32x128xi32, #tpu.memory_space<vmem>>, vector<16xi32>,
        tpu.vector_store_idx %arg8[%add3A_6, %parallel_loop3A_1036], %get3A_3 : memref<128x128xf32, #tpu.memory_space<vmem>>[vector<16xi32>, vector<16xi32>], vector<16xf32>,
      } {sc.loop_unroll_factor = 8 : i64, sc.parallel_access}
      %parallel_loop3A_688 = arith.constant 0 : i32
      %parallel_loop3A_689 = arith.constant 32 : i32
      %parallel_loop3A_690 = arith.constant 1 : i32
      scf.for %parallel_loop3A_1033 = %parallel_loop3A_688 to %parallel_loop3A_689 step %parallel_loop3A_690  : i32 {
        %parallel_loop3A_1034 = arith.index_cast %parallel_loop3A_1033 : i32 to index
        %parallel_loop3A_1035 = arith.constant 16 : index
        %parallel_loop3A_1036 = tpu.vector_load %arg13[%parallel_loop3A_1034, %parallel_loop3A_1035] {strides = array<i32>} : memref<32x128xi32, #tpu.memory_space<vmem>>, vector<16xi32>,
        tpu.vector_store_idx %arg8[%add3A_9, %parallel_loop3A_1036], %get3A_3 : memref<128x128xf32, #tpu.memory_space<vmem>>[vector<16xi32>, vector<16xi32>], vector<16xf32>,
      } {sc.loop_unroll_factor = 8 : i64, sc.parallel_access}
      %parallel_loop3A_691 = arith.constant 0 : i32
      %parallel_loop3A_692 = arith.constant 32 : i32
      %parallel_loop3A_693 = arith.constant 1 : i32
      scf.for %parallel_loop3A_1033 = %parallel_loop3A_691 to %parallel_loop3A_692 step %parallel_loop3A_693  : i32 {
        %parallel_loop3A_1034 = arith.index_cast %parallel_loop3A_1033 : i32 to index
        %parallel_loop3A_1035 = arith.constant 32 : index
        %parallel_loop3A_1036 = tpu.vector_load %arg13[%parallel_loop3A_1034, %parallel_loop3A_1035] {strides = array<i32>} : memref<32x128xi32, #tpu.memory_space<vmem>>, vector<16xi32>,
        tpu.vector_store_idx %arg8[%add3A_12, %parallel_loop3A_1036], %get3A_3 : memref<128x128xf32, #tpu.memory_space<vmem>>[vector<16xi32>, vector<16xi32>], vector<16xf32>,
      } {sc.loop_unroll_factor = 8 : i64, sc.parallel_access}
      %parallel_loop3A_694 = arith.constant 0 : i32
      %parallel_loop3A_695 = arith.constant 32 : i32
      %parallel_loop3A_696 = arith.constant 1 : i32
      scf.for %parallel_loop3A_1033 = %parallel_loop3A_694 to %parallel_loop3A_695 step %parallel_loop3A_696  : i32 {
        %parallel_loop3A_1034 = arith.index_cast %parallel_loop3A_1033 : i32 to index
        %parallel_loop3A_1035 = arith.constant 48 : index
        %parallel_loop3A_1036 = tpu.vector_load %arg13[%parallel_loop3A_1034, %parallel_loop3A_1035] {strides = array<i32>} : memref<32x128xi32, #tpu.memory_space<vmem>>, vector<16xi32>,
        tpu.vector_store_idx %arg8[%add3A_15, %parallel_loop3A_1036], %get3A_3 : memref<128x128xf32, #tpu.memory_space<vmem>>[vector<16xi32>, vector<16xi32>], vector<16xf32>,
      } {sc.loop_unroll_factor = 8 : i64, sc.parallel_access}
      %parallel_loop3A_697 = arith.constant 0 : i32
      %parallel_loop3A_698 = arith.constant 32 : i32
      %parallel_loop3A_699 = arith.constant 1 : i32
      scf.for %parallel_loop3A_1033 = %parallel_loop3A_697 to %parallel_loop3A_698 step %parallel_loop3A_699  : i32 {
        %parallel_loop3A_1034 = arith.index_cast %parallel_loop3A_1033 : i32 to index
        %parallel_loop3A_1035 = arith.constant 64 : index
        %parallel_loop3A_1036 = tpu.vector_load %arg13[%parallel_loop3A_1034, %parallel_loop3A_1035] {strides = array<i32>} : memref<32x128xi32, #tpu.memory_space<vmem>>, vector<16xi32>,
        tpu.vector_store_idx %arg8[%add3A_18, %parallel_loop3A_1036], %get3A_3 : memref<128x128xf32, #tpu.memory_space<vmem>>[vector<16xi32>, vector<16xi32>], vector<16xf32>,
      } {sc.loop_unroll_factor = 8 : i64, sc.parallel_access}
      %parallel_loop3A_700 = arith.constant 0 : i32
      %parallel_loop3A_701 = arith.constant 32 : i32
      %parallel_loop3A_702 = arith.constant 1 : i32
      scf.for %parallel_loop3A_1033 = %parallel_loop3A_700 to %parallel_loop3A_701 step %parallel_loop3A_702  : i32 {
        %parallel_loop3A_1034 = arith.index_cast %parallel_loop3A_1033 : i32 to index
        %parallel_loop3A_1035 = arith.constant 80 : index
        %parallel_loop3A_1036 = tpu.vector_load %arg13[%parallel_loop3A_1034, %parallel_loop3A_1035] {strides = array<i32>} : memref<32x128xi32, #tpu.memory_space<vmem>>, vector<16xi32>,
        tpu.vector_store_idx %arg8[%add3A_21, %parallel_loop3A_1036], %get3A_3 : memref<128x128xf32, #tpu.memory_space<vmem>>[vector<16xi32>, vector<16xi32>], vector<16xf32>,
      } {sc.loop_unroll_factor = 8 : i64, sc.parallel_access}
      %parallel_loop3A_703 = arith.constant 0 : i32
      %parallel_loop3A_704 = arith.constant 32 : i32
      %parallel_loop3A_705 = arith.constant 1 : i32
      scf.for %parallel_loop3A_1033 = %parallel_loop3A_703 to %parallel_loop3A_704 step %parallel_loop3A_705  : i32 {
        %parallel_loop3A_1034 = arith.index_cast %parallel_loop3A_1033 : i32 to index
        %parallel_loop3A_1035 = arith.constant 96 : index
        %parallel_loop3A_1036 = tpu.vector_load %arg13[%parallel_loop3A_1034, %parallel_loop3A_1035] {strides = array<i32>} : memref<32x128xi32, #tpu.memory_space<vmem>>, vector<16xi32>,
        tpu.vector_store_idx %arg8[%add3A_24, %parallel_loop3A_1036], %get3A_3 : memref<128x128xf32, #tpu.memory_space<vmem>>[vector<16xi32>, vector<16xi32>], vector<16xf32>,
      } {sc.loop_unroll_factor = 8 : i64, sc.parallel_access}
      %parallel_loop3A_706 = arith.constant 0 : i32
      %parallel_loop3A_707 = arith.constant 32 : i32
      %parallel_loop3A_708 = arith.constant 1 : i32
      scf.for %parallel_loop3A_1033 = %parallel_loop3A_706 to %parallel_loop3A_707 step %parallel_loop3A_708  : i32 {
        %parallel_loop3A_1034 = arith.index_cast %parallel_loop3A_1033 : i32 to index
        %parallel_loop3A_1035 = arith.constant 112 : index
        %parallel_loop3A_1036 = tpu.vector_load %arg13[%parallel_loop3A_1034, %parallel_loop3A_1035] {strides = array<i32>} : memref<32x128xi32, #tpu.memory_space<vmem>>, vector<16xi32>,
        tpu.vector_store_idx %arg8[%add3A_27, %parallel_loop3A_1036], %get3A_3 : memref<128x128xf32, #tpu.memory_space<vmem>>[vector<16xi32>, vector<16xi32>], vector<16xf32>,
      } {sc.loop_unroll_factor = 8 : i64, sc.parallel_access}
      %jit3A_709 = arith.constant 8 : i32
      %div3A_710 = arith.divsi %add3A_623, %jit3A_709 : i32
      %sign3A_711 = arith.constant 0 : i32
      %sign3A_712 = arith.cmpi sgt, %add3A_623, %sign3A_711 : i32
      %sign3A_713 = arith.extui %sign3A_712 : i1 to i32
      %sign3A_714 = arith.constant 0 : i32
      %sign3A_715 = arith.cmpi slt, %add3A_623, %sign3A_714 : i32
      %sign3A_716 = arith.extui %sign3A_715 : i1 to i32
      %sign3A_717 = arith.subi %sign3A_713, %sign3A_716 : i32
      %sign3A_718 = arith.constant 0 : i32
      %sign3A_719 = arith.cmpi sgt, %jit3A_709, %sign3A_718 : i32
      %sign3A_720 = arith.extui %sign3A_719 : i1 to i32
      %sign3A_721 = arith.constant 0 : i32
      %sign3A_722 = arith.cmpi slt, %jit3A_709, %sign3A_721 : i32
      %sign3A_723 = arith.extui %sign3A_722 : i1 to i32
      %sign3A_724 = arith.subi %sign3A_720, %sign3A_723 : i32
      %ne3A_725 = arith.cmpi ne, %sign3A_717, %sign3A_724 : i32
      %rem3A_726 = arith.remsi %add3A_623, %jit3A_709 : i32
      %ne3A_727 = arith.constant 0 : i32
      %ne3A_728 = arith.cmpi ne, %rem3A_726, %ne3A_727 : i32
      %and3A_729 = arith.andi %ne3A_725, %ne3A_728 : i1
      %sub3A_730 = arith.constant 1 : i32
      %sub3A_731 = arith.subi %div3A_710, %sub3A_730 : i32
      %select_n3A_732 = arith.select %and3A_729, %sub3A_731, %div3A_710 : i32
      %jit3A_733 = arith.constant 8 : i32
      %eq3A_734 = arith.constant 0 : i32
      %eq3A_735 = arith.cmpi eq, %jit3A_733, %eq3A_734 : i32
      %jit3A_736 = arith.constant 1 : i32
      %select_n3A_737 = arith.select %eq3A_735, %jit3A_736, %jit3A_733 : i32
      %rem3A_738 = arith.remsi %add3A_623, %select_n3A_737 : i32
      %ne3A_739 = arith.constant 0 : i32
      %ne3A_740 = arith.cmpi ne, %rem3A_738, %ne3A_739 : i32
      %lt3A_741 = arith.constant 0 : i32
      %lt3A_742 = arith.cmpi slt, %rem3A_738, %lt3A_741 : i32
      %lt3A_743 = arith.constant 0 : i32
      %lt3A_744 = arith.cmpi slt, %select_n3A_737, %lt3A_743 : i32
      %ne3A_745 = arith.xori %lt3A_742, %lt3A_744 : i1
      %and3A_746 = arith.andi %ne3A_745, %ne3A_740 : i1
      %add3A_747 = arith.addi %rem3A_738, %select_n3A_737 : i32
      %select_n3A_748 = arith.select %and3A_746, %add3A_747, %rem3A_738 : i32
      %mul3A_749 = arith.constant 128 : i32
      %mul3A_750 = arith.muli %select_n3A_748, %mul3A_749 : i32
      %dma_start3A_751 = arith.constant 0 : i32
      %dma_start3A_752 = tpu.memref_slice %arg5[%mul3A_750, %select_n3A_732, %dma_start3A_751] : memref<1024x200x128xf32, #tpu.memory_space<hbm>> -> memref<128x1x128xf32, #tpu.memory_space<hbm>>
      %dma_start3A_753 = tpu.memref_squeeze %dma_start3A_752 : memref<128x1x128xf32, #tpu.memory_space<hbm>> -> memref<128x128xf32, #tpu.memory_space<hbm>>
      %dma_start3A_754 = arith.constant 0 : i32
      %dma_start3A_755 = tpu.memref_slice %arg5[%mul3A_750, %select_n3A_732, %dma_start3A_754] : memref<1024x200x128xf32, #tpu.memory_space<hbm>> -> memref<128x1x128xf32, #tpu.memory_space<hbm>>
      %dma_start3A_756 = tpu.memref_squeeze %dma_start3A_755 : memref<128x1x128xf32, #tpu.memory_space<hbm>> -> memref<128x128xf32, #tpu.memory_space<hbm>>
      tpu.enqueue_dma source(%arg8 : memref<128x128xf32, #tpu.memory_space<vmem>>) target(%dma_start3A_756 : memref<128x128xf32, #tpu.memory_space<hbm>>) target_semaphore(%arg24 : memref<!tpu.dma_semaphore, #tpu.memory_space<semaphore_mem>>)
      %mul3A_757 = arith.constant 5 : i32
      %mul3A_758 = arith.muli %scan3A_345, %mul3A_757 : i32
      %add3A_759 = arith.constant 3 : i32
      %add3A_760 = arith.addi %mul3A_758, %add3A_759 : i32
      %add3A_761 = arith.addi %mul3A_2, %add3A_760 : i32
      %add3A_762 = arith.constant 1 : i32
      %add3A_763 = arith.addi %add3A_760, %add3A_762 : i32
      %lt3A_764 = arith.constant 50 : i32
      %lt3A_765 = arith.cmpi slt, %add3A_763, %lt3A_764 : i32
      %convert_element_type3A_766 = arith.extui %lt3A_765 : i1 to i32
      %cond3A_767 = arith.constant 0 : i32
      %cond3A_768 = arith.cmpi ne, %convert_element_type3A_766, %cond3A_767 : i32
      scf.if %cond3A_768 {
        %ge3A = arith.constant 4 : i32
        %ge3A_1033 = arith.cmpi sge, %add3A_760, %ge3A : i32
        %convert_element_type3A_1034 = arith.extui %ge3A_1033 : i1 to i32
        %cond3A_1035 = arith.constant 0 : i32
        %cond3A_1036 = arith.cmpi ne, %convert_element_type3A_1034, %cond3A_1035 : i32
        scf.if %cond3A_1036 {
          %sub3A_1093 = arith.constant 4 : i32
          %sub3A_1094 = arith.subi %add3A_761, %sub3A_1093 : i32
          %jit3A_1095 = arith.constant 8 : i32
          %div3A_1096 = arith.divsi %sub3A_1094, %jit3A_1095 : i32
          %sign3A_1097 = arith.constant 0 : i32
          %sign3A_1098 = arith.cmpi sgt, %sub3A_1094, %sign3A_1097 : i32
          %sign3A_1099 = arith.extui %sign3A_1098 : i1 to i32
          %sign3A_1100 = arith.constant 0 : i32
          %sign3A_1101 = arith.cmpi slt, %sub3A_1094, %sign3A_1100 : i32
          %sign3A_1102 = arith.extui %sign3A_1101 : i1 to i32
          %sign3A_1103 = arith.subi %sign3A_1099, %sign3A_1102 : i32
          %sign3A_1104 = arith.constant 0 : i32
          %sign3A_1105 = arith.cmpi sgt, %jit3A_1095, %sign3A_1104 : i32
          %sign3A_1106 = arith.extui %sign3A_1105 : i1 to i32
          %sign3A_1107 = arith.constant 0 : i32
          %sign3A_1108 = arith.cmpi slt, %jit3A_1095, %sign3A_1107 : i32
          %sign3A_1109 = arith.extui %sign3A_1108 : i1 to i32
          %sign3A_1110 = arith.subi %sign3A_1106, %sign3A_1109 : i32
          %ne3A_1111 = arith.cmpi ne, %sign3A_1103, %sign3A_1110 : i32
          %rem3A_1112 = arith.remsi %sub3A_1094, %jit3A_1095 : i32
          %ne3A_1113 = arith.constant 0 : i32
          %ne3A_1114 = arith.cmpi ne, %rem3A_1112, %ne3A_1113 : i32
          %and3A_1115 = arith.andi %ne3A_1111, %ne3A_1114 : i1
          %sub3A_1116 = arith.constant 1 : i32
          %sub3A_1117 = arith.subi %div3A_1096, %sub3A_1116 : i32
          %select_n3A_1118 = arith.select %and3A_1115, %sub3A_1117, %div3A_1096 : i32
          %jit3A_1119 = arith.constant 8 : i32
          %eq3A_1120 = arith.constant 0 : i32
          %eq3A_1121 = arith.cmpi eq, %jit3A_1119, %eq3A_1120 : i32
          %jit3A_1122 = arith.constant 1 : i32
          %select_n3A_1123 = arith.select %eq3A_1121, %jit3A_1122, %jit3A_1119 : i32
          %rem3A_1124 = arith.remsi %sub3A_1094, %select_n3A_1123 : i32
          %ne3A_1125 = arith.constant 0 : i32
          %ne3A_1126 = arith.cmpi ne, %rem3A_1124, %ne3A_1125 : i32
          %lt3A_1127 = arith.constant 0 : i32
          %lt3A_1128 = arith.cmpi slt, %rem3A_1124, %lt3A_1127 : i32
          %lt3A_1129 = arith.constant 0 : i32
          %lt3A_1130 = arith.cmpi slt, %select_n3A_1123, %lt3A_1129 : i32
          %ne3A_1131 = arith.xori %lt3A_1128, %lt3A_1130 : i1
          %and3A_1132 = arith.andi %ne3A_1131, %ne3A_1126 : i1
          %add3A_1133 = arith.addi %rem3A_1124, %select_n3A_1123 : i32
          %select_n3A_1134 = arith.select %and3A_1132, %add3A_1133, %rem3A_1124 : i32
          %mul3A_1135 = arith.constant 128 : i32
          %mul3A_1136 = arith.muli %select_n3A_1134, %mul3A_1135 : i32
          %dma_wait3A_1137 = arith.constant 0 : i32
          %dma_wait3A_1138 = tpu.memref_slice %arg5[%mul3A_1136, %select_n3A_1118, %dma_wait3A_1137] : memref<1024x200x128xf32, #tpu.memory_space<hbm>> -> memref<128x1x128xf32, #tpu.memory_space<hbm>>
          %dma_wait3A_1139 = tpu.memref_squeeze %dma_wait3A_1138 : memref<128x1x128xf32, #tpu.memory_space<hbm>> -> memref<128x128xf32, #tpu.memory_space<hbm>>
          %dma_wait3A_1140 = arith.constant 0 : i32
          %dma_wait3A_1141 = tpu.memref_slice %arg5[%mul3A_1136, %select_n3A_1118, %dma_wait3A_1140] : memref<1024x200x128xf32, #tpu.memory_space<hbm>> -> memref<128x1x128xf32, #tpu.memory_space<hbm>>
          %dma_wait3A_1142 = tpu.memref_squeeze %dma_wait3A_1141 : memref<128x1x128xf32, #tpu.memory_space<hbm>> -> memref<128x128xf32, #tpu.memory_space<hbm>>
          tpu.wait_dma2 semaphore(%arg26 : memref<!tpu.dma_semaphore, #tpu.memory_space<semaphore_mem>>) src(%arg10 : memref<128x128xf32, #tpu.memory_space<vmem>>) dst(%dma_wait3A_1142 : memref<128x128xf32, #tpu.memory_space<hbm>>)
        } else {
        }
        %add3A_1037 = arith.constant 1 : i32
        %add3A_1038 = arith.addi %add3A_761, %add3A_1037 : i32
        %jit3A_1039 = arith.constant 8 : i32
        %div3A_1040 = arith.divsi %add3A_1038, %jit3A_1039 : i32
        %sign3A_1041 = arith.constant 0 : i32
        %sign3A_1042 = arith.cmpi sgt, %add3A_1038, %sign3A_1041 : i32
        %sign3A_1043 = arith.extui %sign3A_1042 : i1 to i32
        %sign3A_1044 = arith.constant 0 : i32
        %sign3A_1045 = arith.cmpi slt, %add3A_1038, %sign3A_1044 : i32
        %sign3A_1046 = arith.extui %sign3A_1045 : i1 to i32
        %sign3A_1047 = arith.subi %sign3A_1043, %sign3A_1046 : i32
        %sign3A_1048 = arith.constant 0 : i32
        %sign3A_1049 = arith.cmpi sgt, %jit3A_1039, %sign3A_1048 : i32
        %sign3A_1050 = arith.extui %sign3A_1049 : i1 to i32
        %sign3A_1051 = arith.constant 0 : i32
        %sign3A_1052 = arith.cmpi slt, %jit3A_1039, %sign3A_1051 : i32
        %sign3A_1053 = arith.extui %sign3A_1052 : i1 to i32
        %sign3A_1054 = arith.subi %sign3A_1050, %sign3A_1053 : i32
        %ne3A_1055 = arith.cmpi ne, %sign3A_1047, %sign3A_1054 : i32
        %rem3A_1056 = arith.remsi %add3A_1038, %jit3A_1039 : i32
        %ne3A_1057 = arith.constant 0 : i32
        %ne3A_1058 = arith.cmpi ne, %rem3A_1056, %ne3A_1057 : i32
        %and3A_1059 = arith.andi %ne3A_1055, %ne3A_1058 : i1
        %sub3A_1060 = arith.constant 1 : i32
        %sub3A_1061 = arith.subi %div3A_1040, %sub3A_1060 : i32
        %select_n3A_1062 = arith.select %and3A_1059, %sub3A_1061, %div3A_1040 : i32
        %jit3A_1063 = arith.constant 8 : i32
        %eq3A_1064 = arith.constant 0 : i32
        %eq3A_1065 = arith.cmpi eq, %jit3A_1063, %eq3A_1064 : i32
        %jit3A_1066 = arith.constant 1 : i32
        %select_n3A_1067 = arith.select %eq3A_1065, %jit3A_1066, %jit3A_1063 : i32
        %rem3A_1068 = arith.remsi %add3A_1038, %select_n3A_1067 : i32
        %ne3A_1069 = arith.constant 0 : i32
        %ne3A_1070 = arith.cmpi ne, %rem3A_1068, %ne3A_1069 : i32
        %lt3A_1071 = arith.constant 0 : i32
        %lt3A_1072 = arith.cmpi slt, %rem3A_1068, %lt3A_1071 : i32
        %lt3A_1073 = arith.constant 0 : i32
        %lt3A_1074 = arith.cmpi slt, %select_n3A_1067, %lt3A_1073 : i32
        %ne3A_1075 = arith.xori %lt3A_1072, %lt3A_1074 : i1
        %and3A_1076 = arith.andi %ne3A_1075, %ne3A_1070 : i1
        %add3A_1077 = arith.addi %rem3A_1068, %select_n3A_1067 : i32
        %select_n3A_1078 = arith.select %and3A_1076, %add3A_1077, %rem3A_1068 : i32
        %mul3A_1079 = arith.constant 128 : i32
        %mul3A_1080 = arith.muli %select_n3A_1078, %mul3A_1079 : i32
        %dma_start3A_1081 = arith.constant 0 : i32
        %dma_start3A_1082 = tpu.memref_slice %arg2[%mul3A_1080, %select_n3A_1062, %dma_start3A_1081] : memref<1024x200x128xf32, #tpu.memory_space<hbm>> -> memref<128x1x128xf32, #tpu.memory_space<hbm>>
        %dma_start3A_1083 = tpu.memref_squeeze %dma_start3A_1082 : memref<128x1x128xf32, #tpu.memory_space<hbm>> -> memref<128x128xf32, #tpu.memory_space<hbm>>
        %dma_start3A_1084 = arith.constant 0 : i32
        %dma_start3A_1085 = tpu.memref_slice %arg2[%mul3A_1080, %select_n3A_1062, %dma_start3A_1084] : memref<1024x200x128xf32, #tpu.memory_space<hbm>> -> memref<128x1x128xf32, #tpu.memory_space<hbm>>
        %dma_start3A_1086 = tpu.memref_squeeze %dma_start3A_1085 : memref<128x1x128xf32, #tpu.memory_space<hbm>> -> memref<128x128xf32, #tpu.memory_space<hbm>>
        tpu.enqueue_dma source(%dma_start3A_1086 : memref<128x128xf32, #tpu.memory_space<hbm>>) target(%arg10 : memref<128x128xf32, #tpu.memory_space<vmem>>) target_semaphore(%arg21 : memref<!tpu.dma_semaphore, #tpu.memory_space<semaphore_mem>>)
        %dma_start3A_1087 = arith.constant 0 : i32
        %dma_start3A_1088 = tpu.memref_slice %arg3[%select_n3A_1062, %dma_start3A_1087, %mul3A_1080] : memref<200x32x1024xi32, #tpu.memory_space<hbm>> -> memref<1x32x128xi32, #tpu.memory_space<hbm>>
        %dma_start3A_1089 = tpu.memref_squeeze %dma_start3A_1088 : memref<1x32x128xi32, #tpu.memory_space<hbm>> -> memref<32x128xi32, #tpu.memory_space<hbm>>
        %dma_start3A_1090 = arith.constant 0 : i32
        %dma_start3A_1091 = tpu.memref_slice %arg3[%select_n3A_1062, %dma_start3A_1090, %mul3A_1080] : memref<200x32x1024xi32, #tpu.memory_space<hbm>> -> memref<1x32x128xi32, #tpu.memory_space<hbm>>
        %dma_start3A_1092 = tpu.memref_squeeze %dma_start3A_1091 : memref<1x32x128xi32, #tpu.memory_space<hbm>> -> memref<32x128xi32, #tpu.memory_space<hbm>>
        tpu.enqueue_dma source(%dma_start3A_1092 : memref<32x128xi32, #tpu.memory_space<hbm>>) target(%arg15 : memref<32x128xi32, #tpu.memory_space<vmem>>) target_semaphore(%arg21 : memref<!tpu.dma_semaphore, #tpu.memory_space<semaphore_mem>>)
      } else {
      }
      %jit3A_769 = arith.constant 8 : i32
      %div3A_770 = arith.divsi %add3A_761, %jit3A_769 : i32
      %sign3A_771 = arith.constant 0 : i32
      %sign3A_772 = arith.cmpi sgt, %add3A_761, %sign3A_771 : i32
      %sign3A_773 = arith.extui %sign3A_772 : i1 to i32
      %sign3A_774 = arith.constant 0 : i32
      %sign3A_775 = arith.cmpi slt, %add3A_761, %sign3A_774 : i32
      %sign3A_776 = arith.extui %sign3A_775 : i1 to i32
      %sign3A_777 = arith.subi %sign3A_773, %sign3A_776 : i32
      %sign3A_778 = arith.constant 0 : i32
      %sign3A_779 = arith.cmpi sgt, %jit3A_769, %sign3A_778 : i32
      %sign3A_780 = arith.extui %sign3A_779 : i1 to i32
      %sign3A_781 = arith.constant 0 : i32
      %sign3A_782 = arith.cmpi slt, %jit3A_769, %sign3A_781 : i32
      %sign3A_783 = arith.extui %sign3A_782 : i1 to i32
      %sign3A_784 = arith.subi %sign3A_780, %sign3A_783 : i32
      %ne3A_785 = arith.cmpi ne, %sign3A_777, %sign3A_784 : i32
      %rem3A_786 = arith.remsi %add3A_761, %jit3A_769 : i32
      %ne3A_787 = arith.constant 0 : i32
      %ne3A_788 = arith.cmpi ne, %rem3A_786, %ne3A_787 : i32
      %and3A_789 = arith.andi %ne3A_785, %ne3A_788 : i1
      %sub3A_790 = arith.constant 1 : i32
      %sub3A_791 = arith.subi %div3A_770, %sub3A_790 : i32
      %select_n3A_792 = arith.select %and3A_789, %sub3A_791, %div3A_770 : i32
      %jit3A_793 = arith.constant 8 : i32
      %eq3A_794 = arith.constant 0 : i32
      %eq3A_795 = arith.cmpi eq, %jit3A_793, %eq3A_794 : i32
      %jit3A_796 = arith.constant 1 : i32
      %select_n3A_797 = arith.select %eq3A_795, %jit3A_796, %jit3A_793 : i32
      %rem3A_798 = arith.remsi %add3A_761, %select_n3A_797 : i32
      %ne3A_799 = arith.constant 0 : i32
      %ne3A_800 = arith.cmpi ne, %rem3A_798, %ne3A_799 : i32
      %lt3A_801 = arith.constant 0 : i32
      %lt3A_802 = arith.cmpi slt, %rem3A_798, %lt3A_801 : i32
      %lt3A_803 = arith.constant 0 : i32
      %lt3A_804 = arith.cmpi slt, %select_n3A_797, %lt3A_803 : i32
      %ne3A_805 = arith.xori %lt3A_802, %lt3A_804 : i1
      %and3A_806 = arith.andi %ne3A_805, %ne3A_800 : i1
      %add3A_807 = arith.addi %rem3A_798, %select_n3A_797 : i32
      %select_n3A_808 = arith.select %and3A_806, %add3A_807, %rem3A_798 : i32
      %mul3A_809 = arith.constant 128 : i32
      %mul3A_810 = arith.muli %select_n3A_808, %mul3A_809 : i32
      %dma_wait3A_811 = arith.constant 0 : i32
      %dma_wait3A_812 = tpu.memref_slice %arg2[%mul3A_810, %select_n3A_792, %dma_wait3A_811] : memref<1024x200x128xf32, #tpu.memory_space<hbm>> -> memref<128x1x128xf32, #tpu.memory_space<hbm>>
      %dma_wait3A_813 = tpu.memref_squeeze %dma_wait3A_812 : memref<128x1x128xf32, #tpu.memory_space<hbm>> -> memref<128x128xf32, #tpu.memory_space<hbm>>
      %dma_wait3A_814 = arith.constant 0 : i32
      %dma_wait3A_815 = tpu.memref_slice %arg2[%mul3A_810, %select_n3A_792, %dma_wait3A_814] : memref<1024x200x128xf32, #tpu.memory_space<hbm>> -> memref<128x1x128xf32, #tpu.memory_space<hbm>>
      %dma_wait3A_816 = tpu.memref_squeeze %dma_wait3A_815 : memref<128x1x128xf32, #tpu.memory_space<hbm>> -> memref<128x128xf32, #tpu.memory_space<hbm>>
      tpu.wait_dma2 semaphore(%arg20 : memref<!tpu.dma_semaphore, #tpu.memory_space<semaphore_mem>>) src(%dma_wait3A_816 : memref<128x128xf32, #tpu.memory_space<hbm>>) dst(%arg9 : memref<128x128xf32, #tpu.memory_space<vmem>>)
      %dma_wait3A_817 = arith.constant 0 : i32
      %dma_wait3A_818 = tpu.memref_slice %arg3[%select_n3A_792, %dma_wait3A_817, %mul3A_810] : memref<200x32x1024xi32, #tpu.memory_space<hbm>> -> memref<1x32x128xi32, #tpu.memory_space<hbm>>
      %dma_wait3A_819 = tpu.memref_squeeze %dma_wait3A_818 : memref<1x32x128xi32, #tpu.memory_space<hbm>> -> memref<32x128xi32, #tpu.memory_space<hbm>>
      %dma_wait3A_820 = arith.constant 0 : i32
      %dma_wait3A_821 = tpu.memref_slice %arg3[%select_n3A_792, %dma_wait3A_820, %mul3A_810] : memref<200x32x1024xi32, #tpu.memory_space<hbm>> -> memref<1x32x128xi32, #tpu.memory_space<hbm>>
      %dma_wait3A_822 = tpu.memref_squeeze %dma_wait3A_821 : memref<1x32x128xi32, #tpu.memory_space<hbm>> -> memref<32x128xi32, #tpu.memory_space<hbm>>
      tpu.wait_dma2 semaphore(%arg20 : memref<!tpu.dma_semaphore, #tpu.memory_space<semaphore_mem>>) src(%dma_wait3A_822 : memref<32x128xi32, #tpu.memory_space<hbm>>) dst(%arg14 : memref<32x128xi32, #tpu.memory_space<vmem>>)
      %parallel_loop3A_823 = arith.constant 0 : i32
      %parallel_loop3A_824 = arith.constant 32 : i32
      %parallel_loop3A_825 = arith.constant 1 : i32
      scf.for %parallel_loop3A_1033 = %parallel_loop3A_823 to %parallel_loop3A_824 step %parallel_loop3A_825  : i32 {
        %parallel_loop3A_1034 = arith.index_cast %parallel_loop3A_1033 : i32 to index
        %parallel_loop3A_1035 = arith.constant 0 : index
        %parallel_loop3A_1036 = tpu.vector_load %arg14[%parallel_loop3A_1034, %parallel_loop3A_1035] {strides = array<i32>} : memref<32x128xi32, #tpu.memory_space<vmem>>, vector<16xi32>,
        tpu.vector_store_idx %arg9[%add3A_6, %parallel_loop3A_1036], %get3A_3 : memref<128x128xf32, #tpu.memory_space<vmem>>[vector<16xi32>, vector<16xi32>], vector<16xf32>,
      } {sc.loop_unroll_factor = 8 : i64, sc.parallel_access}
      %parallel_loop3A_826 = arith.constant 0 : i32
      %parallel_loop3A_827 = arith.constant 32 : i32
      %parallel_loop3A_828 = arith.constant 1 : i32
      scf.for %parallel_loop3A_1033 = %parallel_loop3A_826 to %parallel_loop3A_827 step %parallel_loop3A_828  : i32 {
        %parallel_loop3A_1034 = arith.index_cast %parallel_loop3A_1033 : i32 to index
        %parallel_loop3A_1035 = arith.constant 16 : index
        %parallel_loop3A_1036 = tpu.vector_load %arg14[%parallel_loop3A_1034, %parallel_loop3A_1035] {strides = array<i32>} : memref<32x128xi32, #tpu.memory_space<vmem>>, vector<16xi32>,
        tpu.vector_store_idx %arg9[%add3A_9, %parallel_loop3A_1036], %get3A_3 : memref<128x128xf32, #tpu.memory_space<vmem>>[vector<16xi32>, vector<16xi32>], vector<16xf32>,
      } {sc.loop_unroll_factor = 8 : i64, sc.parallel_access}
      %parallel_loop3A_829 = arith.constant 0 : i32
      %parallel_loop3A_830 = arith.constant 32 : i32
      %parallel_loop3A_831 = arith.constant 1 : i32
      scf.for %parallel_loop3A_1033 = %parallel_loop3A_829 to %parallel_loop3A_830 step %parallel_loop3A_831  : i32 {
        %parallel_loop3A_1034 = arith.index_cast %parallel_loop3A_1033 : i32 to index
        %parallel_loop3A_1035 = arith.constant 32 : index
        %parallel_loop3A_1036 = tpu.vector_load %arg14[%parallel_loop3A_1034, %parallel_loop3A_1035] {strides = array<i32>} : memref<32x128xi32, #tpu.memory_space<vmem>>, vector<16xi32>,
        tpu.vector_store_idx %arg9[%add3A_12, %parallel_loop3A_1036], %get3A_3 : memref<128x128xf32, #tpu.memory_space<vmem>>[vector<16xi32>, vector<16xi32>], vector<16xf32>,
      } {sc.loop_unroll_factor = 8 : i64, sc.parallel_access}
      %parallel_loop3A_832 = arith.constant 0 : i32
      %parallel_loop3A_833 = arith.constant 32 : i32
      %parallel_loop3A_834 = arith.constant 1 : i32
      scf.for %parallel_loop3A_1033 = %parallel_loop3A_832 to %parallel_loop3A_833 step %parallel_loop3A_834  : i32 {
        %parallel_loop3A_1034 = arith.index_cast %parallel_loop3A_1033 : i32 to index
        %parallel_loop3A_1035 = arith.constant 48 : index
        %parallel_loop3A_1036 = tpu.vector_load %arg14[%parallel_loop3A_1034, %parallel_loop3A_1035] {strides = array<i32>} : memref<32x128xi32, #tpu.memory_space<vmem>>, vector<16xi32>,
        tpu.vector_store_idx %arg9[%add3A_15, %parallel_loop3A_1036], %get3A_3 : memref<128x128xf32, #tpu.memory_space<vmem>>[vector<16xi32>, vector<16xi32>], vector<16xf32>,
      } {sc.loop_unroll_factor = 8 : i64, sc.parallel_access}
      %parallel_loop3A_835 = arith.constant 0 : i32
      %parallel_loop3A_836 = arith.constant 32 : i32
      %parallel_loop3A_837 = arith.constant 1 : i32
      scf.for %parallel_loop3A_1033 = %parallel_loop3A_835 to %parallel_loop3A_836 step %parallel_loop3A_837  : i32 {
        %parallel_loop3A_1034 = arith.index_cast %parallel_loop3A_1033 : i32 to index
        %parallel_loop3A_1035 = arith.constant 64 : index
        %parallel_loop3A_1036 = tpu.vector_load %arg14[%parallel_loop3A_1034, %parallel_loop3A_1035] {strides = array<i32>} : memref<32x128xi32, #tpu.memory_space<vmem>>, vector<16xi32>,
        tpu.vector_store_idx %arg9[%add3A_18, %parallel_loop3A_1036], %get3A_3 : memref<128x128xf32, #tpu.memory_space<vmem>>[vector<16xi32>, vector<16xi32>], vector<16xf32>,
      } {sc.loop_unroll_factor = 8 : i64, sc.parallel_access}
      %parallel_loop3A_838 = arith.constant 0 : i32
      %parallel_loop3A_839 = arith.constant 32 : i32
      %parallel_loop3A_840 = arith.constant 1 : i32
      scf.for %parallel_loop3A_1033 = %parallel_loop3A_838 to %parallel_loop3A_839 step %parallel_loop3A_840  : i32 {
        %parallel_loop3A_1034 = arith.index_cast %parallel_loop3A_1033 : i32 to index
        %parallel_loop3A_1035 = arith.constant 80 : index
        %parallel_loop3A_1036 = tpu.vector_load %arg14[%parallel_loop3A_1034, %parallel_loop3A_1035] {strides = array<i32>} : memref<32x128xi32, #tpu.memory_space<vmem>>, vector<16xi32>,
        tpu.vector_store_idx %arg9[%add3A_21, %parallel_loop3A_1036], %get3A_3 : memref<128x128xf32, #tpu.memory_space<vmem>>[vector<16xi32>, vector<16xi32>], vector<16xf32>,
      } {sc.loop_unroll_factor = 8 : i64, sc.parallel_access}
      %parallel_loop3A_841 = arith.constant 0 : i32
      %parallel_loop3A_842 = arith.constant 32 : i32
      %parallel_loop3A_843 = arith.constant 1 : i32
      scf.for %parallel_loop3A_1033 = %parallel_loop3A_841 to %parallel_loop3A_842 step %parallel_loop3A_843  : i32 {
        %parallel_loop3A_1034 = arith.index_cast %parallel_loop3A_1033 : i32 to index
        %parallel_loop3A_1035 = arith.constant 96 : index
        %parallel_loop3A_1036 = tpu.vector_load %arg14[%parallel_loop3A_1034, %parallel_loop3A_1035] {strides = array<i32>} : memref<32x128xi32, #tpu.memory_space<vmem>>, vector<16xi32>,
        tpu.vector_store_idx %arg9[%add3A_24, %parallel_loop3A_1036], %get3A_3 : memref<128x128xf32, #tpu.memory_space<vmem>>[vector<16xi32>, vector<16xi32>], vector<16xf32>,
      } {sc.loop_unroll_factor = 8 : i64, sc.parallel_access}
      %parallel_loop3A_844 = arith.constant 0 : i32
      %parallel_loop3A_845 = arith.constant 32 : i32
      %parallel_loop3A_846 = arith.constant 1 : i32
      scf.for %parallel_loop3A_1033 = %parallel_loop3A_844 to %parallel_loop3A_845 step %parallel_loop3A_846  : i32 {
        %parallel_loop3A_1034 = arith.index_cast %parallel_loop3A_1033 : i32 to index
        %parallel_loop3A_1035 = arith.constant 112 : index
        %parallel_loop3A_1036 = tpu.vector_load %arg14[%parallel_loop3A_1034, %parallel_loop3A_1035] {strides = array<i32>} : memref<32x128xi32, #tpu.memory_space<vmem>>, vector<16xi32>,
        tpu.vector_store_idx %arg9[%add3A_27, %parallel_loop3A_1036], %get3A_3 : memref<128x128xf32, #tpu.memory_space<vmem>>[vector<16xi32>, vector<16xi32>], vector<16xf32>,
      } {sc.loop_unroll_factor = 8 : i64, sc.parallel_access}
      %jit3A_847 = arith.constant 8 : i32
      %div3A_848 = arith.divsi %add3A_761, %jit3A_847 : i32
      %sign3A_849 = arith.constant 0 : i32
      %sign3A_850 = arith.cmpi sgt, %add3A_761, %sign3A_849 : i32
      %sign3A_851 = arith.extui %sign3A_850 : i1 to i32
      %sign3A_852 = arith.constant 0 : i32
      %sign3A_853 = arith.cmpi slt, %add3A_761, %sign3A_852 : i32
      %sign3A_854 = arith.extui %sign3A_853 : i1 to i32
      %sign3A_855 = arith.subi %sign3A_851, %sign3A_854 : i32
      %sign3A_856 = arith.constant 0 : i32
      %sign3A_857 = arith.cmpi sgt, %jit3A_847, %sign3A_856 : i32
      %sign3A_858 = arith.extui %sign3A_857 : i1 to i32
      %sign3A_859 = arith.constant 0 : i32
      %sign3A_860 = arith.cmpi slt, %jit3A_847, %sign3A_859 : i32
      %sign3A_861 = arith.extui %sign3A_860 : i1 to i32
      %sign3A_862 = arith.subi %sign3A_858, %sign3A_861 : i32
      %ne3A_863 = arith.cmpi ne, %sign3A_855, %sign3A_862 : i32
      %rem3A_864 = arith.remsi %add3A_761, %jit3A_847 : i32
      %ne3A_865 = arith.constant 0 : i32
      %ne3A_866 = arith.cmpi ne, %rem3A_864, %ne3A_865 : i32
      %and3A_867 = arith.andi %ne3A_863, %ne3A_866 : i1
      %sub3A_868 = arith.constant 1 : i32
      %sub3A_869 = arith.subi %div3A_848, %sub3A_868 : i32
      %select_n3A_870 = arith.select %and3A_867, %sub3A_869, %div3A_848 : i32
      %jit3A_871 = arith.constant 8 : i32
      %eq3A_872 = arith.constant 0 : i32
      %eq3A_873 = arith.cmpi eq, %jit3A_871, %eq3A_872 : i32
      %jit3A_874 = arith.constant 1 : i32
      %select_n3A_875 = arith.select %eq3A_873, %jit3A_874, %jit3A_871 : i32
      %rem3A_876 = arith.remsi %add3A_761, %select_n3A_875 : i32
      %ne3A_877 = arith.constant 0 : i32
      %ne3A_878 = arith.cmpi ne, %rem3A_876, %ne3A_877 : i32
      %lt3A_879 = arith.constant 0 : i32
      %lt3A_880 = arith.cmpi slt, %rem3A_876, %lt3A_879 : i32
      %lt3A_881 = arith.constant 0 : i32
      %lt3A_882 = arith.cmpi slt, %select_n3A_875, %lt3A_881 : i32
      %ne3A_883 = arith.xori %lt3A_880, %lt3A_882 : i1
      %and3A_884 = arith.andi %ne3A_883, %ne3A_878 : i1
      %add3A_885 = arith.addi %rem3A_876, %select_n3A_875 : i32
      %select_n3A_886 = arith.select %and3A_884, %add3A_885, %rem3A_876 : i32
      %mul3A_887 = arith.constant 128 : i32
      %mul3A_888 = arith.muli %select_n3A_886, %mul3A_887 : i32
      %dma_start3A_889 = arith.constant 0 : i32
      %dma_start3A_890 = tpu.memref_slice %arg5[%mul3A_888, %select_n3A_870, %dma_start3A_889] : memref<1024x200x128xf32, #tpu.memory_space<hbm>> -> memref<128x1x128xf32, #tpu.memory_space<hbm>>
      %dma_start3A_891 = tpu.memref_squeeze %dma_start3A_890 : memref<128x1x128xf32, #tpu.memory_space<hbm>> -> memref<128x128xf32, #tpu.memory_space<hbm>>
      %dma_start3A_892 = arith.constant 0 : i32
      %dma_start3A_893 = tpu.memref_slice %arg5[%mul3A_888, %select_n3A_870, %dma_start3A_892] : memref<1024x200x128xf32, #tpu.memory_space<hbm>> -> memref<128x1x128xf32, #tpu.memory_space<hbm>>
      %dma_start3A_894 = tpu.memref_squeeze %dma_start3A_893 : memref<128x1x128xf32, #tpu.memory_space<hbm>> -> memref<128x128xf32, #tpu.memory_space<hbm>>
      tpu.enqueue_dma source(%arg9 : memref<128x128xf32, #tpu.memory_space<vmem>>) target(%dma_start3A_894 : memref<128x128xf32, #tpu.memory_space<hbm>>) target_semaphore(%arg25 : memref<!tpu.dma_semaphore, #tpu.memory_space<semaphore_mem>>)
      %mul3A_895 = arith.constant 5 : i32
      %mul3A_896 = arith.muli %scan3A_345, %mul3A_895 : i32
      %add3A_897 = arith.constant 4 : i32
      %add3A_898 = arith.addi %mul3A_896, %add3A_897 : i32
      %add3A_899 = arith.addi %mul3A_2, %add3A_898 : i32
      %add3A_900 = arith.constant 1 : i32
      %add3A_901 = arith.addi %add3A_898, %add3A_900 : i32
      %lt3A_902 = arith.constant 50 : i32
      %lt3A_903 = arith.cmpi slt, %add3A_901, %lt3A_902 : i32
      %convert_element_type3A_904 = arith.extui %lt3A_903 : i1 to i32
      %cond3A_905 = arith.constant 0 : i32
      %cond3A_906 = arith.cmpi ne, %convert_element_type3A_904, %cond3A_905 : i32
      scf.if %cond3A_906 {
        %ge3A = arith.constant 4 : i32
        %ge3A_1033 = arith.cmpi sge, %add3A_898, %ge3A : i32
        %convert_element_type3A_1034 = arith.extui %ge3A_1033 : i1 to i32
        %cond3A_1035 = arith.constant 0 : i32
        %cond3A_1036 = arith.cmpi ne, %convert_element_type3A_1034, %cond3A_1035 : i32
        scf.if %cond3A_1036 {
          %sub3A_1093 = arith.constant 4 : i32
          %sub3A_1094 = arith.subi %add3A_899, %sub3A_1093 : i32
          %jit3A_1095 = arith.constant 8 : i32
          %div3A_1096 = arith.divsi %sub3A_1094, %jit3A_1095 : i32
          %sign3A_1097 = arith.constant 0 : i32
          %sign3A_1098 = arith.cmpi sgt, %sub3A_1094, %sign3A_1097 : i32
          %sign3A_1099 = arith.extui %sign3A_1098 : i1 to i32
          %sign3A_1100 = arith.constant 0 : i32
          %sign3A_1101 = arith.cmpi slt, %sub3A_1094, %sign3A_1100 : i32
          %sign3A_1102 = arith.extui %sign3A_1101 : i1 to i32
          %sign3A_1103 = arith.subi %sign3A_1099, %sign3A_1102 : i32
          %sign3A_1104 = arith.constant 0 : i32
          %sign3A_1105 = arith.cmpi sgt, %jit3A_1095, %sign3A_1104 : i32
          %sign3A_1106 = arith.extui %sign3A_1105 : i1 to i32
          %sign3A_1107 = arith.constant 0 : i32
          %sign3A_1108 = arith.cmpi slt, %jit3A_1095, %sign3A_1107 : i32
          %sign3A_1109 = arith.extui %sign3A_1108 : i1 to i32
          %sign3A_1110 = arith.subi %sign3A_1106, %sign3A_1109 : i32
          %ne3A_1111 = arith.cmpi ne, %sign3A_1103, %sign3A_1110 : i32
          %rem3A_1112 = arith.remsi %sub3A_1094, %jit3A_1095 : i32
          %ne3A_1113 = arith.constant 0 : i32
          %ne3A_1114 = arith.cmpi ne, %rem3A_1112, %ne3A_1113 : i32
          %and3A_1115 = arith.andi %ne3A_1111, %ne3A_1114 : i1
          %sub3A_1116 = arith.constant 1 : i32
          %sub3A_1117 = arith.subi %div3A_1096, %sub3A_1116 : i32
          %select_n3A_1118 = arith.select %and3A_1115, %sub3A_1117, %div3A_1096 : i32
          %jit3A_1119 = arith.constant 8 : i32
          %eq3A_1120 = arith.constant 0 : i32
          %eq3A_1121 = arith.cmpi eq, %jit3A_1119, %eq3A_1120 : i32
          %jit3A_1122 = arith.constant 1 : i32
          %select_n3A_1123 = arith.select %eq3A_1121, %jit3A_1122, %jit3A_1119 : i32
          %rem3A_1124 = arith.remsi %sub3A_1094, %select_n3A_1123 : i32
          %ne3A_1125 = arith.constant 0 : i32
          %ne3A_1126 = arith.cmpi ne, %rem3A_1124, %ne3A_1125 : i32
          %lt3A_1127 = arith.constant 0 : i32
          %lt3A_1128 = arith.cmpi slt, %rem3A_1124, %lt3A_1127 : i32
          %lt3A_1129 = arith.constant 0 : i32
          %lt3A_1130 = arith.cmpi slt, %select_n3A_1123, %lt3A_1129 : i32
          %ne3A_1131 = arith.xori %lt3A_1128, %lt3A_1130 : i1
          %and3A_1132 = arith.andi %ne3A_1131, %ne3A_1126 : i1
          %add3A_1133 = arith.addi %rem3A_1124, %select_n3A_1123 : i32
          %select_n3A_1134 = arith.select %and3A_1132, %add3A_1133, %rem3A_1124 : i32
          %mul3A_1135 = arith.constant 128 : i32
          %mul3A_1136 = arith.muli %select_n3A_1134, %mul3A_1135 : i32
          %dma_wait3A_1137 = arith.constant 0 : i32
          %dma_wait3A_1138 = tpu.memref_slice %arg5[%mul3A_1136, %select_n3A_1118, %dma_wait3A_1137] : memref<1024x200x128xf32, #tpu.memory_space<hbm>> -> memref<128x1x128xf32, #tpu.memory_space<hbm>>
          %dma_wait3A_1139 = tpu.memref_squeeze %dma_wait3A_1138 : memref<128x1x128xf32, #tpu.memory_space<hbm>> -> memref<128x128xf32, #tpu.memory_space<hbm>>
          %dma_wait3A_1140 = arith.constant 0 : i32
          %dma_wait3A_1141 = tpu.memref_slice %arg5[%mul3A_1136, %select_n3A_1118, %dma_wait3A_1140] : memref<1024x200x128xf32, #tpu.memory_space<hbm>> -> memref<128x1x128xf32, #tpu.memory_space<hbm>>
          %dma_wait3A_1142 = tpu.memref_squeeze %dma_wait3A_1141 : memref<128x1x128xf32, #tpu.memory_space<hbm>> -> memref<128x128xf32, #tpu.memory_space<hbm>>
          tpu.wait_dma2 semaphore(%arg22 : memref<!tpu.dma_semaphore, #tpu.memory_space<semaphore_mem>>) src(%arg6 : memref<128x128xf32, #tpu.memory_space<vmem>>) dst(%dma_wait3A_1142 : memref<128x128xf32, #tpu.memory_space<hbm>>)
        } else {
        }
        %add3A_1037 = arith.constant 1 : i32
        %add3A_1038 = arith.addi %add3A_899, %add3A_1037 : i32
        %jit3A_1039 = arith.constant 8 : i32
        %div3A_1040 = arith.divsi %add3A_1038, %jit3A_1039 : i32
        %sign3A_1041 = arith.constant 0 : i32
        %sign3A_1042 = arith.cmpi sgt, %add3A_1038, %sign3A_1041 : i32
        %sign3A_1043 = arith.extui %sign3A_1042 : i1 to i32
        %sign3A_1044 = arith.constant 0 : i32
        %sign3A_1045 = arith.cmpi slt, %add3A_1038, %sign3A_1044 : i32
        %sign3A_1046 = arith.extui %sign3A_1045 : i1 to i32
        %sign3A_1047 = arith.subi %sign3A_1043, %sign3A_1046 : i32
        %sign3A_1048 = arith.constant 0 : i32
        %sign3A_1049 = arith.cmpi sgt, %jit3A_1039, %sign3A_1048 : i32
        %sign3A_1050 = arith.extui %sign3A_1049 : i1 to i32
        %sign3A_1051 = arith.constant 0 : i32
        %sign3A_1052 = arith.cmpi slt, %jit3A_1039, %sign3A_1051 : i32
        %sign3A_1053 = arith.extui %sign3A_1052 : i1 to i32
        %sign3A_1054 = arith.subi %sign3A_1050, %sign3A_1053 : i32
        %ne3A_1055 = arith.cmpi ne, %sign3A_1047, %sign3A_1054 : i32
        %rem3A_1056 = arith.remsi %add3A_1038, %jit3A_1039 : i32
        %ne3A_1057 = arith.constant 0 : i32
        %ne3A_1058 = arith.cmpi ne, %rem3A_1056, %ne3A_1057 : i32
        %and3A_1059 = arith.andi %ne3A_1055, %ne3A_1058 : i1
        %sub3A_1060 = arith.constant 1 : i32
        %sub3A_1061 = arith.subi %div3A_1040, %sub3A_1060 : i32
        %select_n3A_1062 = arith.select %and3A_1059, %sub3A_1061, %div3A_1040 : i32
        %jit3A_1063 = arith.constant 8 : i32
        %eq3A_1064 = arith.constant 0 : i32
        %eq3A_1065 = arith.cmpi eq, %jit3A_1063, %eq3A_1064 : i32
        %jit3A_1066 = arith.constant 1 : i32
        %select_n3A_1067 = arith.select %eq3A_1065, %jit3A_1066, %jit3A_1063 : i32
        %rem3A_1068 = arith.remsi %add3A_1038, %select_n3A_1067 : i32
        %ne3A_1069 = arith.constant 0 : i32
        %ne3A_1070 = arith.cmpi ne, %rem3A_1068, %ne3A_1069 : i32
        %lt3A_1071 = arith.constant 0 : i32
        %lt3A_1072 = arith.cmpi slt, %rem3A_1068, %lt3A_1071 : i32
        %lt3A_1073 = arith.constant 0 : i32
        %lt3A_1074 = arith.cmpi slt, %select_n3A_1067, %lt3A_1073 : i32
        %ne3A_1075 = arith.xori %lt3A_1072, %lt3A_1074 : i1
        %and3A_1076 = arith.andi %ne3A_1075, %ne3A_1070 : i1
        %add3A_1077 = arith.addi %rem3A_1068, %select_n3A_1067 : i32
        %select_n3A_1078 = arith.select %and3A_1076, %add3A_1077, %rem3A_1068 : i32
        %mul3A_1079 = arith.constant 128 : i32
        %mul3A_1080 = arith.muli %select_n3A_1078, %mul3A_1079 : i32
        %dma_start3A_1081 = arith.constant 0 : i32
        %dma_start3A_1082 = tpu.memref_slice %arg2[%mul3A_1080, %select_n3A_1062, %dma_start3A_1081] : memref<1024x200x128xf32, #tpu.memory_space<hbm>> -> memref<128x1x128xf32, #tpu.memory_space<hbm>>
        %dma_start3A_1083 = tpu.memref_squeeze %dma_start3A_1082 : memref<128x1x128xf32, #tpu.memory_space<hbm>> -> memref<128x128xf32, #tpu.memory_space<hbm>>
        %dma_start3A_1084 = arith.constant 0 : i32
        %dma_start3A_1085 = tpu.memref_slice %arg2[%mul3A_1080, %select_n3A_1062, %dma_start3A_1084] : memref<1024x200x128xf32, #tpu.memory_space<hbm>> -> memref<128x1x128xf32, #tpu.memory_space<hbm>>
        %dma_start3A_1086 = tpu.memref_squeeze %dma_start3A_1085 : memref<128x1x128xf32, #tpu.memory_space<hbm>> -> memref<128x128xf32, #tpu.memory_space<hbm>>
        tpu.enqueue_dma source(%dma_start3A_1086 : memref<128x128xf32, #tpu.memory_space<hbm>>) target(%arg6 : memref<128x128xf32, #tpu.memory_space<vmem>>) target_semaphore(%arg17 : memref<!tpu.dma_semaphore, #tpu.memory_space<semaphore_mem>>)
        %dma_start3A_1087 = arith.constant 0 : i32
        %dma_start3A_1088 = tpu.memref_slice %arg3[%select_n3A_1062, %dma_start3A_1087, %mul3A_1080] : memref<200x32x1024xi32, #tpu.memory_space<hbm>> -> memref<1x32x128xi32, #tpu.memory_space<hbm>>
        %dma_start3A_1089 = tpu.memref_squeeze %dma_start3A_1088 : memref<1x32x128xi32, #tpu.memory_space<hbm>> -> memref<32x128xi32, #tpu.memory_space<hbm>>
        %dma_start3A_1090 = arith.constant 0 : i32
        %dma_start3A_1091 = tpu.memref_slice %arg3[%select_n3A_1062, %dma_start3A_1090, %mul3A_1080] : memref<200x32x1024xi32, #tpu.memory_space<hbm>> -> memref<1x32x128xi32, #tpu.memory_space<hbm>>
        %dma_start3A_1092 = tpu.memref_squeeze %dma_start3A_1091 : memref<1x32x128xi32, #tpu.memory_space<hbm>> -> memref<32x128xi32, #tpu.memory_space<hbm>>
        tpu.enqueue_dma source(%dma_start3A_1092 : memref<32x128xi32, #tpu.memory_space<hbm>>) target(%arg11 : memref<32x128xi32, #tpu.memory_space<vmem>>) target_semaphore(%arg17 : memref<!tpu.dma_semaphore, #tpu.memory_space<semaphore_mem>>)
      } else {
      }
      %jit3A_907 = arith.constant 8 : i32
      %div3A_908 = arith.divsi %add3A_899, %jit3A_907 : i32
      %sign3A_909 = arith.constant 0 : i32
      %sign3A_910 = arith.cmpi sgt, %add3A_899, %sign3A_909 : i32
      %sign3A_911 = arith.extui %sign3A_910 : i1 to i32
      %sign3A_912 = arith.constant 0 : i32
      %sign3A_913 = arith.cmpi slt, %add3A_899, %sign3A_912 : i32
      %sign3A_914 = arith.extui %sign3A_913 : i1 to i32
      %sign3A_915 = arith.subi %sign3A_911, %sign3A_914 : i32
      %sign3A_916 = arith.constant 0 : i32
      %sign3A_917 = arith.cmpi sgt, %jit3A_907, %sign3A_916 : i32
      %sign3A_918 = arith.extui %sign3A_917 : i1 to i32
      %sign3A_919 = arith.constant 0 : i32
      %sign3A_920 = arith.cmpi slt, %jit3A_907, %sign3A_919 : i32
      %sign3A_921 = arith.extui %sign3A_920 : i1 to i32
      %sign3A_922 = arith.subi %sign3A_918, %sign3A_921 : i32
      %ne3A_923 = arith.cmpi ne, %sign3A_915, %sign3A_922 : i32
      %rem3A_924 = arith.remsi %add3A_899, %jit3A_907 : i32
      %ne3A_925 = arith.constant 0 : i32
      %ne3A_926 = arith.cmpi ne, %rem3A_924, %ne3A_925 : i32
      %and3A_927 = arith.andi %ne3A_923, %ne3A_926 : i1
      %sub3A_928 = arith.constant 1 : i32
      %sub3A_929 = arith.subi %div3A_908, %sub3A_928 : i32
      %select_n3A_930 = arith.select %and3A_927, %sub3A_929, %div3A_908 : i32
      %jit3A_931 = arith.constant 8 : i32
      %eq3A_932 = arith.constant 0 : i32
      %eq3A_933 = arith.cmpi eq, %jit3A_931, %eq3A_932 : i32
      %jit3A_934 = arith.constant 1 : i32
      %select_n3A_935 = arith.select %eq3A_933, %jit3A_934, %jit3A_931 : i32
      %rem3A_936 = arith.remsi %add3A_899, %select_n3A_935 : i32
      %ne3A_937 = arith.constant 0 : i32
      %ne3A_938 = arith.cmpi ne, %rem3A_936, %ne3A_937 : i32
      %lt3A_939 = arith.constant 0 : i32
      %lt3A_940 = arith.cmpi slt, %rem3A_936, %lt3A_939 : i32
      %lt3A_941 = arith.constant 0 : i32
      %lt3A_942 = arith.cmpi slt, %select_n3A_935, %lt3A_941 : i32
      %ne3A_943 = arith.xori %lt3A_940, %lt3A_942 : i1
      %and3A_944 = arith.andi %ne3A_943, %ne3A_938 : i1
      %add3A_945 = arith.addi %rem3A_936, %select_n3A_935 : i32
      %select_n3A_946 = arith.select %and3A_944, %add3A_945, %rem3A_936 : i32
      %mul3A_947 = arith.constant 128 : i32
      %mul3A_948 = arith.muli %select_n3A_946, %mul3A_947 : i32
      %dma_wait3A_949 = arith.constant 0 : i32
      %dma_wait3A_950 = tpu.memref_slice %arg2[%mul3A_948, %select_n3A_930, %dma_wait3A_949] : memref<1024x200x128xf32, #tpu.memory_space<hbm>> -> memref<128x1x128xf32, #tpu.memory_space<hbm>>
      %dma_wait3A_951 = tpu.memref_squeeze %dma_wait3A_950 : memref<128x1x128xf32, #tpu.memory_space<hbm>> -> memref<128x128xf32, #tpu.memory_space<hbm>>
      %dma_wait3A_952 = arith.constant 0 : i32
      %dma_wait3A_953 = tpu.memref_slice %arg2[%mul3A_948, %select_n3A_930, %dma_wait3A_952] : memref<1024x200x128xf32, #tpu.memory_space<hbm>> -> memref<128x1x128xf32, #tpu.memory_space<hbm>>
      %dma_wait3A_954 = tpu.memref_squeeze %dma_wait3A_953 : memref<128x1x128xf32, #tpu.memory_space<hbm>> -> memref<128x128xf32, #tpu.memory_space<hbm>>
      tpu.wait_dma2 semaphore(%arg21 : memref<!tpu.dma_semaphore, #tpu.memory_space<semaphore_mem>>) src(%dma_wait3A_954 : memref<128x128xf32, #tpu.memory_space<hbm>>) dst(%arg10 : memref<128x128xf32, #tpu.memory_space<vmem>>)
      %dma_wait3A_955 = arith.constant 0 : i32
      %dma_wait3A_956 = tpu.memref_slice %arg3[%select_n3A_930, %dma_wait3A_955, %mul3A_948] : memref<200x32x1024xi32, #tpu.memory_space<hbm>> -> memref<1x32x128xi32, #tpu.memory_space<hbm>>
      %dma_wait3A_957 = tpu.memref_squeeze %dma_wait3A_956 : memref<1x32x128xi32, #tpu.memory_space<hbm>> -> memref<32x128xi32, #tpu.memory_space<hbm>>
      %dma_wait3A_958 = arith.constant 0 : i32
      %dma_wait3A_959 = tpu.memref_slice %arg3[%select_n3A_930, %dma_wait3A_958, %mul3A_948] : memref<200x32x1024xi32, #tpu.memory_space<hbm>> -> memref<1x32x128xi32, #tpu.memory_space<hbm>>
      %dma_wait3A_960 = tpu.memref_squeeze %dma_wait3A_959 : memref<1x32x128xi32, #tpu.memory_space<hbm>> -> memref<32x128xi32, #tpu.memory_space<hbm>>
      tpu.wait_dma2 semaphore(%arg21 : memref<!tpu.dma_semaphore, #tpu.memory_space<semaphore_mem>>) src(%dma_wait3A_960 : memref<32x128xi32, #tpu.memory_space<hbm>>) dst(%arg15 : memref<32x128xi32, #tpu.memory_space<vmem>>)
      %parallel_loop3A_961 = arith.constant 0 : i32
      %parallel_loop3A_962 = arith.constant 32 : i32
      %parallel_loop3A_963 = arith.constant 1 : i32
      scf.for %parallel_loop3A_1033 = %parallel_loop3A_961 to %parallel_loop3A_962 step %parallel_loop3A_963  : i32 {
        %parallel_loop3A_1034 = arith.index_cast %parallel_loop3A_1033 : i32 to index
        %parallel_loop3A_1035 = arith.constant 0 : index
        %parallel_loop3A_1036 = tpu.vector_load %arg15[%parallel_loop3A_1034, %parallel_loop3A_1035] {strides = array<i32>} : memref<32x128xi32, #tpu.memory_space<vmem>>, vector<16xi32>,
        tpu.vector_store_idx %arg10[%add3A_6, %parallel_loop3A_1036], %get3A_3 : memref<128x128xf32, #tpu.memory_space<vmem>>[vector<16xi32>, vector<16xi32>], vector<16xf32>,
      } {sc.loop_unroll_factor = 8 : i64, sc.parallel_access}
      %parallel_loop3A_964 = arith.constant 0 : i32
      %parallel_loop3A_965 = arith.constant 32 : i32
      %parallel_loop3A_966 = arith.constant 1 : i32
      scf.for %parallel_loop3A_1033 = %parallel_loop3A_964 to %parallel_loop3A_965 step %parallel_loop3A_966  : i32 {
        %parallel_loop3A_1034 = arith.index_cast %parallel_loop3A_1033 : i32 to index
        %parallel_loop3A_1035 = arith.constant 16 : index
        %parallel_loop3A_1036 = tpu.vector_load %arg15[%parallel_loop3A_1034, %parallel_loop3A_1035] {strides = array<i32>} : memref<32x128xi32, #tpu.memory_space<vmem>>, vector<16xi32>,
        tpu.vector_store_idx %arg10[%add3A_9, %parallel_loop3A_1036], %get3A_3 : memref<128x128xf32, #tpu.memory_space<vmem>>[vector<16xi32>, vector<16xi32>], vector<16xf32>,
      } {sc.loop_unroll_factor = 8 : i64, sc.parallel_access}
      %parallel_loop3A_967 = arith.constant 0 : i32
      %parallel_loop3A_968 = arith.constant 32 : i32
      %parallel_loop3A_969 = arith.constant 1 : i32
      scf.for %parallel_loop3A_1033 = %parallel_loop3A_967 to %parallel_loop3A_968 step %parallel_loop3A_969  : i32 {
        %parallel_loop3A_1034 = arith.index_cast %parallel_loop3A_1033 : i32 to index
        %parallel_loop3A_1035 = arith.constant 32 : index
        %parallel_loop3A_1036 = tpu.vector_load %arg15[%parallel_loop3A_1034, %parallel_loop3A_1035] {strides = array<i32>} : memref<32x128xi32, #tpu.memory_space<vmem>>, vector<16xi32>,
        tpu.vector_store_idx %arg10[%add3A_12, %parallel_loop3A_1036], %get3A_3 : memref<128x128xf32, #tpu.memory_space<vmem>>[vector<16xi32>, vector<16xi32>], vector<16xf32>,
      } {sc.loop_unroll_factor = 8 : i64, sc.parallel_access}
      %parallel_loop3A_970 = arith.constant 0 : i32
      %parallel_loop3A_971 = arith.constant 32 : i32
      %parallel_loop3A_972 = arith.constant 1 : i32
      scf.for %parallel_loop3A_1033 = %parallel_loop3A_970 to %parallel_loop3A_971 step %parallel_loop3A_972  : i32 {
        %parallel_loop3A_1034 = arith.index_cast %parallel_loop3A_1033 : i32 to index
        %parallel_loop3A_1035 = arith.constant 48 : index
        %parallel_loop3A_1036 = tpu.vector_load %arg15[%parallel_loop3A_1034, %parallel_loop3A_1035] {strides = array<i32>} : memref<32x128xi32, #tpu.memory_space<vmem>>, vector<16xi32>,
        tpu.vector_store_idx %arg10[%add3A_15, %parallel_loop3A_1036], %get3A_3 : memref<128x128xf32, #tpu.memory_space<vmem>>[vector<16xi32>, vector<16xi32>], vector<16xf32>,
      } {sc.loop_unroll_factor = 8 : i64, sc.parallel_access}
      %parallel_loop3A_973 = arith.constant 0 : i32
      %parallel_loop3A_974 = arith.constant 32 : i32
      %parallel_loop3A_975 = arith.constant 1 : i32
      scf.for %parallel_loop3A_1033 = %parallel_loop3A_973 to %parallel_loop3A_974 step %parallel_loop3A_975  : i32 {
        %parallel_loop3A_1034 = arith.index_cast %parallel_loop3A_1033 : i32 to index
        %parallel_loop3A_1035 = arith.constant 64 : index
        %parallel_loop3A_1036 = tpu.vector_load %arg15[%parallel_loop3A_1034, %parallel_loop3A_1035] {strides = array<i32>} : memref<32x128xi32, #tpu.memory_space<vmem>>, vector<16xi32>,
        tpu.vector_store_idx %arg10[%add3A_18, %parallel_loop3A_1036], %get3A_3 : memref<128x128xf32, #tpu.memory_space<vmem>>[vector<16xi32>, vector<16xi32>], vector<16xf32>,
      } {sc.loop_unroll_factor = 8 : i64, sc.parallel_access}
      %parallel_loop3A_976 = arith.constant 0 : i32
      %parallel_loop3A_977 = arith.constant 32 : i32
      %parallel_loop3A_978 = arith.constant 1 : i32
      scf.for %parallel_loop3A_1033 = %parallel_loop3A_976 to %parallel_loop3A_977 step %parallel_loop3A_978  : i32 {
        %parallel_loop3A_1034 = arith.index_cast %parallel_loop3A_1033 : i32 to index
        %parallel_loop3A_1035 = arith.constant 80 : index
        %parallel_loop3A_1036 = tpu.vector_load %arg15[%parallel_loop3A_1034, %parallel_loop3A_1035] {strides = array<i32>} : memref<32x128xi32, #tpu.memory_space<vmem>>, vector<16xi32>,
        tpu.vector_store_idx %arg10[%add3A_21, %parallel_loop3A_1036], %get3A_3 : memref<128x128xf32, #tpu.memory_space<vmem>>[vector<16xi32>, vector<16xi32>], vector<16xf32>,
      } {sc.loop_unroll_factor = 8 : i64, sc.parallel_access}
      %parallel_loop3A_979 = arith.constant 0 : i32
      %parallel_loop3A_980 = arith.constant 32 : i32
      %parallel_loop3A_981 = arith.constant 1 : i32
      scf.for %parallel_loop3A_1033 = %parallel_loop3A_979 to %parallel_loop3A_980 step %parallel_loop3A_981  : i32 {
        %parallel_loop3A_1034 = arith.index_cast %parallel_loop3A_1033 : i32 to index
        %parallel_loop3A_1035 = arith.constant 96 : index
        %parallel_loop3A_1036 = tpu.vector_load %arg15[%parallel_loop3A_1034, %parallel_loop3A_1035] {strides = array<i32>} : memref<32x128xi32, #tpu.memory_space<vmem>>, vector<16xi32>,
        tpu.vector_store_idx %arg10[%add3A_24, %parallel_loop3A_1036], %get3A_3 : memref<128x128xf32, #tpu.memory_space<vmem>>[vector<16xi32>, vector<16xi32>], vector<16xf32>,
      } {sc.loop_unroll_factor = 8 : i64, sc.parallel_access}
      %parallel_loop3A_982 = arith.constant 0 : i32
      %parallel_loop3A_983 = arith.constant 32 : i32
      %parallel_loop3A_984 = arith.constant 1 : i32
      scf.for %parallel_loop3A_1033 = %parallel_loop3A_982 to %parallel_loop3A_983 step %parallel_loop3A_984  : i32 {
        %parallel_loop3A_1034 = arith.index_cast %parallel_loop3A_1033 : i32 to index
        %parallel_loop3A_1035 = arith.constant 112 : index
        %parallel_loop3A_1036 = tpu.vector_load %arg15[%parallel_loop3A_1034, %parallel_loop3A_1035] {strides = array<i32>} : memref<32x128xi32, #tpu.memory_space<vmem>>, vector<16xi32>,
        tpu.vector_store_idx %arg10[%add3A_27, %parallel_loop3A_1036], %get3A_3 : memref<128x128xf32, #tpu.memory_space<vmem>>[vector<16xi32>, vector<16xi32>], vector<16xf32>,
      } {sc.loop_unroll_factor = 8 : i64, sc.parallel_access}
      %jit3A_985 = arith.constant 8 : i32
      %div3A_986 = arith.divsi %add3A_899, %jit3A_985 : i32
      %sign3A_987 = arith.constant 0 : i32
      %sign3A_988 = arith.cmpi sgt, %add3A_899, %sign3A_987 : i32
      %sign3A_989 = arith.extui %sign3A_988 : i1 to i32
      %sign3A_990 = arith.constant 0 : i32
      %sign3A_991 = arith.cmpi slt, %add3A_899, %sign3A_990 : i32
      %sign3A_992 = arith.extui %sign3A_991 : i1 to i32
      %sign3A_993 = arith.subi %sign3A_989, %sign3A_992 : i32
      %sign3A_994 = arith.constant 0 : i32
      %sign3A_995 = arith.cmpi sgt, %jit3A_985, %sign3A_994 : i32
      %sign3A_996 = arith.extui %sign3A_995 : i1 to i32
      %sign3A_997 = arith.constant 0 : i32
      %sign3A_998 = arith.cmpi slt, %jit3A_985, %sign3A_997 : i32
      %sign3A_999 = arith.extui %sign3A_998 : i1 to i32
      %sign3A_1000 = arith.subi %sign3A_996, %sign3A_999 : i32
      %ne3A_1001 = arith.cmpi ne, %sign3A_993, %sign3A_1000 : i32
      %rem3A_1002 = arith.remsi %add3A_899, %jit3A_985 : i32
      %ne3A_1003 = arith.constant 0 : i32
      %ne3A_1004 = arith.cmpi ne, %rem3A_1002, %ne3A_1003 : i32
      %and3A_1005 = arith.andi %ne3A_1001, %ne3A_1004 : i1
      %sub3A_1006 = arith.constant 1 : i32
      %sub3A_1007 = arith.subi %div3A_986, %sub3A_1006 : i32
      %select_n3A_1008 = arith.select %and3A_1005, %sub3A_1007, %div3A_986 : i32
      %jit3A_1009 = arith.constant 8 : i32
      %eq3A_1010 = arith.constant 0 : i32
      %eq3A_1011 = arith.cmpi eq, %jit3A_1009, %eq3A_1010 : i32
      %jit3A_1012 = arith.constant 1 : i32
      %select_n3A_1013 = arith.select %eq3A_1011, %jit3A_1012, %jit3A_1009 : i32
      %rem3A_1014 = arith.remsi %add3A_899, %select_n3A_1013 : i32
      %ne3A_1015 = arith.constant 0 : i32
      %ne3A_1016 = arith.cmpi ne, %rem3A_1014, %ne3A_1015 : i32
      %lt3A_1017 = arith.constant 0 : i32
      %lt3A_1018 = arith.cmpi slt, %rem3A_1014, %lt3A_1017 : i32
      %lt3A_1019 = arith.constant 0 : i32
      %lt3A_1020 = arith.cmpi slt, %select_n3A_1013, %lt3A_1019 : i32
      %ne3A_1021 = arith.xori %lt3A_1018, %lt3A_1020 : i1
      %and3A_1022 = arith.andi %ne3A_1021, %ne3A_1016 : i1
      %add3A_1023 = arith.addi %rem3A_1014, %select_n3A_1013 : i32
      %select_n3A_1024 = arith.select %and3A_1022, %add3A_1023, %rem3A_1014 : i32
      %mul3A_1025 = arith.constant 128 : i32
      %mul3A_1026 = arith.muli %select_n3A_1024, %mul3A_1025 : i32
      %dma_start3A_1027 = arith.constant 0 : i32
      %dma_start3A_1028 = tpu.memref_slice %arg5[%mul3A_1026, %select_n3A_1008, %dma_start3A_1027] : memref<1024x200x128xf32, #tpu.memory_space<hbm>> -> memref<128x1x128xf32, #tpu.memory_space<hbm>>
      %dma_start3A_1029 = tpu.memref_squeeze %dma_start3A_1028 : memref<128x1x128xf32, #tpu.memory_space<hbm>> -> memref<128x128xf32, #tpu.memory_space<hbm>>
      %dma_start3A_1030 = arith.constant 0 : i32
      %dma_start3A_1031 = tpu.memref_slice %arg5[%mul3A_1026, %select_n3A_1008, %dma_start3A_1030] : memref<1024x200x128xf32, #tpu.memory_space<hbm>> -> memref<128x1x128xf32, #tpu.memory_space<hbm>>
      %dma_start3A_1032 = tpu.memref_squeeze %dma_start3A_1031 : memref<128x1x128xf32, #tpu.memory_space<hbm>> -> memref<128x128xf32, #tpu.memory_space<hbm>>
      tpu.enqueue_dma source(%arg10 : memref<128x128xf32, #tpu.memory_space<vmem>>) target(%dma_start3A_1032 : memref<128x128xf32, #tpu.memory_space<hbm>>) target_semaphore(%arg26 : memref<!tpu.dma_semaphore, #tpu.memory_space<semaphore_mem>>)
    }
    %scan3A_75 = arith.constant 10 : i32
    %add3A_76 = arith.constant 50 : i32
    %add3A_77 = arith.addi %mul3A_2, %add3A_76 : i32
    %sub3A_78 = arith.constant 5 : i32
    %sub3A_79 = arith.subi %add3A_77, %sub3A_78 : i32
    %add3A_80 = arith.constant 0 : i32
    %add3A_81 = arith.addi %sub3A_79, %add3A_80 : i32
    %jit3A_82 = arith.constant 8 : i32
    %div3A_83 = arith.divsi %add3A_81, %jit3A_82 : i32
    %sign3A_84 = arith.constant 0 : i32
    %sign3A_85 = arith.cmpi sgt, %add3A_81, %sign3A_84 : i32
    %sign3A_86 = arith.extui %sign3A_85 : i1 to i32
    %sign3A_87 = arith.constant 0 : i32
    %sign3A_88 = arith.cmpi slt, %add3A_81, %sign3A_87 : i32
    %sign3A_89 = arith.extui %sign3A_88 : i1 to i32
    %sign3A_90 = arith.subi %sign3A_86, %sign3A_89 : i32
    %sign3A_91 = arith.constant 0 : i32
    %sign3A_92 = arith.cmpi sgt, %jit3A_82, %sign3A_91 : i32
    %sign3A_93 = arith.extui %sign3A_92 : i1 to i32
    %sign3A_94 = arith.constant 0 : i32
    %sign3A_95 = arith.cmpi slt, %jit3A_82, %sign3A_94 : i32
    %sign3A_96 = arith.extui %sign3A_95 : i1 to i32
    %sign3A_97 = arith.subi %sign3A_93, %sign3A_96 : i32
    %ne3A_98 = arith.cmpi ne, %sign3A_90, %sign3A_97 : i32
    %rem3A_99 = arith.remsi %add3A_81, %jit3A_82 : i32
    %ne3A_100 = arith.constant 0 : i32
    %ne3A_101 = arith.cmpi ne, %rem3A_99, %ne3A_100 : i32
    %and3A_102 = arith.andi %ne3A_98, %ne3A_101 : i1
    %sub3A_103 = arith.constant 1 : i32
    %sub3A_104 = arith.subi %div3A_83, %sub3A_103 : i32
    %select_n3A_105 = arith.select %and3A_102, %sub3A_104, %div3A_83 : i32
    %jit3A_106 = arith.constant 8 : i32
    %eq3A_107 = arith.constant 0 : i32
    %eq3A_108 = arith.cmpi eq, %jit3A_106, %eq3A_107 : i32
    %jit3A_109 = arith.constant 1 : i32
    %select_n3A_110 = arith.select %eq3A_108, %jit3A_109, %jit3A_106 : i32
    %rem3A_111 = arith.remsi %add3A_81, %select_n3A_110 : i32
    %ne3A_112 = arith.constant 0 : i32
    %ne3A_113 = arith.cmpi ne, %rem3A_111, %ne3A_112 : i32
    %lt3A_114 = arith.constant 0 : i32
    %lt3A_115 = arith.cmpi slt, %rem3A_111, %lt3A_114 : i32
    %lt3A_116 = arith.constant 0 : i32
    %lt3A_117 = arith.cmpi slt, %select_n3A_110, %lt3A_116 : i32
    %ne3A_118 = arith.xori %lt3A_115, %lt3A_117 : i1
    %and3A_119 = arith.andi %ne3A_118, %ne3A_113 : i1
    %add3A_120 = arith.addi %rem3A_111, %select_n3A_110 : i32
    %select_n3A_121 = arith.select %and3A_119, %add3A_120, %rem3A_111 : i32
    %mul3A_122 = arith.constant 128 : i32
    %mul3A_123 = arith.muli %select_n3A_121, %mul3A_122 : i32
    %dma_wait3A = arith.constant 0 : i32
    %dma_wait3A_124 = tpu.memref_slice %arg5[%mul3A_123, %select_n3A_105, %dma_wait3A] : memref<1024x200x128xf32, #tpu.memory_space<hbm>> -> memref<128x1x128xf32, #tpu.memory_space<hbm>>
    %dma_wait3A_125 = tpu.memref_squeeze %dma_wait3A_124 : memref<128x1x128xf32, #tpu.memory_space<hbm>> -> memref<128x128xf32, #tpu.memory_space<hbm>>
    %dma_wait3A_126 = arith.constant 0 : i32
    %dma_wait3A_127 = tpu.memref_slice %arg5[%mul3A_123, %select_n3A_105, %dma_wait3A_126] : memref<1024x200x128xf32, #tpu.memory_space<hbm>> -> memref<128x1x128xf32, #tpu.memory_space<hbm>>
    %dma_wait3A_128 = tpu.memref_squeeze %dma_wait3A_127 : memref<128x1x128xf32, #tpu.memory_space<hbm>> -> memref<128x128xf32, #tpu.memory_space<hbm>>
    tpu.wait_dma2 semaphore(%arg22 : memref<!tpu.dma_semaphore, #tpu.memory_space<semaphore_mem>>) src(%arg6 : memref<128x128xf32, #tpu.memory_space<vmem>>) dst(%dma_wait3A_128 : memref<128x128xf32, #tpu.memory_space<hbm>>)
    %add3A_129 = arith.constant 50 : i32
    %add3A_130 = arith.addi %mul3A_2, %add3A_129 : i32
    %sub3A_131 = arith.constant 5 : i32
    %sub3A_132 = arith.subi %add3A_130, %sub3A_131 : i32
    %add3A_133 = arith.constant 1 : i32
    %add3A_134 = arith.addi %sub3A_132, %add3A_133 : i32
    %jit3A_135 = arith.constant 8 : i32
    %div3A_136 = arith.divsi %add3A_134, %jit3A_135 : i32
    %sign3A_137 = arith.constant 0 : i32
    %sign3A_138 = arith.cmpi sgt, %add3A_134, %sign3A_137 : i32
    %sign3A_139 = arith.extui %sign3A_138 : i1 to i32
    %sign3A_140 = arith.constant 0 : i32
    %sign3A_141 = arith.cmpi slt, %add3A_134, %sign3A_140 : i32
    %sign3A_142 = arith.extui %sign3A_141 : i1 to i32
    %sign3A_143 = arith.subi %sign3A_139, %sign3A_142 : i32
    %sign3A_144 = arith.constant 0 : i32
    %sign3A_145 = arith.cmpi sgt, %jit3A_135, %sign3A_144 : i32
    %sign3A_146 = arith.extui %sign3A_145 : i1 to i32
    %sign3A_147 = arith.constant 0 : i32
    %sign3A_148 = arith.cmpi slt, %jit3A_135, %sign3A_147 : i32
    %sign3A_149 = arith.extui %sign3A_148 : i1 to i32
    %sign3A_150 = arith.subi %sign3A_146, %sign3A_149 : i32
    %ne3A_151 = arith.cmpi ne, %sign3A_143, %sign3A_150 : i32
    %rem3A_152 = arith.remsi %add3A_134, %jit3A_135 : i32
    %ne3A_153 = arith.constant 0 : i32
    %ne3A_154 = arith.cmpi ne, %rem3A_152, %ne3A_153 : i32
    %and3A_155 = arith.andi %ne3A_151, %ne3A_154 : i1
    %sub3A_156 = arith.constant 1 : i32
    %sub3A_157 = arith.subi %div3A_136, %sub3A_156 : i32
    %select_n3A_158 = arith.select %and3A_155, %sub3A_157, %div3A_136 : i32
    %jit3A_159 = arith.constant 8 : i32
    %eq3A_160 = arith.constant 0 : i32
    %eq3A_161 = arith.cmpi eq, %jit3A_159, %eq3A_160 : i32
    %jit3A_162 = arith.constant 1 : i32
    %select_n3A_163 = arith.select %eq3A_161, %jit3A_162, %jit3A_159 : i32
    %rem3A_164 = arith.remsi %add3A_134, %select_n3A_163 : i32
    %ne3A_165 = arith.constant 0 : i32
    %ne3A_166 = arith.cmpi ne, %rem3A_164, %ne3A_165 : i32
    %lt3A_167 = arith.constant 0 : i32
    %lt3A_168 = arith.cmpi slt, %rem3A_164, %lt3A_167 : i32
    %lt3A_169 = arith.constant 0 : i32
    %lt3A_170 = arith.cmpi slt, %select_n3A_163, %lt3A_169 : i32
    %ne3A_171 = arith.xori %lt3A_168, %lt3A_170 : i1
    %and3A_172 = arith.andi %ne3A_171, %ne3A_166 : i1
    %add3A_173 = arith.addi %rem3A_164, %select_n3A_163 : i32
    %select_n3A_174 = arith.select %and3A_172, %add3A_173, %rem3A_164 : i32
    %mul3A_175 = arith.constant 128 : i32
    %mul3A_176 = arith.muli %select_n3A_174, %mul3A_175 : i32
    %dma_wait3A_177 = arith.constant 0 : i32
    %dma_wait3A_178 = tpu.memref_slice %arg5[%mul3A_176, %select_n3A_158, %dma_wait3A_177] : memref<1024x200x128xf32, #tpu.memory_space<hbm>> -> memref<128x1x128xf32, #tpu.memory_space<hbm>>
    %dma_wait3A_179 = tpu.memref_squeeze %dma_wait3A_178 : memref<128x1x128xf32, #tpu.memory_space<hbm>> -> memref<128x128xf32, #tpu.memory_space<hbm>>
    %dma_wait3A_180 = arith.constant 0 : i32
    %dma_wait3A_181 = tpu.memref_slice %arg5[%mul3A_176, %select_n3A_158, %dma_wait3A_180] : memref<1024x200x128xf32, #tpu.memory_space<hbm>> -> memref<128x1x128xf32, #tpu.memory_space<hbm>>
    %dma_wait3A_182 = tpu.memref_squeeze %dma_wait3A_181 : memref<128x1x128xf32, #tpu.memory_space<hbm>> -> memref<128x128xf32, #tpu.memory_space<hbm>>
    tpu.wait_dma2 semaphore(%arg23 : memref<!tpu.dma_semaphore, #tpu.memory_space<semaphore_mem>>) src(%arg7 : memref<128x128xf32, #tpu.memory_space<vmem>>) dst(%dma_wait3A_182 : memref<128x128xf32, #tpu.memory_space<hbm>>)
    %add3A_183 = arith.constant 50 : i32
    %add3A_184 = arith.addi %mul3A_2, %add3A_183 : i32
    %sub3A_185 = arith.constant 5 : i32
    %sub3A_186 = arith.subi %add3A_184, %sub3A_185 : i32
    %add3A_187 = arith.constant 2 : i32
    %add3A_188 = arith.addi %sub3A_186, %add3A_187 : i32
    %jit3A_189 = arith.constant 8 : i32
    %div3A_190 = arith.divsi %add3A_188, %jit3A_189 : i32
    %sign3A_191 = arith.constant 0 : i32
    %sign3A_192 = arith.cmpi sgt, %add3A_188, %sign3A_191 : i32
    %sign3A_193 = arith.extui %sign3A_192 : i1 to i32
    %sign3A_194 = arith.constant 0 : i32
    %sign3A_195 = arith.cmpi slt, %add3A_188, %sign3A_194 : i32
    %sign3A_196 = arith.extui %sign3A_195 : i1 to i32
    %sign3A_197 = arith.subi %sign3A_193, %sign3A_196 : i32
    %sign3A_198 = arith.constant 0 : i32
    %sign3A_199 = arith.cmpi sgt, %jit3A_189, %sign3A_198 : i32
    %sign3A_200 = arith.extui %sign3A_199 : i1 to i32
    %sign3A_201 = arith.constant 0 : i32
    %sign3A_202 = arith.cmpi slt, %jit3A_189, %sign3A_201 : i32
    %sign3A_203 = arith.extui %sign3A_202 : i1 to i32
    %sign3A_204 = arith.subi %sign3A_200, %sign3A_203 : i32
    %ne3A_205 = arith.cmpi ne, %sign3A_197, %sign3A_204 : i32
    %rem3A_206 = arith.remsi %add3A_188, %jit3A_189 : i32
    %ne3A_207 = arith.constant 0 : i32
    %ne3A_208 = arith.cmpi ne, %rem3A_206, %ne3A_207 : i32
    %and3A_209 = arith.andi %ne3A_205, %ne3A_208 : i1
    %sub3A_210 = arith.constant 1 : i32
    %sub3A_211 = arith.subi %div3A_190, %sub3A_210 : i32
    %select_n3A_212 = arith.select %and3A_209, %sub3A_211, %div3A_190 : i32
    %jit3A_213 = arith.constant 8 : i32
    %eq3A_214 = arith.constant 0 : i32
    %eq3A_215 = arith.cmpi eq, %jit3A_213, %eq3A_214 : i32
    %jit3A_216 = arith.constant 1 : i32
    %select_n3A_217 = arith.select %eq3A_215, %jit3A_216, %jit3A_213 : i32
    %rem3A_218 = arith.remsi %add3A_188, %select_n3A_217 : i32
    %ne3A_219 = arith.constant 0 : i32
    %ne3A_220 = arith.cmpi ne, %rem3A_218, %ne3A_219 : i32
    %lt3A_221 = arith.constant 0 : i32
    %lt3A_222 = arith.cmpi slt, %rem3A_218, %lt3A_221 : i32
    %lt3A_223 = arith.constant 0 : i32
    %lt3A_224 = arith.cmpi slt, %select_n3A_217, %lt3A_223 : i32
    %ne3A_225 = arith.xori %lt3A_222, %lt3A_224 : i1
    %and3A_226 = arith.andi %ne3A_225, %ne3A_220 : i1
    %add3A_227 = arith.addi %rem3A_218, %select_n3A_217 : i32
    %select_n3A_228 = arith.select %and3A_226, %add3A_227, %rem3A_218 : i32
    %mul3A_229 = arith.constant 128 : i32
    %mul3A_230 = arith.muli %select_n3A_228, %mul3A_229 : i32
    %dma_wait3A_231 = arith.constant 0 : i32
    %dma_wait3A_232 = tpu.memref_slice %arg5[%mul3A_230, %select_n3A_212, %dma_wait3A_231] : memref<1024x200x128xf32, #tpu.memory_space<hbm>> -> memref<128x1x128xf32, #tpu.memory_space<hbm>>
    %dma_wait3A_233 = tpu.memref_squeeze %dma_wait3A_232 : memref<128x1x128xf32, #tpu.memory_space<hbm>> -> memref<128x128xf32, #tpu.memory_space<hbm>>
    %dma_wait3A_234 = arith.constant 0 : i32
    %dma_wait3A_235 = tpu.memref_slice %arg5[%mul3A_230, %select_n3A_212, %dma_wait3A_234] : memref<1024x200x128xf32, #tpu.memory_space<hbm>> -> memref<128x1x128xf32, #tpu.memory_space<hbm>>
    %dma_wait3A_236 = tpu.memref_squeeze %dma_wait3A_235 : memref<128x1x128xf32, #tpu.memory_space<hbm>> -> memref<128x128xf32, #tpu.memory_space<hbm>>
    tpu.wait_dma2 semaphore(%arg24 : memref<!tpu.dma_semaphore, #tpu.memory_space<semaphore_mem>>) src(%arg8 : memref<128x128xf32, #tpu.memory_space<vmem>>) dst(%dma_wait3A_236 : memref<128x128xf32, #tpu.memory_space<hbm>>)
    %add3A_237 = arith.constant 50 : i32
    %add3A_238 = arith.addi %mul3A_2, %add3A_237 : i32
    %sub3A_239 = arith.constant 5 : i32
    %sub3A_240 = arith.subi %add3A_238, %sub3A_239 : i32
    %add3A_241 = arith.constant 3 : i32
    %add3A_242 = arith.addi %sub3A_240, %add3A_241 : i32
    %jit3A_243 = arith.constant 8 : i32
    %div3A_244 = arith.divsi %add3A_242, %jit3A_243 : i32
    %sign3A_245 = arith.constant 0 : i32
    %sign3A_246 = arith.cmpi sgt, %add3A_242, %sign3A_245 : i32
    %sign3A_247 = arith.extui %sign3A_246 : i1 to i32
    %sign3A_248 = arith.constant 0 : i32
    %sign3A_249 = arith.cmpi slt, %add3A_242, %sign3A_248 : i32
    %sign3A_250 = arith.extui %sign3A_249 : i1 to i32
    %sign3A_251 = arith.subi %sign3A_247, %sign3A_250 : i32
    %sign3A_252 = arith.constant 0 : i32
    %sign3A_253 = arith.cmpi sgt, %jit3A_243, %sign3A_252 : i32
    %sign3A_254 = arith.extui %sign3A_253 : i1 to i32
    %sign3A_255 = arith.constant 0 : i32
    %sign3A_256 = arith.cmpi slt, %jit3A_243, %sign3A_255 : i32
    %sign3A_257 = arith.extui %sign3A_256 : i1 to i32
    %sign3A_258 = arith.subi %sign3A_254, %sign3A_257 : i32
    %ne3A_259 = arith.cmpi ne, %sign3A_251, %sign3A_258 : i32
    %rem3A_260 = arith.remsi %add3A_242, %jit3A_243 : i32
    %ne3A_261 = arith.constant 0 : i32
    %ne3A_262 = arith.cmpi ne, %rem3A_260, %ne3A_261 : i32
    %and3A_263 = arith.andi %ne3A_259, %ne3A_262 : i1
    %sub3A_264 = arith.constant 1 : i32
    %sub3A_265 = arith.subi %div3A_244, %sub3A_264 : i32
    %select_n3A_266 = arith.select %and3A_263, %sub3A_265, %div3A_244 : i32
    %jit3A_267 = arith.constant 8 : i32
    %eq3A_268 = arith.constant 0 : i32
    %eq3A_269 = arith.cmpi eq, %jit3A_267, %eq3A_268 : i32
    %jit3A_270 = arith.constant 1 : i32
    %select_n3A_271 = arith.select %eq3A_269, %jit3A_270, %jit3A_267 : i32
    %rem3A_272 = arith.remsi %add3A_242, %select_n3A_271 : i32
    %ne3A_273 = arith.constant 0 : i32
    %ne3A_274 = arith.cmpi ne, %rem3A_272, %ne3A_273 : i32
    %lt3A_275 = arith.constant 0 : i32
    %lt3A_276 = arith.cmpi slt, %rem3A_272, %lt3A_275 : i32
    %lt3A_277 = arith.constant 0 : i32
    %lt3A_278 = arith.cmpi slt, %select_n3A_271, %lt3A_277 : i32
    %ne3A_279 = arith.xori %lt3A_276, %lt3A_278 : i1
    %and3A_280 = arith.andi %ne3A_279, %ne3A_274 : i1
    %add3A_281 = arith.addi %rem3A_272, %select_n3A_271 : i32
    %select_n3A_282 = arith.select %and3A_280, %add3A_281, %rem3A_272 : i32
    %mul3A_283 = arith.constant 128 : i32
    %mul3A_284 = arith.muli %select_n3A_282, %mul3A_283 : i32
    %dma_wait3A_285 = arith.constant 0 : i32
    %dma_wait3A_286 = tpu.memref_slice %arg5[%mul3A_284, %select_n3A_266, %dma_wait3A_285] : memref<1024x200x128xf32, #tpu.memory_space<hbm>> -> memref<128x1x128xf32, #tpu.memory_space<hbm>>
    %dma_wait3A_287 = tpu.memref_squeeze %dma_wait3A_286 : memref<128x1x128xf32, #tpu.memory_space<hbm>> -> memref<128x128xf32, #tpu.memory_space<hbm>>
    %dma_wait3A_288 = arith.constant 0 : i32
    %dma_wait3A_289 = tpu.memref_slice %arg5[%mul3A_284, %select_n3A_266, %dma_wait3A_288] : memref<1024x200x128xf32, #tpu.memory_space<hbm>> -> memref<128x1x128xf32, #tpu.memory_space<hbm>>
    %dma_wait3A_290 = tpu.memref_squeeze %dma_wait3A_289 : memref<128x1x128xf32, #tpu.memory_space<hbm>> -> memref<128x128xf32, #tpu.memory_space<hbm>>
    tpu.wait_dma2 semaphore(%arg25 : memref<!tpu.dma_semaphore, #tpu.memory_space<semaphore_mem>>) src(%arg9 : memref<128x128xf32, #tpu.memory_space<vmem>>) dst(%dma_wait3A_290 : memref<128x128xf32, #tpu.memory_space<hbm>>)
    %add3A_291 = arith.constant 50 : i32
    %add3A_292 = arith.addi %mul3A_2, %add3A_291 : i32
    %sub3A_293 = arith.constant 5 : i32
    %sub3A_294 = arith.subi %add3A_292, %sub3A_293 : i32
    %add3A_295 = arith.constant 4 : i32
    %add3A_296 = arith.addi %sub3A_294, %add3A_295 : i32
    %jit3A_297 = arith.constant 8 : i32
    %div3A_298 = arith.divsi %add3A_296, %jit3A_297 : i32
    %sign3A_299 = arith.constant 0 : i32
    %sign3A_300 = arith.cmpi sgt, %add3A_296, %sign3A_299 : i32
    %sign3A_301 = arith.extui %sign3A_300 : i1 to i32
    %sign3A_302 = arith.constant 0 : i32
    %sign3A_303 = arith.cmpi slt, %add3A_296, %sign3A_302 : i32
    %sign3A_304 = arith.extui %sign3A_303 : i1 to i32
    %sign3A_305 = arith.subi %sign3A_301, %sign3A_304 : i32
    %sign3A_306 = arith.constant 0 : i32
    %sign3A_307 = arith.cmpi sgt, %jit3A_297, %sign3A_306 : i32
    %sign3A_308 = arith.extui %sign3A_307 : i1 to i32
    %sign3A_309 = arith.constant 0 : i32
    %sign3A_310 = arith.cmpi slt, %jit3A_297, %sign3A_309 : i32
    %sign3A_311 = arith.extui %sign3A_310 : i1 to i32
    %sign3A_312 = arith.subi %sign3A_308, %sign3A_311 : i32
    %ne3A_313 = arith.cmpi ne, %sign3A_305, %sign3A_312 : i32
    %rem3A_314 = arith.remsi %add3A_296, %jit3A_297 : i32
    %ne3A_315 = arith.constant 0 : i32
    %ne3A_316 = arith.cmpi ne, %rem3A_314, %ne3A_315 : i32
    %and3A_317 = arith.andi %ne3A_313, %ne3A_316 : i1
    %sub3A_318 = arith.constant 1 : i32
    %sub3A_319 = arith.subi %div3A_298, %sub3A_318 : i32
    %select_n3A_320 = arith.select %and3A_317, %sub3A_319, %div3A_298 : i32
    %jit3A_321 = arith.constant 8 : i32
    %eq3A_322 = arith.constant 0 : i32
    %eq3A_323 = arith.cmpi eq, %jit3A_321, %eq3A_322 : i32
    %jit3A_324 = arith.constant 1 : i32
    %select_n3A_325 = arith.select %eq3A_323, %jit3A_324, %jit3A_321 : i32
    %rem3A_326 = arith.remsi %add3A_296, %select_n3A_325 : i32
    %ne3A_327 = arith.constant 0 : i32
    %ne3A_328 = arith.cmpi ne, %rem3A_326, %ne3A_327 : i32
    %lt3A_329 = arith.constant 0 : i32
    %lt3A_330 = arith.cmpi slt, %rem3A_326, %lt3A_329 : i32
    %lt3A_331 = arith.constant 0 : i32
    %lt3A_332 = arith.cmpi slt, %select_n3A_325, %lt3A_331 : i32
    %ne3A_333 = arith.xori %lt3A_330, %lt3A_332 : i1
    %and3A_334 = arith.andi %ne3A_333, %ne3A_328 : i1
    %add3A_335 = arith.addi %rem3A_326, %select_n3A_325 : i32
    %select_n3A_336 = arith.select %and3A_334, %add3A_335, %rem3A_326 : i32
    %mul3A_337 = arith.constant 128 : i32
    %mul3A_338 = arith.muli %select_n3A_336, %mul3A_337 : i32
    %dma_wait3A_339 = arith.constant 0 : i32
    %dma_wait3A_340 = tpu.memref_slice %arg5[%mul3A_338, %select_n3A_320, %dma_wait3A_339] : memref<1024x200x128xf32, #tpu.memory_space<hbm>> -> memref<128x1x128xf32, #tpu.memory_space<hbm>>
    %dma_wait3A_341 = tpu.memref_squeeze %dma_wait3A_340 : memref<128x1x128xf32, #tpu.memory_space<hbm>> -> memref<128x128xf32, #tpu.memory_space<hbm>>
    %dma_wait3A_342 = arith.constant 0 : i32
    %dma_wait3A_343 = tpu.memref_slice %arg5[%mul3A_338, %select_n3A_320, %dma_wait3A_342] : memref<1024x200x128xf32, #tpu.memory_space<hbm>> -> memref<128x1x128xf32, #tpu.memory_space<hbm>>
    %dma_wait3A_344 = tpu.memref_squeeze %dma_wait3A_343 : memref<128x1x128xf32, #tpu.memory_space<hbm>> -> memref<128x128xf32, #tpu.memory_space<hbm>>
    tpu.wait_dma2 semaphore(%arg26 : memref<!tpu.dma_semaphore, #tpu.memory_space<semaphore_mem>>) src(%arg10 : memref<128x128xf32, #tpu.memory_space<vmem>>) dst(%dma_wait3A_344 : memref<128x128xf32, #tpu.memory_space<hbm>>)
    return
  }
}

</mosaic_0001>

<sc_bundles>
// kernel: kernel.3.cloned.1.call-start
scs
__scs_entry_jumppad:
0x0: {  	(pc) =	sbr.rel $0x88, $3  }
0x1: {  	(tag) =	ssettag $0x0;
	lr =	simm.s32 $0x1  }
0x2: {  	[smem:$0x3F9E] =	sst lr;
	_ =	strace $0xD0000000  }
0x3: {  	_ = 	snop  }
0x4: {  	_ = 	snop  }
0x5: {  	_ = 	snop  }
0x6: {  	_ = 	snop  }
0x7: {  	_ = 	snop  }
__scs_overlays_trampoline_lowered:
0x8: {  	[smem:$0x3FAD] =	sst s0  }
0x9: {  	[smem:$0x3FAE] =	sst s1  }
0xa: {  	[smem:$0x3FAF] =	sst s2  }
0xb: {  	[smem:$0x3FB0] =	sst s3  }
0xc: {  	[smem:$0x3FB1] =	sst s4  }
0xd: {  	[smem:$0x3FB2] =	sst s5  }
0xe: {  	[smem:$0x3FB3] =	sst s6  }
0xf: {  	[smem:$0x3FB4] =	sst s7  }
0x10: {  	[smem:$0x3FB5] =	sst s8  }
0x11: {  	[smem:$0x3FB6] =	sst s9;
	s0 =	simm.s32 @!p0 $0x0  }
0x12: {  	s1 =	sld [smem:$0x3F9C];
	s0 =	simm.s32 @p0 $0x1  }
0x13: {  	[smem:$0x3FB7] =	sst s0;
	s0 =	simm.s32 @!p1 $0x0  }
0x14: {  	s2 =	sld [smem:$0x3F9B];
	s0 =	simm.s32 @p1 $0x1  }
0x15: {  	[smem:$0x3FB8] =	sst s0;
	s0 =	simm.s32 @!p2 $0x0  }
0x16: {  	s3 =	sld [smem:$0x3FDB];
	s0 =	simm.s32 @p2 $0x1  }
0x17: {  	s4 =	simm.s32 $0x1BF5;
	[smem:$0x3FBA] =	sst s0  }
0x18: {  	s0 =	sld [smem:$0x3F9D];
	_ =	swait.ge [sflag:s4], $0x0  }
0x19: {  	s7 =	sld [smem:$0x3F9E]  }
0x1a: {  	s8 =	sadd.s32 $0xFFFFE003, lr  }
0x1b: {  	s9 =	sadd.s32 $0xFFFFFEF7, lr;
	s5 =	simm.s32 $0xFFFFFFFF;
	p2 =	slt.u32 s8, $0xFFFFF086  }
0x1c: {  	p1 =	slt.u32 s9, $0xF7A;
	s5 =	simm.s32 @!p2 $0x0  }
0x1d: {  	s5 =	simm.s32 @p1 $0x1;
	p0 =	seq.s32 s7, s2  }
0x1e: {  	s7 =	smul.u32 @!p0 $0xF7A, s2;
	p2 =	seq.s32 @!p0 s5, $0x0  }
0x1f: {  	s9 =	smul.u32 $0xF7A, s1;
	s8 =	simm.s32 @!p0 $0x1BF5;
	p2 =	por !p2, p0  }
0x20: {  	[sflag:s8] =	ssyncset.s32 @!p0 $0xFFFFF086;
	s6 =	sadd.s32 @!p0 s3, s7;
	s7 =	simm.s32 @!p0 $0x108  }
0x21: {  	s3 =	sadd.s32 s3, s9;
	s6 =	sadd.s32 @!p0 $0x88, s6;
	s7 =	simm.s32 @p2 $0x1082  }
0x22: {  	[simem:s7], [sflag:s8] =	dma.local @!p0 [hbm:s6], $0xF7A  }
0x23: {  	s9 =	sor.u32 $0xD0000000, s2;
	s6 =	simm.s32 $0x108;
	_ =	swait.ge @!p0 [sflag:s8], $0x0  }
0x24: {  	s3 =	sadd.s32 $0x88, s3;
	s6 =	simm.s32 @!p1 $0x1082;
	[sflag:s4] =	ssyncset.s32 $0xFFFFF086  }
0x25: {  	[simem:s6], [sflag:s4] =	dma.local [hbm:s3], $0xF7A  }
0x26: {  	[smem:$0x3F9E] =	sst s1;
	(tag) =	ssettag s2;
	_ =	strace s9  }
0x27: {  	s1 =	sld [smem:$0x3FAE]  }
0x28: {  	s2 =	sld [smem:$0x3FAF]  }
0x29: {  	s4 =	sld [smem:$0x3FB1]  }
0x2a: {  	p0 =	seq.s32 s5, $0x0;
	s5 =	sld [smem:$0x3FB2]  }
0x2b: {  	s6 =	sld [smem:$0x3FB3]  }
0x2c: {  	s7 =	sld [smem:$0x3FB4]  }
0x2d: {  	s3 =	simm.s32 $0x108;
	s8 =	sld [smem:$0x3FB5]  }
0x2e: {  	s3 =	simm.s32 @!p0 $0x1082;
	s9 =	sld [smem:$0x3FB6]  }
0x2f: {  	lr =	sadd.s32 s0, s3;
	s0 =	sld [smem:$0x3FAD]  }
0x30: {  	s3 =	sld [smem:$0x3FB0]  }
0x31: {  	[smem:$0x3FB9] =	sst s10  }
0x32: {  	s10 =	sld [smem:$0x3FB7];
	_ =	sdelay $0x3  }
0x33: {  	p0 =	seq.s32 s10, $0x1;
	s10 =	sld [smem:$0x3FB9];
	_ =	sdelay $0x3  }
0x34: {  	[smem:$0x3FB9] =	sst s10  }
0x35: {  	s10 =	sld [smem:$0x3FB8];
	_ =	sdelay $0x3  }
0x36: {  	p1 =	seq.s32 s10, $0x1;
	s10 =	sld [smem:$0x3FB9];
	_ =	sdelay $0x3  }
0x37: {  	[smem:$0x3FB9] =	sst s10  }
0x38: {  	s10 =	sld [smem:$0x3FBA]  }
0x39: {  	_ = 	snop;
	(pc) =	sbr.ind lr, $3  }
0x3a: {  	_ = 	snop  }
0x3b: {  	_ = 	snop  }
0x3c: {  	p2 =	seq.s32 s10, $0x1;
	s10 =	sld [smem:$0x3FB9]  }
0x3d: {  	_ =	shalt  }
0x3e: {  	_ =	shalt  }
0x3f: {  	_ =	shalt  }
0x40: {  	_ =	shalt  }
0x41: {  	_ =	shalt  }
0x42: {  	_ =	shalt  }
0x43: {  	_ =	shalt  }
0x44: {  	_ =	shalt  }
0x45: {  	_ =	shalt  }
0x46: {  	_ =	shalt  }
0x47: {  	_ =	shalt  }
0x48: {  	_ =	shalt  }
0x49: {  	_ =	shalt  }
0x4a: {  	_ =	shalt  }
0x4b: {  	_ =	shalt  }
0x4c: {  	_ =	shalt  }
0x4d: {  	_ =	shalt  }
0x4e: {  	_ =	shalt  }
0x4f: {  	_ =	shalt  }
0x50: {  	_ =	shalt  }
0x51: {  	_ =	shalt  }
0x52: {  	_ =	shalt  }
0x53: {  	_ =	shalt  }
0x54: {  	_ =	shalt  }
0x55: {  	_ =	shalt  }
0x56: {  	_ =	shalt  }
0x57: {  	_ =	shalt  }
0x58: {  	_ =	shalt  }
0x59: {  	_ =	shalt  }
0x5a: {  	_ =	shalt  }
0x5b: {  	_ =	shalt  }
0x5c: {  	_ =	shalt  }
0x5d: {  	_ =	shalt  }
0x5e: {  	_ =	shalt  }
0x5f: {  	_ =	shalt  }
0x60: {  	_ =	shalt  }
0x61: {  	_ =	shalt  }
0x62: {  	_ =	shalt  }
0x63: {  	_ =	shalt  }
0x64: {  	_ =	shalt  }
0x65: {  	_ =	shalt  }
0x66: {  	_ =	shalt  }
0x67: {  	_ =	shalt  }
0x68: {  	_ =	shalt  }
0x69: {  	_ =	shalt  }
0x6a: {  	_ =	shalt  }
0x6b: {  	_ =	shalt  }
0x6c: {  	_ =	shalt  }
0x6d: {  	_ =	shalt  }
0x6e: {  	_ =	shalt  }
0x6f: {  	_ =	shalt  }
0x70: {  	_ =	shalt  }
0x71: {  	_ =	shalt  }
0x72: {  	_ =	shalt  }
0x73: {  	_ =	shalt  }
0x74: {  	_ =	shalt  }
0x75: {  	_ =	shalt  }
0x76: {  	_ =	shalt  }
0x77: {  	_ =	shalt  }
0x78: {  	_ =	shalt  }
0x79: {  	_ =	shalt  }
0x7a: {  	_ =	shalt  }
0x7b: {  	_ =	shalt  }
0x7c: {  	_ =	shalt  }
0x7d: {  	_ =	shalt  }
0x7e: {  	_ =	shalt  }
0x7f: {  	_ =	shalt  }
0x80: {  	_ =	shalt  }
0x81: {  	_ =	shalt  }
0x82: {  	_ =	shalt  }
0x83: {  	_ =	shalt  }
0x84: {  	_ =	shalt  }
0x85: {  	_ =	shalt  }
0x86: {  	_ =	shalt  }
0x87: {  	_ =	shalt  }
.Lfunc_end0:
.L_simem_size_0:
called_computation_lowered:
.L_overlay_start_0:
0x88: {  	s2 =	sld [smem:$0x3FD9]  }
0x89: {  	s3 =	sld [smem:$0x3FFE];
	_ =	sdelay $0x1  }
0x8a: {  	s1 =	srdreg.scid  }
0x8b: {  	s0 =	sand.u32 $0x1, s1  }
0x8c: {  	s17 =	sshll.u32 s0, $0xA;
	s2 =	sadd.s32 s3, s2  }
0x8d: {  	s2 =	sadd.s32 s2, s17  }
0x8e: {  	[smem:$0x3FC5] =	sst s2  }
0x8f: {  	_ = 	snop  }
0x90: {  	s2 =	sld [smem:$0x3FC9]  }
0x91: {  	s18 =	sld [smem:$0x3FC8]  }
0x92: {  	s4 =	sld [smem:$0x3FD0];
	(tm) =	ssettm $0x1  }
0x93: {  	s5 =	sld [smem:$0x3FFB];
	_ =	sdelay $0x3  }
0x94: {  	_ =	strace s5  }
0x95: {  	s5 =	sld [smem:$0x3FFC];
	_ =	sdelay $0x3  }
0x96: {  	_ =	strace s5  }
0x97: {  	s5 =	sld [smem:$0x3FFD];
	_ =	sdelay $0x3  }
0x98: {  	_ =	strace s5  }
0x99: {  	_ =	strace $0x8FFFFFFF  }
0x9a: {  	s19 =	sld [smem:$0x3FDB];
	_ =	sdelay $0x1  }
0x9b: {  	s6 =	simm.s32 $_scs_section_size  }
0x9c: {  	s7 =	simm.s32 $_size__tile_overlayer_lowered;
	s8 =	simm.s32 $_tile_overlayer_lowered  }
0x9d: {  	s22 =	simm.s32 $0x1BFF;
	s21 =	sshll.u32 s8, $0x1;
	s5 =	sadd.s32 s6, s19  }
0x9e: {  	s9 =	simm.s32 $0x0;
	s20 =	sshll.u32 s7, $0x1;
	s7 =	sadd.s32 s21, s5  }
0x9f: {  	[timem:s9], [sflag:s22] =	dma.local [hbm:s7], s20  }
0xa0: {  	_ =	swait.ge [sflag:s22], s20  }
0xa1: {  	s6 =	ssub.s32 $0x0, s20;
	[sflag:s22] =	ssyncset.done $0x0  }
0xa2: {  	[sflag:s22] =	ssyncadd.s32 s6;
	_ =	sdelay $0x1  }
0xa3: {  	s23 =	simm.s32 $0x1B8B  }
0xa4: {  	_ =	swait.ge [sflag:s23], $0x1  }
0xa5: {  	[sflag:s23] =	ssyncset.done $0x0  }
0xa6: {  	s25 =	simm.s32 $0x1B8E;
	s24 =	sld [smem:$0x3FFE];
	[sflag:s23] =	ssyncadd.s32 $0xFFFFFFFF  }
0xa7: {  	s26 =	simm.s32 $execute0_lowered;
	[smem:$0x3FD2] =	sst s25  }
0xa8: {  	s7 =	sshll.u32 s26, $0x1;
	_ =	strace $0x80000046;
	[dreg:$0x1] =	wrdreg $0xFFFFFFFF  }
0xa9: {  	s28 =	simm.s32 $_size_execute0_lowered;
	s5 =	sadd.s32 s5, s7;
	[dreg:$0x0] =	wrdreg $0x0  }
0xaa: {  	s7 =	sshll.u32 s28, $0x1;
	[dreg:$0x2] =	wrdreg s5  }
0xab: {  	[dreg:$0x3] =	wrdreg s7  }
0xac: {  	[dreg:$0x4] =	wrdreg $0xC0  }
0xad: {  	_ =	task [dreg:s9], $0x5FFFF  }
0xae: {  	[dreg:$0x1] =	wrdreg $0xFFFFFFFF  }
0xaf: {  	[dreg:$0x0] =	wrdreg $0x60  }
0xb0: {  	[dreg:$0x2] =	wrdreg s2  }
0xb1: {  	[dreg:$0x3] =	wrdreg s18  }
0xb2: {  	[dreg:$0x4] =	wrdreg s24  }
0xb3: {  	[dreg:$0x5] =	wrdreg s4  }
0xb4: {  	[dreg:$0x6] =	wrdreg $0x9  }
0xb5: {  	_ =	task.clear_ibuf [dreg:s9], $0x7FFFF;
	_ =	strace $0x90000046  }
0xb6: {  	s29 =	simm.s32 $0x9;
	_ =	strace $0x80000048  }
0xb7: {  	_ =	swait.ge [sflag:s29], $0x1  }
0xb8: {  	[sflag:s29] =	ssyncadd.s32 $0xFFFFFFFF  }
0xb9: {  	_ =	strace $0x90000048  }
0xba: {  	_ =	sfence  }
0xbb: {  	s30 =	sld [smem:$0x0];
	_ =	sdelay $0x2  }
0xbc: {  	s31 =	sshll.u32 s1, $0xD;
	s1 =	sshrl.u32 s1, $0x2  }
0xbd: {  	s3 =	sand.u32 $0x4000, s31;
	s1 =	sadd.s32 s1, s30  }
0xbe: {  	s0 =	sor.u32 s3, s0;
	s1 =	sshll.u32 s1, $0x11  }
0xbf: {  	s0 =	sor.u32 s1, s0  }
0xc0: {  	s0 =	sadd.s32 $0x8F2B, s0  }
0xc1: {  	[sflag:s0] =	ssyncadd.remote.s32 $0x1  }
0xc2: {  	_ =	sfence.sel $0xFFFF  }
0xc3: {  	[dreg:$0x0] =	wrdreg $0xFFFFFFFF;
	(pc) =	sbr.abs _section_cstart, $3  }
0xc4: {  	[dreg:$0x1] =	wrdreg $0xFFFFFFFF  }
0xc5: {  	_ =	task.clear_ibuf [dreg:s9], $0x2FFFF;
	_ =	strace $0x9FFFFFFF  }
0xc6: {  	(tm) =	ssettm $0x7FFFFFFF  }
0xc7: {  	_ =	shalt  }
tec
execute0_lowered:
.L_overlay_start_1:
0x0: {  	(tag) =	ssettag $0x1  }
0x1: {  	s1 =	rddreg [dreg:$0x0]  }
0x2: {  	s0 =	srdreg.scid;
	s2 =	rddreg [dreg:$0x1]  }
0x3: {  	s3 =	stileid.u32;
	s7 =	rddreg [dreg:$0x2]  }
0x4: {  	s4 =	rddreg [dreg:$0x3];
	s6 =	simm.s32 $0x0;
	s17 =	simm.s32 $0x80  }
0x5: {  	s18 =	simm.s32 $0x6400;
	s19 =	simm.s32 $0x400;
	s20 =	simm.s32 $0x2000  }
0x6: {  	s22 =	simm.s32 $0x4000;
	s24 =	simm.s32 $0x1;
	s25 =	simm.s32 $0x8000  }
0x7: {  	s28 =	simm.s32 $0x2;
	s29 =	simm.s32 $0xC000;
	s31 =	simm.s32 $0x3  }
0x8: {  	s15 =	simm.s32 $0x4;
	s0 =	sand.u32 $0x1, s0;
	s3 =	sshll.u32 s3, $0x1  }
0x9: {  	s21 =	simm.s32 $0x5;
	[smem:$0x7FF] =	sst s6;
	s3 =	sor.u32 s0, s3  }
0xa: {  	s7 =	sadd.s32 $0x400, s7;
	s0 =	ssub.s32 $0x2, s0;
	s5 =	smul.u32 $0x32, s3  }
0xb: {  	_ =	strace $0x80000047;
	[dreg:$0x5] =	wrdreg s7;
	s11 =	sshrl.u32 s0, $0x1  }
0xc: {  	s0 =	ssub.s32 s0, s11;
	s3 =	sand.u32 $0x6, s5;
	s8 =	sshrl.u32 s5, $0x3  }
0xd: {  	s11 =	sadd.s32 $0x2, s5;
	s12 =	sadd.s32 $0x3, s5;
	s13 =	sadd.s32 $0x4, s5  }
0xe: {  	s0 =	smax.u32 s0, $0x1;
	s9 =	smul.u32 $0x320000, s3;
	s10 =	sshll.u32 s8, $0x7  }
0xf: {  	v0 =	vlaneseq.u32;
	s3 =	sshll.u32 s3, $0x7;
	s8 =	sshll.u32 s8, $0xC;
	s26 =	sand.u32 $0x7C00, s10  }
.Ltmp0:
0x10: {  	v0 =	vmul.u32 $0x80, v0;
	s30 =	sand.u32 $0x380, s10;
	s7 =	sor.u32 s9, s26;
	(pc) =	sbr.rel .LBB2_1-.Ltmp0, $4  }
0x11: {  	[dreg:$0x8] =	wrdreg s0;
	s3 =	sadd.s32 s2, s3;
	s7 =	sor.u32 s30, s7  }
0x12: {  	v1 =	vor.u32 $0x800, v0;
	s0 =	simm.s32 $0x18000;
	s3 =	sadd.s32 s8, s3;
	s7 =	sshrl.u32 s7, $0x3  }
0x13: {  	v2 =	vor.u32 $0x1000, v0;
	v3 =	vor.u32 $0x1800, v0;
	v4 =	vor.u32 $0x2000, v0;
	s10 =	sor.u32 $0x1, s5;
	[dreg:$0x7] =	wrdreg s3;
	s7 =	sadd.s32 s1, s7  }
0x14: {  	v5 =	vor.u32 $0x2800, v0;
	v6 =	vor.u32 $0x3000, v0;
	v7 =	vor.u32 $0x3800, v0;
	s9 =	simm.s32 $0x0;
	s3 =	simm.s32 $0x10000;
	[dreg:$0x6] =	wrdreg s7  }
.LBB2_143:
0x15: {  	s7 =	simm.s32 $0x6  }
0x16: {  	_ =	swait.ge [sflag:s7], $0x4000  }
0x17: {  	[sflag:s7] =	ssyncset.done $0x0  }
0x18: {  	s16 =	simm.s32 $0x7;
	[sflag:s7] =	ssyncadd.s32 $0xFFFFC000  }
0x19: {  	_ =	swait.ge [sflag:s16], $0x4000  }
0x1a: {  	[sflag:s16] =	ssyncset.done $0x0  }
0x1b: {  	s23 =	simm.s32 $0x8;
	[sflag:s16] =	ssyncadd.s32 $0xFFFFC000  }
0x1c: {  	_ =	swait.ge [sflag:s23], $0x4000  }
0x1d: {  	[sflag:s23] =	ssyncset.done $0x0  }
0x1e: {  	s26 =	simm.s32 $0x9;
	[sflag:s23] =	ssyncadd.s32 $0xFFFFC000  }
0x1f: {  	_ =	swait.ge [sflag:s26], $0x4000  }
0x20: {  	[sflag:s26] =	ssyncset.done $0x0  }
0x21: {  	s8 =	simm.s32 $0xA;
	[sflag:s26] =	ssyncadd.s32 $0xFFFFC000  }
0x22: {  	_ =	swait.ge [sflag:s8], $0x4000  }
0x23: {  	s9 =	rddreg [dreg:$0x9]  }
0x24: {  	s30 =	rddreg [dreg:$0x8];
	s9 =	sadd.s32 $0x1, s9  }
0x25: {  	p0 =	sne.s32 s9, s30  }
.Ltmp1:
0x26: {  	_ = 	snop;
	(pc) =	sbr.rel @!p0 .LBB2_144-.Ltmp1, $3  }
0x27: {  	_ =	sdelay $0x1  }
0x28: {  	[sflag:s8] =	ssyncset.done $0x0  }
0x29: {  	[sflag:s8] =	ssyncadd.s32 $0xFFFFC000  }
.LBB2_1:
0x2a: {  	[dreg:$0x9] =	wrdreg s9  }
0x2b: {  	s7 =	rddreg [dreg:$0x5];
	s8 =	simm.s32 $0x19000;
	s16 =	simm.s32 $0xB  }
0x2c: {  	[tilespmem:s8], [sflag:$0xB] =	stream.linear.gather [hbm4b:s7+s6], $0x80, $0x38;
	[tilespmem:$0x19080] =	vst v63  }
0x2d: {  	_ =	swait.ge [sflag:s16], $0x80  }
0x2e: {  	[sflag:s16] =	ssyncset.done $0x0  }
0x2f: {  	[sflag:s16] =	ssyncadd.s32 $0xFFFFFF80  }
0x30: {  	v8 =	vld [tilespmem:$0x19000]  }
0x31: {  	s23 =	rddreg [dreg:$0x6]  }
0x32: {  	[tilespmem:s6], [sflag:$0x1] =	stream.strided.gather [hbm4b:s23+s17], $0x4000, s18, s17, $0x38;
	[tilespmem:$0x19080] =	vst v63  }
0x33: {  	s30 =	simm.s32 $0x14000;
	s8 =	simm.s32 $0x0;
	s26 =	rddreg [dreg:$0x7]  }
0x34: {  	[tilespmem:s30], [sflag:$0x1] =	stream.strided.gather [hbm4b:s26+s19], $0x1000, s20, s19, $0x38;
	[tilespmem:$0x19080] =	vst v63  }
.LBB2_2:
0x35: {  	s9 =	smul.u32 $0x5, s8;
	_ =	sdelay $0x1  }
0x36: {  	s14 =	sadd.s32 s5, s9  }
0x37: {  	s7 =	sadd.s32 $0x1, s14  }
0x38: {  	s16 =	sand.u32 $0x7, s7;
	s7 =	sshrl.u32 s7, $0x3  }
0x39: {  	s23 =	smul.u32 $0x320000, s16;
	s26 =	sshll.u32 s7, $0x7  }
0x3a: {  	p0 =	seq.s32 s8, $0x0;
	s7 =	sshll.u32 s7, $0xF;
	s30 =	sand.u32 $0xFFFFFC00, s26  }
0x3b: {  	s26 =	sand.u32 $0x380, s26;
	s23 =	sadd.s32 s23, s30;
	s30 =	simm.s32 @!p0 $0x7  }
0x3c: {  	s16 =	sshll.u32 s16, $0xA;
	_ =	swait.ge @!p0 [sflag:s30], $0x4000;
	s23 =	sor.u32 s26, s23  }
0x3d: {  	s7 =	sor.u32 s16, s7;
	[sflag:s30] =	ssyncset.done @!p0 $0x0;
	s23 =	sshrl.u32 s23, $0x3  }
0x3e: {  	s7 =	sshrl.u32 s7, $0x3;
	[sflag:s30] =	ssyncadd.s32 @!p0 $0xFFFFC000;
	s23 =	sadd.s32 s1, s23  }
0x3f: {  	[tilespmem:s22], [sflag:$0x2] =	stream.strided.gather [hbm4b:s23+s17], $0x4000, s18, s17, $0x38;
	[tilespmem:$0x19080] =	vst v63  }
0x40: {  	s7 =	sadd.s32 s2, s7;
	s23 =	simm.s32 $0x15000  }
0x41: {  	[tilespmem:s23], [sflag:$0x2] =	stream.strided.gather [hbm4b:s7+s19], $0x1000, s20, s19, $0x38;
	[tilespmem:$0x19080] =	vst v63  }
0x42: {  	_ =	swait.ge [sflag:s24], $0x4000  }
0x43: {  	[sflag:s24] =	ssyncset.done $0x0  }
0x44: {  	[sflag:s24] =	ssyncadd.s32 $0xFFFFC000  }
0x45: {  	_ =	swait.ge [sflag:s24], $0x1000  }
0x46: {  	[sflag:s24] =	ssyncset.done $0x0  }
0x47: {  	s26 =	simm.s32 $0x14200;
	[sflag:s24] =	ssyncadd.s32 $0xFFFFF000  }
0x48: {  	v9 =	vld [tilespmem:s26+$0x180]  }
0x49: {  	v10 =	vld [tilespmem:s26+$0xFFFFFE80]  }
0x4a: {  	v11 =	vld [tilespmem:s26+$0xFFFFFF00]  }
0x4b: {  	v12 =	vld [tilespmem:s26+$0xFFFFFF80]  }
0x4c: {  	v13 =	vld [tilespmem:s26+$0x0]  }
0x4d: {  	v14 =	vld [tilespmem:s26+$0x80];
	v9 =	vadd.s32 v0, v9  }
0x4e: {  	v16 =	vld [tilespmem:s26+$0x100];
	v15 =	vadd.s32 v0, v10  }
0x4f: {  	s30 =	simm.s32 $0x14600;
	v17 =	vld [tilespmem:s26+$0xFFFFFE00];
	v11 =	vadd.s32 v0, v11  }
0x50: {  	v18 =	vld [tilespmem:s30+$0x180];
	v12 =	vadd.s32 v0, v12  }
0x51: {  	v19 =	vld [tilespmem:s30+$0xFFFFFE80];
	v20 =	vadd.s32 v0, v13  }
0x52: {  	v21 =	vld [tilespmem:s30+$0xFFFFFF00];
	v22 =	vadd.s32 v0, v14;
	[tilespmem:v9+s6+$0x0] =	vst.idx.msk $0xffff, v8  }
0x53: {  	v10 =	vld [tilespmem:s30+$0xFFFFFF80];
	[tilespmem:v15+s6+$0x0] =	vst.idx.msk $0xffff, v8;
	v15 =	vadd.s32 v0, v16  }
0x54: {  	v14 =	vadd.s32 v0, v17;
	v9 =	vld [tilespmem:s30+$0x0];
	[tilespmem:v11+s6+$0x0] =	vst.idx.msk $0xffff, v8  }
0x55: {  	v13 =	vadd.s32 v0, v18;
	v11 =	vld [tilespmem:s30+$0x80];
	[tilespmem:v12+s6+$0x0] =	vst.idx.msk $0xffff, v8  }
0x56: {  	v18 =	vadd.s32 v0, v19;
	v12 =	vld [tilespmem:s30+$0x100];
	[tilespmem:v20+s6+$0x0] =	vst.idx.msk $0xffff, v8  }
0x57: {  	s16 =	simm.s32 $0x8;
	s7 =	simm.s32 $0x14A00;
	v17 =	vadd.s32 v0, v21;
	v16 =	vld [tilespmem:s30+$0xFFFFFE00];
	[tilespmem:v22+s6+$0x0] =	vst.idx.msk $0xffff, v8  }
.LBB2_3:
0x58: {  	v19 =	vld [tilespmem:s7+$0x180];
	s16 =	sadd.s32 $0x8, s16;
	v20 =	vadd.s32 v0, v10;
	[tilespmem:v15+s6+$0x0] =	vst.idx.msk $0xffff, v8  }
0x59: {  	v21 =	vld [tilespmem:s7+$0xFFFFFE80];
	p1 =	slt.u32 s16, $0x18;
	v22 =	vadd.s32 v0, v9;
	[tilespmem:v14+s6+$0x0] =	vst.idx.msk $0xffff, v8  }
0x5a: {  	v23 =	vld [tilespmem:s7+$0xFFFFFF00];
	v24 =	vadd.s32 v0, v11;
	[tilespmem:v13+s6+$0x0] =	vst.idx.msk $0xffff, v8  }
.Ltmp2:
0x5b: {  	v10 =	vld [tilespmem:s7+$0xFFFFFF80];
	[tilespmem:v18+s6+$0x0] =	vst.idx.msk $0xffff, v8;
	v15 =	vadd.s32 v0, v12;
	(pc) =	sbr.rel @p1 .LBB2_3-.Ltmp2, $4  }
0x5c: {  	v9 =	vld [tilespmem:s7+$0x0];
	v14 =	vadd.s32 v0, v16;
	[tilespmem:v17+s6+$0x0] =	vst.idx.msk $0xffff, v8  }
0x5d: {  	v11 =	vld [tilespmem:s7+$0x80];
	v13 =	vadd.s32 v0, v19;
	[tilespmem:v20+s6+$0x0] =	vst.idx.msk $0xffff, v8  }
0x5e: {  	v18 =	vadd.s32 v0, v21;
	v12 =	vld [tilespmem:s7+$0x100];
	[tilespmem:v22+s6+$0x0] =	vst.idx.msk $0xffff, v8  }
0x5f: {  	v16 =	vld [tilespmem:s7+$0xFFFFFE00];
	v17 =	vadd.s32 v0, v23;
	s7 =	sadd.s32 $0x400, s7;
	[tilespmem:v24+s6+$0x0] =	vst.idx.msk $0xffff, v8  }
0x60: {  	_ =	sdelay $0x3  }
0x61: {  	v10 =	vadd.s32 v0, v10;
	[tilespmem:v15+s6+$0x0] =	vst.idx.msk $0xffff, v8  }
0x62: {  	[tilespmem:v14+s6+$0x0] =	vst.idx.msk $0xffff, v8;
	v9 =	vadd.s32 v0, v9  }
0x63: {  	[tilespmem:v13+s6+$0x0] =	vst.idx.msk $0xffff, v8;
	v11 =	vadd.s32 v0, v11  }
0x64: {  	[tilespmem:v18+s6+$0x0] =	vst.idx.msk $0xffff, v8;
	v12 =	vadd.s32 v0, v12  }
0x65: {  	[tilespmem:v17+s6+$0x0] =	vst.idx.msk $0xffff, v8;
	v13 =	vadd.s32 v0, v16  }
0x66: {  	[tilespmem:v10+s6+$0x0] =	vst.idx.msk $0xffff, v8  }
0x67: {  	[tilespmem:v9+s6+$0x0] =	vst.idx.msk $0xffff, v8  }
0x68: {  	[tilespmem:v11+s6+$0x0] =	vst.idx.msk $0xffff, v8  }
0x69: {  	[tilespmem:v12+s6+$0x0] =	vst.idx.msk $0xffff, v8  }
0x6a: {  	s7 =	simm.s32 $0x14210;
	[tilespmem:v13+s6+$0x0] =	vst.idx.msk $0xffff, v8  }
0x6b: {  	v9 =	vld [tilespmem:s7+$0x180]  }
0x6c: {  	v10 =	vld [tilespmem:s7+$0xFFFFFE80]  }
0x6d: {  	v11 =	vld [tilespmem:s7+$0xFFFFFF00]  }
0x6e: {  	v12 =	vld [tilespmem:s7+$0xFFFFFF80]  }
0x6f: {  	v13 =	vld [tilespmem:s7+$0x0]  }
0x70: {  	v14 =	vld [tilespmem:s7+$0x80];
	v9 =	vadd.s32 v1, v9  }
0x71: {  	v16 =	vld [tilespmem:s7+$0x100];
	v15 =	vadd.s32 v1, v10  }
0x72: {  	s30 =	simm.s32 $0x14610;
	v17 =	vld [tilespmem:s7+$0xFFFFFE00];
	v11 =	vadd.s32 v1, v11  }
0x73: {  	v18 =	vld [tilespmem:s30+$0x180];
	v12 =	vadd.s32 v1, v12  }
0x74: {  	v19 =	vld [tilespmem:s30+$0xFFFFFE80];
	v20 =	vadd.s32 v1, v13  }
0x75: {  	v21 =	vld [tilespmem:s30+$0xFFFFFF00];
	v22 =	vadd.s32 v1, v14;
	[tilespmem:v9+s6+$0x0] =	vst.idx.msk $0xffff, v8  }
0x76: {  	v10 =	vld [tilespmem:s30+$0xFFFFFF80];
	[tilespmem:v15+s6+$0x0] =	vst.idx.msk $0xffff, v8;
	v15 =	vadd.s32 v1, v16  }
0x77: {  	v14 =	vadd.s32 v1, v17;
	v9 =	vld [tilespmem:s30+$0x0];
	[tilespmem:v11+s6+$0x0] =	vst.idx.msk $0xffff, v8  }
0x78: {  	v13 =	vadd.s32 v1, v18;
	v11 =	vld [tilespmem:s30+$0x80];
	[tilespmem:v12+s6+$0x0] =	vst.idx.msk $0xffff, v8  }
0x79: {  	v18 =	vadd.s32 v1, v19;
	v12 =	vld [tilespmem:s30+$0x100];
	[tilespmem:v20+s6+$0x0] =	vst.idx.msk $0xffff, v8  }
0x7a: {  	s16 =	simm.s32 $0x8;
	s7 =	simm.s32 $0x14A10;
	v17 =	vadd.s32 v1, v21;
	v16 =	vld [tilespmem:s30+$0xFFFFFE00];
	[tilespmem:v22+s6+$0x0] =	vst.idx.msk $0xffff, v8  }
.LBB2_5:
0x7b: {  	v19 =	vld [tilespmem:s7+$0x180];
	s16 =	sadd.s32 $0x8, s16;
	v20 =	vadd.s32 v1, v10;
	[tilespmem:v15+s6+$0x0] =	vst.idx.msk $0xffff, v8  }
0x7c: {  	v21 =	vld [tilespmem:s7+$0xFFFFFE80];
	p1 =	slt.u32 s16, $0x18;
	v22 =	vadd.s32 v1, v9;
	[tilespmem:v14+s6+$0x0] =	vst.idx.msk $0xffff, v8  }
0x7d: {  	v23 =	vld [tilespmem:s7+$0xFFFFFF00];
	v24 =	vadd.s32 v1, v11;
	[tilespmem:v13+s6+$0x0] =	vst.idx.msk $0xffff, v8  }
.Ltmp3:
0x7e: {  	v10 =	vld [tilespmem:s7+$0xFFFFFF80];
	[tilespmem:v18+s6+$0x0] =	vst.idx.msk $0xffff, v8;
	v15 =	vadd.s32 v1, v12;
	(pc) =	sbr.rel @p1 .LBB2_5-.Ltmp3, $4  }
0x7f: {  	v9 =	vld [tilespmem:s7+$0x0];
	v14 =	vadd.s32 v1, v16;
	[tilespmem:v17+s6+$0x0] =	vst.idx.msk $0xffff, v8  }
0x80: {  	v11 =	vld [tilespmem:s7+$0x80];
	v13 =	vadd.s32 v1, v19;
	[tilespmem:v20+s6+$0x0] =	vst.idx.msk $0xffff, v8  }
0x81: {  	v18 =	vadd.s32 v1, v21;
	v12 =	vld [tilespmem:s7+$0x100];
	[tilespmem:v22+s6+$0x0] =	vst.idx.msk $0xffff, v8  }
0x82: {  	v16 =	vld [tilespmem:s7+$0xFFFFFE00];
	v17 =	vadd.s32 v1, v23;
	s7 =	sadd.s32 $0x400, s7;
	[tilespmem:v24+s6+$0x0] =	vst.idx.msk $0xffff, v8  }
0x83: {  	_ =	sdelay $0x3  }
0x84: {  	v10 =	vadd.s32 v1, v10;
	[tilespmem:v15+s6+$0x0] =	vst.idx.msk $0xffff, v8  }
0x85: {  	[tilespmem:v14+s6+$0x0] =	vst.idx.msk $0xffff, v8;
	v9 =	vadd.s32 v1, v9  }
0x86: {  	[tilespmem:v13+s6+$0x0] =	vst.idx.msk $0xffff, v8;
	v11 =	vadd.s32 v1, v11  }
0x87: {  	[tilespmem:v18+s6+$0x0] =	vst.idx.msk $0xffff, v8;
	v12 =	vadd.s32 v1, v12  }
0x88: {  	[tilespmem:v17+s6+$0x0] =	vst.idx.msk $0xffff, v8;
	v13 =	vadd.s32 v1, v16  }
0x89: {  	[tilespmem:v10+s6+$0x0] =	vst.idx.msk $0xffff, v8  }
0x8a: {  	[tilespmem:v9+s6+$0x0] =	vst.idx.msk $0xffff, v8  }
0x8b: {  	[tilespmem:v11+s6+$0x0] =	vst.idx.msk $0xffff, v8  }
0x8c: {  	[tilespmem:v12+s6+$0x0] =	vst.idx.msk $0xffff, v8  }
0x8d: {  	s7 =	simm.s32 $0x14220;
	[tilespmem:v13+s6+$0x0] =	vst.idx.msk $0xffff, v8  }
0x8e: {  	v12 =	vld [tilespmem:s7+$0x180]  }
0x8f: {  	v15 =	vld [tilespmem:s7+$0xFFFFFE80]  }
0x90: {  	p2 =	por $0x1, $0x1;
	v17 =	vld [tilespmem:s7+$0xFFFFFF00]  }
.Ltmp4:
0x91: {  	v13 =	vld [tilespmem:s7+$0xFFFFFF80];
	(pc) =	sbr.rel @!p2 .LBB2_7-.Ltmp4, $4  }
0x92: {  	v10 =	vld [tilespmem:s7+$0x0]  }
0x93: {  	v11 =	vld [tilespmem:s7+$0x80]  }
0x94: {  	v9 =	vld [tilespmem:s7+$0x100]  }
0x95: {  	p1 =	por $0x0, $0x0;
	v14 =	vadd.s32 v2, v12;
	v16 =	vadd.s32 v2, v15;
	v12 =	vld [tilespmem:s7+$0xFFFFFE00];
	v15 =	vadd.s32 v2, v17;
	s7 =	simm.s32 $0x14620  }
0x96: {  	_ = 	snop  }
0x97: {  	v18 =	vadd.s32 v2, v13  }
0x98: {  	v19 =	vld [tilespmem:s7+$0x180]  }
0x99: {  	v20 =	vld [tilespmem:s7+$0xFFFFFE80];
	v21 =	vadd.s32 v2, v10  }
0x9a: {  	v22 =	vld [tilespmem:s7+$0xFFFFFF00];
	[tilespmem:v14+s6+$0x0] =	vst.idx.msk $0xffff, v8;
	p4 =	por $0x1, $0x1;
	v23 =	vadd.s32 v2, v11  }
.Ltmp5:
0x9b: {  	v13 =	vld [tilespmem:s7+$0xFFFFFF80];
	[tilespmem:v16+s6+$0x0] =	vst.idx.msk $0xffff, v8;
	v17 =	vadd.s32 v2, v9;
	(pc) =	sbr.rel @!p4 .LBB2_10-.Ltmp5, $4  }
0x9c: {  	v10 =	vld [tilespmem:s7+$0x0];
	[tilespmem:v18+s6+$0x0] =	vst.idx.msk $0xffff, v8;
	v18 =	vadd.s32 v2, v12  }
0x9d: {  	[tilespmem:v15+s6+$0x0] =	vst.idx.msk $0xffff, v8;
	v11 =	vld [tilespmem:s7+$0x80];
	v14 =	vadd.s32 v2, v19  }
0x9e: {  	v9 =	vld [tilespmem:s7+$0x100];
	v16 =	vadd.s32 v2, v20;
	[tilespmem:v21+s6+$0x0] =	vst.idx.msk $0xffff, v8  }
0x9f: {  	s16 =	simm.s32 $0x8;
	p3 =	por $0x1, $0x1;
	v12 =	vld [tilespmem:s7+$0xFFFFFE00];
	v15 =	vadd.s32 v2, v22;
	s7 =	simm.s32 $0x14A20;
	[tilespmem:v23+s6+$0x0] =	vst.idx.msk $0xffff, v8  }
.LBB2_9:
0xa0: {  	v19 =	vld [tilespmem:s7+$0x180];
	s16 =	sadd.s32 $0x8, s16;
	v20 =	vadd.s32 v2, v13;
	[tilespmem:v17+s6+$0x0] =	vst.idx.msk $0xffff, v8  }
0xa1: {  	v21 =	vld [tilespmem:s7+$0xFFFFFE80];
	p4 =	slt.u32 s16, $0x18;
	v22 =	vadd.s32 v2, v10;
	[tilespmem:v18+s6+$0x0] =	vst.idx.msk $0xffff, v8  }
0xa2: {  	v23 =	vld [tilespmem:s7+$0xFFFFFF00];
	v24 =	vadd.s32 v2, v11;
	[tilespmem:v14+s6+$0x0] =	vst.idx.msk $0xffff, v8  }
.Ltmp6:
0xa3: {  	v13 =	vld [tilespmem:s7+$0xFFFFFF80];
	[tilespmem:v16+s6+$0x0] =	vst.idx.msk $0xffff, v8;
	v17 =	vadd.s32 v2, v9;
	(pc) =	sbr.rel @p4 .LBB2_9-.Ltmp6, $4  }
0xa4: {  	v10 =	vld [tilespmem:s7+$0x0];
	v18 =	vadd.s32 v2, v12;
	[tilespmem:v15+s6+$0x0] =	vst.idx.msk $0xffff, v8  }
0xa5: {  	v11 =	vld [tilespmem:s7+$0x80];
	v14 =	vadd.s32 v2, v19;
	[tilespmem:v20+s6+$0x0] =	vst.idx.msk $0xffff, v8  }
0xa6: {  	v16 =	vadd.s32 v2, v21;
	v9 =	vld [tilespmem:s7+$0x100];
	[tilespmem:v22+s6+$0x0] =	vst.idx.msk $0xffff, v8  }
0xa7: {  	v12 =	vld [tilespmem:s7+$0xFFFFFE00];
	v15 =	vadd.s32 v2, v23;
	s7 =	sadd.s32 $0x400, s7;
	[tilespmem:v24+s6+$0x0] =	vst.idx.msk $0xffff, v8  }
.LBB2_10:
0xa8: {  	_ =	sdelay $0x3  }
0xa9: {  	v13 =	vadd.s32 v2, v13;
	[tilespmem:v17+s6+$0x0] =	vst.idx.msk @p3 $0xffff, v8  }
0xaa: {  	[tilespmem:v18+s6+$0x0] =	vst.idx.msk @p3 $0xffff, v8;
	v10 =	vadd.s32 v2, v10  }
0xab: {  	[tilespmem:v14+s6+$0x0] =	vst.idx.msk $0xffff, v8;
	v11 =	vadd.s32 v2, v11  }
0xac: {  	[tilespmem:v16+s6+$0x0] =	vst.idx.msk $0xffff, v8;
	v9 =	vadd.s32 v2, v9  }
0xad: {  	[tilespmem:v15+s6+$0x0] =	vst.idx.msk $0xffff, v8;
	v12 =	vadd.s32 v2, v12  }
0xae: {  	[tilespmem:v13+s6+$0x0] =	vst.idx.msk $0xffff, v8  }
0xaf: {  	[tilespmem:v10+s6+$0x0] =	vst.idx.msk $0xffff, v8  }
0xb0: {  	[tilespmem:v11+s6+$0x0] =	vst.idx.msk $0xffff, v8  }
0xb1: {  	[tilespmem:v9+s6+$0x0] =	vst.idx.msk $0xffff, v8  }
0xb2: {  	s7 =	simm.s32 $0x14230;
	[tilespmem:v12+s6+$0x0] =	vst.idx.msk $0xffff, v8  }
0xb3: {  	v10 =	vld [tilespmem:s7+$0x180]  }
0xb4: {  	v15 =	vld [tilespmem:s7+$0xFFFFFE80]  }
0xb5: {  	v17 =	vld [tilespmem:s7+$0xFFFFFF00]  }
.Ltmp7:
0xb6: {  	v13 =	vld [tilespmem:s7+$0xFFFFFF80];
	(pc) =	sbr.rel @!p2 .LBB2_11-.Ltmp7, $4  }
0xb7: {  	v11 =	vld [tilespmem:s7+$0x0]  }
0xb8: {  	v12 =	vld [tilespmem:s7+$0x80]  }
0xb9: {  	v9 =	vld [tilespmem:s7+$0x100]  }
0xba: {  	v14 =	vadd.s32 v3, v10;
	v16 =	vadd.s32 v3, v15;
	v10 =	vld [tilespmem:s7+$0xFFFFFE00];
	v15 =	vadd.s32 v3, v17;
	s7 =	simm.s32 $0x14630  }
0xbb: {  	_ = 	snop  }
0xbc: {  	v18 =	vadd.s32 v3, v13  }
0xbd: {  	v19 =	vld [tilespmem:s7+$0x180]  }
0xbe: {  	v20 =	vld [tilespmem:s7+$0xFFFFFE80];
	v21 =	vadd.s32 v3, v11  }
0xbf: {  	v22 =	vld [tilespmem:s7+$0xFFFFFF00];
	[tilespmem:v14+s6+$0x0] =	vst.idx.msk $0xffff, v8;
	p2 =	por $0x1, $0x1;
	v23 =	vadd.s32 v3, v12  }
.Ltmp8:
0xc0: {  	v13 =	vld [tilespmem:s7+$0xFFFFFF80];
	[tilespmem:v16+s6+$0x0] =	vst.idx.msk $0xffff, v8;
	v17 =	vadd.s32 v3, v9;
	(pc) =	sbr.rel @!p2 .LBB2_14-.Ltmp8, $4  }
0xc1: {  	v11 =	vld [tilespmem:s7+$0x0];
	[tilespmem:v18+s6+$0x0] =	vst.idx.msk $0xffff, v8;
	v18 =	vadd.s32 v3, v10  }
0xc2: {  	[tilespmem:v15+s6+$0x0] =	vst.idx.msk $0xffff, v8;
	v12 =	vld [tilespmem:s7+$0x80];
	v14 =	vadd.s32 v3, v19  }
0xc3: {  	v9 =	vld [tilespmem:s7+$0x100];
	v16 =	vadd.s32 v3, v20;
	[tilespmem:v21+s6+$0x0] =	vst.idx.msk $0xffff, v8  }
0xc4: {  	s16 =	simm.s32 $0x8;
	p1 =	por $0x1, $0x1;
	v10 =	vld [tilespmem:s7+$0xFFFFFE00];
	v15 =	vadd.s32 v3, v22;
	s7 =	simm.s32 $0x14A30;
	[tilespmem:v23+s6+$0x0] =	vst.idx.msk $0xffff, v8  }
.LBB2_13:
0xc5: {  	v19 =	vld [tilespmem:s7+$0x180];
	s16 =	sadd.s32 $0x8, s16;
	v20 =	vadd.s32 v3, v13;
	[tilespmem:v17+s6+$0x0] =	vst.idx.msk $0xffff, v8  }
0xc6: {  	v21 =	vld [tilespmem:s7+$0xFFFFFE80];
	p2 =	slt.u32 s16, $0x18;
	v22 =	vadd.s32 v3, v11;
	[tilespmem:v18+s6+$0x0] =	vst.idx.msk $0xffff, v8  }
0xc7: {  	v23 =	vld [tilespmem:s7+$0xFFFFFF00];
	v24 =	vadd.s32 v3, v12;
	[tilespmem:v14+s6+$0x0] =	vst.idx.msk $0xffff, v8  }
.Ltmp9:
0xc8: {  	v13 =	vld [tilespmem:s7+$0xFFFFFF80];
	[tilespmem:v16+s6+$0x0] =	vst.idx.msk $0xffff, v8;
	v17 =	vadd.s32 v3, v9;
	(pc) =	sbr.rel @p2 .LBB2_13-.Ltmp9, $4  }
0xc9: {  	v11 =	vld [tilespmem:s7+$0x0];
	v18 =	vadd.s32 v3, v10;
	[tilespmem:v15+s6+$0x0] =	vst.idx.msk $0xffff, v8  }
0xca: {  	v12 =	vld [tilespmem:s7+$0x80];
	v14 =	vadd.s32 v3, v19;
	[tilespmem:v20+s6+$0x0] =	vst.idx.msk $0xffff, v8  }
0xcb: {  	v16 =	vadd.s32 v3, v21;
	v9 =	vld [tilespmem:s7+$0x100];
	[tilespmem:v22+s6+$0x0] =	vst.idx.msk $0xffff, v8  }
0xcc: {  	v10 =	vld [tilespmem:s7+$0xFFFFFE00];
	v15 =	vadd.s32 v3, v23;
	s7 =	sadd.s32 $0x400, s7;
	[tilespmem:v24+s6+$0x0] =	vst.idx.msk $0xffff, v8  }
.LBB2_14:
0xcd: {  	_ =	sdelay $0x3  }
0xce: {  	v13 =	vadd.s32 v3, v13;
	[tilespmem:v17+s6+$0x0] =	vst.idx.msk @p1 $0xffff, v8  }
0xcf: {  	[tilespmem:v18+s6+$0x0] =	vst.idx.msk @p1 $0xffff, v8;
	v11 =	vadd.s32 v3, v11  }
0xd0: {  	[tilespmem:v14+s6+$0x0] =	vst.idx.msk $0xffff, v8;
	v12 =	vadd.s32 v3, v12  }
0xd1: {  	[tilespmem:v16+s6+$0x0] =	vst.idx.msk $0xffff, v8;
	v9 =	vadd.s32 v3, v9  }
0xd2: {  	[tilespmem:v15+s6+$0x0] =	vst.idx.msk $0xffff, v8;
	v10 =	vadd.s32 v3, v10  }
0xd3: {  	[tilespmem:v13+s6+$0x0] =	vst.idx.msk $0xffff, v8  }
0xd4: {  	[tilespmem:v11+s6+$0x0] =	vst.idx.msk $0xffff, v8  }
0xd5: {  	[tilespmem:v12+s6+$0x0] =	vst.idx.msk $0xffff, v8  }
0xd6: {  	[tilespmem:v9+s6+$0x0] =	vst.idx.msk $0xffff, v8  }
0xd7: {  	s7 =	simm.s32 $0x14240;
	[tilespmem:v10+s6+$0x0] =	vst.idx.msk $0xffff, v8  }
0xd8: {  	v12 =	vld [tilespmem:s7+$0x180]  }
0xd9: {  	v15 =	vld [tilespmem:s7+$0xFFFFFE80]  }
0xda: {  	p2 =	por $0x1, $0x1;
	v17 =	vld [tilespmem:s7+$0xFFFFFF00]  }
.Ltmp10:
0xdb: {  	v13 =	vld [tilespmem:s7+$0xFFFFFF80];
	(pc) =	sbr.rel @!p2 .LBB2_15-.Ltmp10, $4  }
0xdc: {  	v10 =	vld [tilespmem:s7+$0x0]  }
0xdd: {  	v11 =	vld [tilespmem:s7+$0x80]  }
0xde: {  	v9 =	vld [tilespmem:s7+$0x100]  }
0xdf: {  	p1 =	por $0x0, $0x0;
	v14 =	vadd.s32 v4, v12;
	v16 =	vadd.s32 v4, v15;
	v12 =	vld [tilespmem:s7+$0xFFFFFE00];
	v15 =	vadd.s32 v4, v17;
	s7 =	simm.s32 $0x14640  }
0xe0: {  	_ = 	snop  }
0xe1: {  	v18 =	vadd.s32 v4, v13  }
0xe2: {  	v19 =	vld [tilespmem:s7+$0x180]  }
0xe3: {  	v20 =	vld [tilespmem:s7+$0xFFFFFE80];
	v21 =	vadd.s32 v4, v10  }
0xe4: {  	v22 =	vld [tilespmem:s7+$0xFFFFFF00];
	[tilespmem:v14+s6+$0x0] =	vst.idx.msk $0xffff, v8;
	p4 =	por $0x1, $0x1;
	v23 =	vadd.s32 v4, v11  }
.Ltmp11:
0xe5: {  	v13 =	vld [tilespmem:s7+$0xFFFFFF80];
	[tilespmem:v16+s6+$0x0] =	vst.idx.msk $0xffff, v8;
	v17 =	vadd.s32 v4, v9;
	(pc) =	sbr.rel @!p4 .LBB2_18-.Ltmp11, $4  }
0xe6: {  	v10 =	vld [tilespmem:s7+$0x0];
	[tilespmem:v18+s6+$0x0] =	vst.idx.msk $0xffff, v8;
	v18 =	vadd.s32 v4, v12  }
0xe7: {  	[tilespmem:v15+s6+$0x0] =	vst.idx.msk $0xffff, v8;
	v11 =	vld [tilespmem:s7+$0x80];
	v14 =	vadd.s32 v4, v19  }
0xe8: {  	v9 =	vld [tilespmem:s7+$0x100];
	v16 =	vadd.s32 v4, v20;
	[tilespmem:v21+s6+$0x0] =	vst.idx.msk $0xffff, v8  }
0xe9: {  	s16 =	simm.s32 $0x8;
	p3 =	por $0x1, $0x1;
	v12 =	vld [tilespmem:s7+$0xFFFFFE00];
	v15 =	vadd.s32 v4, v22;
	s7 =	simm.s32 $0x14A40;
	[tilespmem:v23+s6+$0x0] =	vst.idx.msk $0xffff, v8  }
.LBB2_17:
0xea: {  	v19 =	vld [tilespmem:s7+$0x180];
	s16 =	sadd.s32 $0x8, s16;
	v20 =	vadd.s32 v4, v13;
	[tilespmem:v17+s6+$0x0] =	vst.idx.msk $0xffff, v8  }
0xeb: {  	v21 =	vld [tilespmem:s7+$0xFFFFFE80];
	p4 =	slt.u32 s16, $0x18;
	v22 =	vadd.s32 v4, v10;
	[tilespmem:v18+s6+$0x0] =	vst.idx.msk $0xffff, v8  }
0xec: {  	v23 =	vld [tilespmem:s7+$0xFFFFFF00];
	v24 =	vadd.s32 v4, v11;
	[tilespmem:v14+s6+$0x0] =	vst.idx.msk $0xffff, v8  }
.Ltmp12:
0xed: {  	v13 =	vld [tilespmem:s7+$0xFFFFFF80];
	[tilespmem:v16+s6+$0x0] =	vst.idx.msk $0xffff, v8;
	v17 =	vadd.s32 v4, v9;
	(pc) =	sbr.rel @p4 .LBB2_17-.Ltmp12, $4  }
0xee: {  	v10 =	vld [tilespmem:s7+$0x0];
	v18 =	vadd.s32 v4, v12;
	[tilespmem:v15+s6+$0x0] =	vst.idx.msk $0xffff, v8  }
0xef: {  	v11 =	vld [tilespmem:s7+$0x80];
	v14 =	vadd.s32 v4, v19;
	[tilespmem:v20+s6+$0x0] =	vst.idx.msk $0xffff, v8  }
0xf0: {  	v16 =	vadd.s32 v4, v21;
	v9 =	vld [tilespmem:s7+$0x100];
	[tilespmem:v22+s6+$0x0] =	vst.idx.msk $0xffff, v8  }
0xf1: {  	v12 =	vld [tilespmem:s7+$0xFFFFFE00];
	v15 =	vadd.s32 v4, v23;
	s7 =	sadd.s32 $0x400, s7;
	[tilespmem:v24+s6+$0x0] =	vst.idx.msk $0xffff, v8  }
.LBB2_18:
0xf2: {  	_ =	sdelay $0x3  }
0xf3: {  	v13 =	vadd.s32 v4, v13;
	[tilespmem:v17+s6+$0x0] =	vst.idx.msk @p3 $0xffff, v8  }
0xf4: {  	[tilespmem:v18+s6+$0x0] =	vst.idx.msk @p3 $0xffff, v8;
	v10 =	vadd.s32 v4, v10  }
0xf5: {  	[tilespmem:v14+s6+$0x0] =	vst.idx.msk $0xffff, v8;
	v11 =	vadd.s32 v4, v11  }
0xf6: {  	[tilespmem:v16+s6+$0x0] =	vst.idx.msk $0xffff, v8;
	v9 =	vadd.s32 v4, v9  }
0xf7: {  	[tilespmem:v15+s6+$0x0] =	vst.idx.msk $0xffff, v8;
	v12 =	vadd.s32 v4, v12  }
0xf8: {  	[tilespmem:v13+s6+$0x0] =	vst.idx.msk $0xffff, v8  }
0xf9: {  	[tilespmem:v10+s6+$0x0] =	vst.idx.msk $0xffff, v8  }
0xfa: {  	[tilespmem:v11+s6+$0x0] =	vst.idx.msk $0xffff, v8  }
0xfb: {  	[tilespmem:v9+s6+$0x0] =	vst.idx.msk $0xffff, v8  }
0xfc: {  	s7 =	simm.s32 $0x14250;
	[tilespmem:v12+s6+$0x0] =	vst.idx.msk $0xffff, v8  }
0xfd: {  	v10 =	vld [tilespmem:s7+$0x180]  }
0xfe: {  	v15 =	vld [tilespmem:s7+$0xFFFFFE80]  }
0xff: {  	v17 =	vld [tilespmem:s7+$0xFFFFFF00]  }
.Ltmp13:
0x100: {  	v13 =	vld [tilespmem:s7+$0xFFFFFF80];
	(pc) =	sbr.rel @!p2 .LBB2_19-.Ltmp13, $4  }
0x101: {  	v11 =	vld [tilespmem:s7+$0x0]  }
0x102: {  	v12 =	vld [tilespmem:s7+$0x80]  }
0x103: {  	v9 =	vld [tilespmem:s7+$0x100]  }
0x104: {  	v14 =	vadd.s32 v5, v10;
	v16 =	vadd.s32 v5, v15;
	v10 =	vld [tilespmem:s7+$0xFFFFFE00];
	v15 =	vadd.s32 v5, v17;
	s7 =	simm.s32 $0x14650  }
0x105: {  	_ = 	snop  }
0x106: {  	v18 =	vadd.s32 v5, v13  }
0x107: {  	v19 =	vld [tilespmem:s7+$0x180]  }
0x108: {  	v20 =	vld [tilespmem:s7+$0xFFFFFE80];
	v21 =	vadd.s32 v5, v11  }
0x109: {  	v22 =	vld [tilespmem:s7+$0xFFFFFF00];
	[tilespmem:v14+s6+$0x0] =	vst.idx.msk $0xffff, v8;
	p2 =	por $0x1, $0x1;
	v23 =	vadd.s32 v5, v12  }
.Ltmp14:
0x10a: {  	v13 =	vld [tilespmem:s7+$0xFFFFFF80];
	[tilespmem:v16+s6+$0x0] =	vst.idx.msk $0xffff, v8;
	v17 =	vadd.s32 v5, v9;
	(pc) =	sbr.rel @!p2 .LBB2_22-.Ltmp14, $4  }
0x10b: {  	v11 =	vld [tilespmem:s7+$0x0];
	[tilespmem:v18+s6+$0x0] =	vst.idx.msk $0xffff, v8;
	v18 =	vadd.s32 v5, v10  }
0x10c: {  	[tilespmem:v15+s6+$0x0] =	vst.idx.msk $0xffff, v8;
	v12 =	vld [tilespmem:s7+$0x80];
	v14 =	vadd.s32 v5, v19  }
0x10d: {  	v9 =	vld [tilespmem:s7+$0x100];
	v16 =	vadd.s32 v5, v20;
	[tilespmem:v21+s6+$0x0] =	vst.idx.msk $0xffff, v8  }
0x10e: {  	s16 =	simm.s32 $0x8;
	p1 =	por $0x1, $0x1;
	v10 =	vld [tilespmem:s7+$0xFFFFFE00];
	v15 =	vadd.s32 v5, v22;
	s7 =	simm.s32 $0x14A50;
	[tilespmem:v23+s6+$0x0] =	vst.idx.msk $0xffff, v8  }
.LBB2_21:
0x10f: {  	v19 =	vld [tilespmem:s7+$0x180];
	s16 =	sadd.s32 $0x8, s16;
	v20 =	vadd.s32 v5, v13;
	[tilespmem:v17+s6+$0x0] =	vst.idx.msk $0xffff, v8  }
0x110: {  	v21 =	vld [tilespmem:s7+$0xFFFFFE80];
	p2 =	slt.u32 s16, $0x18;
	v22 =	vadd.s32 v5, v11;
	[tilespmem:v18+s6+$0x0] =	vst.idx.msk $0xffff, v8  }
0x111: {  	v23 =	vld [tilespmem:s7+$0xFFFFFF00];
	v24 =	vadd.s32 v5, v12;
	[tilespmem:v14+s6+$0x0] =	vst.idx.msk $0xffff, v8  }
.Ltmp15:
0x112: {  	v13 =	vld [tilespmem:s7+$0xFFFFFF80];
	[tilespmem:v16+s6+$0x0] =	vst.idx.msk $0xffff, v8;
	v17 =	vadd.s32 v5, v9;
	(pc) =	sbr.rel @p2 .LBB2_21-.Ltmp15, $4  }
0x113: {  	v11 =	vld [tilespmem:s7+$0x0];
	v18 =	vadd.s32 v5, v10;
	[tilespmem:v15+s6+$0x0] =	vst.idx.msk $0xffff, v8  }
0x114: {  	v12 =	vld [tilespmem:s7+$0x80];
	v14 =	vadd.s32 v5, v19;
	[tilespmem:v20+s6+$0x0] =	vst.idx.msk $0xffff, v8  }
0x115: {  	v16 =	vadd.s32 v5, v21;
	v9 =	vld [tilespmem:s7+$0x100];
	[tilespmem:v22+s6+$0x0] =	vst.idx.msk $0xffff, v8  }
0x116: {  	v10 =	vld [tilespmem:s7+$0xFFFFFE00];
	v15 =	vadd.s32 v5, v23;
	s7 =	sadd.s32 $0x400, s7;
	[tilespmem:v24+s6+$0x0] =	vst.idx.msk $0xffff, v8  }
.LBB2_22:
0x117: {  	_ =	sdelay $0x3  }
0x118: {  	v13 =	vadd.s32 v5, v13;
	[tilespmem:v17+s6+$0x0] =	vst.idx.msk @p1 $0xffff, v8  }
0x119: {  	[tilespmem:v18+s6+$0x0] =	vst.idx.msk @p1 $0xffff, v8;
	v11 =	vadd.s32 v5, v11  }
0x11a: {  	[tilespmem:v14+s6+$0x0] =	vst.idx.msk $0xffff, v8;
	v12 =	vadd.s32 v5, v12  }
0x11b: {  	[tilespmem:v16+s6+$0x0] =	vst.idx.msk $0xffff, v8;
	v9 =	vadd.s32 v5, v9  }
0x11c: {  	[tilespmem:v15+s6+$0x0] =	vst.idx.msk $0xffff, v8;
	v10 =	vadd.s32 v5, v10  }
0x11d: {  	[tilespmem:v13+s6+$0x0] =	vst.idx.msk $0xffff, v8  }
0x11e: {  	[tilespmem:v11+s6+$0x0] =	vst.idx.msk $0xffff, v8  }
0x11f: {  	[tilespmem:v12+s6+$0x0] =	vst.idx.msk $0xffff, v8  }
0x120: {  	[tilespmem:v9+s6+$0x0] =	vst.idx.msk $0xffff, v8  }
0x121: {  	s7 =	simm.s32 $0x14260;
	[tilespmem:v10+s6+$0x0] =	vst.idx.msk $0xffff, v8  }
0x122: {  	v12 =	vld [tilespmem:s7+$0x180]  }
0x123: {  	v15 =	vld [tilespmem:s7+$0xFFFFFE80]  }
0x124: {  	p2 =	por $0x1, $0x1;
	v17 =	vld [tilespmem:s7+$0xFFFFFF00]  }
.Ltmp16:
0x125: {  	v13 =	vld [tilespmem:s7+$0xFFFFFF80];
	(pc) =	sbr.rel @!p2 .LBB2_23-.Ltmp16, $4  }
0x126: {  	v10 =	vld [tilespmem:s7+$0x0]  }
0x127: {  	v11 =	vld [tilespmem:s7+$0x80]  }
0x128: {  	v9 =	vld [tilespmem:s7+$0x100]  }
0x129: {  	p1 =	por $0x0, $0x0;
	v14 =	vadd.s32 v6, v12;
	v16 =	vadd.s32 v6, v15;
	v12 =	vld [tilespmem:s7+$0xFFFFFE00];
	v15 =	vadd.s32 v6, v17;
	s7 =	simm.s32 $0x14660  }
0x12a: {  	_ = 	snop  }
0x12b: {  	v18 =	vadd.s32 v6, v13  }
0x12c: {  	v19 =	vld [tilespmem:s7+$0x180]  }
0x12d: {  	v20 =	vld [tilespmem:s7+$0xFFFFFE80];
	v21 =	vadd.s32 v6, v10  }
0x12e: {  	v22 =	vld [tilespmem:s7+$0xFFFFFF00];
	[tilespmem:v14+s6+$0x0] =	vst.idx.msk $0xffff, v8;
	p4 =	por $0x1, $0x1;
	v23 =	vadd.s32 v6, v11  }
.Ltmp17:
0x12f: {  	v13 =	vld [tilespmem:s7+$0xFFFFFF80];
	[tilespmem:v16+s6+$0x0] =	vst.idx.msk $0xffff, v8;
	v17 =	vadd.s32 v6, v9;
	(pc) =	sbr.rel @!p4 .LBB2_26-.Ltmp17, $4  }
0x130: {  	v10 =	vld [tilespmem:s7+$0x0];
	[tilespmem:v18+s6+$0x0] =	vst.idx.msk $0xffff, v8;
	v18 =	vadd.s32 v6, v12  }
0x131: {  	[tilespmem:v15+s6+$0x0] =	vst.idx.msk $0xffff, v8;
	v11 =	vld [tilespmem:s7+$0x80];
	v14 =	vadd.s32 v6, v19  }
0x132: {  	v9 =	vld [tilespmem:s7+$0x100];
	v16 =	vadd.s32 v6, v20;
	[tilespmem:v21+s6+$0x0] =	vst.idx.msk $0xffff, v8  }
0x133: {  	s16 =	simm.s32 $0x8;
	p3 =	por $0x1, $0x1;
	v12 =	vld [tilespmem:s7+$0xFFFFFE00];
	v15 =	vadd.s32 v6, v22;
	s7 =	simm.s32 $0x14A60;
	[tilespmem:v23+s6+$0x0] =	vst.idx.msk $0xffff, v8  }
.LBB2_25:
0x134: {  	v19 =	vld [tilespmem:s7+$0x180];
	s16 =	sadd.s32 $0x8, s16;
	v20 =	vadd.s32 v6, v13;
	[tilespmem:v17+s6+$0x0] =	vst.idx.msk $0xffff, v8  }
0x135: {  	v21 =	vld [tilespmem:s7+$0xFFFFFE80];
	p4 =	slt.u32 s16, $0x18;
	v22 =	vadd.s32 v6, v10;
	[tilespmem:v18+s6+$0x0] =	vst.idx.msk $0xffff, v8  }
0x136: {  	v23 =	vld [tilespmem:s7+$0xFFFFFF00];
	v24 =	vadd.s32 v6, v11;
	[tilespmem:v14+s6+$0x0] =	vst.idx.msk $0xffff, v8  }
.Ltmp18:
0x137: {  	v13 =	vld [tilespmem:s7+$0xFFFFFF80];
	[tilespmem:v16+s6+$0x0] =	vst.idx.msk $0xffff, v8;
	v17 =	vadd.s32 v6, v9;
	(pc) =	sbr.rel @p4 .LBB2_25-.Ltmp18, $4  }
0x138: {  	v10 =	vld [tilespmem:s7+$0x0];
	v18 =	vadd.s32 v6, v12;
	[tilespmem:v15+s6+$0x0] =	vst.idx.msk $0xffff, v8  }
0x139: {  	v11 =	vld [tilespmem:s7+$0x80];
	v14 =	vadd.s32 v6, v19;
	[tilespmem:v20+s6+$0x0] =	vst.idx.msk $0xffff, v8  }
0x13a: {  	v16 =	vadd.s32 v6, v21;
	v9 =	vld [tilespmem:s7+$0x100];
	[tilespmem:v22+s6+$0x0] =	vst.idx.msk $0xffff, v8  }
0x13b: {  	v12 =	vld [tilespmem:s7+$0xFFFFFE00];
	v15 =	vadd.s32 v6, v23;
	s7 =	sadd.s32 $0x400, s7;
	[tilespmem:v24+s6+$0x0] =	vst.idx.msk $0xffff, v8  }
.LBB2_26:
0x13c: {  	_ =	sdelay $0x3  }
0x13d: {  	v13 =	vadd.s32 v6, v13;
	[tilespmem:v17+s6+$0x0] =	vst.idx.msk @p3 $0xffff, v8  }
0x13e: {  	[tilespmem:v18+s6+$0x0] =	vst.idx.msk @p3 $0xffff, v8;
	v10 =	vadd.s32 v6, v10  }
0x13f: {  	[tilespmem:v14+s6+$0x0] =	vst.idx.msk $0xffff, v8;
	v11 =	vadd.s32 v6, v11  }
0x140: {  	[tilespmem:v16+s6+$0x0] =	vst.idx.msk $0xffff, v8;
	v9 =	vadd.s32 v6, v9  }
0x141: {  	[tilespmem:v15+s6+$0x0] =	vst.idx.msk $0xffff, v8;
	v12 =	vadd.s32 v6, v12  }
0x142: {  	[tilespmem:v13+s6+$0x0] =	vst.idx.msk $0xffff, v8  }
0x143: {  	[tilespmem:v10+s6+$0x0] =	vst.idx.msk $0xffff, v8  }
0x144: {  	[tilespmem:v11+s6+$0x0] =	vst.idx.msk $0xffff, v8  }
0x145: {  	[tilespmem:v9+s6+$0x0] =	vst.idx.msk $0xffff, v8  }
0x146: {  	s7 =	simm.s32 $0x14270;
	[tilespmem:v12+s6+$0x0] =	vst.idx.msk $0xffff, v8  }
0x147: {  	v10 =	vld [tilespmem:s7+$0x180]  }
0x148: {  	v15 =	vld [tilespmem:s7+$0xFFFFFE80]  }
0x149: {  	v17 =	vld [tilespmem:s7+$0xFFFFFF00]  }
.Ltmp19:
0x14a: {  	v13 =	vld [tilespmem:s7+$0xFFFFFF80];
	(pc) =	sbr.rel @!p2 .LBB2_27-.Ltmp19, $4  }
0x14b: {  	v11 =	vld [tilespmem:s7+$0x0]  }
0x14c: {  	v12 =	vld [tilespmem:s7+$0x80]  }
0x14d: {  	v9 =	vld [tilespmem:s7+$0x100]  }
0x14e: {  	v14 =	vadd.s32 v7, v10;
	v16 =	vadd.s32 v7, v15;
	v10 =	vld [tilespmem:s7+$0xFFFFFE00];
	v15 =	vadd.s32 v7, v17;
	s7 =	simm.s32 $0x14670  }
0x14f: {  	_ = 	snop  }
0x150: {  	v18 =	vadd.s32 v7, v13  }
0x151: {  	v19 =	vld [tilespmem:s7+$0x180]  }
0x152: {  	v20 =	vld [tilespmem:s7+$0xFFFFFE80];
	v21 =	vadd.s32 v7, v11  }
0x153: {  	v22 =	vld [tilespmem:s7+$0xFFFFFF00];
	[tilespmem:v14+s6+$0x0] =	vst.idx.msk $0xffff, v8;
	p2 =	por $0x1, $0x1;
	v23 =	vadd.s32 v7, v12  }
.Ltmp20:
0x154: {  	v13 =	vld [tilespmem:s7+$0xFFFFFF80];
	[tilespmem:v16+s6+$0x0] =	vst.idx.msk $0xffff, v8;
	v17 =	vadd.s32 v7, v9;
	(pc) =	sbr.rel @!p2 .LBB2_30-.Ltmp20, $4  }
0x155: {  	v11 =	vld [tilespmem:s7+$0x0];
	[tilespmem:v18+s6+$0x0] =	vst.idx.msk $0xffff, v8;
	v18 =	vadd.s32 v7, v10  }
0x156: {  	[tilespmem:v15+s6+$0x0] =	vst.idx.msk $0xffff, v8;
	v12 =	vld [tilespmem:s7+$0x80];
	v14 =	vadd.s32 v7, v19  }
0x157: {  	v9 =	vld [tilespmem:s7+$0x100];
	v16 =	vadd.s32 v7, v20;
	[tilespmem:v21+s6+$0x0] =	vst.idx.msk $0xffff, v8  }
0x158: {  	s16 =	simm.s32 $0x8;
	p1 =	por $0x1, $0x1;
	v10 =	vld [tilespmem:s7+$0xFFFFFE00];
	v15 =	vadd.s32 v7, v22;
	s7 =	simm.s32 $0x14A70;
	[tilespmem:v23+s6+$0x0] =	vst.idx.msk $0xffff, v8  }
.LBB2_29:
0x159: {  	v19 =	vld [tilespmem:s7+$0x180];
	s16 =	sadd.s32 $0x8, s16;
	v20 =	vadd.s32 v7, v13;
	[tilespmem:v17+s6+$0x0] =	vst.idx.msk $0xffff, v8  }
0x15a: {  	v21 =	vld [tilespmem:s7+$0xFFFFFE80];
	p2 =	slt.u32 s16, $0x18;
	v22 =	vadd.s32 v7, v11;
	[tilespmem:v18+s6+$0x0] =	vst.idx.msk $0xffff, v8  }
0x15b: {  	v23 =	vld [tilespmem:s7+$0xFFFFFF00];
	v24 =	vadd.s32 v7, v12;
	[tilespmem:v14+s6+$0x0] =	vst.idx.msk $0xffff, v8  }
.Ltmp21:
0x15c: {  	v13 =	vld [tilespmem:s7+$0xFFFFFF80];
	[tilespmem:v16+s6+$0x0] =	vst.idx.msk $0xffff, v8;
	v17 =	vadd.s32 v7, v9;
	(pc) =	sbr.rel @p2 .LBB2_29-.Ltmp21, $4  }
0x15d: {  	v11 =	vld [tilespmem:s7+$0x0];
	v18 =	vadd.s32 v7, v10;
	[tilespmem:v15+s6+$0x0] =	vst.idx.msk $0xffff, v8  }
0x15e: {  	v12 =	vld [tilespmem:s7+$0x80];
	v14 =	vadd.s32 v7, v19;
	[tilespmem:v20+s6+$0x0] =	vst.idx.msk $0xffff, v8  }
0x15f: {  	v16 =	vadd.s32 v7, v21;
	v9 =	vld [tilespmem:s7+$0x100];
	[tilespmem:v22+s6+$0x0] =	vst.idx.msk $0xffff, v8  }
0x160: {  	v10 =	vld [tilespmem:s7+$0xFFFFFE00];
	v15 =	vadd.s32 v7, v23;
	s7 =	sadd.s32 $0x400, s7;
	[tilespmem:v24+s6+$0x0] =	vst.idx.msk $0xffff, v8  }
.LBB2_30:
0x161: {  	_ =	sdelay $0x3  }
0x162: {  	v13 =	vadd.s32 v7, v13;
	[tilespmem:v17+s6+$0x0] =	vst.idx.msk @p1 $0xffff, v8  }
0x163: {  	[tilespmem:v18+s6+$0x0] =	vst.idx.msk @p1 $0xffff, v8;
	v11 =	vadd.s32 v7, v11  }
0x164: {  	[tilespmem:v14+s6+$0x0] =	vst.idx.msk $0xffff, v8;
	v12 =	vadd.s32 v7, v12  }
0x165: {  	[tilespmem:v16+s6+$0x0] =	vst.idx.msk $0xffff, v8;
	s7 =	sand.u32 $0x7, s14;
	v9 =	vadd.s32 v7, v9  }
0x166: {  	[tilespmem:v15+s6+$0x0] =	vst.idx.msk $0xffff, v8;
	s26 =	sshll.u32 s14, $0x4;
	s7 =	smul.u32 $0x320000, s7;
	v10 =	vadd.s32 v7, v10  }
0x167: {  	s16 =	sand.u32 $0x7FFFFC00, s26;
	[tilespmem:v13+s6+$0x0] =	vst.idx.msk $0xffff, v8  }
0x168: {  	s14 =	sand.u32 $0x380, s26;
	s7 =	sadd.s32 s16, s7;
	[tilespmem:v11+s6+$0x0] =	vst.idx.msk $0xffff, v8  }
0x169: {  	s7 =	sor.u32 s14, s7;
	[tilespmem:v12+s6+$0x0] =	vst.idx.msk $0xffff, v8  }
0x16a: {  	s14 =	sadd.s32 s9, s10;
	s7 =	sshrl.u32 s7, $0x3;
	[tilespmem:v9+s6+$0x0] =	vst.idx.msk $0xffff, v8  }
0x16b: {  	s30 =	sadd.s32 $0x1, s14;
	s7 =	sadd.s32 s4, s7;
	[tilespmem:v10+s6+$0x0] =	vst.idx.msk $0xffff, v8  }
0x16c: {  	[hbm4b:s7+s17] =	stream.strided.scatter [tilespmem:s6], [sflag:$0x6], $0x4000, s18, s17, $0x38;
	[tilespmem:$0x19080] =	vst v63  }
0x16d: {  	s16 =	sand.u32 $0x7, s30;
	s7 =	sshrl.u32 s30, $0x3  }
0x16e: {  	s23 =	smul.u32 $0x320000, s16;
	s26 =	sshll.u32 s7, $0x7  }
0x16f: {  	s16 =	sshll.u32 s16, $0xA;
	s30 =	sand.u32 $0xFFFFFC00, s26  }
0x170: {  	s26 =	sand.u32 $0x380, s26;
	s23 =	sadd.s32 s23, s30;
	s30 =	simm.s32 @!p0 $0x8  }
0x171: {  	s7 =	sshll.u32 s7, $0xF;
	_ =	swait.ge @!p0 [sflag:s30], $0x4000;
	s23 =	sor.u32 s26, s23  }
0x172: {  	s7 =	sor.u32 s16, s7;
	[sflag:s30] =	ssyncset.done @!p0 $0x0;
	s23 =	sshrl.u32 s23, $0x3  }
0x173: {  	s7 =	sshrl.u32 s7, $0x3;
	[sflag:s30] =	ssyncadd.s32 @!p0 $0xFFFFC000;
	s23 =	sadd.s32 s1, s23  }
0x174: {  	[tilespmem:s25], [sflag:$0x3] =	stream.strided.gather [hbm4b:s23+s17], $0x4000, s18, s17, $0x38;
	[tilespmem:$0x19080] =	vst v63  }
0x175: {  	s7 =	sadd.s32 s2, s7;
	s23 =	simm.s32 $0x16000  }
0x176: {  	[tilespmem:s23], [sflag:$0x3] =	stream.strided.gather [hbm4b:s7+s19], $0x1000, s20, s19, $0x38;
	[tilespmem:$0x19080] =	vst v63  }
0x177: {  	_ =	swait.ge [sflag:s28], $0x4000  }
0x178: {  	[sflag:s28] =	ssyncset.done $0x0  }
0x179: {  	[sflag:s28] =	ssyncadd.s32 $0xFFFFC000  }
0x17a: {  	_ =	swait.ge [sflag:s28], $0x1000  }
0x17b: {  	[sflag:s28] =	ssyncset.done $0x0  }
0x17c: {  	s26 =	simm.s32 $0x15200;
	[sflag:s28] =	ssyncadd.s32 $0xFFFFF000  }
0x17d: {  	v9 =	vld [tilespmem:s26+$0x180]  }
0x17e: {  	v10 =	vld [tilespmem:s26+$0xFFFFFE80]  }
0x17f: {  	v11 =	vld [tilespmem:s26+$0xFFFFFF00]  }
0x180: {  	v12 =	vld [tilespmem:s26+$0xFFFFFF80]  }
0x181: {  	v13 =	vld [tilespmem:s26+$0x0]  }
0x182: {  	v14 =	vld [tilespmem:s26+$0x80];
	v9 =	vadd.s32 v0, v9  }
0x183: {  	v16 =	vld [tilespmem:s26+$0x100];
	v15 =	vadd.s32 v0, v10  }
0x184: {  	s30 =	simm.s32 $0x15600;
	v17 =	vld [tilespmem:s26+$0xFFFFFE00];
	v11 =	vadd.s32 v0, v11  }
0x185: {  	v18 =	vld [tilespmem:s30+$0x180];
	v12 =	vadd.s32 v0, v12  }
0x186: {  	v19 =	vld [tilespmem:s30+$0xFFFFFE80];
	v20 =	vadd.s32 v0, v13  }
0x187: {  	v21 =	vld [tilespmem:s30+$0xFFFFFF00];
	v22 =	vadd.s32 v0, v14;
	[tilespmem:v9+s22+$0x0] =	vst.idx.msk $0xffff, v8  }
0x188: {  	v10 =	vld [tilespmem:s30+$0xFFFFFF80];
	[tilespmem:v15+s22+$0x0] =	vst.idx.msk $0xffff, v8;
	v15 =	vadd.s32 v0, v16  }
0x189: {  	v14 =	vadd.s32 v0, v17;
	v9 =	vld [tilespmem:s30+$0x0];
	[tilespmem:v11+s22+$0x0] =	vst.idx.msk $0xffff, v8  }
0x18a: {  	v13 =	vadd.s32 v0, v18;
	v11 =	vld [tilespmem:s30+$0x80];
	[tilespmem:v12+s22+$0x0] =	vst.idx.msk $0xffff, v8  }
0x18b: {  	v18 =	vadd.s32 v0, v19;
	v12 =	vld [tilespmem:s30+$0x100];
	[tilespmem:v20+s22+$0x0] =	vst.idx.msk $0xffff, v8  }
0x18c: {  	s16 =	simm.s32 $0x8;
	s7 =	simm.s32 $0x15A00;
	v17 =	vadd.s32 v0, v21;
	v16 =	vld [tilespmem:s30+$0xFFFFFE00];
	[tilespmem:v22+s22+$0x0] =	vst.idx.msk $0xffff, v8  }
.LBB2_31:
0x18d: {  	v19 =	vld [tilespmem:s7+$0x180];
	s16 =	sadd.s32 $0x8, s16;
	v20 =	vadd.s32 v0, v10;
	[tilespmem:v15+s22+$0x0] =	vst.idx.msk $0xffff, v8  }
0x18e: {  	v21 =	vld [tilespmem:s7+$0xFFFFFE80];
	p1 =	slt.u32 s16, $0x18;
	v22 =	vadd.s32 v0, v9;
	[tilespmem:v14+s22+$0x0] =	vst.idx.msk $0xffff, v8  }
0x18f: {  	v23 =	vld [tilespmem:s7+$0xFFFFFF00];
	v24 =	vadd.s32 v0, v11;
	[tilespmem:v13+s22+$0x0] =	vst.idx.msk $0xffff, v8  }
.Ltmp22:
0x190: {  	v10 =	vld [tilespmem:s7+$0xFFFFFF80];
	[tilespmem:v18+s22+$0x0] =	vst.idx.msk $0xffff, v8;
	v15 =	vadd.s32 v0, v12;
	(pc) =	sbr.rel @p1 .LBB2_31-.Ltmp22, $4  }
0x191: {  	v9 =	vld [tilespmem:s7+$0x0];
	v14 =	vadd.s32 v0, v16;
	[tilespmem:v17+s22+$0x0] =	vst.idx.msk $0xffff, v8  }
0x192: {  	v11 =	vld [tilespmem:s7+$0x80];
	v13 =	vadd.s32 v0, v19;
	[tilespmem:v20+s22+$0x0] =	vst.idx.msk $0xffff, v8  }
0x193: {  	v18 =	vadd.s32 v0, v21;
	v12 =	vld [tilespmem:s7+$0x100];
	[tilespmem:v22+s22+$0x0] =	vst.idx.msk $0xffff, v8  }
0x194: {  	v16 =	vld [tilespmem:s7+$0xFFFFFE00];
	v17 =	vadd.s32 v0, v23;
	s7 =	sadd.s32 $0x400, s7;
	[tilespmem:v24+s22+$0x0] =	vst.idx.msk $0xffff, v8  }
0x195: {  	_ =	sdelay $0x3  }
0x196: {  	v10 =	vadd.s32 v0, v10;
	[tilespmem:v15+s22+$0x0] =	vst.idx.msk $0xffff, v8  }
0x197: {  	[tilespmem:v14+s22+$0x0] =	vst.idx.msk $0xffff, v8;
	v9 =	vadd.s32 v0, v9  }
0x198: {  	[tilespmem:v13+s22+$0x0] =	vst.idx.msk $0xffff, v8;
	v11 =	vadd.s32 v0, v11  }
0x199: {  	[tilespmem:v18+s22+$0x0] =	vst.idx.msk $0xffff, v8;
	v12 =	vadd.s32 v0, v12  }
0x19a: {  	[tilespmem:v17+s22+$0x0] =	vst.idx.msk $0xffff, v8;
	v13 =	vadd.s32 v0, v16  }
0x19b: {  	[tilespmem:v10+s22+$0x0] =	vst.idx.msk $0xffff, v8  }
0x19c: {  	[tilespmem:v9+s22+$0x0] =	vst.idx.msk $0xffff, v8  }
0x19d: {  	[tilespmem:v11+s22+$0x0] =	vst.idx.msk $0xffff, v8  }
0x19e: {  	[tilespmem:v12+s22+$0x0] =	vst.idx.msk $0xffff, v8  }
0x19f: {  	s7 =	simm.s32 $0x15210;
	[tilespmem:v13+s22+$0x0] =	vst.idx.msk $0xffff, v8  }
0x1a0: {  	v9 =	vld [tilespmem:s7+$0x180]  }
0x1a1: {  	v10 =	vld [tilespmem:s7+$0xFFFFFE80]  }
0x1a2: {  	v11 =	vld [tilespmem:s7+$0xFFFFFF00]  }
0x1a3: {  	v12 =	vld [tilespmem:s7+$0xFFFFFF80]  }
0x1a4: {  	v13 =	vld [tilespmem:s7+$0x0]  }
0x1a5: {  	v14 =	vld [tilespmem:s7+$0x80];
	v9 =	vadd.s32 v1, v9  }
0x1a6: {  	v16 =	vld [tilespmem:s7+$0x100];
	v15 =	vadd.s32 v1, v10  }
0x1a7: {  	s30 =	simm.s32 $0x15610;
	v17 =	vld [tilespmem:s7+$0xFFFFFE00];
	v11 =	vadd.s32 v1, v11  }
0x1a8: {  	v18 =	vld [tilespmem:s30+$0x180];
	v12 =	vadd.s32 v1, v12  }
0x1a9: {  	v19 =	vld [tilespmem:s30+$0xFFFFFE80];
	v20 =	vadd.s32 v1, v13  }
0x1aa: {  	v21 =	vld [tilespmem:s30+$0xFFFFFF00];
	v22 =	vadd.s32 v1, v14;
	[tilespmem:v9+s22+$0x0] =	vst.idx.msk $0xffff, v8  }
0x1ab: {  	v10 =	vld [tilespmem:s30+$0xFFFFFF80];
	[tilespmem:v15+s22+$0x0] =	vst.idx.msk $0xffff, v8;
	v15 =	vadd.s32 v1, v16  }
0x1ac: {  	v14 =	vadd.s32 v1, v17;
	v9 =	vld [tilespmem:s30+$0x0];
	[tilespmem:v11+s22+$0x0] =	vst.idx.msk $0xffff, v8  }
0x1ad: {  	v13 =	vadd.s32 v1, v18;
	v11 =	vld [tilespmem:s30+$0x80];
	[tilespmem:v12+s22+$0x0] =	vst.idx.msk $0xffff, v8  }
0x1ae: {  	v18 =	vadd.s32 v1, v19;
	v12 =	vld [tilespmem:s30+$0x100];
	[tilespmem:v20+s22+$0x0] =	vst.idx.msk $0xffff, v8  }
0x1af: {  	s16 =	simm.s32 $0x8;
	s7 =	simm.s32 $0x15A10;
	v17 =	vadd.s32 v1, v21;
	v16 =	vld [tilespmem:s30+$0xFFFFFE00];
	[tilespmem:v22+s22+$0x0] =	vst.idx.msk $0xffff, v8  }
.LBB2_33:
0x1b0: {  	v19 =	vld [tilespmem:s7+$0x180];
	s16 =	sadd.s32 $0x8, s16;
	v20 =	vadd.s32 v1, v10;
	[tilespmem:v15+s22+$0x0] =	vst.idx.msk $0xffff, v8  }
0x1b1: {  	v21 =	vld [tilespmem:s7+$0xFFFFFE80];
	p1 =	slt.u32 s16, $0x18;
	v22 =	vadd.s32 v1, v9;
	[tilespmem:v14+s22+$0x0] =	vst.idx.msk $0xffff, v8  }
0x1b2: {  	v23 =	vld [tilespmem:s7+$0xFFFFFF00];
	v24 =	vadd.s32 v1, v11;
	[tilespmem:v13+s22+$0x0] =	vst.idx.msk $0xffff, v8  }
.Ltmp23:
0x1b3: {  	v10 =	vld [tilespmem:s7+$0xFFFFFF80];
	[tilespmem:v18+s22+$0x0] =	vst.idx.msk $0xffff, v8;
	v15 =	vadd.s32 v1, v12;
	(pc) =	sbr.rel @p1 .LBB2_33-.Ltmp23, $4  }
0x1b4: {  	v9 =	vld [tilespmem:s7+$0x0];
	v14 =	vadd.s32 v1, v16;
	[tilespmem:v17+s22+$0x0] =	vst.idx.msk $0xffff, v8  }
0x1b5: {  	v11 =	vld [tilespmem:s7+$0x80];
	v13 =	vadd.s32 v1, v19;
	[tilespmem:v20+s22+$0x0] =	vst.idx.msk $0xffff, v8  }
0x1b6: {  	v18 =	vadd.s32 v1, v21;
	v12 =	vld [tilespmem:s7+$0x100];
	[tilespmem:v22+s22+$0x0] =	vst.idx.msk $0xffff, v8  }
0x1b7: {  	v16 =	vld [tilespmem:s7+$0xFFFFFE00];
	v17 =	vadd.s32 v1, v23;
	s7 =	sadd.s32 $0x400, s7;
	[tilespmem:v24+s22+$0x0] =	vst.idx.msk $0xffff, v8  }
0x1b8: {  	_ =	sdelay $0x3  }
0x1b9: {  	v10 =	vadd.s32 v1, v10;
	[tilespmem:v15+s22+$0x0] =	vst.idx.msk $0xffff, v8  }
0x1ba: {  	[tilespmem:v14+s22+$0x0] =	vst.idx.msk $0xffff, v8;
	v9 =	vadd.s32 v1, v9  }
0x1bb: {  	[tilespmem:v13+s22+$0x0] =	vst.idx.msk $0xffff, v8;
	v11 =	vadd.s32 v1, v11  }
0x1bc: {  	[tilespmem:v18+s22+$0x0] =	vst.idx.msk $0xffff, v8;
	v12 =	vadd.s32 v1, v12  }
0x1bd: {  	[tilespmem:v17+s22+$0x0] =	vst.idx.msk $0xffff, v8;
	v13 =	vadd.s32 v1, v16  }
0x1be: {  	[tilespmem:v10+s22+$0x0] =	vst.idx.msk $0xffff, v8  }
0x1bf: {  	[tilespmem:v9+s22+$0x0] =	vst.idx.msk $0xffff, v8  }
0x1c0: {  	[tilespmem:v11+s22+$0x0] =	vst.idx.msk $0xffff, v8  }
0x1c1: {  	[tilespmem:v12+s22+$0x0] =	vst.idx.msk $0xffff, v8  }
0x1c2: {  	s7 =	simm.s32 $0x15220;
	[tilespmem:v13+s22+$0x0] =	vst.idx.msk $0xffff, v8  }
0x1c3: {  	v12 =	vld [tilespmem:s7+$0x180]  }
0x1c4: {  	v15 =	vld [tilespmem:s7+$0xFFFFFE80]  }
0x1c5: {  	p2 =	por $0x1, $0x1;
	v17 =	vld [tilespmem:s7+$0xFFFFFF00]  }
.Ltmp24:
0x1c6: {  	v13 =	vld [tilespmem:s7+$0xFFFFFF80];
	(pc) =	sbr.rel @!p2 .LBB2_35-.Ltmp24, $4  }
0x1c7: {  	v10 =	vld [tilespmem:s7+$0x0]  }
0x1c8: {  	v11 =	vld [tilespmem:s7+$0x80]  }
0x1c9: {  	v9 =	vld [tilespmem:s7+$0x100]  }
0x1ca: {  	p1 =	por $0x0, $0x0;
	v14 =	vadd.s32 v2, v12;
	v16 =	vadd.s32 v2, v15;
	v12 =	vld [tilespmem:s7+$0xFFFFFE00];
	v15 =	vadd.s32 v2, v17;
	s7 =	simm.s32 $0x15620  }
0x1cb: {  	_ = 	snop  }
0x1cc: {  	v18 =	vadd.s32 v2, v13  }
0x1cd: {  	v19 =	vld [tilespmem:s7+$0x180]  }
0x1ce: {  	v20 =	vld [tilespmem:s7+$0xFFFFFE80];
	v21 =	vadd.s32 v2, v10  }
0x1cf: {  	v22 =	vld [tilespmem:s7+$0xFFFFFF00];
	[tilespmem:v14+s22+$0x0] =	vst.idx.msk $0xffff, v8;
	p4 =	por $0x1, $0x1;
	v23 =	vadd.s32 v2, v11  }
.Ltmp25:
0x1d0: {  	v13 =	vld [tilespmem:s7+$0xFFFFFF80];
	[tilespmem:v16+s22+$0x0] =	vst.idx.msk $0xffff, v8;
	v17 =	vadd.s32 v2, v9;
	(pc) =	sbr.rel @!p4 .LBB2_38-.Ltmp25, $4  }
0x1d1: {  	v10 =	vld [tilespmem:s7+$0x0];
	[tilespmem:v18+s22+$0x0] =	vst.idx.msk $0xffff, v8;
	v18 =	vadd.s32 v2, v12  }
0x1d2: {  	[tilespmem:v15+s22+$0x0] =	vst.idx.msk $0xffff, v8;
	v11 =	vld [tilespmem:s7+$0x80];
	v14 =	vadd.s32 v2, v19  }
0x1d3: {  	v9 =	vld [tilespmem:s7+$0x100];
	v16 =	vadd.s32 v2, v20;
	[tilespmem:v21+s22+$0x0] =	vst.idx.msk $0xffff, v8  }
0x1d4: {  	s16 =	simm.s32 $0x8;
	p3 =	por $0x1, $0x1;
	v12 =	vld [tilespmem:s7+$0xFFFFFE00];
	v15 =	vadd.s32 v2, v22;
	s7 =	simm.s32 $0x15A20;
	[tilespmem:v23+s22+$0x0] =	vst.idx.msk $0xffff, v8  }
.LBB2_37:
0x1d5: {  	v19 =	vld [tilespmem:s7+$0x180];
	s16 =	sadd.s32 $0x8, s16;
	v20 =	vadd.s32 v2, v13;
	[tilespmem:v17+s22+$0x0] =	vst.idx.msk $0xffff, v8  }
0x1d6: {  	v21 =	vld [tilespmem:s7+$0xFFFFFE80];
	p4 =	slt.u32 s16, $0x18;
	v22 =	vadd.s32 v2, v10;
	[tilespmem:v18+s22+$0x0] =	vst.idx.msk $0xffff, v8  }
0x1d7: {  	v23 =	vld [tilespmem:s7+$0xFFFFFF00];
	v24 =	vadd.s32 v2, v11;
	[tilespmem:v14+s22+$0x0] =	vst.idx.msk $0xffff, v8  }
.Ltmp26:
0x1d8: {  	v13 =	vld [tilespmem:s7+$0xFFFFFF80];
	[tilespmem:v16+s22+$0x0] =	vst.idx.msk $0xffff, v8;
	v17 =	vadd.s32 v2, v9;
	(pc) =	sbr.rel @p4 .LBB2_37-.Ltmp26, $4  }
0x1d9: {  	v10 =	vld [tilespmem:s7+$0x0];
	v18 =	vadd.s32 v2, v12;
	[tilespmem:v15+s22+$0x0] =	vst.idx.msk $0xffff, v8  }
0x1da: {  	v11 =	vld [tilespmem:s7+$0x80];
	v14 =	vadd.s32 v2, v19;
	[tilespmem:v20+s22+$0x0] =	vst.idx.msk $0xffff, v8  }
0x1db: {  	v16 =	vadd.s32 v2, v21;
	v9 =	vld [tilespmem:s7+$0x100];
	[tilespmem:v22+s22+$0x0] =	vst.idx.msk $0xffff, v8  }
0x1dc: {  	v12 =	vld [tilespmem:s7+$0xFFFFFE00];
	v15 =	vadd.s32 v2, v23;
	s7 =	sadd.s32 $0x400, s7;
	[tilespmem:v24+s22+$0x0] =	vst.idx.msk $0xffff, v8  }
.LBB2_38:
0x1dd: {  	_ =	sdelay $0x3  }
0x1de: {  	v13 =	vadd.s32 v2, v13;
	[tilespmem:v17+s22+$0x0] =	vst.idx.msk @p3 $0xffff, v8  }
0x1df: {  	[tilespmem:v18+s22+$0x0] =	vst.idx.msk @p3 $0xffff, v8;
	v10 =	vadd.s32 v2, v10  }
0x1e0: {  	[tilespmem:v14+s22+$0x0] =	vst.idx.msk $0xffff, v8;
	v11 =	vadd.s32 v2, v11  }
0x1e1: {  	[tilespmem:v16+s22+$0x0] =	vst.idx.msk $0xffff, v8;
	v9 =	vadd.s32 v2, v9  }
0x1e2: {  	[tilespmem:v15+s22+$0x0] =	vst.idx.msk $0xffff, v8;
	v12 =	vadd.s32 v2, v12  }
0x1e3: {  	[tilespmem:v13+s22+$0x0] =	vst.idx.msk $0xffff, v8  }
0x1e4: {  	[tilespmem:v10+s22+$0x0] =	vst.idx.msk $0xffff, v8  }
0x1e5: {  	[tilespmem:v11+s22+$0x0] =	vst.idx.msk $0xffff, v8  }
0x1e6: {  	[tilespmem:v9+s22+$0x0] =	vst.idx.msk $0xffff, v8  }
0x1e7: {  	s7 =	simm.s32 $0x15230;
	[tilespmem:v12+s22+$0x0] =	vst.idx.msk $0xffff, v8  }
0x1e8: {  	v10 =	vld [tilespmem:s7+$0x180]  }
0x1e9: {  	v15 =	vld [tilespmem:s7+$0xFFFFFE80]  }
0x1ea: {  	v17 =	vld [tilespmem:s7+$0xFFFFFF00]  }
.Ltmp27:
0x1eb: {  	v13 =	vld [tilespmem:s7+$0xFFFFFF80];
	(pc) =	sbr.rel @!p2 .LBB2_39-.Ltmp27, $4  }
0x1ec: {  	v11 =	vld [tilespmem:s7+$0x0]  }
0x1ed: {  	v12 =	vld [tilespmem:s7+$0x80]  }
0x1ee: {  	v9 =	vld [tilespmem:s7+$0x100]  }
0x1ef: {  	v14 =	vadd.s32 v3, v10;
	v16 =	vadd.s32 v3, v15;
	v10 =	vld [tilespmem:s7+$0xFFFFFE00];
	v15 =	vadd.s32 v3, v17;
	s7 =	simm.s32 $0x15630  }
0x1f0: {  	_ = 	snop  }
0x1f1: {  	v18 =	vadd.s32 v3, v13  }
0x1f2: {  	v19 =	vld [tilespmem:s7+$0x180]  }
0x1f3: {  	v20 =	vld [tilespmem:s7+$0xFFFFFE80];
	v21 =	vadd.s32 v3, v11  }
0x1f4: {  	v22 =	vld [tilespmem:s7+$0xFFFFFF00];
	[tilespmem:v14+s22+$0x0] =	vst.idx.msk $0xffff, v8;
	p2 =	por $0x1, $0x1;
	v23 =	vadd.s32 v3, v12  }
.Ltmp28:
0x1f5: {  	v13 =	vld [tilespmem:s7+$0xFFFFFF80];
	[tilespmem:v16+s22+$0x0] =	vst.idx.msk $0xffff, v8;
	v17 =	vadd.s32 v3, v9;
	(pc) =	sbr.rel @!p2 .LBB2_42-.Ltmp28, $4  }
0x1f6: {  	v11 =	vld [tilespmem:s7+$0x0];
	[tilespmem:v18+s22+$0x0] =	vst.idx.msk $0xffff, v8;
	v18 =	vadd.s32 v3, v10  }
0x1f7: {  	[tilespmem:v15+s22+$0x0] =	vst.idx.msk $0xffff, v8;
	v12 =	vld [tilespmem:s7+$0x80];
	v14 =	vadd.s32 v3, v19  }
0x1f8: {  	v9 =	vld [tilespmem:s7+$0x100];
	v16 =	vadd.s32 v3, v20;
	[tilespmem:v21+s22+$0x0] =	vst.idx.msk $0xffff, v8  }
0x1f9: {  	s16 =	simm.s32 $0x8;
	p1 =	por $0x1, $0x1;
	v10 =	vld [tilespmem:s7+$0xFFFFFE00];
	v15 =	vadd.s32 v3, v22;
	s7 =	simm.s32 $0x15A30;
	[tilespmem:v23+s22+$0x0] =	vst.idx.msk $0xffff, v8  }
.LBB2_41:
0x1fa: {  	v19 =	vld [tilespmem:s7+$0x180];
	s16 =	sadd.s32 $0x8, s16;
	v20 =	vadd.s32 v3, v13;
	[tilespmem:v17+s22+$0x0] =	vst.idx.msk $0xffff, v8  }
0x1fb: {  	v21 =	vld [tilespmem:s7+$0xFFFFFE80];
	p2 =	slt.u32 s16, $0x18;
	v22 =	vadd.s32 v3, v11;
	[tilespmem:v18+s22+$0x0] =	vst.idx.msk $0xffff, v8  }
0x1fc: {  	v23 =	vld [tilespmem:s7+$0xFFFFFF00];
	v24 =	vadd.s32 v3, v12;
	[tilespmem:v14+s22+$0x0] =	vst.idx.msk $0xffff, v8  }
.Ltmp29:
0x1fd: {  	v13 =	vld [tilespmem:s7+$0xFFFFFF80];
	[tilespmem:v16+s22+$0x0] =	vst.idx.msk $0xffff, v8;
	v17 =	vadd.s32 v3, v9;
	(pc) =	sbr.rel @p2 .LBB2_41-.Ltmp29, $4  }
0x1fe: {  	v11 =	vld [tilespmem:s7+$0x0];
	v18 =	vadd.s32 v3, v10;
	[tilespmem:v15+s22+$0x0] =	vst.idx.msk $0xffff, v8  }
0x1ff: {  	v12 =	vld [tilespmem:s7+$0x80];
	v14 =	vadd.s32 v3, v19;
	[tilespmem:v20+s22+$0x0] =	vst.idx.msk $0xffff, v8  }
0x200: {  	v16 =	vadd.s32 v3, v21;
	v9 =	vld [tilespmem:s7+$0x100];
	[tilespmem:v22+s22+$0x0] =	vst.idx.msk $0xffff, v8  }
0x201: {  	v10 =	vld [tilespmem:s7+$0xFFFFFE00];
	v15 =	vadd.s32 v3, v23;
	s7 =	sadd.s32 $0x400, s7;
	[tilespmem:v24+s22+$0x0] =	vst.idx.msk $0xffff, v8  }
.LBB2_42:
0x202: {  	_ =	sdelay $0x3  }
0x203: {  	v13 =	vadd.s32 v3, v13;
	[tilespmem:v17+s22+$0x0] =	vst.idx.msk @p1 $0xffff, v8  }
0x204: {  	[tilespmem:v18+s22+$0x0] =	vst.idx.msk @p1 $0xffff, v8;
	v11 =	vadd.s32 v3, v11  }
0x205: {  	[tilespmem:v14+s22+$0x0] =	vst.idx.msk $0xffff, v8;
	v12 =	vadd.s32 v3, v12  }
0x206: {  	[tilespmem:v16+s22+$0x0] =	vst.idx.msk $0xffff, v8;
	v9 =	vadd.s32 v3, v9  }
0x207: {  	[tilespmem:v15+s22+$0x0] =	vst.idx.msk $0xffff, v8;
	v10 =	vadd.s32 v3, v10  }
0x208: {  	[tilespmem:v13+s22+$0x0] =	vst.idx.msk $0xffff, v8  }
0x209: {  	[tilespmem:v11+s22+$0x0] =	vst.idx.msk $0xffff, v8  }
0x20a: {  	[tilespmem:v12+s22+$0x0] =	vst.idx.msk $0xffff, v8  }
0x20b: {  	[tilespmem:v9+s22+$0x0] =	vst.idx.msk $0xffff, v8  }
0x20c: {  	s7 =	simm.s32 $0x15240;
	[tilespmem:v10+s22+$0x0] =	vst.idx.msk $0xffff, v8  }
0x20d: {  	v12 =	vld [tilespmem:s7+$0x180]  }
0x20e: {  	v15 =	vld [tilespmem:s7+$0xFFFFFE80]  }
0x20f: {  	p2 =	por $0x1, $0x1;
	v17 =	vld [tilespmem:s7+$0xFFFFFF00]  }
.Ltmp30:
0x210: {  	v13 =	vld [tilespmem:s7+$0xFFFFFF80];
	(pc) =	sbr.rel @!p2 .LBB2_43-.Ltmp30, $4  }
0x211: {  	v10 =	vld [tilespmem:s7+$0x0]  }
0x212: {  	v11 =	vld [tilespmem:s7+$0x80]  }
0x213: {  	v9 =	vld [tilespmem:s7+$0x100]  }
0x214: {  	p1 =	por $0x0, $0x0;
	v14 =	vadd.s32 v4, v12;
	v16 =	vadd.s32 v4, v15;
	v12 =	vld [tilespmem:s7+$0xFFFFFE00];
	v15 =	vadd.s32 v4, v17;
	s7 =	simm.s32 $0x15640  }
0x215: {  	_ = 	snop  }
0x216: {  	v18 =	vadd.s32 v4, v13  }
0x217: {  	v19 =	vld [tilespmem:s7+$0x180]  }
0x218: {  	v20 =	vld [tilespmem:s7+$0xFFFFFE80];
	v21 =	vadd.s32 v4, v10  }
0x219: {  	v22 =	vld [tilespmem:s7+$0xFFFFFF00];
	[tilespmem:v14+s22+$0x0] =	vst.idx.msk $0xffff, v8;
	p4 =	por $0x1, $0x1;
	v23 =	vadd.s32 v4, v11  }
.Ltmp31:
0x21a: {  	v13 =	vld [tilespmem:s7+$0xFFFFFF80];
	[tilespmem:v16+s22+$0x0] =	vst.idx.msk $0xffff, v8;
	v17 =	vadd.s32 v4, v9;
	(pc) =	sbr.rel @!p4 .LBB2_46-.Ltmp31, $4  }
0x21b: {  	v10 =	vld [tilespmem:s7+$0x0];
	[tilespmem:v18+s22+$0x0] =	vst.idx.msk $0xffff, v8;
	v18 =	vadd.s32 v4, v12  }
0x21c: {  	[tilespmem:v15+s22+$0x0] =	vst.idx.msk $0xffff, v8;
	v11 =	vld [tilespmem:s7+$0x80];
	v14 =	vadd.s32 v4, v19  }
0x21d: {  	v9 =	vld [tilespmem:s7+$0x100];
	v16 =	vadd.s32 v4, v20;
	[tilespmem:v21+s22+$0x0] =	vst.idx.msk $0xffff, v8  }
0x21e: {  	s16 =	simm.s32 $0x8;
	p3 =	por $0x1, $0x1;
	v12 =	vld [tilespmem:s7+$0xFFFFFE00];
	v15 =	vadd.s32 v4, v22;
	s7 =	simm.s32 $0x15A40;
	[tilespmem:v23+s22+$0x0] =	vst.idx.msk $0xffff, v8  }
.LBB2_45:
0x21f: {  	v19 =	vld [tilespmem:s7+$0x180];
	s16 =	sadd.s32 $0x8, s16;
	v20 =	vadd.s32 v4, v13;
	[tilespmem:v17+s22+$0x0] =	vst.idx.msk $0xffff, v8  }
0x220: {  	v21 =	vld [tilespmem:s7+$0xFFFFFE80];
	p4 =	slt.u32 s16, $0x18;
	v22 =	vadd.s32 v4, v10;
	[tilespmem:v18+s22+$0x0] =	vst.idx.msk $0xffff, v8  }
0x221: {  	v23 =	vld [tilespmem:s7+$0xFFFFFF00];
	v24 =	vadd.s32 v4, v11;
	[tilespmem:v14+s22+$0x0] =	vst.idx.msk $0xffff, v8  }
.Ltmp32:
0x222: {  	v13 =	vld [tilespmem:s7+$0xFFFFFF80];
	[tilespmem:v16+s22+$0x0] =	vst.idx.msk $0xffff, v8;
	v17 =	vadd.s32 v4, v9;
	(pc) =	sbr.rel @p4 .LBB2_45-.Ltmp32, $4  }
0x223: {  	v10 =	vld [tilespmem:s7+$0x0];
	v18 =	vadd.s32 v4, v12;
	[tilespmem:v15+s22+$0x0] =	vst.idx.msk $0xffff, v8  }
0x224: {  	v11 =	vld [tilespmem:s7+$0x80];
	v14 =	vadd.s32 v4, v19;
	[tilespmem:v20+s22+$0x0] =	vst.idx.msk $0xffff, v8  }
0x225: {  	v16 =	vadd.s32 v4, v21;
	v9 =	vld [tilespmem:s7+$0x100];
	[tilespmem:v22+s22+$0x0] =	vst.idx.msk $0xffff, v8  }
0x226: {  	v12 =	vld [tilespmem:s7+$0xFFFFFE00];
	v15 =	vadd.s32 v4, v23;
	s7 =	sadd.s32 $0x400, s7;
	[tilespmem:v24+s22+$0x0] =	vst.idx.msk $0xffff, v8  }
.LBB2_46:
0x227: {  	_ =	sdelay $0x3  }
0x228: {  	v13 =	vadd.s32 v4, v13;
	[tilespmem:v17+s22+$0x0] =	vst.idx.msk @p3 $0xffff, v8  }
0x229: {  	[tilespmem:v18+s22+$0x0] =	vst.idx.msk @p3 $0xffff, v8;
	v10 =	vadd.s32 v4, v10  }
0x22a: {  	[tilespmem:v14+s22+$0x0] =	vst.idx.msk $0xffff, v8;
	v11 =	vadd.s32 v4, v11  }
0x22b: {  	[tilespmem:v16+s22+$0x0] =	vst.idx.msk $0xffff, v8;
	v9 =	vadd.s32 v4, v9  }
0x22c: {  	[tilespmem:v15+s22+$0x0] =	vst.idx.msk $0xffff, v8;
	v12 =	vadd.s32 v4, v12  }
0x22d: {  	[tilespmem:v13+s22+$0x0] =	vst.idx.msk $0xffff, v8  }
0x22e: {  	[tilespmem:v10+s22+$0x0] =	vst.idx.msk $0xffff, v8  }
0x22f: {  	[tilespmem:v11+s22+$0x0] =	vst.idx.msk $0xffff, v8  }
0x230: {  	[tilespmem:v9+s22+$0x0] =	vst.idx.msk $0xffff, v8  }
0x231: {  	s7 =	simm.s32 $0x15250;
	[tilespmem:v12+s22+$0x0] =	vst.idx.msk $0xffff, v8  }
0x232: {  	v10 =	vld [tilespmem:s7+$0x180]  }
0x233: {  	v15 =	vld [tilespmem:s7+$0xFFFFFE80]  }
0x234: {  	v17 =	vld [tilespmem:s7+$0xFFFFFF00]  }
.Ltmp33:
0x235: {  	v13 =	vld [tilespmem:s7+$0xFFFFFF80];
	(pc) =	sbr.rel @!p2 .LBB2_47-.Ltmp33, $4  }
0x236: {  	v11 =	vld [tilespmem:s7+$0x0]  }
0x237: {  	v12 =	vld [tilespmem:s7+$0x80]  }
0x238: {  	v9 =	vld [tilespmem:s7+$0x100]  }
0x239: {  	v14 =	vadd.s32 v5, v10;
	v16 =	vadd.s32 v5, v15;
	v10 =	vld [tilespmem:s7+$0xFFFFFE00];
	v15 =	vadd.s32 v5, v17;
	s7 =	simm.s32 $0x15650  }
0x23a: {  	_ = 	snop  }
0x23b: {  	v18 =	vadd.s32 v5, v13  }
0x23c: {  	v19 =	vld [tilespmem:s7+$0x180]  }
0x23d: {  	v20 =	vld [tilespmem:s7+$0xFFFFFE80];
	v21 =	vadd.s32 v5, v11  }
0x23e: {  	v22 =	vld [tilespmem:s7+$0xFFFFFF00];
	[tilespmem:v14+s22+$0x0] =	vst.idx.msk $0xffff, v8;
	p2 =	por $0x1, $0x1;
	v23 =	vadd.s32 v5, v12  }
.Ltmp34:
0x23f: {  	v13 =	vld [tilespmem:s7+$0xFFFFFF80];
	[tilespmem:v16+s22+$0x0] =	vst.idx.msk $0xffff, v8;
	v17 =	vadd.s32 v5, v9;
	(pc) =	sbr.rel @!p2 .LBB2_50-.Ltmp34, $4  }
0x240: {  	v11 =	vld [tilespmem:s7+$0x0];
	[tilespmem:v18+s22+$0x0] =	vst.idx.msk $0xffff, v8;
	v18 =	vadd.s32 v5, v10  }
0x241: {  	[tilespmem:v15+s22+$0x0] =	vst.idx.msk $0xffff, v8;
	v12 =	vld [tilespmem:s7+$0x80];
	v14 =	vadd.s32 v5, v19  }
0x242: {  	v9 =	vld [tilespmem:s7+$0x100];
	v16 =	vadd.s32 v5, v20;
	[tilespmem:v21+s22+$0x0] =	vst.idx.msk $0xffff, v8  }
0x243: {  	s16 =	simm.s32 $0x8;
	p1 =	por $0x1, $0x1;
	v10 =	vld [tilespmem:s7+$0xFFFFFE00];
	v15 =	vadd.s32 v5, v22;
	s7 =	simm.s32 $0x15A50;
	[tilespmem:v23+s22+$0x0] =	vst.idx.msk $0xffff, v8  }
.LBB2_49:
0x244: {  	v19 =	vld [tilespmem:s7+$0x180];
	s16 =	sadd.s32 $0x8, s16;
	v20 =	vadd.s32 v5, v13;
	[tilespmem:v17+s22+$0x0] =	vst.idx.msk $0xffff, v8  }
0x245: {  	v21 =	vld [tilespmem:s7+$0xFFFFFE80];
	p2 =	slt.u32 s16, $0x18;
	v22 =	vadd.s32 v5, v11;
	[tilespmem:v18+s22+$0x0] =	vst.idx.msk $0xffff, v8  }
0x246: {  	v23 =	vld [tilespmem:s7+$0xFFFFFF00];
	v24 =	vadd.s32 v5, v12;
	[tilespmem:v14+s22+$0x0] =	vst.idx.msk $0xffff, v8  }
.Ltmp35:
0x247: {  	v13 =	vld [tilespmem:s7+$0xFFFFFF80];
	[tilespmem:v16+s22+$0x0] =	vst.idx.msk $0xffff, v8;
	v17 =	vadd.s32 v5, v9;
	(pc) =	sbr.rel @p2 .LBB2_49-.Ltmp35, $4  }
0x248: {  	v11 =	vld [tilespmem:s7+$0x0];
	v18 =	vadd.s32 v5, v10;
	[tilespmem:v15+s22+$0x0] =	vst.idx.msk $0xffff, v8  }
0x249: {  	v12 =	vld [tilespmem:s7+$0x80];
	v14 =	vadd.s32 v5, v19;
	[tilespmem:v20+s22+$0x0] =	vst.idx.msk $0xffff, v8  }
0x24a: {  	v16 =	vadd.s32 v5, v21;
	v9 =	vld [tilespmem:s7+$0x100];
	[tilespmem:v22+s22+$0x0] =	vst.idx.msk $0xffff, v8  }
0x24b: {  	v10 =	vld [tilespmem:s7+$0xFFFFFE00];
	v15 =	vadd.s32 v5, v23;
	s7 =	sadd.s32 $0x400, s7;
	[tilespmem:v24+s22+$0x0] =	vst.idx.msk $0xffff, v8  }
.LBB2_50:
0x24c: {  	_ =	sdelay $0x3  }
0x24d: {  	v13 =	vadd.s32 v5, v13;
	[tilespmem:v17+s22+$0x0] =	vst.idx.msk @p1 $0xffff, v8  }
0x24e: {  	[tilespmem:v18+s22+$0x0] =	vst.idx.msk @p1 $0xffff, v8;
	v11 =	vadd.s32 v5, v11  }
0x24f: {  	[tilespmem:v14+s22+$0x0] =	vst.idx.msk $0xffff, v8;
	v12 =	vadd.s32 v5, v12  }
0x250: {  	[tilespmem:v16+s22+$0x0] =	vst.idx.msk $0xffff, v8;
	v9 =	vadd.s32 v5, v9  }
0x251: {  	[tilespmem:v15+s22+$0x0] =	vst.idx.msk $0xffff, v8;
	v10 =	vadd.s32 v5, v10  }
0x252: {  	[tilespmem:v13+s22+$0x0] =	vst.idx.msk $0xffff, v8  }
0x253: {  	[tilespmem:v11+s22+$0x0] =	vst.idx.msk $0xffff, v8  }
0x254: {  	[tilespmem:v12+s22+$0x0] =	vst.idx.msk $0xffff, v8  }
0x255: {  	[tilespmem:v9+s22+$0x0] =	vst.idx.msk $0xffff, v8  }
0x256: {  	s7 =	simm.s32 $0x15260;
	[tilespmem:v10+s22+$0x0] =	vst.idx.msk $0xffff, v8  }
0x257: {  	v12 =	vld [tilespmem:s7+$0x180]  }
0x258: {  	v15 =	vld [tilespmem:s7+$0xFFFFFE80]  }
0x259: {  	p2 =	por $0x1, $0x1;
	v17 =	vld [tilespmem:s7+$0xFFFFFF00]  }
.Ltmp36:
0x25a: {  	v13 =	vld [tilespmem:s7+$0xFFFFFF80];
	(pc) =	sbr.rel @!p2 .LBB2_51-.Ltmp36, $4  }
0x25b: {  	v10 =	vld [tilespmem:s7+$0x0]  }
0x25c: {  	v11 =	vld [tilespmem:s7+$0x80]  }
0x25d: {  	v9 =	vld [tilespmem:s7+$0x100]  }
0x25e: {  	p1 =	por $0x0, $0x0;
	v14 =	vadd.s32 v6, v12;
	v16 =	vadd.s32 v6, v15;
	v12 =	vld [tilespmem:s7+$0xFFFFFE00];
	v15 =	vadd.s32 v6, v17;
	s7 =	simm.s32 $0x15660  }
0x25f: {  	_ = 	snop  }
0x260: {  	v18 =	vadd.s32 v6, v13  }
0x261: {  	v19 =	vld [tilespmem:s7+$0x180]  }
0x262: {  	v20 =	vld [tilespmem:s7+$0xFFFFFE80];
	v21 =	vadd.s32 v6, v10  }
0x263: {  	v22 =	vld [tilespmem:s7+$0xFFFFFF00];
	[tilespmem:v14+s22+$0x0] =	vst.idx.msk $0xffff, v8;
	p4 =	por $0x1, $0x1;
	v23 =	vadd.s32 v6, v11  }
.Ltmp37:
0x264: {  	v13 =	vld [tilespmem:s7+$0xFFFFFF80];
	[tilespmem:v16+s22+$0x0] =	vst.idx.msk $0xffff, v8;
	v17 =	vadd.s32 v6, v9;
	(pc) =	sbr.rel @!p4 .LBB2_54-.Ltmp37, $4  }
0x265: {  	v10 =	vld [tilespmem:s7+$0x0];
	[tilespmem:v18+s22+$0x0] =	vst.idx.msk $0xffff, v8;
	v18 =	vadd.s32 v6, v12  }
0x266: {  	[tilespmem:v15+s22+$0x0] =	vst.idx.msk $0xffff, v8;
	v11 =	vld [tilespmem:s7+$0x80];
	v14 =	vadd.s32 v6, v19  }
0x267: {  	v9 =	vld [tilespmem:s7+$0x100];
	v16 =	vadd.s32 v6, v20;
	[tilespmem:v21+s22+$0x0] =	vst.idx.msk $0xffff, v8  }
0x268: {  	s16 =	simm.s32 $0x8;
	p3 =	por $0x1, $0x1;
	v12 =	vld [tilespmem:s7+$0xFFFFFE00];
	v15 =	vadd.s32 v6, v22;
	s7 =	simm.s32 $0x15A60;
	[tilespmem:v23+s22+$0x0] =	vst.idx.msk $0xffff, v8  }
.LBB2_53:
0x269: {  	v19 =	vld [tilespmem:s7+$0x180];
	s16 =	sadd.s32 $0x8, s16;
	v20 =	vadd.s32 v6, v13;
	[tilespmem:v17+s22+$0x0] =	vst.idx.msk $0xffff, v8  }
0x26a: {  	v21 =	vld [tilespmem:s7+$0xFFFFFE80];
	p4 =	slt.u32 s16, $0x18;
	v22 =	vadd.s32 v6, v10;
	[tilespmem:v18+s22+$0x0] =	vst.idx.msk $0xffff, v8  }
0x26b: {  	v23 =	vld [tilespmem:s7+$0xFFFFFF00];
	v24 =	vadd.s32 v6, v11;
	[tilespmem:v14+s22+$0x0] =	vst.idx.msk $0xffff, v8  }
.Ltmp38:
0x26c: {  	v13 =	vld [tilespmem:s7+$0xFFFFFF80];
	[tilespmem:v16+s22+$0x0] =	vst.idx.msk $0xffff, v8;
	v17 =	vadd.s32 v6, v9;
	(pc) =	sbr.rel @p4 .LBB2_53-.Ltmp38, $4  }
0x26d: {  	v10 =	vld [tilespmem:s7+$0x0];
	v18 =	vadd.s32 v6, v12;
	[tilespmem:v15+s22+$0x0] =	vst.idx.msk $0xffff, v8  }
0x26e: {  	v11 =	vld [tilespmem:s7+$0x80];
	v14 =	vadd.s32 v6, v19;
	[tilespmem:v20+s22+$0x0] =	vst.idx.msk $0xffff, v8  }
0x26f: {  	v16 =	vadd.s32 v6, v21;
	v9 =	vld [tilespmem:s7+$0x100];
	[tilespmem:v22+s22+$0x0] =	vst.idx.msk $0xffff, v8  }
0x270: {  	v12 =	vld [tilespmem:s7+$0xFFFFFE00];
	v15 =	vadd.s32 v6, v23;
	s7 =	sadd.s32 $0x400, s7;
	[tilespmem:v24+s22+$0x0] =	vst.idx.msk $0xffff, v8  }
.LBB2_54:
0x271: {  	_ =	sdelay $0x3  }
0x272: {  	v13 =	vadd.s32 v6, v13;
	[tilespmem:v17+s22+$0x0] =	vst.idx.msk @p3 $0xffff, v8  }
0x273: {  	[tilespmem:v18+s22+$0x0] =	vst.idx.msk @p3 $0xffff, v8;
	v10 =	vadd.s32 v6, v10  }
0x274: {  	[tilespmem:v14+s22+$0x0] =	vst.idx.msk $0xffff, v8;
	v11 =	vadd.s32 v6, v11  }
0x275: {  	[tilespmem:v16+s22+$0x0] =	vst.idx.msk $0xffff, v8;
	v9 =	vadd.s32 v6, v9  }
0x276: {  	[tilespmem:v15+s22+$0x0] =	vst.idx.msk $0xffff, v8;
	v12 =	vadd.s32 v6, v12  }
0x277: {  	[tilespmem:v13+s22+$0x0] =	vst.idx.msk $0xffff, v8  }
0x278: {  	[tilespmem:v10+s22+$0x0] =	vst.idx.msk $0xffff, v8  }
0x279: {  	[tilespmem:v11+s22+$0x0] =	vst.idx.msk $0xffff, v8  }
0x27a: {  	[tilespmem:v9+s22+$0x0] =	vst.idx.msk $0xffff, v8  }
0x27b: {  	s7 =	simm.s32 $0x15270;
	[tilespmem:v12+s22+$0x0] =	vst.idx.msk $0xffff, v8  }
0x27c: {  	v10 =	vld [tilespmem:s7+$0x180]  }
0x27d: {  	v15 =	vld [tilespmem:s7+$0xFFFFFE80]  }
0x27e: {  	v17 =	vld [tilespmem:s7+$0xFFFFFF00]  }
.Ltmp39:
0x27f: {  	v13 =	vld [tilespmem:s7+$0xFFFFFF80];
	(pc) =	sbr.rel @!p2 .LBB2_55-.Ltmp39, $4  }
0x280: {  	v11 =	vld [tilespmem:s7+$0x0]  }
0x281: {  	v12 =	vld [tilespmem:s7+$0x80]  }
0x282: {  	v9 =	vld [tilespmem:s7+$0x100]  }
0x283: {  	v14 =	vadd.s32 v7, v10;
	v16 =	vadd.s32 v7, v15;
	v10 =	vld [tilespmem:s7+$0xFFFFFE00];
	v15 =	vadd.s32 v7, v17;
	s7 =	simm.s32 $0x15670  }
0x284: {  	_ = 	snop  }
0x285: {  	v18 =	vadd.s32 v7, v13  }
0x286: {  	v19 =	vld [tilespmem:s7+$0x180]  }
0x287: {  	v20 =	vld [tilespmem:s7+$0xFFFFFE80];
	v21 =	vadd.s32 v7, v11  }
0x288: {  	v22 =	vld [tilespmem:s7+$0xFFFFFF00];
	[tilespmem:v14+s22+$0x0] =	vst.idx.msk $0xffff, v8;
	p2 =	por $0x1, $0x1;
	v23 =	vadd.s32 v7, v12  }
.Ltmp40:
0x289: {  	v13 =	vld [tilespmem:s7+$0xFFFFFF80];
	[tilespmem:v16+s22+$0x0] =	vst.idx.msk $0xffff, v8;
	v17 =	vadd.s32 v7, v9;
	(pc) =	sbr.rel @!p2 .LBB2_58-.Ltmp40, $4  }
0x28a: {  	v11 =	vld [tilespmem:s7+$0x0];
	[tilespmem:v18+s22+$0x0] =	vst.idx.msk $0xffff, v8;
	v18 =	vadd.s32 v7, v10  }
0x28b: {  	[tilespmem:v15+s22+$0x0] =	vst.idx.msk $0xffff, v8;
	v12 =	vld [tilespmem:s7+$0x80];
	v14 =	vadd.s32 v7, v19  }
0x28c: {  	v9 =	vld [tilespmem:s7+$0x100];
	v16 =	vadd.s32 v7, v20;
	[tilespmem:v21+s22+$0x0] =	vst.idx.msk $0xffff, v8  }
0x28d: {  	s16 =	simm.s32 $0x8;
	p1 =	por $0x1, $0x1;
	v10 =	vld [tilespmem:s7+$0xFFFFFE00];
	v15 =	vadd.s32 v7, v22;
	s7 =	simm.s32 $0x15A70;
	[tilespmem:v23+s22+$0x0] =	vst.idx.msk $0xffff, v8  }
.LBB2_57:
0x28e: {  	v19 =	vld [tilespmem:s7+$0x180];
	s16 =	sadd.s32 $0x8, s16;
	v20 =	vadd.s32 v7, v13;
	[tilespmem:v17+s22+$0x0] =	vst.idx.msk $0xffff, v8  }
0x28f: {  	v21 =	vld [tilespmem:s7+$0xFFFFFE80];
	p2 =	slt.u32 s16, $0x18;
	v22 =	vadd.s32 v7, v11;
	[tilespmem:v18+s22+$0x0] =	vst.idx.msk $0xffff, v8  }
0x290: {  	v23 =	vld [tilespmem:s7+$0xFFFFFF00];
	v24 =	vadd.s32 v7, v12;
	[tilespmem:v14+s22+$0x0] =	vst.idx.msk $0xffff, v8  }
.Ltmp41:
0x291: {  	v13 =	vld [tilespmem:s7+$0xFFFFFF80];
	[tilespmem:v16+s22+$0x0] =	vst.idx.msk $0xffff, v8;
	v17 =	vadd.s32 v7, v9;
	(pc) =	sbr.rel @p2 .LBB2_57-.Ltmp41, $4  }
0x292: {  	v11 =	vld [tilespmem:s7+$0x0];
	v18 =	vadd.s32 v7, v10;
	[tilespmem:v15+s22+$0x0] =	vst.idx.msk $0xffff, v8  }
0x293: {  	v12 =	vld [tilespmem:s7+$0x80];
	v14 =	vadd.s32 v7, v19;
	[tilespmem:v20+s22+$0x0] =	vst.idx.msk $0xffff, v8  }
0x294: {  	v16 =	vadd.s32 v7, v21;
	v9 =	vld [tilespmem:s7+$0x100];
	[tilespmem:v22+s22+$0x0] =	vst.idx.msk $0xffff, v8  }
0x295: {  	v10 =	vld [tilespmem:s7+$0xFFFFFE00];
	v15 =	vadd.s32 v7, v23;
	s7 =	sadd.s32 $0x400, s7;
	[tilespmem:v24+s22+$0x0] =	vst.idx.msk $0xffff, v8  }
.LBB2_58:
0x296: {  	_ =	sdelay $0x3  }
0x297: {  	v13 =	vadd.s32 v7, v13;
	[tilespmem:v17+s22+$0x0] =	vst.idx.msk @p1 $0xffff, v8  }
0x298: {  	[tilespmem:v18+s22+$0x0] =	vst.idx.msk @p1 $0xffff, v8;
	v11 =	vadd.s32 v7, v11  }
0x299: {  	[tilespmem:v14+s22+$0x0] =	vst.idx.msk $0xffff, v8;
	v12 =	vadd.s32 v7, v12  }
0x29a: {  	[tilespmem:v16+s22+$0x0] =	vst.idx.msk $0xffff, v8;
	s7 =	sand.u32 $0x7, s14;
	v9 =	vadd.s32 v7, v9  }
0x29b: {  	[tilespmem:v15+s22+$0x0] =	vst.idx.msk $0xffff, v8;
	s26 =	sshll.u32 s14, $0x4;
	s7 =	smul.u32 $0x320000, s7;
	v10 =	vadd.s32 v7, v10  }
0x29c: {  	s16 =	sand.u32 $0x7FFFFC00, s26;
	[tilespmem:v13+s22+$0x0] =	vst.idx.msk $0xffff, v8  }
0x29d: {  	s14 =	sand.u32 $0x380, s26;
	s7 =	sadd.s32 s16, s7;
	[tilespmem:v11+s22+$0x0] =	vst.idx.msk $0xffff, v8  }
0x29e: {  	s7 =	sor.u32 s14, s7;
	[tilespmem:v12+s22+$0x0] =	vst.idx.msk $0xffff, v8  }
0x29f: {  	s14 =	sadd.s32 s9, s11;
	s7 =	sshrl.u32 s7, $0x3;
	[tilespmem:v9+s22+$0x0] =	vst.idx.msk $0xffff, v8  }
0x2a0: {  	s30 =	sadd.s32 $0x1, s14;
	s7 =	sadd.s32 s4, s7;
	[tilespmem:v10+s22+$0x0] =	vst.idx.msk $0xffff, v8  }
0x2a1: {  	[hbm4b:s7+s17] =	stream.strided.scatter [tilespmem:s22], [sflag:$0x7], $0x4000, s18, s17, $0x38;
	[tilespmem:$0x19080] =	vst v63  }
0x2a2: {  	s16 =	sand.u32 $0x7, s30;
	s7 =	sshrl.u32 s30, $0x3  }
0x2a3: {  	s23 =	smul.u32 $0x320000, s16;
	s26 =	sshll.u32 s7, $0x7  }
0x2a4: {  	s16 =	sshll.u32 s16, $0xA;
	s30 =	sand.u32 $0xFFFFFC00, s26  }
0x2a5: {  	s26 =	sand.u32 $0x380, s26;
	s23 =	sadd.s32 s23, s30;
	s30 =	simm.s32 @!p0 $0x9  }
0x2a6: {  	s7 =	sshll.u32 s7, $0xF;
	_ =	swait.ge @!p0 [sflag:s30], $0x4000;
	s23 =	sor.u32 s26, s23  }
0x2a7: {  	s7 =	sor.u32 s16, s7;
	[sflag:s30] =	ssyncset.done @!p0 $0x0;
	s23 =	sshrl.u32 s23, $0x3  }
0x2a8: {  	s7 =	sshrl.u32 s7, $0x3;
	[sflag:s30] =	ssyncadd.s32 @!p0 $0xFFFFC000;
	s23 =	sadd.s32 s1, s23  }
0x2a9: {  	[tilespmem:s29], [sflag:$0x4] =	stream.strided.gather [hbm4b:s23+s17], $0x4000, s18, s17, $0x38;
	[tilespmem:$0x19080] =	vst v63  }
0x2aa: {  	s7 =	sadd.s32 s2, s7;
	s23 =	simm.s32 $0x17000  }
0x2ab: {  	[tilespmem:s23], [sflag:$0x4] =	stream.strided.gather [hbm4b:s7+s19], $0x1000, s20, s19, $0x38;
	[tilespmem:$0x19080] =	vst v63  }
0x2ac: {  	_ =	swait.ge [sflag:s31], $0x4000  }
0x2ad: {  	[sflag:s31] =	ssyncset.done $0x0  }
0x2ae: {  	[sflag:s31] =	ssyncadd.s32 $0xFFFFC000  }
0x2af: {  	_ =	swait.ge [sflag:s31], $0x1000  }
0x2b0: {  	[sflag:s31] =	ssyncset.done $0x0  }
0x2b1: {  	s26 =	simm.s32 $0x16200;
	[sflag:s31] =	ssyncadd.s32 $0xFFFFF000  }
0x2b2: {  	v9 =	vld [tilespmem:s26+$0x180]  }
0x2b3: {  	v10 =	vld [tilespmem:s26+$0xFFFFFE80]  }
0x2b4: {  	v11 =	vld [tilespmem:s26+$0xFFFFFF00]  }
0x2b5: {  	v12 =	vld [tilespmem:s26+$0xFFFFFF80]  }
0x2b6: {  	v13 =	vld [tilespmem:s26+$0x0]  }
0x2b7: {  	v14 =	vld [tilespmem:s26+$0x80];
	v9 =	vadd.s32 v0, v9  }
0x2b8: {  	v16 =	vld [tilespmem:s26+$0x100];
	v15 =	vadd.s32 v0, v10  }
0x2b9: {  	s30 =	simm.s32 $0x16600;
	v17 =	vld [tilespmem:s26+$0xFFFFFE00];
	v11 =	vadd.s32 v0, v11  }
0x2ba: {  	v18 =	vld [tilespmem:s30+$0x180];
	v12 =	vadd.s32 v0, v12  }
0x2bb: {  	v19 =	vld [tilespmem:s30+$0xFFFFFE80];
	v20 =	vadd.s32 v0, v13  }
0x2bc: {  	v21 =	vld [tilespmem:s30+$0xFFFFFF00];
	v22 =	vadd.s32 v0, v14;
	[tilespmem:v9+s25+$0x0] =	vst.idx.msk $0xffff, v8  }
0x2bd: {  	v10 =	vld [tilespmem:s30+$0xFFFFFF80];
	[tilespmem:v15+s25+$0x0] =	vst.idx.msk $0xffff, v8;
	v15 =	vadd.s32 v0, v16  }
0x2be: {  	v14 =	vadd.s32 v0, v17;
	v9 =	vld [tilespmem:s30+$0x0];
	[tilespmem:v11+s25+$0x0] =	vst.idx.msk $0xffff, v8  }
0x2bf: {  	v13 =	vadd.s32 v0, v18;
	v11 =	vld [tilespmem:s30+$0x80];
	[tilespmem:v12+s25+$0x0] =	vst.idx.msk $0xffff, v8  }
0x2c0: {  	v18 =	vadd.s32 v0, v19;
	v12 =	vld [tilespmem:s30+$0x100];
	[tilespmem:v20+s25+$0x0] =	vst.idx.msk $0xffff, v8  }
0x2c1: {  	s16 =	simm.s32 $0x8;
	s7 =	simm.s32 $0x16A00;
	v17 =	vadd.s32 v0, v21;
	v16 =	vld [tilespmem:s30+$0xFFFFFE00];
	[tilespmem:v22+s25+$0x0] =	vst.idx.msk $0xffff, v8  }
.LBB2_59:
0x2c2: {  	v19 =	vld [tilespmem:s7+$0x180];
	s16 =	sadd.s32 $0x8, s16;
	v20 =	vadd.s32 v0, v10;
	[tilespmem:v15+s25+$0x0] =	vst.idx.msk $0xffff, v8  }
0x2c3: {  	v21 =	vld [tilespmem:s7+$0xFFFFFE80];
	p1 =	slt.u32 s16, $0x18;
	v22 =	vadd.s32 v0, v9;
	[tilespmem:v14+s25+$0x0] =	vst.idx.msk $0xffff, v8  }
0x2c4: {  	v23 =	vld [tilespmem:s7+$0xFFFFFF00];
	v24 =	vadd.s32 v0, v11;
	[tilespmem:v13+s25+$0x0] =	vst.idx.msk $0xffff, v8  }
.Ltmp42:
0x2c5: {  	v10 =	vld [tilespmem:s7+$0xFFFFFF80];
	[tilespmem:v18+s25+$0x0] =	vst.idx.msk $0xffff, v8;
	v15 =	vadd.s32 v0, v12;
	(pc) =	sbr.rel @p1 .LBB2_59-.Ltmp42, $4  }
0x2c6: {  	v9 =	vld [tilespmem:s7+$0x0];
	v14 =	vadd.s32 v0, v16;
	[tilespmem:v17+s25+$0x0] =	vst.idx.msk $0xffff, v8  }
0x2c7: {  	v11 =	vld [tilespmem:s7+$0x80];
	v13 =	vadd.s32 v0, v19;
	[tilespmem:v20+s25+$0x0] =	vst.idx.msk $0xffff, v8  }
0x2c8: {  	v18 =	vadd.s32 v0, v21;
	v12 =	vld [tilespmem:s7+$0x100];
	[tilespmem:v22+s25+$0x0] =	vst.idx.msk $0xffff, v8  }
0x2c9: {  	v16 =	vld [tilespmem:s7+$0xFFFFFE00];
	v17 =	vadd.s32 v0, v23;
	s7 =	sadd.s32 $0x400, s7;
	[tilespmem:v24+s25+$0x0] =	vst.idx.msk $0xffff, v8  }
0x2ca: {  	_ =	sdelay $0x3  }
0x2cb: {  	v10 =	vadd.s32 v0, v10;
	[tilespmem:v15+s25+$0x0] =	vst.idx.msk $0xffff, v8  }
0x2cc: {  	[tilespmem:v14+s25+$0x0] =	vst.idx.msk $0xffff, v8;
	v9 =	vadd.s32 v0, v9  }
0x2cd: {  	[tilespmem:v13+s25+$0x0] =	vst.idx.msk $0xffff, v8;
	v11 =	vadd.s32 v0, v11  }
0x2ce: {  	[tilespmem:v18+s25+$0x0] =	vst.idx.msk $0xffff, v8;
	v12 =	vadd.s32 v0, v12  }
0x2cf: {  	[tilespmem:v17+s25+$0x0] =	vst.idx.msk $0xffff, v8;
	v13 =	vadd.s32 v0, v16  }
0x2d0: {  	[tilespmem:v10+s25+$0x0] =	vst.idx.msk $0xffff, v8  }
0x2d1: {  	[tilespmem:v9+s25+$0x0] =	vst.idx.msk $0xffff, v8  }
0x2d2: {  	[tilespmem:v11+s25+$0x0] =	vst.idx.msk $0xffff, v8  }
0x2d3: {  	[tilespmem:v12+s25+$0x0] =	vst.idx.msk $0xffff, v8  }
0x2d4: {  	s7 =	simm.s32 $0x16210;
	[tilespmem:v13+s25+$0x0] =	vst.idx.msk $0xffff, v8  }
0x2d5: {  	v9 =	vld [tilespmem:s7+$0x180]  }
0x2d6: {  	v10 =	vld [tilespmem:s7+$0xFFFFFE80]  }
0x2d7: {  	v11 =	vld [tilespmem:s7+$0xFFFFFF00]  }
0x2d8: {  	v12 =	vld [tilespmem:s7+$0xFFFFFF80]  }
0x2d9: {  	v13 =	vld [tilespmem:s7+$0x0]  }
0x2da: {  	v14 =	vld [tilespmem:s7+$0x80];
	v9 =	vadd.s32 v1, v9  }
0x2db: {  	v16 =	vld [tilespmem:s7+$0x100];
	v15 =	vadd.s32 v1, v10  }
0x2dc: {  	s30 =	simm.s32 $0x16610;
	v17 =	vld [tilespmem:s7+$0xFFFFFE00];
	v11 =	vadd.s32 v1, v11  }
0x2dd: {  	v18 =	vld [tilespmem:s30+$0x180];
	v12 =	vadd.s32 v1, v12  }
0x2de: {  	v19 =	vld [tilespmem:s30+$0xFFFFFE80];
	v20 =	vadd.s32 v1, v13  }
0x2df: {  	v21 =	vld [tilespmem:s30+$0xFFFFFF00];
	v22 =	vadd.s32 v1, v14;
	[tilespmem:v9+s25+$0x0] =	vst.idx.msk $0xffff, v8  }
0x2e0: {  	v10 =	vld [tilespmem:s30+$0xFFFFFF80];
	[tilespmem:v15+s25+$0x0] =	vst.idx.msk $0xffff, v8;
	v15 =	vadd.s32 v1, v16  }
0x2e1: {  	v14 =	vadd.s32 v1, v17;
	v9 =	vld [tilespmem:s30+$0x0];
	[tilespmem:v11+s25+$0x0] =	vst.idx.msk $0xffff, v8  }
0x2e2: {  	v13 =	vadd.s32 v1, v18;
	v11 =	vld [tilespmem:s30+$0x80];
	[tilespmem:v12+s25+$0x0] =	vst.idx.msk $0xffff, v8  }
0x2e3: {  	v18 =	vadd.s32 v1, v19;
	v12 =	vld [tilespmem:s30+$0x100];
	[tilespmem:v20+s25+$0x0] =	vst.idx.msk $0xffff, v8  }
0x2e4: {  	s16 =	simm.s32 $0x8;
	s7 =	simm.s32 $0x16A10;
	v17 =	vadd.s32 v1, v21;
	v16 =	vld [tilespmem:s30+$0xFFFFFE00];
	[tilespmem:v22+s25+$0x0] =	vst.idx.msk $0xffff, v8  }
.LBB2_61:
0x2e5: {  	v19 =	vld [tilespmem:s7+$0x180];
	s16 =	sadd.s32 $0x8, s16;
	v20 =	vadd.s32 v1, v10;
	[tilespmem:v15+s25+$0x0] =	vst.idx.msk $0xffff, v8  }
0x2e6: {  	v21 =	vld [tilespmem:s7+$0xFFFFFE80];
	p1 =	slt.u32 s16, $0x18;
	v22 =	vadd.s32 v1, v9;
	[tilespmem:v14+s25+$0x0] =	vst.idx.msk $0xffff, v8  }
0x2e7: {  	v23 =	vld [tilespmem:s7+$0xFFFFFF00];
	v24 =	vadd.s32 v1, v11;
	[tilespmem:v13+s25+$0x0] =	vst.idx.msk $0xffff, v8  }
.Ltmp43:
0x2e8: {  	v10 =	vld [tilespmem:s7+$0xFFFFFF80];
	[tilespmem:v18+s25+$0x0] =	vst.idx.msk $0xffff, v8;
	v15 =	vadd.s32 v1, v12;
	(pc) =	sbr.rel @p1 .LBB2_61-.Ltmp43, $4  }
0x2e9: {  	v9 =	vld [tilespmem:s7+$0x0];
	v14 =	vadd.s32 v1, v16;
	[tilespmem:v17+s25+$0x0] =	vst.idx.msk $0xffff, v8  }
0x2ea: {  	v11 =	vld [tilespmem:s7+$0x80];
	v13 =	vadd.s32 v1, v19;
	[tilespmem:v20+s25+$0x0] =	vst.idx.msk $0xffff, v8  }
0x2eb: {  	v18 =	vadd.s32 v1, v21;
	v12 =	vld [tilespmem:s7+$0x100];
	[tilespmem:v22+s25+$0x0] =	vst.idx.msk $0xffff, v8  }
0x2ec: {  	v16 =	vld [tilespmem:s7+$0xFFFFFE00];
	v17 =	vadd.s32 v1, v23;
	s7 =	sadd.s32 $0x400, s7;
	[tilespmem:v24+s25+$0x0] =	vst.idx.msk $0xffff, v8  }
0x2ed: {  	_ =	sdelay $0x3  }
0x2ee: {  	v10 =	vadd.s32 v1, v10;
	[tilespmem:v15+s25+$0x0] =	vst.idx.msk $0xffff, v8  }
0x2ef: {  	[tilespmem:v14+s25+$0x0] =	vst.idx.msk $0xffff, v8;
	v9 =	vadd.s32 v1, v9  }
0x2f0: {  	[tilespmem:v13+s25+$0x0] =	vst.idx.msk $0xffff, v8;
	v11 =	vadd.s32 v1, v11  }
0x2f1: {  	[tilespmem:v18+s25+$0x0] =	vst.idx.msk $0xffff, v8;
	v12 =	vadd.s32 v1, v12  }
0x2f2: {  	[tilespmem:v17+s25+$0x0] =	vst.idx.msk $0xffff, v8;
	v13 =	vadd.s32 v1, v16  }
0x2f3: {  	[tilespmem:v10+s25+$0x0] =	vst.idx.msk $0xffff, v8  }
0x2f4: {  	[tilespmem:v9+s25+$0x0] =	vst.idx.msk $0xffff, v8  }
0x2f5: {  	[tilespmem:v11+s25+$0x0] =	vst.idx.msk $0xffff, v8  }
0x2f6: {  	[tilespmem:v12+s25+$0x0] =	vst.idx.msk $0xffff, v8  }
0x2f7: {  	s7 =	simm.s32 $0x16220;
	[tilespmem:v13+s25+$0x0] =	vst.idx.msk $0xffff, v8  }
0x2f8: {  	v12 =	vld [tilespmem:s7+$0x180]  }
0x2f9: {  	v15 =	vld [tilespmem:s7+$0xFFFFFE80]  }
0x2fa: {  	p2 =	por $0x1, $0x1;
	v17 =	vld [tilespmem:s7+$0xFFFFFF00]  }
.Ltmp44:
0x2fb: {  	v13 =	vld [tilespmem:s7+$0xFFFFFF80];
	(pc) =	sbr.rel @!p2 .LBB2_63-.Ltmp44, $4  }
0x2fc: {  	v10 =	vld [tilespmem:s7+$0x0]  }
0x2fd: {  	v11 =	vld [tilespmem:s7+$0x80]  }
0x2fe: {  	v9 =	vld [tilespmem:s7+$0x100]  }
0x2ff: {  	p1 =	por $0x0, $0x0;
	v14 =	vadd.s32 v2, v12;
	v16 =	vadd.s32 v2, v15;
	v12 =	vld [tilespmem:s7+$0xFFFFFE00];
	v15 =	vadd.s32 v2, v17;
	s7 =	simm.s32 $0x16620  }
0x300: {  	_ = 	snop  }
0x301: {  	v18 =	vadd.s32 v2, v13  }
0x302: {  	v19 =	vld [tilespmem:s7+$0x180]  }
0x303: {  	v20 =	vld [tilespmem:s7+$0xFFFFFE80];
	v21 =	vadd.s32 v2, v10  }
0x304: {  	v22 =	vld [tilespmem:s7+$0xFFFFFF00];
	[tilespmem:v14+s25+$0x0] =	vst.idx.msk $0xffff, v8;
	p4 =	por $0x1, $0x1;
	v23 =	vadd.s32 v2, v11  }
.Ltmp45:
0x305: {  	v13 =	vld [tilespmem:s7+$0xFFFFFF80];
	[tilespmem:v16+s25+$0x0] =	vst.idx.msk $0xffff, v8;
	v17 =	vadd.s32 v2, v9;
	(pc) =	sbr.rel @!p4 .LBB2_66-.Ltmp45, $4  }
0x306: {  	v10 =	vld [tilespmem:s7+$0x0];
	[tilespmem:v18+s25+$0x0] =	vst.idx.msk $0xffff, v8;
	v18 =	vadd.s32 v2, v12  }
0x307: {  	[tilespmem:v15+s25+$0x0] =	vst.idx.msk $0xffff, v8;
	v11 =	vld [tilespmem:s7+$0x80];
	v14 =	vadd.s32 v2, v19  }
0x308: {  	v9 =	vld [tilespmem:s7+$0x100];
	v16 =	vadd.s32 v2, v20;
	[tilespmem:v21+s25+$0x0] =	vst.idx.msk $0xffff, v8  }
0x309: {  	s16 =	simm.s32 $0x8;
	p3 =	por $0x1, $0x1;
	v12 =	vld [tilespmem:s7+$0xFFFFFE00];
	v15 =	vadd.s32 v2, v22;
	s7 =	simm.s32 $0x16A20;
	[tilespmem:v23+s25+$0x0] =	vst.idx.msk $0xffff, v8  }
.LBB2_65:
0x30a: {  	v19 =	vld [tilespmem:s7+$0x180];
	s16 =	sadd.s32 $0x8, s16;
	v20 =	vadd.s32 v2, v13;
	[tilespmem:v17+s25+$0x0] =	vst.idx.msk $0xffff, v8  }
0x30b: {  	v21 =	vld [tilespmem:s7+$0xFFFFFE80];
	p4 =	slt.u32 s16, $0x18;
	v22 =	vadd.s32 v2, v10;
	[tilespmem:v18+s25+$0x0] =	vst.idx.msk $0xffff, v8  }
0x30c: {  	v23 =	vld [tilespmem:s7+$0xFFFFFF00];
	v24 =	vadd.s32 v2, v11;
	[tilespmem:v14+s25+$0x0] =	vst.idx.msk $0xffff, v8  }
.Ltmp46:
0x30d: {  	v13 =	vld [tilespmem:s7+$0xFFFFFF80];
	[tilespmem:v16+s25+$0x0] =	vst.idx.msk $0xffff, v8;
	v17 =	vadd.s32 v2, v9;
	(pc) =	sbr.rel @p4 .LBB2_65-.Ltmp46, $4  }
0x30e: {  	v10 =	vld [tilespmem:s7+$0x0];
	v18 =	vadd.s32 v2, v12;
	[tilespmem:v15+s25+$0x0] =	vst.idx.msk $0xffff, v8  }
0x30f: {  	v11 =	vld [tilespmem:s7+$0x80];
	v14 =	vadd.s32 v2, v19;
	[tilespmem:v20+s25+$0x0] =	vst.idx.msk $0xffff, v8  }
0x310: {  	v16 =	vadd.s32 v2, v21;
	v9 =	vld [tilespmem:s7+$0x100];
	[tilespmem:v22+s25+$0x0] =	vst.idx.msk $0xffff, v8  }
0x311: {  	v12 =	vld [tilespmem:s7+$0xFFFFFE00];
	v15 =	vadd.s32 v2, v23;
	s7 =	sadd.s32 $0x400, s7;
	[tilespmem:v24+s25+$0x0] =	vst.idx.msk $0xffff, v8  }
.LBB2_66:
0x312: {  	_ =	sdelay $0x3  }
0x313: {  	v13 =	vadd.s32 v2, v13;
	[tilespmem:v17+s25+$0x0] =	vst.idx.msk @p3 $0xffff, v8  }
0x314: {  	[tilespmem:v18+s25+$0x0] =	vst.idx.msk @p3 $0xffff, v8;
	v10 =	vadd.s32 v2, v10  }
0x315: {  	[tilespmem:v14+s25+$0x0] =	vst.idx.msk $0xffff, v8;
	v11 =	vadd.s32 v2, v11  }
0x316: {  	[tilespmem:v16+s25+$0x0] =	vst.idx.msk $0xffff, v8;
	v9 =	vadd.s32 v2, v9  }
0x317: {  	[tilespmem:v15+s25+$0x0] =	vst.idx.msk $0xffff, v8;
	v12 =	vadd.s32 v2, v12  }
0x318: {  	[tilespmem:v13+s25+$0x0] =	vst.idx.msk $0xffff, v8  }
0x319: {  	[tilespmem:v10+s25+$0x0] =	vst.idx.msk $0xffff, v8  }
0x31a: {  	[tilespmem:v11+s25+$0x0] =	vst.idx.msk $0xffff, v8  }
0x31b: {  	[tilespmem:v9+s25+$0x0] =	vst.idx.msk $0xffff, v8  }
0x31c: {  	s7 =	simm.s32 $0x16230;
	[tilespmem:v12+s25+$0x0] =	vst.idx.msk $0xffff, v8  }
0x31d: {  	v10 =	vld [tilespmem:s7+$0x180]  }
0x31e: {  	v15 =	vld [tilespmem:s7+$0xFFFFFE80]  }
0x31f: {  	v17 =	vld [tilespmem:s7+$0xFFFFFF00]  }
.Ltmp47:
0x320: {  	v13 =	vld [tilespmem:s7+$0xFFFFFF80];
	(pc) =	sbr.rel @!p2 .LBB2_67-.Ltmp47, $4  }
0x321: {  	v11 =	vld [tilespmem:s7+$0x0]  }
0x322: {  	v12 =	vld [tilespmem:s7+$0x80]  }
0x323: {  	v9 =	vld [tilespmem:s7+$0x100]  }
0x324: {  	v14 =	vadd.s32 v3, v10;
	v16 =	vadd.s32 v3, v15;
	v10 =	vld [tilespmem:s7+$0xFFFFFE00];
	v15 =	vadd.s32 v3, v17;
	s7 =	simm.s32 $0x16630  }
0x325: {  	_ = 	snop  }
0x326: {  	v18 =	vadd.s32 v3, v13  }
0x327: {  	v19 =	vld [tilespmem:s7+$0x180]  }
0x328: {  	v20 =	vld [tilespmem:s7+$0xFFFFFE80];
	v21 =	vadd.s32 v3, v11  }
0x329: {  	v22 =	vld [tilespmem:s7+$0xFFFFFF00];
	[tilespmem:v14+s25+$0x0] =	vst.idx.msk $0xffff, v8;
	p2 =	por $0x1, $0x1;
	v23 =	vadd.s32 v3, v12  }
.Ltmp48:
0x32a: {  	v13 =	vld [tilespmem:s7+$0xFFFFFF80];
	[tilespmem:v16+s25+$0x0] =	vst.idx.msk $0xffff, v8;
	v17 =	vadd.s32 v3, v9;
	(pc) =	sbr.rel @!p2 .LBB2_70-.Ltmp48, $4  }
0x32b: {  	v11 =	vld [tilespmem:s7+$0x0];
	[tilespmem:v18+s25+$0x0] =	vst.idx.msk $0xffff, v8;
	v18 =	vadd.s32 v3, v10  }
0x32c: {  	[tilespmem:v15+s25+$0x0] =	vst.idx.msk $0xffff, v8;
	v12 =	vld [tilespmem:s7+$0x80];
	v14 =	vadd.s32 v3, v19  }
0x32d: {  	v9 =	vld [tilespmem:s7+$0x100];
	v16 =	vadd.s32 v3, v20;
	[tilespmem:v21+s25+$0x0] =	vst.idx.msk $0xffff, v8  }
0x32e: {  	s16 =	simm.s32 $0x8;
	p1 =	por $0x1, $0x1;
	v10 =	vld [tilespmem:s7+$0xFFFFFE00];
	v15 =	vadd.s32 v3, v22;
	s7 =	simm.s32 $0x16A30;
	[tilespmem:v23+s25+$0x0] =	vst.idx.msk $0xffff, v8  }
.LBB2_69:
0x32f: {  	v19 =	vld [tilespmem:s7+$0x180];
	s16 =	sadd.s32 $0x8, s16;
	v20 =	vadd.s32 v3, v13;
	[tilespmem:v17+s25+$0x0] =	vst.idx.msk $0xffff, v8  }
0x330: {  	v21 =	vld [tilespmem:s7+$0xFFFFFE80];
	p2 =	slt.u32 s16, $0x18;
	v22 =	vadd.s32 v3, v11;
	[tilespmem:v18+s25+$0x0] =	vst.idx.msk $0xffff, v8  }
0x331: {  	v23 =	vld [tilespmem:s7+$0xFFFFFF00];
	v24 =	vadd.s32 v3, v12;
	[tilespmem:v14+s25+$0x0] =	vst.idx.msk $0xffff, v8  }
.Ltmp49:
0x332: {  	v13 =	vld [tilespmem:s7+$0xFFFFFF80];
	[tilespmem:v16+s25+$0x0] =	vst.idx.msk $0xffff, v8;
	v17 =	vadd.s32 v3, v9;
	(pc) =	sbr.rel @p2 .LBB2_69-.Ltmp49, $4  }
0x333: {  	v11 =	vld [tilespmem:s7+$0x0];
	v18 =	vadd.s32 v3, v10;
	[tilespmem:v15+s25+$0x0] =	vst.idx.msk $0xffff, v8  }
0x334: {  	v12 =	vld [tilespmem:s7+$0x80];
	v14 =	vadd.s32 v3, v19;
	[tilespmem:v20+s25+$0x0] =	vst.idx.msk $0xffff, v8  }
0x335: {  	v16 =	vadd.s32 v3, v21;
	v9 =	vld [tilespmem:s7+$0x100];
	[tilespmem:v22+s25+$0x0] =	vst.idx.msk $0xffff, v8  }
0x336: {  	v10 =	vld [tilespmem:s7+$0xFFFFFE00];
	v15 =	vadd.s32 v3, v23;
	s7 =	sadd.s32 $0x400, s7;
	[tilespmem:v24+s25+$0x0] =	vst.idx.msk $0xffff, v8  }
.LBB2_70:
0x337: {  	_ =	sdelay $0x3  }
0x338: {  	v13 =	vadd.s32 v3, v13;
	[tilespmem:v17+s25+$0x0] =	vst.idx.msk @p1 $0xffff, v8  }
0x339: {  	[tilespmem:v18+s25+$0x0] =	vst.idx.msk @p1 $0xffff, v8;
	v11 =	vadd.s32 v3, v11  }
0x33a: {  	[tilespmem:v14+s25+$0x0] =	vst.idx.msk $0xffff, v8;
	v12 =	vadd.s32 v3, v12  }
0x33b: {  	[tilespmem:v16+s25+$0x0] =	vst.idx.msk $0xffff, v8;
	v9 =	vadd.s32 v3, v9  }
0x33c: {  	[tilespmem:v15+s25+$0x0] =	vst.idx.msk $0xffff, v8;
	v10 =	vadd.s32 v3, v10  }
0x33d: {  	[tilespmem:v13+s25+$0x0] =	vst.idx.msk $0xffff, v8  }
0x33e: {  	[tilespmem:v11+s25+$0x0] =	vst.idx.msk $0xffff, v8  }
0x33f: {  	[tilespmem:v12+s25+$0x0] =	vst.idx.msk $0xffff, v8  }
0x340: {  	[tilespmem:v9+s25+$0x0] =	vst.idx.msk $0xffff, v8  }
0x341: {  	s7 =	simm.s32 $0x16240;
	[tilespmem:v10+s25+$0x0] =	vst.idx.msk $0xffff, v8  }
0x342: {  	v12 =	vld [tilespmem:s7+$0x180]  }
0x343: {  	v15 =	vld [tilespmem:s7+$0xFFFFFE80]  }
0x344: {  	p2 =	por $0x1, $0x1;
	v17 =	vld [tilespmem:s7+$0xFFFFFF00]  }
.Ltmp50:
0x345: {  	v13 =	vld [tilespmem:s7+$0xFFFFFF80];
	(pc) =	sbr.rel @!p2 .LBB2_71-.Ltmp50, $4  }
0x346: {  	v10 =	vld [tilespmem:s7+$0x0]  }
0x347: {  	v11 =	vld [tilespmem:s7+$0x80]  }
0x348: {  	v9 =	vld [tilespmem:s7+$0x100]  }
0x349: {  	p1 =	por $0x0, $0x0;
	v14 =	vadd.s32 v4, v12;
	v16 =	vadd.s32 v4, v15;
	v12 =	vld [tilespmem:s7+$0xFFFFFE00];
	v15 =	vadd.s32 v4, v17;
	s7 =	simm.s32 $0x16640  }
0x34a: {  	_ = 	snop  }
0x34b: {  	v18 =	vadd.s32 v4, v13  }
0x34c: {  	v19 =	vld [tilespmem:s7+$0x180]  }
0x34d: {  	v20 =	vld [tilespmem:s7+$0xFFFFFE80];
	v21 =	vadd.s32 v4, v10  }
0x34e: {  	v22 =	vld [tilespmem:s7+$0xFFFFFF00];
	[tilespmem:v14+s25+$0x0] =	vst.idx.msk $0xffff, v8;
	p4 =	por $0x1, $0x1;
	v23 =	vadd.s32 v4, v11  }
.Ltmp51:
0x34f: {  	v13 =	vld [tilespmem:s7+$0xFFFFFF80];
	[tilespmem:v16+s25+$0x0] =	vst.idx.msk $0xffff, v8;
	v17 =	vadd.s32 v4, v9;
	(pc) =	sbr.rel @!p4 .LBB2_74-.Ltmp51, $4  }
0x350: {  	v10 =	vld [tilespmem:s7+$0x0];
	[tilespmem:v18+s25+$0x0] =	vst.idx.msk $0xffff, v8;
	v18 =	vadd.s32 v4, v12  }
0x351: {  	[tilespmem:v15+s25+$0x0] =	vst.idx.msk $0xffff, v8;
	v11 =	vld [tilespmem:s7+$0x80];
	v14 =	vadd.s32 v4, v19  }
0x352: {  	v9 =	vld [tilespmem:s7+$0x100];
	v16 =	vadd.s32 v4, v20;
	[tilespmem:v21+s25+$0x0] =	vst.idx.msk $0xffff, v8  }
0x353: {  	s16 =	simm.s32 $0x8;
	p3 =	por $0x1, $0x1;
	v12 =	vld [tilespmem:s7+$0xFFFFFE00];
	v15 =	vadd.s32 v4, v22;
	s7 =	simm.s32 $0x16A40;
	[tilespmem:v23+s25+$0x0] =	vst.idx.msk $0xffff, v8  }
.LBB2_73:
0x354: {  	v19 =	vld [tilespmem:s7+$0x180];
	s16 =	sadd.s32 $0x8, s16;
	v20 =	vadd.s32 v4, v13;
	[tilespmem:v17+s25+$0x0] =	vst.idx.msk $0xffff, v8  }
0x355: {  	v21 =	vld [tilespmem:s7+$0xFFFFFE80];
	p4 =	slt.u32 s16, $0x18;
	v22 =	vadd.s32 v4, v10;
	[tilespmem:v18+s25+$0x0] =	vst.idx.msk $0xffff, v8  }
0x356: {  	v23 =	vld [tilespmem:s7+$0xFFFFFF00];
	v24 =	vadd.s32 v4, v11;
	[tilespmem:v14+s25+$0x0] =	vst.idx.msk $0xffff, v8  }
.Ltmp52:
0x357: {  	v13 =	vld [tilespmem:s7+$0xFFFFFF80];
	[tilespmem:v16+s25+$0x0] =	vst.idx.msk $0xffff, v8;
	v17 =	vadd.s32 v4, v9;
	(pc) =	sbr.rel @p4 .LBB2_73-.Ltmp52, $4  }
0x358: {  	v10 =	vld [tilespmem:s7+$0x0];
	v18 =	vadd.s32 v4, v12;
	[tilespmem:v15+s25+$0x0] =	vst.idx.msk $0xffff, v8  }
0x359: {  	v11 =	vld [tilespmem:s7+$0x80];
	v14 =	vadd.s32 v4, v19;
	[tilespmem:v20+s25+$0x0] =	vst.idx.msk $0xffff, v8  }
0x35a: {  	v16 =	vadd.s32 v4, v21;
	v9 =	vld [tilespmem:s7+$0x100];
	[tilespmem:v22+s25+$0x0] =	vst.idx.msk $0xffff, v8  }
0x35b: {  	v12 =	vld [tilespmem:s7+$0xFFFFFE00];
	v15 =	vadd.s32 v4, v23;
	s7 =	sadd.s32 $0x400, s7;
	[tilespmem:v24+s25+$0x0] =	vst.idx.msk $0xffff, v8  }
.LBB2_74:
0x35c: {  	_ =	sdelay $0x3  }
0x35d: {  	v13 =	vadd.s32 v4, v13;
	[tilespmem:v17+s25+$0x0] =	vst.idx.msk @p3 $0xffff, v8  }
0x35e: {  	[tilespmem:v18+s25+$0x0] =	vst.idx.msk @p3 $0xffff, v8;
	v10 =	vadd.s32 v4, v10  }
0x35f: {  	[tilespmem:v14+s25+$0x0] =	vst.idx.msk $0xffff, v8;
	v11 =	vadd.s32 v4, v11  }
0x360: {  	[tilespmem:v16+s25+$0x0] =	vst.idx.msk $0xffff, v8;
	v9 =	vadd.s32 v4, v9  }
0x361: {  	[tilespmem:v15+s25+$0x0] =	vst.idx.msk $0xffff, v8;
	v12 =	vadd.s32 v4, v12  }
0x362: {  	[tilespmem:v13+s25+$0x0] =	vst.idx.msk $0xffff, v8  }
0x363: {  	[tilespmem:v10+s25+$0x0] =	vst.idx.msk $0xffff, v8  }
0x364: {  	[tilespmem:v11+s25+$0x0] =	vst.idx.msk $0xffff, v8  }
0x365: {  	[tilespmem:v9+s25+$0x0] =	vst.idx.msk $0xffff, v8  }
0x366: {  	s7 =	simm.s32 $0x16250;
	[tilespmem:v12+s25+$0x0] =	vst.idx.msk $0xffff, v8  }
0x367: {  	v10 =	vld [tilespmem:s7+$0x180]  }
0x368: {  	v15 =	vld [tilespmem:s7+$0xFFFFFE80]  }
0x369: {  	v17 =	vld [tilespmem:s7+$0xFFFFFF00]  }
.Ltmp53:
0x36a: {  	v13 =	vld [tilespmem:s7+$0xFFFFFF80];
	(pc) =	sbr.rel @!p2 .LBB2_75-.Ltmp53, $4  }
0x36b: {  	v11 =	vld [tilespmem:s7+$0x0]  }
0x36c: {  	v12 =	vld [tilespmem:s7+$0x80]  }
0x36d: {  	v9 =	vld [tilespmem:s7+$0x100]  }
0x36e: {  	v14 =	vadd.s32 v5, v10;
	v16 =	vadd.s32 v5, v15;
	v10 =	vld [tilespmem:s7+$0xFFFFFE00];
	v15 =	vadd.s32 v5, v17;
	s7 =	simm.s32 $0x16650  }
0x36f: {  	_ = 	snop  }
0x370: {  	v18 =	vadd.s32 v5, v13  }
0x371: {  	v19 =	vld [tilespmem:s7+$0x180]  }
0x372: {  	v20 =	vld [tilespmem:s7+$0xFFFFFE80];
	v21 =	vadd.s32 v5, v11  }
0x373: {  	v22 =	vld [tilespmem:s7+$0xFFFFFF00];
	[tilespmem:v14+s25+$0x0] =	vst.idx.msk $0xffff, v8;
	p2 =	por $0x1, $0x1;
	v23 =	vadd.s32 v5, v12  }
.Ltmp54:
0x374: {  	v13 =	vld [tilespmem:s7+$0xFFFFFF80];
	[tilespmem:v16+s25+$0x0] =	vst.idx.msk $0xffff, v8;
	v17 =	vadd.s32 v5, v9;
	(pc) =	sbr.rel @!p2 .LBB2_78-.Ltmp54, $4  }
0x375: {  	v11 =	vld [tilespmem:s7+$0x0];
	[tilespmem:v18+s25+$0x0] =	vst.idx.msk $0xffff, v8;
	v18 =	vadd.s32 v5, v10  }
0x376: {  	[tilespmem:v15+s25+$0x0] =	vst.idx.msk $0xffff, v8;
	v12 =	vld [tilespmem:s7+$0x80];
	v14 =	vadd.s32 v5, v19  }
0x377: {  	v9 =	vld [tilespmem:s7+$0x100];
	v16 =	vadd.s32 v5, v20;
	[tilespmem:v21+s25+$0x0] =	vst.idx.msk $0xffff, v8  }
0x378: {  	s16 =	simm.s32 $0x8;
	p1 =	por $0x1, $0x1;
	v10 =	vld [tilespmem:s7+$0xFFFFFE00];
	v15 =	vadd.s32 v5, v22;
	s7 =	simm.s32 $0x16A50;
	[tilespmem:v23+s25+$0x0] =	vst.idx.msk $0xffff, v8  }
.LBB2_77:
0x379: {  	v19 =	vld [tilespmem:s7+$0x180];
	s16 =	sadd.s32 $0x8, s16;
	v20 =	vadd.s32 v5, v13;
	[tilespmem:v17+s25+$0x0] =	vst.idx.msk $0xffff, v8  }
0x37a: {  	v21 =	vld [tilespmem:s7+$0xFFFFFE80];
	p2 =	slt.u32 s16, $0x18;
	v22 =	vadd.s32 v5, v11;
	[tilespmem:v18+s25+$0x0] =	vst.idx.msk $0xffff, v8  }
0x37b: {  	v23 =	vld [tilespmem:s7+$0xFFFFFF00];
	v24 =	vadd.s32 v5, v12;
	[tilespmem:v14+s25+$0x0] =	vst.idx.msk $0xffff, v8  }
.Ltmp55:
0x37c: {  	v13 =	vld [tilespmem:s7+$0xFFFFFF80];
	[tilespmem:v16+s25+$0x0] =	vst.idx.msk $0xffff, v8;
	v17 =	vadd.s32 v5, v9;
	(pc) =	sbr.rel @p2 .LBB2_77-.Ltmp55, $4  }
0x37d: {  	v11 =	vld [tilespmem:s7+$0x0];
	v18 =	vadd.s32 v5, v10;
	[tilespmem:v15+s25+$0x0] =	vst.idx.msk $0xffff, v8  }
0x37e: {  	v12 =	vld [tilespmem:s7+$0x80];
	v14 =	vadd.s32 v5, v19;
	[tilespmem:v20+s25+$0x0] =	vst.idx.msk $0xffff, v8  }
0x37f: {  	v16 =	vadd.s32 v5, v21;
	v9 =	vld [tilespmem:s7+$0x100];
	[tilespmem:v22+s25+$0x0] =	vst.idx.msk $0xffff, v8  }
0x380: {  	v10 =	vld [tilespmem:s7+$0xFFFFFE00];
	v15 =	vadd.s32 v5, v23;
	s7 =	sadd.s32 $0x400, s7;
	[tilespmem:v24+s25+$0x0] =	vst.idx.msk $0xffff, v8  }
.LBB2_78:
0x381: {  	_ =	sdelay $0x3  }
0x382: {  	v13 =	vadd.s32 v5, v13;
	[tilespmem:v17+s25+$0x0] =	vst.idx.msk @p1 $0xffff, v8  }
0x383: {  	[tilespmem:v18+s25+$0x0] =	vst.idx.msk @p1 $0xffff, v8;
	v11 =	vadd.s32 v5, v11  }
0x384: {  	[tilespmem:v14+s25+$0x0] =	vst.idx.msk $0xffff, v8;
	v12 =	vadd.s32 v5, v12  }
0x385: {  	[tilespmem:v16+s25+$0x0] =	vst.idx.msk $0xffff, v8;
	v9 =	vadd.s32 v5, v9  }
0x386: {  	[tilespmem:v15+s25+$0x0] =	vst.idx.msk $0xffff, v8;
	v10 =	vadd.s32 v5, v10  }
0x387: {  	[tilespmem:v13+s25+$0x0] =	vst.idx.msk $0xffff, v8  }
0x388: {  	[tilespmem:v11+s25+$0x0] =	vst.idx.msk $0xffff, v8  }
0x389: {  	[tilespmem:v12+s25+$0x0] =	vst.idx.msk $0xffff, v8  }
0x38a: {  	[tilespmem:v9+s25+$0x0] =	vst.idx.msk $0xffff, v8  }
0x38b: {  	s7 =	simm.s32 $0x16260;
	[tilespmem:v10+s25+$0x0] =	vst.idx.msk $0xffff, v8  }
0x38c: {  	v12 =	vld [tilespmem:s7+$0x180]  }
0x38d: {  	v15 =	vld [tilespmem:s7+$0xFFFFFE80]  }
0x38e: {  	p2 =	por $0x1, $0x1;
	v17 =	vld [tilespmem:s7+$0xFFFFFF00]  }
.Ltmp56:
0x38f: {  	v13 =	vld [tilespmem:s7+$0xFFFFFF80];
	(pc) =	sbr.rel @!p2 .LBB2_79-.Ltmp56, $4  }
0x390: {  	v10 =	vld [tilespmem:s7+$0x0]  }
0x391: {  	v11 =	vld [tilespmem:s7+$0x80]  }
0x392: {  	v9 =	vld [tilespmem:s7+$0x100]  }
0x393: {  	p1 =	por $0x0, $0x0;
	v14 =	vadd.s32 v6, v12;
	v16 =	vadd.s32 v6, v15;
	v12 =	vld [tilespmem:s7+$0xFFFFFE00];
	v15 =	vadd.s32 v6, v17;
	s7 =	simm.s32 $0x16660  }
0x394: {  	_ = 	snop  }
0x395: {  	v18 =	vadd.s32 v6, v13  }
0x396: {  	v19 =	vld [tilespmem:s7+$0x180]  }
0x397: {  	v20 =	vld [tilespmem:s7+$0xFFFFFE80];
	v21 =	vadd.s32 v6, v10  }
0x398: {  	v22 =	vld [tilespmem:s7+$0xFFFFFF00];
	[tilespmem:v14+s25+$0x0] =	vst.idx.msk $0xffff, v8;
	p4 =	por $0x1, $0x1;
	v23 =	vadd.s32 v6, v11  }
.Ltmp57:
0x399: {  	v13 =	vld [tilespmem:s7+$0xFFFFFF80];
	[tilespmem:v16+s25+$0x0] =	vst.idx.msk $0xffff, v8;
	v17 =	vadd.s32 v6, v9;
	(pc) =	sbr.rel @!p4 .LBB2_82-.Ltmp57, $4  }
0x39a: {  	v10 =	vld [tilespmem:s7+$0x0];
	[tilespmem:v18+s25+$0x0] =	vst.idx.msk $0xffff, v8;
	v18 =	vadd.s32 v6, v12  }
0x39b: {  	[tilespmem:v15+s25+$0x0] =	vst.idx.msk $0xffff, v8;
	v11 =	vld [tilespmem:s7+$0x80];
	v14 =	vadd.s32 v6, v19  }
0x39c: {  	v9 =	vld [tilespmem:s7+$0x100];
	v16 =	vadd.s32 v6, v20;
	[tilespmem:v21+s25+$0x0] =	vst.idx.msk $0xffff, v8  }
0x39d: {  	s16 =	simm.s32 $0x8;
	p3 =	por $0x1, $0x1;
	v12 =	vld [tilespmem:s7+$0xFFFFFE00];
	v15 =	vadd.s32 v6, v22;
	s7 =	simm.s32 $0x16A60;
	[tilespmem:v23+s25+$0x0] =	vst.idx.msk $0xffff, v8  }
.LBB2_81:
0x39e: {  	v19 =	vld [tilespmem:s7+$0x180];
	s16 =	sadd.s32 $0x8, s16;
	v20 =	vadd.s32 v6, v13;
	[tilespmem:v17+s25+$0x0] =	vst.idx.msk $0xffff, v8  }
0x39f: {  	v21 =	vld [tilespmem:s7+$0xFFFFFE80];
	p4 =	slt.u32 s16, $0x18;
	v22 =	vadd.s32 v6, v10;
	[tilespmem:v18+s25+$0x0] =	vst.idx.msk $0xffff, v8  }
0x3a0: {  	v23 =	vld [tilespmem:s7+$0xFFFFFF00];
	v24 =	vadd.s32 v6, v11;
	[tilespmem:v14+s25+$0x0] =	vst.idx.msk $0xffff, v8  }
.Ltmp58:
0x3a1: {  	v13 =	vld [tilespmem:s7+$0xFFFFFF80];
	[tilespmem:v16+s25+$0x0] =	vst.idx.msk $0xffff, v8;
	v17 =	vadd.s32 v6, v9;
	(pc) =	sbr.rel @p4 .LBB2_81-.Ltmp58, $4  }
0x3a2: {  	v10 =	vld [tilespmem:s7+$0x0];
	v18 =	vadd.s32 v6, v12;
	[tilespmem:v15+s25+$0x0] =	vst.idx.msk $0xffff, v8  }
0x3a3: {  	v11 =	vld [tilespmem:s7+$0x80];
	v14 =	vadd.s32 v6, v19;
	[tilespmem:v20+s25+$0x0] =	vst.idx.msk $0xffff, v8  }
0x3a4: {  	v16 =	vadd.s32 v6, v21;
	v9 =	vld [tilespmem:s7+$0x100];
	[tilespmem:v22+s25+$0x0] =	vst.idx.msk $0xffff, v8  }
0x3a5: {  	v12 =	vld [tilespmem:s7+$0xFFFFFE00];
	v15 =	vadd.s32 v6, v23;
	s7 =	sadd.s32 $0x400, s7;
	[tilespmem:v24+s25+$0x0] =	vst.idx.msk $0xffff, v8  }
.LBB2_82:
0x3a6: {  	_ =	sdelay $0x3  }
0x3a7: {  	v13 =	vadd.s32 v6, v13;
	[tilespmem:v17+s25+$0x0] =	vst.idx.msk @p3 $0xffff, v8  }
0x3a8: {  	[tilespmem:v18+s25+$0x0] =	vst.idx.msk @p3 $0xffff, v8;
	v10 =	vadd.s32 v6, v10  }
0x3a9: {  	[tilespmem:v14+s25+$0x0] =	vst.idx.msk $0xffff, v8;
	v11 =	vadd.s32 v6, v11  }
0x3aa: {  	[tilespmem:v16+s25+$0x0] =	vst.idx.msk $0xffff, v8;
	v9 =	vadd.s32 v6, v9  }
0x3ab: {  	[tilespmem:v15+s25+$0x0] =	vst.idx.msk $0xffff, v8;
	v12 =	vadd.s32 v6, v12  }
0x3ac: {  	[tilespmem:v13+s25+$0x0] =	vst.idx.msk $0xffff, v8  }
0x3ad: {  	[tilespmem:v10+s25+$0x0] =	vst.idx.msk $0xffff, v8  }
0x3ae: {  	[tilespmem:v11+s25+$0x0] =	vst.idx.msk $0xffff, v8  }
0x3af: {  	[tilespmem:v9+s25+$0x0] =	vst.idx.msk $0xffff, v8  }
0x3b0: {  	s7 =	simm.s32 $0x16270;
	[tilespmem:v12+s25+$0x0] =	vst.idx.msk $0xffff, v8  }
0x3b1: {  	v10 =	vld [tilespmem:s7+$0x180]  }
0x3b2: {  	v15 =	vld [tilespmem:s7+$0xFFFFFE80]  }
0x3b3: {  	v17 =	vld [tilespmem:s7+$0xFFFFFF00]  }
.Ltmp59:
0x3b4: {  	v13 =	vld [tilespmem:s7+$0xFFFFFF80];
	(pc) =	sbr.rel @!p2 .LBB2_83-.Ltmp59, $4  }
0x3b5: {  	v11 =	vld [tilespmem:s7+$0x0]  }
0x3b6: {  	v12 =	vld [tilespmem:s7+$0x80]  }
0x3b7: {  	v9 =	vld [tilespmem:s7+$0x100]  }
0x3b8: {  	v14 =	vadd.s32 v7, v10;
	v16 =	vadd.s32 v7, v15;
	v10 =	vld [tilespmem:s7+$0xFFFFFE00];
	v15 =	vadd.s32 v7, v17;
	s7 =	simm.s32 $0x16670  }
0x3b9: {  	_ = 	snop  }
0x3ba: {  	v18 =	vadd.s32 v7, v13  }
0x3bb: {  	v19 =	vld [tilespmem:s7+$0x180]  }
0x3bc: {  	v20 =	vld [tilespmem:s7+$0xFFFFFE80];
	v21 =	vadd.s32 v7, v11  }
0x3bd: {  	v22 =	vld [tilespmem:s7+$0xFFFFFF00];
	[tilespmem:v14+s25+$0x0] =	vst.idx.msk $0xffff, v8;
	p2 =	por $0x1, $0x1;
	v23 =	vadd.s32 v7, v12  }
.Ltmp60:
0x3be: {  	v13 =	vld [tilespmem:s7+$0xFFFFFF80];
	[tilespmem:v16+s25+$0x0] =	vst.idx.msk $0xffff, v8;
	v17 =	vadd.s32 v7, v9;
	(pc) =	sbr.rel @!p2 .LBB2_86-.Ltmp60, $4  }
0x3bf: {  	v11 =	vld [tilespmem:s7+$0x0];
	[tilespmem:v18+s25+$0x0] =	vst.idx.msk $0xffff, v8;
	v18 =	vadd.s32 v7, v10  }
0x3c0: {  	[tilespmem:v15+s25+$0x0] =	vst.idx.msk $0xffff, v8;
	v12 =	vld [tilespmem:s7+$0x80];
	v14 =	vadd.s32 v7, v19  }
0x3c1: {  	v9 =	vld [tilespmem:s7+$0x100];
	v16 =	vadd.s32 v7, v20;
	[tilespmem:v21+s25+$0x0] =	vst.idx.msk $0xffff, v8  }
0x3c2: {  	s16 =	simm.s32 $0x8;
	p1 =	por $0x1, $0x1;
	v10 =	vld [tilespmem:s7+$0xFFFFFE00];
	v15 =	vadd.s32 v7, v22;
	s7 =	simm.s32 $0x16A70;
	[tilespmem:v23+s25+$0x0] =	vst.idx.msk $0xffff, v8  }
.LBB2_85:
0x3c3: {  	v19 =	vld [tilespmem:s7+$0x180];
	s16 =	sadd.s32 $0x8, s16;
	v20 =	vadd.s32 v7, v13;
	[tilespmem:v17+s25+$0x0] =	vst.idx.msk $0xffff, v8  }
0x3c4: {  	v21 =	vld [tilespmem:s7+$0xFFFFFE80];
	p2 =	slt.u32 s16, $0x18;
	v22 =	vadd.s32 v7, v11;
	[tilespmem:v18+s25+$0x0] =	vst.idx.msk $0xffff, v8  }
0x3c5: {  	v23 =	vld [tilespmem:s7+$0xFFFFFF00];
	v24 =	vadd.s32 v7, v12;
	[tilespmem:v14+s25+$0x0] =	vst.idx.msk $0xffff, v8  }
.Ltmp61:
0x3c6: {  	v13 =	vld [tilespmem:s7+$0xFFFFFF80];
	[tilespmem:v16+s25+$0x0] =	vst.idx.msk $0xffff, v8;
	v17 =	vadd.s32 v7, v9;
	(pc) =	sbr.rel @p2 .LBB2_85-.Ltmp61, $4  }
0x3c7: {  	v11 =	vld [tilespmem:s7+$0x0];
	v18 =	vadd.s32 v7, v10;
	[tilespmem:v15+s25+$0x0] =	vst.idx.msk $0xffff, v8  }
0x3c8: {  	v12 =	vld [tilespmem:s7+$0x80];
	v14 =	vadd.s32 v7, v19;
	[tilespmem:v20+s25+$0x0] =	vst.idx.msk $0xffff, v8  }
0x3c9: {  	v16 =	vadd.s32 v7, v21;
	v9 =	vld [tilespmem:s7+$0x100];
	[tilespmem:v22+s25+$0x0] =	vst.idx.msk $0xffff, v8  }
0x3ca: {  	v10 =	vld [tilespmem:s7+$0xFFFFFE00];
	v15 =	vadd.s32 v7, v23;
	s7 =	sadd.s32 $0x400, s7;
	[tilespmem:v24+s25+$0x0] =	vst.idx.msk $0xffff, v8  }
.LBB2_86:
0x3cb: {  	_ =	sdelay $0x3  }
0x3cc: {  	v13 =	vadd.s32 v7, v13;
	[tilespmem:v17+s25+$0x0] =	vst.idx.msk @p1 $0xffff, v8  }
0x3cd: {  	[tilespmem:v18+s25+$0x0] =	vst.idx.msk @p1 $0xffff, v8;
	v11 =	vadd.s32 v7, v11  }
0x3ce: {  	[tilespmem:v14+s25+$0x0] =	vst.idx.msk $0xffff, v8;
	v12 =	vadd.s32 v7, v12  }
0x3cf: {  	[tilespmem:v16+s25+$0x0] =	vst.idx.msk $0xffff, v8;
	s7 =	sand.u32 $0x7, s14;
	v9 =	vadd.s32 v7, v9  }
0x3d0: {  	[tilespmem:v15+s25+$0x0] =	vst.idx.msk $0xffff, v8;
	s30 =	sshll.u32 s14, $0x4;
	s7 =	smul.u32 $0x320000, s7;
	v10 =	vadd.s32 v7, v10  }
0x3d1: {  	s16 =	sand.u32 $0x7FFFFC00, s30;
	[tilespmem:v13+s25+$0x0] =	vst.idx.msk $0xffff, v8  }
0x3d2: {  	s14 =	sand.u32 $0x380, s30;
	s7 =	sadd.s32 s16, s7;
	[tilespmem:v11+s25+$0x0] =	vst.idx.msk $0xffff, v8  }
0x3d3: {  	s7 =	sor.u32 s14, s7;
	[tilespmem:v12+s25+$0x0] =	vst.idx.msk $0xffff, v8  }
0x3d4: {  	s14 =	sadd.s32 s9, s12;
	s7 =	sshrl.u32 s7, $0x3;
	[tilespmem:v9+s25+$0x0] =	vst.idx.msk $0xffff, v8  }
0x3d5: {  	s23 =	sadd.s32 $0x1, s14;
	s7 =	sadd.s32 s4, s7;
	[tilespmem:v10+s25+$0x0] =	vst.idx.msk $0xffff, v8  }
0x3d6: {  	[hbm4b:s7+s17] =	stream.strided.scatter [tilespmem:s25], [sflag:$0x8], $0x4000, s18, s17, $0x38;
	[tilespmem:$0x19080] =	vst v63  }
0x3d7: {  	s16 =	sand.u32 $0x7, s23;
	s7 =	sshrl.u32 s23, $0x3  }
0x3d8: {  	s23 =	smul.u32 $0x320000, s16;
	s26 =	sshll.u32 s7, $0x7  }
0x3d9: {  	s16 =	sshll.u32 s16, $0xA;
	s30 =	sand.u32 $0xFFFFFC00, s26  }
0x3da: {  	s26 =	sand.u32 $0x380, s26;
	s23 =	sadd.s32 s23, s30;
	s30 =	simm.s32 @!p0 $0xA  }
0x3db: {  	s7 =	sshll.u32 s7, $0xF;
	_ =	swait.ge @!p0 [sflag:s30], $0x4000;
	s23 =	sor.u32 s26, s23  }
0x3dc: {  	s7 =	sor.u32 s16, s7;
	[sflag:s30] =	ssyncset.done @!p0 $0x0;
	s23 =	sshrl.u32 s23, $0x3  }
0x3dd: {  	s7 =	sshrl.u32 s7, $0x3;
	[sflag:s30] =	ssyncadd.s32 @!p0 $0xFFFFC000;
	s23 =	sadd.s32 s1, s23  }
0x3de: {  	[tilespmem:s3], [sflag:$0x5] =	stream.strided.gather [hbm4b:s23+s17], $0x4000, s18, s17, $0x38;
	[tilespmem:$0x19080] =	vst v63  }
0x3df: {  	s7 =	sadd.s32 s2, s7  }
0x3e0: {  	[tilespmem:s0], [sflag:$0x5] =	stream.strided.gather [hbm4b:s7+s19], $0x1000, s20, s19, $0x38;
	[tilespmem:$0x19080] =	vst v63  }
0x3e1: {  	_ =	swait.ge [sflag:s15], $0x4000  }
0x3e2: {  	[sflag:s15] =	ssyncset.done $0x0  }
0x3e3: {  	[sflag:s15] =	ssyncadd.s32 $0xFFFFC000  }
0x3e4: {  	_ =	swait.ge [sflag:s15], $0x1000  }
0x3e5: {  	[sflag:s15] =	ssyncset.done $0x0  }
0x3e6: {  	s26 =	simm.s32 $0x17200;
	[sflag:s15] =	ssyncadd.s32 $0xFFFFF000  }
0x3e7: {  	v9 =	vld [tilespmem:s26+$0x180]  }
0x3e8: {  	v10 =	vld [tilespmem:s26+$0xFFFFFE80]  }
0x3e9: {  	v11 =	vld [tilespmem:s26+$0xFFFFFF00]  }
0x3ea: {  	v12 =	vld [tilespmem:s26+$0xFFFFFF80]  }
0x3eb: {  	v13 =	vld [tilespmem:s26+$0x0]  }
0x3ec: {  	v14 =	vld [tilespmem:s26+$0x80];
	v9 =	vadd.s32 v0, v9  }
0x3ed: {  	v16 =	vld [tilespmem:s26+$0x100];
	v15 =	vadd.s32 v0, v10  }
0x3ee: {  	s30 =	simm.s32 $0x17600;
	v17 =	vld [tilespmem:s26+$0xFFFFFE00];
	v11 =	vadd.s32 v0, v11  }
0x3ef: {  	v18 =	vld [tilespmem:s30+$0x180];
	v12 =	vadd.s32 v0, v12  }
0x3f0: {  	v19 =	vld [tilespmem:s30+$0xFFFFFE80];
	v20 =	vadd.s32 v0, v13  }
0x3f1: {  	v21 =	vld [tilespmem:s30+$0xFFFFFF00];
	v22 =	vadd.s32 v0, v14;
	[tilespmem:v9+s29+$0x0] =	vst.idx.msk $0xffff, v8  }
0x3f2: {  	v10 =	vld [tilespmem:s30+$0xFFFFFF80];
	[tilespmem:v15+s29+$0x0] =	vst.idx.msk $0xffff, v8;
	v15 =	vadd.s32 v0, v16  }
0x3f3: {  	v14 =	vadd.s32 v0, v17;
	v9 =	vld [tilespmem:s30+$0x0];
	[tilespmem:v11+s29+$0x0] =	vst.idx.msk $0xffff, v8  }
0x3f4: {  	v13 =	vadd.s32 v0, v18;
	v11 =	vld [tilespmem:s30+$0x80];
	[tilespmem:v12+s29+$0x0] =	vst.idx.msk $0xffff, v8  }
0x3f5: {  	v18 =	vadd.s32 v0, v19;
	v12 =	vld [tilespmem:s30+$0x100];
	[tilespmem:v20+s29+$0x0] =	vst.idx.msk $0xffff, v8  }
0x3f6: {  	s16 =	simm.s32 $0x8;
	s7 =	simm.s32 $0x17A00;
	v17 =	vadd.s32 v0, v21;
	v16 =	vld [tilespmem:s30+$0xFFFFFE00];
	[tilespmem:v22+s29+$0x0] =	vst.idx.msk $0xffff, v8  }
.LBB2_87:
0x3f7: {  	v19 =	vld [tilespmem:s7+$0x180];
	s16 =	sadd.s32 $0x8, s16;
	v20 =	vadd.s32 v0, v10;
	[tilespmem:v15+s29+$0x0] =	vst.idx.msk $0xffff, v8  }
0x3f8: {  	v21 =	vld [tilespmem:s7+$0xFFFFFE80];
	p0 =	slt.u32 s16, $0x18;
	v22 =	vadd.s32 v0, v9;
	[tilespmem:v14+s29+$0x0] =	vst.idx.msk $0xffff, v8  }
0x3f9: {  	v23 =	vld [tilespmem:s7+$0xFFFFFF00];
	v24 =	vadd.s32 v0, v11;
	[tilespmem:v13+s29+$0x0] =	vst.idx.msk $0xffff, v8  }
.Ltmp62:
0x3fa: {  	v10 =	vld [tilespmem:s7+$0xFFFFFF80];
	[tilespmem:v18+s29+$0x0] =	vst.idx.msk $0xffff, v8;
	v15 =	vadd.s32 v0, v12;
	(pc) =	sbr.rel @p0 .LBB2_87-.Ltmp62, $4  }
0x3fb: {  	v9 =	vld [tilespmem:s7+$0x0];
	v14 =	vadd.s32 v0, v16;
	[tilespmem:v17+s29+$0x0] =	vst.idx.msk $0xffff, v8  }
0x3fc: {  	v11 =	vld [tilespmem:s7+$0x80];
	v13 =	vadd.s32 v0, v19;
	[tilespmem:v20+s29+$0x0] =	vst.idx.msk $0xffff, v8  }
0x3fd: {  	v18 =	vadd.s32 v0, v21;
	v12 =	vld [tilespmem:s7+$0x100];
	[tilespmem:v22+s29+$0x0] =	vst.idx.msk $0xffff, v8  }
0x3fe: {  	v16 =	vld [tilespmem:s7+$0xFFFFFE00];
	v17 =	vadd.s32 v0, v23;
	s7 =	sadd.s32 $0x400, s7;
	[tilespmem:v24+s29+$0x0] =	vst.idx.msk $0xffff, v8  }
0x3ff: {  	_ =	sdelay $0x3  }
0x400: {  	v10 =	vadd.s32 v0, v10;
	[tilespmem:v15+s29+$0x0] =	vst.idx.msk $0xffff, v8  }
0x401: {  	[tilespmem:v14+s29+$0x0] =	vst.idx.msk $0xffff, v8;
	v9 =	vadd.s32 v0, v9  }
0x402: {  	[tilespmem:v13+s29+$0x0] =	vst.idx.msk $0xffff, v8;
	v11 =	vadd.s32 v0, v11  }
0x403: {  	[tilespmem:v18+s29+$0x0] =	vst.idx.msk $0xffff, v8;
	v12 =	vadd.s32 v0, v12  }
0x404: {  	[tilespmem:v17+s29+$0x0] =	vst.idx.msk $0xffff, v8;
	v13 =	vadd.s32 v0, v16  }
0x405: {  	[tilespmem:v10+s29+$0x0] =	vst.idx.msk $0xffff, v8  }
0x406: {  	[tilespmem:v9+s29+$0x0] =	vst.idx.msk $0xffff, v8  }
0x407: {  	[tilespmem:v11+s29+$0x0] =	vst.idx.msk $0xffff, v8  }
0x408: {  	[tilespmem:v12+s29+$0x0] =	vst.idx.msk $0xffff, v8  }
0x409: {  	s7 =	simm.s32 $0x17210;
	[tilespmem:v13+s29+$0x0] =	vst.idx.msk $0xffff, v8  }
0x40a: {  	v9 =	vld [tilespmem:s7+$0x180]  }
0x40b: {  	v10 =	vld [tilespmem:s7+$0xFFFFFE80]  }
0x40c: {  	v11 =	vld [tilespmem:s7+$0xFFFFFF00]  }
0x40d: {  	v12 =	vld [tilespmem:s7+$0xFFFFFF80]  }
0x40e: {  	v13 =	vld [tilespmem:s7+$0x0]  }
0x40f: {  	v14 =	vld [tilespmem:s7+$0x80];
	v9 =	vadd.s32 v1, v9  }
0x410: {  	v16 =	vld [tilespmem:s7+$0x100];
	v15 =	vadd.s32 v1, v10  }
0x411: {  	s30 =	simm.s32 $0x17610;
	v17 =	vld [tilespmem:s7+$0xFFFFFE00];
	v11 =	vadd.s32 v1, v11  }
0x412: {  	v18 =	vld [tilespmem:s30+$0x180];
	v12 =	vadd.s32 v1, v12  }
0x413: {  	v19 =	vld [tilespmem:s30+$0xFFFFFE80];
	v20 =	vadd.s32 v1, v13  }
0x414: {  	v21 =	vld [tilespmem:s30+$0xFFFFFF00];
	v22 =	vadd.s32 v1, v14;
	[tilespmem:v9+s29+$0x0] =	vst.idx.msk $0xffff, v8  }
0x415: {  	v10 =	vld [tilespmem:s30+$0xFFFFFF80];
	[tilespmem:v15+s29+$0x0] =	vst.idx.msk $0xffff, v8;
	v15 =	vadd.s32 v1, v16  }
0x416: {  	v14 =	vadd.s32 v1, v17;
	v9 =	vld [tilespmem:s30+$0x0];
	[tilespmem:v11+s29+$0x0] =	vst.idx.msk $0xffff, v8  }
0x417: {  	v13 =	vadd.s32 v1, v18;
	v11 =	vld [tilespmem:s30+$0x80];
	[tilespmem:v12+s29+$0x0] =	vst.idx.msk $0xffff, v8  }
0x418: {  	v18 =	vadd.s32 v1, v19;
	v12 =	vld [tilespmem:s30+$0x100];
	[tilespmem:v20+s29+$0x0] =	vst.idx.msk $0xffff, v8  }
0x419: {  	s16 =	simm.s32 $0x8;
	s7 =	simm.s32 $0x17A10;
	v17 =	vadd.s32 v1, v21;
	v16 =	vld [tilespmem:s30+$0xFFFFFE00];
	[tilespmem:v22+s29+$0x0] =	vst.idx.msk $0xffff, v8  }
.LBB2_89:
0x41a: {  	v19 =	vld [tilespmem:s7+$0x180];
	s16 =	sadd.s32 $0x8, s16;
	v20 =	vadd.s32 v1, v10;
	[tilespmem:v15+s29+$0x0] =	vst.idx.msk $0xffff, v8  }
0x41b: {  	v21 =	vld [tilespmem:s7+$0xFFFFFE80];
	p0 =	slt.u32 s16, $0x18;
	v22 =	vadd.s32 v1, v9;
	[tilespmem:v14+s29+$0x0] =	vst.idx.msk $0xffff, v8  }
0x41c: {  	v23 =	vld [tilespmem:s7+$0xFFFFFF00];
	v24 =	vadd.s32 v1, v11;
	[tilespmem:v13+s29+$0x0] =	vst.idx.msk $0xffff, v8  }
.Ltmp63:
0x41d: {  	v10 =	vld [tilespmem:s7+$0xFFFFFF80];
	[tilespmem:v18+s29+$0x0] =	vst.idx.msk $0xffff, v8;
	v15 =	vadd.s32 v1, v12;
	(pc) =	sbr.rel @p0 .LBB2_89-.Ltmp63, $4  }
0x41e: {  	v9 =	vld [tilespmem:s7+$0x0];
	v14 =	vadd.s32 v1, v16;
	[tilespmem:v17+s29+$0x0] =	vst.idx.msk $0xffff, v8  }
0x41f: {  	v11 =	vld [tilespmem:s7+$0x80];
	v13 =	vadd.s32 v1, v19;
	[tilespmem:v20+s29+$0x0] =	vst.idx.msk $0xffff, v8  }
0x420: {  	v18 =	vadd.s32 v1, v21;
	v12 =	vld [tilespmem:s7+$0x100];
	[tilespmem:v22+s29+$0x0] =	vst.idx.msk $0xffff, v8  }
0x421: {  	v16 =	vld [tilespmem:s7+$0xFFFFFE00];
	v17 =	vadd.s32 v1, v23;
	s7 =	sadd.s32 $0x400, s7;
	[tilespmem:v24+s29+$0x0] =	vst.idx.msk $0xffff, v8  }
0x422: {  	_ =	sdelay $0x3  }
0x423: {  	v10 =	vadd.s32 v1, v10;
	[tilespmem:v15+s29+$0x0] =	vst.idx.msk $0xffff, v8  }
0x424: {  	[tilespmem:v14+s29+$0x0] =	vst.idx.msk $0xffff, v8;
	v9 =	vadd.s32 v1, v9  }
0x425: {  	[tilespmem:v13+s29+$0x0] =	vst.idx.msk $0xffff, v8;
	v11 =	vadd.s32 v1, v11  }
0x426: {  	[tilespmem:v18+s29+$0x0] =	vst.idx.msk $0xffff, v8;
	v12 =	vadd.s32 v1, v12  }
0x427: {  	[tilespmem:v17+s29+$0x0] =	vst.idx.msk $0xffff, v8;
	v13 =	vadd.s32 v1, v16  }
0x428: {  	[tilespmem:v10+s29+$0x0] =	vst.idx.msk $0xffff, v8  }
0x429: {  	[tilespmem:v9+s29+$0x0] =	vst.idx.msk $0xffff, v8  }
0x42a: {  	[tilespmem:v11+s29+$0x0] =	vst.idx.msk $0xffff, v8  }
0x42b: {  	[tilespmem:v12+s29+$0x0] =	vst.idx.msk $0xffff, v8  }
0x42c: {  	s7 =	simm.s32 $0x17220;
	[tilespmem:v13+s29+$0x0] =	vst.idx.msk $0xffff, v8  }
0x42d: {  	v12 =	vld [tilespmem:s7+$0x180]  }
0x42e: {  	v15 =	vld [tilespmem:s7+$0xFFFFFE80]  }
0x42f: {  	p1 =	por $0x1, $0x1;
	v17 =	vld [tilespmem:s7+$0xFFFFFF00]  }
.Ltmp64:
0x430: {  	v13 =	vld [tilespmem:s7+$0xFFFFFF80];
	(pc) =	sbr.rel @!p1 .LBB2_91-.Ltmp64, $4  }
0x431: {  	v10 =	vld [tilespmem:s7+$0x0]  }
0x432: {  	v11 =	vld [tilespmem:s7+$0x80]  }
0x433: {  	v9 =	vld [tilespmem:s7+$0x100]  }
0x434: {  	p0 =	por $0x0, $0x0;
	v14 =	vadd.s32 v2, v12;
	v16 =	vadd.s32 v2, v15;
	v12 =	vld [tilespmem:s7+$0xFFFFFE00];
	v15 =	vadd.s32 v2, v17;
	s7 =	simm.s32 $0x17620  }
0x435: {  	_ = 	snop  }
0x436: {  	v18 =	vadd.s32 v2, v13  }
0x437: {  	v19 =	vld [tilespmem:s7+$0x180]  }
0x438: {  	v20 =	vld [tilespmem:s7+$0xFFFFFE80];
	v21 =	vadd.s32 v2, v10  }
0x439: {  	v22 =	vld [tilespmem:s7+$0xFFFFFF00];
	[tilespmem:v14+s29+$0x0] =	vst.idx.msk $0xffff, v8;
	p3 =	por $0x1, $0x1;
	v23 =	vadd.s32 v2, v11  }
.Ltmp65:
0x43a: {  	v13 =	vld [tilespmem:s7+$0xFFFFFF80];
	[tilespmem:v16+s29+$0x0] =	vst.idx.msk $0xffff, v8;
	v17 =	vadd.s32 v2, v9;
	(pc) =	sbr.rel @!p3 .LBB2_94-.Ltmp65, $4  }
0x43b: {  	v10 =	vld [tilespmem:s7+$0x0];
	[tilespmem:v18+s29+$0x0] =	vst.idx.msk $0xffff, v8;
	v18 =	vadd.s32 v2, v12  }
0x43c: {  	[tilespmem:v15+s29+$0x0] =	vst.idx.msk $0xffff, v8;
	v11 =	vld [tilespmem:s7+$0x80];
	v14 =	vadd.s32 v2, v19  }
0x43d: {  	v9 =	vld [tilespmem:s7+$0x100];
	v16 =	vadd.s32 v2, v20;
	[tilespmem:v21+s29+$0x0] =	vst.idx.msk $0xffff, v8  }
0x43e: {  	s16 =	simm.s32 $0x8;
	p2 =	por $0x1, $0x1;
	v12 =	vld [tilespmem:s7+$0xFFFFFE00];
	v15 =	vadd.s32 v2, v22;
	s7 =	simm.s32 $0x17A20;
	[tilespmem:v23+s29+$0x0] =	vst.idx.msk $0xffff, v8  }
.LBB2_93:
0x43f: {  	v19 =	vld [tilespmem:s7+$0x180];
	s16 =	sadd.s32 $0x8, s16;
	v20 =	vadd.s32 v2, v13;
	[tilespmem:v17+s29+$0x0] =	vst.idx.msk $0xffff, v8  }
0x440: {  	v21 =	vld [tilespmem:s7+$0xFFFFFE80];
	p3 =	slt.u32 s16, $0x18;
	v22 =	vadd.s32 v2, v10;
	[tilespmem:v18+s29+$0x0] =	vst.idx.msk $0xffff, v8  }
0x441: {  	v23 =	vld [tilespmem:s7+$0xFFFFFF00];
	v24 =	vadd.s32 v2, v11;
	[tilespmem:v14+s29+$0x0] =	vst.idx.msk $0xffff, v8  }
.Ltmp66:
0x442: {  	v13 =	vld [tilespmem:s7+$0xFFFFFF80];
	[tilespmem:v16+s29+$0x0] =	vst.idx.msk $0xffff, v8;
	v17 =	vadd.s32 v2, v9;
	(pc) =	sbr.rel @p3 .LBB2_93-.Ltmp66, $4  }
0x443: {  	v10 =	vld [tilespmem:s7+$0x0];
	v18 =	vadd.s32 v2, v12;
	[tilespmem:v15+s29+$0x0] =	vst.idx.msk $0xffff, v8  }
0x444: {  	v11 =	vld [tilespmem:s7+$0x80];
	v14 =	vadd.s32 v2, v19;
	[tilespmem:v20+s29+$0x0] =	vst.idx.msk $0xffff, v8  }
0x445: {  	v16 =	vadd.s32 v2, v21;
	v9 =	vld [tilespmem:s7+$0x100];
	[tilespmem:v22+s29+$0x0] =	vst.idx.msk $0xffff, v8  }
0x446: {  	v12 =	vld [tilespmem:s7+$0xFFFFFE00];
	v15 =	vadd.s32 v2, v23;
	s7 =	sadd.s32 $0x400, s7;
	[tilespmem:v24+s29+$0x0] =	vst.idx.msk $0xffff, v8  }
.LBB2_94:
0x447: {  	_ =	sdelay $0x3  }
0x448: {  	v13 =	vadd.s32 v2, v13;
	[tilespmem:v17+s29+$0x0] =	vst.idx.msk @p2 $0xffff, v8  }
0x449: {  	[tilespmem:v18+s29+$0x0] =	vst.idx.msk @p2 $0xffff, v8;
	v10 =	vadd.s32 v2, v10  }
0x44a: {  	[tilespmem:v14+s29+$0x0] =	vst.idx.msk $0xffff, v8;
	v11 =	vadd.s32 v2, v11  }
0x44b: {  	[tilespmem:v16+s29+$0x0] =	vst.idx.msk $0xffff, v8;
	v9 =	vadd.s32 v2, v9  }
0x44c: {  	[tilespmem:v15+s29+$0x0] =	vst.idx.msk $0xffff, v8;
	v12 =	vadd.s32 v2, v12  }
0x44d: {  	[tilespmem:v13+s29+$0x0] =	vst.idx.msk $0xffff, v8  }
0x44e: {  	[tilespmem:v10+s29+$0x0] =	vst.idx.msk $0xffff, v8  }
0x44f: {  	[tilespmem:v11+s29+$0x0] =	vst.idx.msk $0xffff, v8  }
0x450: {  	[tilespmem:v9+s29+$0x0] =	vst.idx.msk $0xffff, v8  }
0x451: {  	s7 =	simm.s32 $0x17230;
	[tilespmem:v12+s29+$0x0] =	vst.idx.msk $0xffff, v8  }
0x452: {  	v10 =	vld [tilespmem:s7+$0x180]  }
0x453: {  	v15 =	vld [tilespmem:s7+$0xFFFFFE80]  }
0x454: {  	v17 =	vld [tilespmem:s7+$0xFFFFFF00]  }
.Ltmp67:
0x455: {  	v13 =	vld [tilespmem:s7+$0xFFFFFF80];
	(pc) =	sbr.rel @!p1 .LBB2_95-.Ltmp67, $4  }
0x456: {  	v11 =	vld [tilespmem:s7+$0x0]  }
0x457: {  	v12 =	vld [tilespmem:s7+$0x80]  }
0x458: {  	v9 =	vld [tilespmem:s7+$0x100]  }
0x459: {  	v14 =	vadd.s32 v3, v10;
	v16 =	vadd.s32 v3, v15;
	v10 =	vld [tilespmem:s7+$0xFFFFFE00];
	v15 =	vadd.s32 v3, v17;
	s7 =	simm.s32 $0x17630  }
0x45a: {  	_ = 	snop  }
0x45b: {  	v18 =	vadd.s32 v3, v13  }
0x45c: {  	v19 =	vld [tilespmem:s7+$0x180]  }
0x45d: {  	v20 =	vld [tilespmem:s7+$0xFFFFFE80];
	v21 =	vadd.s32 v3, v11  }
0x45e: {  	v22 =	vld [tilespmem:s7+$0xFFFFFF00];
	[tilespmem:v14+s29+$0x0] =	vst.idx.msk $0xffff, v8;
	p1 =	por $0x1, $0x1;
	v23 =	vadd.s32 v3, v12  }
.Ltmp68:
0x45f: {  	v13 =	vld [tilespmem:s7+$0xFFFFFF80];
	[tilespmem:v16+s29+$0x0] =	vst.idx.msk $0xffff, v8;
	v17 =	vadd.s32 v3, v9;
	(pc) =	sbr.rel @!p1 .LBB2_98-.Ltmp68, $4  }
0x460: {  	v11 =	vld [tilespmem:s7+$0x0];
	[tilespmem:v18+s29+$0x0] =	vst.idx.msk $0xffff, v8;
	v18 =	vadd.s32 v3, v10  }
0x461: {  	[tilespmem:v15+s29+$0x0] =	vst.idx.msk $0xffff, v8;
	v12 =	vld [tilespmem:s7+$0x80];
	v14 =	vadd.s32 v3, v19  }
0x462: {  	v9 =	vld [tilespmem:s7+$0x100];
	v16 =	vadd.s32 v3, v20;
	[tilespmem:v21+s29+$0x0] =	vst.idx.msk $0xffff, v8  }
0x463: {  	s16 =	simm.s32 $0x8;
	p0 =	por $0x1, $0x1;
	v10 =	vld [tilespmem:s7+$0xFFFFFE00];
	v15 =	vadd.s32 v3, v22;
	s7 =	simm.s32 $0x17A30;
	[tilespmem:v23+s29+$0x0] =	vst.idx.msk $0xffff, v8  }
.LBB2_97:
0x464: {  	v19 =	vld [tilespmem:s7+$0x180];
	s16 =	sadd.s32 $0x8, s16;
	v20 =	vadd.s32 v3, v13;
	[tilespmem:v17+s29+$0x0] =	vst.idx.msk $0xffff, v8  }
0x465: {  	v21 =	vld [tilespmem:s7+$0xFFFFFE80];
	p1 =	slt.u32 s16, $0x18;
	v22 =	vadd.s32 v3, v11;
	[tilespmem:v18+s29+$0x0] =	vst.idx.msk $0xffff, v8  }
0x466: {  	v23 =	vld [tilespmem:s7+$0xFFFFFF00];
	v24 =	vadd.s32 v3, v12;
	[tilespmem:v14+s29+$0x0] =	vst.idx.msk $0xffff, v8  }
.Ltmp69:
0x467: {  	v13 =	vld [tilespmem:s7+$0xFFFFFF80];
	[tilespmem:v16+s29+$0x0] =	vst.idx.msk $0xffff, v8;
	v17 =	vadd.s32 v3, v9;
	(pc) =	sbr.rel @p1 .LBB2_97-.Ltmp69, $4  }
0x468: {  	v11 =	vld [tilespmem:s7+$0x0];
	v18 =	vadd.s32 v3, v10;
	[tilespmem:v15+s29+$0x0] =	vst.idx.msk $0xffff, v8  }
0x469: {  	v12 =	vld [tilespmem:s7+$0x80];
	v14 =	vadd.s32 v3, v19;
	[tilespmem:v20+s29+$0x0] =	vst.idx.msk $0xffff, v8  }
0x46a: {  	v16 =	vadd.s32 v3, v21;
	v9 =	vld [tilespmem:s7+$0x100];
	[tilespmem:v22+s29+$0x0] =	vst.idx.msk $0xffff, v8  }
0x46b: {  	v10 =	vld [tilespmem:s7+$0xFFFFFE00];
	v15 =	vadd.s32 v3, v23;
	s7 =	sadd.s32 $0x400, s7;
	[tilespmem:v24+s29+$0x0] =	vst.idx.msk $0xffff, v8  }
.LBB2_98:
0x46c: {  	_ =	sdelay $0x3  }
0x46d: {  	v13 =	vadd.s32 v3, v13;
	[tilespmem:v17+s29+$0x0] =	vst.idx.msk @p0 $0xffff, v8  }
0x46e: {  	[tilespmem:v18+s29+$0x0] =	vst.idx.msk @p0 $0xffff, v8;
	v11 =	vadd.s32 v3, v11  }
0x46f: {  	[tilespmem:v14+s29+$0x0] =	vst.idx.msk $0xffff, v8;
	v12 =	vadd.s32 v3, v12  }
0x470: {  	[tilespmem:v16+s29+$0x0] =	vst.idx.msk $0xffff, v8;
	v9 =	vadd.s32 v3, v9  }
0x471: {  	[tilespmem:v15+s29+$0x0] =	vst.idx.msk $0xffff, v8;
	v10 =	vadd.s32 v3, v10  }
0x472: {  	[tilespmem:v13+s29+$0x0] =	vst.idx.msk $0xffff, v8  }
0x473: {  	[tilespmem:v11+s29+$0x0] =	vst.idx.msk $0xffff, v8  }
0x474: {  	[tilespmem:v12+s29+$0x0] =	vst.idx.msk $0xffff, v8  }
0x475: {  	[tilespmem:v9+s29+$0x0] =	vst.idx.msk $0xffff, v8  }
0x476: {  	s7 =	simm.s32 $0x17240;
	[tilespmem:v10+s29+$0x0] =	vst.idx.msk $0xffff, v8  }
0x477: {  	v12 =	vld [tilespmem:s7+$0x180]  }
0x478: {  	v15 =	vld [tilespmem:s7+$0xFFFFFE80]  }
0x479: {  	p1 =	por $0x1, $0x1;
	v17 =	vld [tilespmem:s7+$0xFFFFFF00]  }
.Ltmp70:
0x47a: {  	v13 =	vld [tilespmem:s7+$0xFFFFFF80];
	(pc) =	sbr.rel @!p1 .LBB2_99-.Ltmp70, $4  }
0x47b: {  	v10 =	vld [tilespmem:s7+$0x0]  }
0x47c: {  	v11 =	vld [tilespmem:s7+$0x80]  }
0x47d: {  	v9 =	vld [tilespmem:s7+$0x100]  }
0x47e: {  	p0 =	por $0x0, $0x0;
	v14 =	vadd.s32 v4, v12;
	v16 =	vadd.s32 v4, v15;
	v12 =	vld [tilespmem:s7+$0xFFFFFE00];
	v15 =	vadd.s32 v4, v17;
	s7 =	simm.s32 $0x17640  }
0x47f: {  	_ = 	snop  }
0x480: {  	v18 =	vadd.s32 v4, v13  }
0x481: {  	v19 =	vld [tilespmem:s7+$0x180]  }
0x482: {  	v20 =	vld [tilespmem:s7+$0xFFFFFE80];
	v21 =	vadd.s32 v4, v10  }
0x483: {  	v22 =	vld [tilespmem:s7+$0xFFFFFF00];
	[tilespmem:v14+s29+$0x0] =	vst.idx.msk $0xffff, v8;
	p3 =	por $0x1, $0x1;
	v23 =	vadd.s32 v4, v11  }
.Ltmp71:
0x484: {  	v13 =	vld [tilespmem:s7+$0xFFFFFF80];
	[tilespmem:v16+s29+$0x0] =	vst.idx.msk $0xffff, v8;
	v17 =	vadd.s32 v4, v9;
	(pc) =	sbr.rel @!p3 .LBB2_102-.Ltmp71, $4  }
0x485: {  	v10 =	vld [tilespmem:s7+$0x0];
	[tilespmem:v18+s29+$0x0] =	vst.idx.msk $0xffff, v8;
	v18 =	vadd.s32 v4, v12  }
0x486: {  	[tilespmem:v15+s29+$0x0] =	vst.idx.msk $0xffff, v8;
	v11 =	vld [tilespmem:s7+$0x80];
	v14 =	vadd.s32 v4, v19  }
0x487: {  	v9 =	vld [tilespmem:s7+$0x100];
	v16 =	vadd.s32 v4, v20;
	[tilespmem:v21+s29+$0x0] =	vst.idx.msk $0xffff, v8  }
0x488: {  	s16 =	simm.s32 $0x8;
	p2 =	por $0x1, $0x1;
	v12 =	vld [tilespmem:s7+$0xFFFFFE00];
	v15 =	vadd.s32 v4, v22;
	s7 =	simm.s32 $0x17A40;
	[tilespmem:v23+s29+$0x0] =	vst.idx.msk $0xffff, v8  }
.LBB2_101:
0x489: {  	v19 =	vld [tilespmem:s7+$0x180];
	s16 =	sadd.s32 $0x8, s16;
	v20 =	vadd.s32 v4, v13;
	[tilespmem:v17+s29+$0x0] =	vst.idx.msk $0xffff, v8  }
0x48a: {  	v21 =	vld [tilespmem:s7+$0xFFFFFE80];
	p3 =	slt.u32 s16, $0x18;
	v22 =	vadd.s32 v4, v10;
	[tilespmem:v18+s29+$0x0] =	vst.idx.msk $0xffff, v8  }
0x48b: {  	v23 =	vld [tilespmem:s7+$0xFFFFFF00];
	v24 =	vadd.s32 v4, v11;
	[tilespmem:v14+s29+$0x0] =	vst.idx.msk $0xffff, v8  }
.Ltmp72:
0x48c: {  	v13 =	vld [tilespmem:s7+$0xFFFFFF80];
	[tilespmem:v16+s29+$0x0] =	vst.idx.msk $0xffff, v8;
	v17 =	vadd.s32 v4, v9;
	(pc) =	sbr.rel @p3 .LBB2_101-.Ltmp72, $4  }
0x48d: {  	v10 =	vld [tilespmem:s7+$0x0];
	v18 =	vadd.s32 v4, v12;
	[tilespmem:v15+s29+$0x0] =	vst.idx.msk $0xffff, v8  }
0x48e: {  	v11 =	vld [tilespmem:s7+$0x80];
	v14 =	vadd.s32 v4, v19;
	[tilespmem:v20+s29+$0x0] =	vst.idx.msk $0xffff, v8  }
0x48f: {  	v16 =	vadd.s32 v4, v21;
	v9 =	vld [tilespmem:s7+$0x100];
	[tilespmem:v22+s29+$0x0] =	vst.idx.msk $0xffff, v8  }
0x490: {  	v12 =	vld [tilespmem:s7+$0xFFFFFE00];
	v15 =	vadd.s32 v4, v23;
	s7 =	sadd.s32 $0x400, s7;
	[tilespmem:v24+s29+$0x0] =	vst.idx.msk $0xffff, v8  }
.LBB2_102:
0x491: {  	_ =	sdelay $0x3  }
0x492: {  	v13 =	vadd.s32 v4, v13;
	[tilespmem:v17+s29+$0x0] =	vst.idx.msk @p2 $0xffff, v8  }
0x493: {  	[tilespmem:v18+s29+$0x0] =	vst.idx.msk @p2 $0xffff, v8;
	v10 =	vadd.s32 v4, v10  }
0x494: {  	[tilespmem:v14+s29+$0x0] =	vst.idx.msk $0xffff, v8;
	v11 =	vadd.s32 v4, v11  }
0x495: {  	[tilespmem:v16+s29+$0x0] =	vst.idx.msk $0xffff, v8;
	v9 =	vadd.s32 v4, v9  }
0x496: {  	[tilespmem:v15+s29+$0x0] =	vst.idx.msk $0xffff, v8;
	v12 =	vadd.s32 v4, v12  }
0x497: {  	[tilespmem:v13+s29+$0x0] =	vst.idx.msk $0xffff, v8  }
0x498: {  	[tilespmem:v10+s29+$0x0] =	vst.idx.msk $0xffff, v8  }
0x499: {  	[tilespmem:v11+s29+$0x0] =	vst.idx.msk $0xffff, v8  }
0x49a: {  	[tilespmem:v9+s29+$0x0] =	vst.idx.msk $0xffff, v8  }
0x49b: {  	s7 =	simm.s32 $0x17250;
	[tilespmem:v12+s29+$0x0] =	vst.idx.msk $0xffff, v8  }
0x49c: {  	v10 =	vld [tilespmem:s7+$0x180]  }
0x49d: {  	v15 =	vld [tilespmem:s7+$0xFFFFFE80]  }
0x49e: {  	v17 =	vld [tilespmem:s7+$0xFFFFFF00]  }
.Ltmp73:
0x49f: {  	v13 =	vld [tilespmem:s7+$0xFFFFFF80];
	(pc) =	sbr.rel @!p1 .LBB2_103-.Ltmp73, $4  }
0x4a0: {  	v11 =	vld [tilespmem:s7+$0x0]  }
0x4a1: {  	v12 =	vld [tilespmem:s7+$0x80]  }
0x4a2: {  	v9 =	vld [tilespmem:s7+$0x100]  }
0x4a3: {  	v14 =	vadd.s32 v5, v10;
	v16 =	vadd.s32 v5, v15;
	v10 =	vld [tilespmem:s7+$0xFFFFFE00];
	v15 =	vadd.s32 v5, v17;
	s7 =	simm.s32 $0x17650  }
0x4a4: {  	_ = 	snop  }
0x4a5: {  	v18 =	vadd.s32 v5, v13  }
0x4a6: {  	v19 =	vld [tilespmem:s7+$0x180]  }
0x4a7: {  	v20 =	vld [tilespmem:s7+$0xFFFFFE80];
	v21 =	vadd.s32 v5, v11  }
0x4a8: {  	v22 =	vld [tilespmem:s7+$0xFFFFFF00];
	[tilespmem:v14+s29+$0x0] =	vst.idx.msk $0xffff, v8;
	p1 =	por $0x1, $0x1;
	v23 =	vadd.s32 v5, v12  }
.Ltmp74:
0x4a9: {  	v13 =	vld [tilespmem:s7+$0xFFFFFF80];
	[tilespmem:v16+s29+$0x0] =	vst.idx.msk $0xffff, v8;
	v17 =	vadd.s32 v5, v9;
	(pc) =	sbr.rel @!p1 .LBB2_106-.Ltmp74, $4  }
0x4aa: {  	v11 =	vld [tilespmem:s7+$0x0];
	[tilespmem:v18+s29+$0x0] =	vst.idx.msk $0xffff, v8;
	v18 =	vadd.s32 v5, v10  }
0x4ab: {  	[tilespmem:v15+s29+$0x0] =	vst.idx.msk $0xffff, v8;
	v12 =	vld [tilespmem:s7+$0x80];
	v14 =	vadd.s32 v5, v19  }
0x4ac: {  	v9 =	vld [tilespmem:s7+$0x100];
	v16 =	vadd.s32 v5, v20;
	[tilespmem:v21+s29+$0x0] =	vst.idx.msk $0xffff, v8  }
0x4ad: {  	s16 =	simm.s32 $0x8;
	p0 =	por $0x1, $0x1;
	v10 =	vld [tilespmem:s7+$0xFFFFFE00];
	v15 =	vadd.s32 v5, v22;
	s7 =	simm.s32 $0x17A50;
	[tilespmem:v23+s29+$0x0] =	vst.idx.msk $0xffff, v8  }
.LBB2_105:
0x4ae: {  	v19 =	vld [tilespmem:s7+$0x180];
	s16 =	sadd.s32 $0x8, s16;
	v20 =	vadd.s32 v5, v13;
	[tilespmem:v17+s29+$0x0] =	vst.idx.msk $0xffff, v8  }
0x4af: {  	v21 =	vld [tilespmem:s7+$0xFFFFFE80];
	p1 =	slt.u32 s16, $0x18;
	v22 =	vadd.s32 v5, v11;
	[tilespmem:v18+s29+$0x0] =	vst.idx.msk $0xffff, v8  }
0x4b0: {  	v23 =	vld [tilespmem:s7+$0xFFFFFF00];
	v24 =	vadd.s32 v5, v12;
	[tilespmem:v14+s29+$0x0] =	vst.idx.msk $0xffff, v8  }
.Ltmp75:
0x4b1: {  	v13 =	vld [tilespmem:s7+$0xFFFFFF80];
	[tilespmem:v16+s29+$0x0] =	vst.idx.msk $0xffff, v8;
	v17 =	vadd.s32 v5, v9;
	(pc) =	sbr.rel @p1 .LBB2_105-.Ltmp75, $4  }
0x4b2: {  	v11 =	vld [tilespmem:s7+$0x0];
	v18 =	vadd.s32 v5, v10;
	[tilespmem:v15+s29+$0x0] =	vst.idx.msk $0xffff, v8  }
0x4b3: {  	v12 =	vld [tilespmem:s7+$0x80];
	v14 =	vadd.s32 v5, v19;
	[tilespmem:v20+s29+$0x0] =	vst.idx.msk $0xffff, v8  }
0x4b4: {  	v16 =	vadd.s32 v5, v21;
	v9 =	vld [tilespmem:s7+$0x100];
	[tilespmem:v22+s29+$0x0] =	vst.idx.msk $0xffff, v8  }
0x4b5: {  	v10 =	vld [tilespmem:s7+$0xFFFFFE00];
	v15 =	vadd.s32 v5, v23;
	s7 =	sadd.s32 $0x400, s7;
	[tilespmem:v24+s29+$0x0] =	vst.idx.msk $0xffff, v8  }
.LBB2_106:
0x4b6: {  	_ =	sdelay $0x3  }
0x4b7: {  	v13 =	vadd.s32 v5, v13;
	[tilespmem:v17+s29+$0x0] =	vst.idx.msk @p0 $0xffff, v8  }
0x4b8: {  	[tilespmem:v18+s29+$0x0] =	vst.idx.msk @p0 $0xffff, v8;
	v11 =	vadd.s32 v5, v11  }
0x4b9: {  	[tilespmem:v14+s29+$0x0] =	vst.idx.msk $0xffff, v8;
	v12 =	vadd.s32 v5, v12  }
0x4ba: {  	[tilespmem:v16+s29+$0x0] =	vst.idx.msk $0xffff, v8;
	v9 =	vadd.s32 v5, v9  }
0x4bb: {  	[tilespmem:v15+s29+$0x0] =	vst.idx.msk $0xffff, v8;
	v10 =	vadd.s32 v5, v10  }
0x4bc: {  	[tilespmem:v13+s29+$0x0] =	vst.idx.msk $0xffff, v8  }
0x4bd: {  	[tilespmem:v11+s29+$0x0] =	vst.idx.msk $0xffff, v8  }
0x4be: {  	[tilespmem:v12+s29+$0x0] =	vst.idx.msk $0xffff, v8  }
0x4bf: {  	[tilespmem:v9+s29+$0x0] =	vst.idx.msk $0xffff, v8  }
0x4c0: {  	s7 =	simm.s32 $0x17260;
	[tilespmem:v10+s29+$0x0] =	vst.idx.msk $0xffff, v8  }
0x4c1: {  	v12 =	vld [tilespmem:s7+$0x180]  }
0x4c2: {  	v15 =	vld [tilespmem:s7+$0xFFFFFE80]  }
0x4c3: {  	p1 =	por $0x1, $0x1;
	v17 =	vld [tilespmem:s7+$0xFFFFFF00]  }
.Ltmp76:
0x4c4: {  	v13 =	vld [tilespmem:s7+$0xFFFFFF80];
	(pc) =	sbr.rel @!p1 .LBB2_107-.Ltmp76, $4  }
0x4c5: {  	v10 =	vld [tilespmem:s7+$0x0]  }
0x4c6: {  	v11 =	vld [tilespmem:s7+$0x80]  }
0x4c7: {  	v9 =	vld [tilespmem:s7+$0x100]  }
0x4c8: {  	p0 =	por $0x0, $0x0;
	v14 =	vadd.s32 v6, v12;
	v16 =	vadd.s32 v6, v15;
	v12 =	vld [tilespmem:s7+$0xFFFFFE00];
	v15 =	vadd.s32 v6, v17;
	s7 =	simm.s32 $0x17660  }
0x4c9: {  	_ = 	snop  }
0x4ca: {  	v18 =	vadd.s32 v6, v13  }
0x4cb: {  	v19 =	vld [tilespmem:s7+$0x180]  }
0x4cc: {  	v20 =	vld [tilespmem:s7+$0xFFFFFE80];
	v21 =	vadd.s32 v6, v10  }
0x4cd: {  	v22 =	vld [tilespmem:s7+$0xFFFFFF00];
	[tilespmem:v14+s29+$0x0] =	vst.idx.msk $0xffff, v8;
	p3 =	por $0x1, $0x1;
	v23 =	vadd.s32 v6, v11  }
.Ltmp77:
0x4ce: {  	v13 =	vld [tilespmem:s7+$0xFFFFFF80];
	[tilespmem:v16+s29+$0x0] =	vst.idx.msk $0xffff, v8;
	v17 =	vadd.s32 v6, v9;
	(pc) =	sbr.rel @!p3 .LBB2_110-.Ltmp77, $4  }
0x4cf: {  	v10 =	vld [tilespmem:s7+$0x0];
	[tilespmem:v18+s29+$0x0] =	vst.idx.msk $0xffff, v8;
	v18 =	vadd.s32 v6, v12  }
0x4d0: {  	[tilespmem:v15+s29+$0x0] =	vst.idx.msk $0xffff, v8;
	v11 =	vld [tilespmem:s7+$0x80];
	v14 =	vadd.s32 v6, v19  }
0x4d1: {  	v9 =	vld [tilespmem:s7+$0x100];
	v16 =	vadd.s32 v6, v20;
	[tilespmem:v21+s29+$0x0] =	vst.idx.msk $0xffff, v8  }
0x4d2: {  	s16 =	simm.s32 $0x8;
	p2 =	por $0x1, $0x1;
	v12 =	vld [tilespmem:s7+$0xFFFFFE00];
	v15 =	vadd.s32 v6, v22;
	s7 =	simm.s32 $0x17A60;
	[tilespmem:v23+s29+$0x0] =	vst.idx.msk $0xffff, v8  }
.LBB2_109:
0x4d3: {  	v19 =	vld [tilespmem:s7+$0x180];
	s16 =	sadd.s32 $0x8, s16;
	v20 =	vadd.s32 v6, v13;
	[tilespmem:v17+s29+$0x0] =	vst.idx.msk $0xffff, v8  }
0x4d4: {  	v21 =	vld [tilespmem:s7+$0xFFFFFE80];
	p3 =	slt.u32 s16, $0x18;
	v22 =	vadd.s32 v6, v10;
	[tilespmem:v18+s29+$0x0] =	vst.idx.msk $0xffff, v8  }
0x4d5: {  	v23 =	vld [tilespmem:s7+$0xFFFFFF00];
	v24 =	vadd.s32 v6, v11;
	[tilespmem:v14+s29+$0x0] =	vst.idx.msk $0xffff, v8  }
.Ltmp78:
0x4d6: {  	v13 =	vld [tilespmem:s7+$0xFFFFFF80];
	[tilespmem:v16+s29+$0x0] =	vst.idx.msk $0xffff, v8;
	v17 =	vadd.s32 v6, v9;
	(pc) =	sbr.rel @p3 .LBB2_109-.Ltmp78, $4  }
0x4d7: {  	v10 =	vld [tilespmem:s7+$0x0];
	v18 =	vadd.s32 v6, v12;
	[tilespmem:v15+s29+$0x0] =	vst.idx.msk $0xffff, v8  }
0x4d8: {  	v11 =	vld [tilespmem:s7+$0x80];
	v14 =	vadd.s32 v6, v19;
	[tilespmem:v20+s29+$0x0] =	vst.idx.msk $0xffff, v8  }
0x4d9: {  	v16 =	vadd.s32 v6, v21;
	v9 =	vld [tilespmem:s7+$0x100];
	[tilespmem:v22+s29+$0x0] =	vst.idx.msk $0xffff, v8  }
0x4da: {  	v12 =	vld [tilespmem:s7+$0xFFFFFE00];
	v15 =	vadd.s32 v6, v23;
	s7 =	sadd.s32 $0x400, s7;
	[tilespmem:v24+s29+$0x0] =	vst.idx.msk $0xffff, v8  }
.LBB2_110:
0x4db: {  	_ =	sdelay $0x3  }
0x4dc: {  	v13 =	vadd.s32 v6, v13;
	[tilespmem:v17+s29+$0x0] =	vst.idx.msk @p2 $0xffff, v8  }
0x4dd: {  	[tilespmem:v18+s29+$0x0] =	vst.idx.msk @p2 $0xffff, v8;
	v10 =	vadd.s32 v6, v10  }
0x4de: {  	[tilespmem:v14+s29+$0x0] =	vst.idx.msk $0xffff, v8;
	v11 =	vadd.s32 v6, v11  }
0x4df: {  	[tilespmem:v16+s29+$0x0] =	vst.idx.msk $0xffff, v8;
	v9 =	vadd.s32 v6, v9  }
0x4e0: {  	[tilespmem:v15+s29+$0x0] =	vst.idx.msk $0xffff, v8;
	v12 =	vadd.s32 v6, v12  }
0x4e1: {  	[tilespmem:v13+s29+$0x0] =	vst.idx.msk $0xffff, v8  }
0x4e2: {  	[tilespmem:v10+s29+$0x0] =	vst.idx.msk $0xffff, v8  }
0x4e3: {  	[tilespmem:v11+s29+$0x0] =	vst.idx.msk $0xffff, v8  }
0x4e4: {  	[tilespmem:v9+s29+$0x0] =	vst.idx.msk $0xffff, v8  }
0x4e5: {  	s7 =	simm.s32 $0x17270;
	[tilespmem:v12+s29+$0x0] =	vst.idx.msk $0xffff, v8  }
0x4e6: {  	v10 =	vld [tilespmem:s7+$0x180]  }
0x4e7: {  	v15 =	vld [tilespmem:s7+$0xFFFFFE80]  }
0x4e8: {  	v17 =	vld [tilespmem:s7+$0xFFFFFF00]  }
.Ltmp79:
0x4e9: {  	v13 =	vld [tilespmem:s7+$0xFFFFFF80];
	(pc) =	sbr.rel @!p1 .LBB2_111-.Ltmp79, $4  }
0x4ea: {  	v11 =	vld [tilespmem:s7+$0x0]  }
0x4eb: {  	v12 =	vld [tilespmem:s7+$0x80]  }
0x4ec: {  	v9 =	vld [tilespmem:s7+$0x100]  }
0x4ed: {  	v14 =	vadd.s32 v7, v10;
	v16 =	vadd.s32 v7, v15;
	v10 =	vld [tilespmem:s7+$0xFFFFFE00];
	v15 =	vadd.s32 v7, v17;
	s7 =	simm.s32 $0x17670  }
0x4ee: {  	_ = 	snop  }
0x4ef: {  	v18 =	vadd.s32 v7, v13  }
0x4f0: {  	v19 =	vld [tilespmem:s7+$0x180]  }
0x4f1: {  	v20 =	vld [tilespmem:s7+$0xFFFFFE80];
	v21 =	vadd.s32 v7, v11  }
0x4f2: {  	v22 =	vld [tilespmem:s7+$0xFFFFFF00];
	[tilespmem:v14+s29+$0x0] =	vst.idx.msk $0xffff, v8;
	p1 =	por $0x1, $0x1;
	v23 =	vadd.s32 v7, v12  }
.Ltmp80:
0x4f3: {  	v13 =	vld [tilespmem:s7+$0xFFFFFF80];
	[tilespmem:v16+s29+$0x0] =	vst.idx.msk $0xffff, v8;
	v17 =	vadd.s32 v7, v9;
	(pc) =	sbr.rel @!p1 .LBB2_114-.Ltmp80, $4  }
0x4f4: {  	v11 =	vld [tilespmem:s7+$0x0];
	[tilespmem:v18+s29+$0x0] =	vst.idx.msk $0xffff, v8;
	v18 =	vadd.s32 v7, v10  }
0x4f5: {  	[tilespmem:v15+s29+$0x0] =	vst.idx.msk $0xffff, v8;
	v12 =	vld [tilespmem:s7+$0x80];
	v14 =	vadd.s32 v7, v19  }
0x4f6: {  	v9 =	vld [tilespmem:s7+$0x100];
	v16 =	vadd.s32 v7, v20;
	[tilespmem:v21+s29+$0x0] =	vst.idx.msk $0xffff, v8  }
0x4f7: {  	s16 =	simm.s32 $0x8;
	p0 =	por $0x1, $0x1;
	v10 =	vld [tilespmem:s7+$0xFFFFFE00];
	v15 =	vadd.s32 v7, v22;
	s7 =	simm.s32 $0x17A70;
	[tilespmem:v23+s29+$0x0] =	vst.idx.msk $0xffff, v8  }
.LBB2_113:
0x4f8: {  	v19 =	vld [tilespmem:s7+$0x180];
	s16 =	sadd.s32 $0x8, s16;
	v20 =	vadd.s32 v7, v13;
	[tilespmem:v17+s29+$0x0] =	vst.idx.msk $0xffff, v8  }
0x4f9: {  	v21 =	vld [tilespmem:s7+$0xFFFFFE80];
	p1 =	slt.u32 s16, $0x18;
	v22 =	vadd.s32 v7, v11;
	[tilespmem:v18+s29+$0x0] =	vst.idx.msk $0xffff, v8  }
0x4fa: {  	v23 =	vld [tilespmem:s7+$0xFFFFFF00];
	v24 =	vadd.s32 v7, v12;
	[tilespmem:v14+s29+$0x0] =	vst.idx.msk $0xffff, v8  }
.Ltmp81:
0x4fb: {  	v13 =	vld [tilespmem:s7+$0xFFFFFF80];
	[tilespmem:v16+s29+$0x0] =	vst.idx.msk $0xffff, v8;
	v17 =	vadd.s32 v7, v9;
	(pc) =	sbr.rel @p1 .LBB2_113-.Ltmp81, $4  }
0x4fc: {  	v11 =	vld [tilespmem:s7+$0x0];
	v18 =	vadd.s32 v7, v10;
	[tilespmem:v15+s29+$0x0] =	vst.idx.msk $0xffff, v8  }
0x4fd: {  	v12 =	vld [tilespmem:s7+$0x80];
	v14 =	vadd.s32 v7, v19;
	[tilespmem:v20+s29+$0x0] =	vst.idx.msk $0xffff, v8  }
0x4fe: {  	v16 =	vadd.s32 v7, v21;
	v9 =	vld [tilespmem:s7+$0x100];
	[tilespmem:v22+s29+$0x0] =	vst.idx.msk $0xffff, v8  }
0x4ff: {  	v10 =	vld [tilespmem:s7+$0xFFFFFE00];
	v15 =	vadd.s32 v7, v23;
	s7 =	sadd.s32 $0x400, s7;
	[tilespmem:v24+s29+$0x0] =	vst.idx.msk $0xffff, v8  }
.LBB2_114:
0x500: {  	_ =	sdelay $0x3  }
0x501: {  	v13 =	vadd.s32 v7, v13;
	[tilespmem:v17+s29+$0x0] =	vst.idx.msk @p0 $0xffff, v8  }
0x502: {  	[tilespmem:v18+s29+$0x0] =	vst.idx.msk @p0 $0xffff, v8;
	v11 =	vadd.s32 v7, v11  }
0x503: {  	[tilespmem:v14+s29+$0x0] =	vst.idx.msk $0xffff, v8;
	v12 =	vadd.s32 v7, v12  }
0x504: {  	[tilespmem:v16+s29+$0x0] =	vst.idx.msk $0xffff, v8;
	s7 =	sand.u32 $0x7, s14;
	v9 =	vadd.s32 v7, v9  }
0x505: {  	[tilespmem:v15+s29+$0x0] =	vst.idx.msk $0xffff, v8;
	s23 =	sshll.u32 s14, $0x4;
	s7 =	smul.u32 $0x320000, s7;
	v10 =	vadd.s32 v7, v10  }
0x506: {  	s16 =	sand.u32 $0x7FFFFC00, s23;
	[tilespmem:v13+s29+$0x0] =	vst.idx.msk $0xffff, v8  }
0x507: {  	s14 =	sand.u32 $0x380, s23;
	s7 =	sadd.s32 s16, s7;
	[tilespmem:v11+s29+$0x0] =	vst.idx.msk $0xffff, v8  }
0x508: {  	s7 =	sor.u32 s14, s7;
	[tilespmem:v12+s29+$0x0] =	vst.idx.msk $0xffff, v8  }
0x509: {  	s7 =	sshrl.u32 s7, $0x3;
	[tilespmem:v9+s29+$0x0] =	vst.idx.msk $0xffff, v8  }
0x50a: {  	s9 =	sadd.s32 s9, s13;
	p0 =	seq.s32 s8, $0x9;
	s7 =	sadd.s32 s4, s7;
	[tilespmem:v10+s29+$0x0] =	vst.idx.msk $0xffff, v8  }
0x50b: {  	[hbm4b:s7+s17] =	stream.strided.scatter [tilespmem:s29], [sflag:$0x9], $0x4000, s18, s17, $0x38;
	[tilespmem:$0x19080] =	vst v63  }
0x50c: {  	s30 =	simm.s32 @!p0 $0x6;
	s7 =	sadd.s32 @!p0 $0x1, s9  }
0x50d: {  	s14 =	sand.u32 @!p0 $0x7, s7;
	s7 =	sshrl.u32 @!p0 s7, $0x3;
	_ =	swait.ge @!p0 [sflag:s30], $0x4000  }
0x50e: {  	s16 =	smul.u32 @!p0 $0x320000, s14;
	s23 =	sshll.u32 @!p0 s7, $0x7;
	[sflag:s30] =	ssyncset.done @!p0 $0x0  }
0x50f: {  	s7 =	sshll.u32 @!p0 s7, $0xF;
	s14 =	sshll.u32 @!p0 s14, $0xA;
	s26 =	sand.u32 @!p0 $0xFFFFFC00, s23  }
0x510: {  	s23 =	sand.u32 @!p0 $0x380, s23;
	[sflag:s30] =	ssyncadd.s32 @!p0 $0xFFFFC000;
	s16 =	sadd.s32 @!p0 s16, s26  }
0x511: {  	s30 =	simm.s32 @!p0 $0x0;
	s7 =	sor.u32 @!p0 s14, s7;
	s16 =	sor.u32 @!p0 s23, s16  }
0x512: {  	s14 =	simm.s32 @!p0 $0x400;
	s26 =	simm.s32 @!p0 $0x6400;
	s16 =	sshrl.u32 @!p0 s16, $0x3  }
0x513: {  	s7 =	sshrl.u32 @!p0 s7, $0x3;
	s23 =	simm.s32 @!p0 $0x80;
	s16 =	sadd.s32 @!p0 s1, s16  }
0x514: {  	[tilespmem:s30], [sflag:$0x1] =	stream.strided.gather @!p0 [hbm4b:s16+s23], $0x4000, s26, s23, $0x38;
	[tilespmem:$0x19080] =	vst v63  }
0x515: {  	s7 =	sadd.s32 @!p0 s2, s7;
	s16 =	simm.s32 @!p0 $0x2000;
	s23 =	simm.s32 @!p0 $0x14000  }
0x516: {  	[tilespmem:s23], [sflag:$0x1] =	stream.strided.gather @!p0 [hbm4b:s7+s14], $0x1000, s16, s14, $0x38;
	[tilespmem:$0x19080] =	vst v63  }
0x517: {  	_ =	swait.ge [sflag:s21], $0x4000  }
0x518: {  	[sflag:s21] =	ssyncset.done $0x0  }
0x519: {  	[sflag:s21] =	ssyncadd.s32 $0xFFFFC000  }
0x51a: {  	_ =	swait.ge [sflag:s21], $0x1000  }
0x51b: {  	[sflag:s21] =	ssyncset.done $0x0  }
0x51c: {  	s26 =	simm.s32 $0x18200;
	[sflag:s21] =	ssyncadd.s32 $0xFFFFF000  }
0x51d: {  	v9 =	vld [tilespmem:s26+$0x180]  }
0x51e: {  	v10 =	vld [tilespmem:s26+$0xFFFFFE80]  }
0x51f: {  	v11 =	vld [tilespmem:s26+$0xFFFFFF00]  }
0x520: {  	v12 =	vld [tilespmem:s26+$0xFFFFFF80]  }
0x521: {  	v13 =	vld [tilespmem:s26+$0x0]  }
0x522: {  	v14 =	vld [tilespmem:s26+$0x80];
	v9 =	vadd.s32 v0, v9  }
0x523: {  	v16 =	vld [tilespmem:s26+$0x100];
	v15 =	vadd.s32 v0, v10  }
0x524: {  	s30 =	simm.s32 $0x18600;
	v17 =	vld [tilespmem:s26+$0xFFFFFE00];
	v11 =	vadd.s32 v0, v11  }
0x525: {  	v18 =	vld [tilespmem:s30+$0x180];
	v12 =	vadd.s32 v0, v12  }
0x526: {  	v19 =	vld [tilespmem:s30+$0xFFFFFE80];
	v20 =	vadd.s32 v0, v13  }
0x527: {  	v21 =	vld [tilespmem:s30+$0xFFFFFF00];
	v22 =	vadd.s32 v0, v14;
	[tilespmem:v9+s3+$0x0] =	vst.idx.msk $0xffff, v8  }
0x528: {  	v10 =	vld [tilespmem:s30+$0xFFFFFF80];
	[tilespmem:v15+s3+$0x0] =	vst.idx.msk $0xffff, v8;
	v15 =	vadd.s32 v0, v16  }
0x529: {  	v14 =	vadd.s32 v0, v17;
	v9 =	vld [tilespmem:s30+$0x0];
	[tilespmem:v11+s3+$0x0] =	vst.idx.msk $0xffff, v8  }
0x52a: {  	v13 =	vadd.s32 v0, v18;
	v11 =	vld [tilespmem:s30+$0x80];
	[tilespmem:v12+s3+$0x0] =	vst.idx.msk $0xffff, v8  }
0x52b: {  	v18 =	vadd.s32 v0, v19;
	v12 =	vld [tilespmem:s30+$0x100];
	[tilespmem:v20+s3+$0x0] =	vst.idx.msk $0xffff, v8  }
0x52c: {  	s14 =	simm.s32 $0x8;
	s7 =	simm.s32 $0x18A00;
	v17 =	vadd.s32 v0, v21;
	v16 =	vld [tilespmem:s30+$0xFFFFFE00];
	[tilespmem:v22+s3+$0x0] =	vst.idx.msk $0xffff, v8  }
.LBB2_115:
0x52d: {  	v19 =	vld [tilespmem:s7+$0x180];
	s14 =	sadd.s32 $0x8, s14;
	v20 =	vadd.s32 v0, v10;
	[tilespmem:v15+s3+$0x0] =	vst.idx.msk $0xffff, v8  }
0x52e: {  	v21 =	vld [tilespmem:s7+$0xFFFFFE80];
	p0 =	slt.u32 s14, $0x18;
	v22 =	vadd.s32 v0, v9;
	[tilespmem:v14+s3+$0x0] =	vst.idx.msk $0xffff, v8  }
0x52f: {  	v23 =	vld [tilespmem:s7+$0xFFFFFF00];
	v24 =	vadd.s32 v0, v11;
	[tilespmem:v13+s3+$0x0] =	vst.idx.msk $0xffff, v8  }
.Ltmp82:
0x530: {  	v10 =	vld [tilespmem:s7+$0xFFFFFF80];
	[tilespmem:v18+s3+$0x0] =	vst.idx.msk $0xffff, v8;
	v15 =	vadd.s32 v0, v12;
	(pc) =	sbr.rel @p0 .LBB2_115-.Ltmp82, $4  }
0x531: {  	v9 =	vld [tilespmem:s7+$0x0];
	v14 =	vadd.s32 v0, v16;
	[tilespmem:v17+s3+$0x0] =	vst.idx.msk $0xffff, v8  }
0x532: {  	v11 =	vld [tilespmem:s7+$0x80];
	v13 =	vadd.s32 v0, v19;
	[tilespmem:v20+s3+$0x0] =	vst.idx.msk $0xffff, v8  }
0x533: {  	v18 =	vadd.s32 v0, v21;
	v12 =	vld [tilespmem:s7+$0x100];
	[tilespmem:v22+s3+$0x0] =	vst.idx.msk $0xffff, v8  }
0x534: {  	v16 =	vld [tilespmem:s7+$0xFFFFFE00];
	v17 =	vadd.s32 v0, v23;
	s7 =	sadd.s32 $0x400, s7;
	[tilespmem:v24+s3+$0x0] =	vst.idx.msk $0xffff, v8  }
0x535: {  	_ =	sdelay $0x3  }
0x536: {  	v10 =	vadd.s32 v0, v10;
	[tilespmem:v15+s3+$0x0] =	vst.idx.msk $0xffff, v8  }
0x537: {  	[tilespmem:v14+s3+$0x0] =	vst.idx.msk $0xffff, v8;
	v9 =	vadd.s32 v0, v9  }
0x538: {  	[tilespmem:v13+s3+$0x0] =	vst.idx.msk $0xffff, v8;
	v11 =	vadd.s32 v0, v11  }
0x539: {  	[tilespmem:v18+s3+$0x0] =	vst.idx.msk $0xffff, v8;
	v12 =	vadd.s32 v0, v12  }
0x53a: {  	[tilespmem:v17+s3+$0x0] =	vst.idx.msk $0xffff, v8;
	v13 =	vadd.s32 v0, v16  }
0x53b: {  	[tilespmem:v10+s3+$0x0] =	vst.idx.msk $0xffff, v8  }
0x53c: {  	[tilespmem:v9+s3+$0x0] =	vst.idx.msk $0xffff, v8  }
0x53d: {  	[tilespmem:v11+s3+$0x0] =	vst.idx.msk $0xffff, v8  }
0x53e: {  	[tilespmem:v12+s3+$0x0] =	vst.idx.msk $0xffff, v8  }
0x53f: {  	s7 =	simm.s32 $0x18210;
	[tilespmem:v13+s3+$0x0] =	vst.idx.msk $0xffff, v8  }
0x540: {  	v9 =	vld [tilespmem:s7+$0x180]  }
0x541: {  	v10 =	vld [tilespmem:s7+$0xFFFFFE80]  }
0x542: {  	v11 =	vld [tilespmem:s7+$0xFFFFFF00]  }
0x543: {  	v12 =	vld [tilespmem:s7+$0xFFFFFF80]  }
0x544: {  	v13 =	vld [tilespmem:s7+$0x0]  }
0x545: {  	v14 =	vld [tilespmem:s7+$0x80];
	v9 =	vadd.s32 v1, v9  }
0x546: {  	v16 =	vld [tilespmem:s7+$0x100];
	v15 =	vadd.s32 v1, v10  }
0x547: {  	s30 =	simm.s32 $0x18610;
	v17 =	vld [tilespmem:s7+$0xFFFFFE00];
	v11 =	vadd.s32 v1, v11  }
0x548: {  	v18 =	vld [tilespmem:s30+$0x180];
	v12 =	vadd.s32 v1, v12  }
0x549: {  	v19 =	vld [tilespmem:s30+$0xFFFFFE80];
	v20 =	vadd.s32 v1, v13  }
0x54a: {  	v21 =	vld [tilespmem:s30+$0xFFFFFF00];
	v22 =	vadd.s32 v1, v14;
	[tilespmem:v9+s3+$0x0] =	vst.idx.msk $0xffff, v8  }
0x54b: {  	v10 =	vld [tilespmem:s30+$0xFFFFFF80];
	[tilespmem:v15+s3+$0x0] =	vst.idx.msk $0xffff, v8;
	v15 =	vadd.s32 v1, v16  }
0x54c: {  	v14 =	vadd.s32 v1, v17;
	v9 =	vld [tilespmem:s30+$0x0];
	[tilespmem:v11+s3+$0x0] =	vst.idx.msk $0xffff, v8  }
0x54d: {  	v13 =	vadd.s32 v1, v18;
	v11 =	vld [tilespmem:s30+$0x80];
	[tilespmem:v12+s3+$0x0] =	vst.idx.msk $0xffff, v8  }
0x54e: {  	v18 =	vadd.s32 v1, v19;
	v12 =	vld [tilespmem:s30+$0x100];
	[tilespmem:v20+s3+$0x0] =	vst.idx.msk $0xffff, v8  }
0x54f: {  	s14 =	simm.s32 $0x8;
	s7 =	simm.s32 $0x18A10;
	v17 =	vadd.s32 v1, v21;
	v16 =	vld [tilespmem:s30+$0xFFFFFE00];
	[tilespmem:v22+s3+$0x0] =	vst.idx.msk $0xffff, v8  }
.LBB2_117:
0x550: {  	v19 =	vld [tilespmem:s7+$0x180];
	s14 =	sadd.s32 $0x8, s14;
	v20 =	vadd.s32 v1, v10;
	[tilespmem:v15+s3+$0x0] =	vst.idx.msk $0xffff, v8  }
0x551: {  	v21 =	vld [tilespmem:s7+$0xFFFFFE80];
	p0 =	slt.u32 s14, $0x18;
	v22 =	vadd.s32 v1, v9;
	[tilespmem:v14+s3+$0x0] =	vst.idx.msk $0xffff, v8  }
0x552: {  	v23 =	vld [tilespmem:s7+$0xFFFFFF00];
	v24 =	vadd.s32 v1, v11;
	[tilespmem:v13+s3+$0x0] =	vst.idx.msk $0xffff, v8  }
.Ltmp83:
0x553: {  	v10 =	vld [tilespmem:s7+$0xFFFFFF80];
	[tilespmem:v18+s3+$0x0] =	vst.idx.msk $0xffff, v8;
	v15 =	vadd.s32 v1, v12;
	(pc) =	sbr.rel @p0 .LBB2_117-.Ltmp83, $4  }
0x554: {  	v9 =	vld [tilespmem:s7+$0x0];
	v14 =	vadd.s32 v1, v16;
	[tilespmem:v17+s3+$0x0] =	vst.idx.msk $0xffff, v8  }
0x555: {  	v11 =	vld [tilespmem:s7+$0x80];
	v13 =	vadd.s32 v1, v19;
	[tilespmem:v20+s3+$0x0] =	vst.idx.msk $0xffff, v8  }
0x556: {  	v18 =	vadd.s32 v1, v21;
	v12 =	vld [tilespmem:s7+$0x100];
	[tilespmem:v22+s3+$0x0] =	vst.idx.msk $0xffff, v8  }
0x557: {  	v16 =	vld [tilespmem:s7+$0xFFFFFE00];
	v17 =	vadd.s32 v1, v23;
	s7 =	sadd.s32 $0x400, s7;
	[tilespmem:v24+s3+$0x0] =	vst.idx.msk $0xffff, v8  }
0x558: {  	_ =	sdelay $0x3  }
0x559: {  	v10 =	vadd.s32 v1, v10;
	[tilespmem:v15+s3+$0x0] =	vst.idx.msk $0xffff, v8  }
0x55a: {  	[tilespmem:v14+s3+$0x0] =	vst.idx.msk $0xffff, v8;
	v9 =	vadd.s32 v1, v9  }
0x55b: {  	[tilespmem:v13+s3+$0x0] =	vst.idx.msk $0xffff, v8;
	v11 =	vadd.s32 v1, v11  }
0x55c: {  	[tilespmem:v18+s3+$0x0] =	vst.idx.msk $0xffff, v8;
	v12 =	vadd.s32 v1, v12  }
0x55d: {  	[tilespmem:v17+s3+$0x0] =	vst.idx.msk $0xffff, v8;
	v13 =	vadd.s32 v1, v16  }
0x55e: {  	[tilespmem:v10+s3+$0x0] =	vst.idx.msk $0xffff, v8  }
0x55f: {  	[tilespmem:v9+s3+$0x0] =	vst.idx.msk $0xffff, v8  }
0x560: {  	[tilespmem:v11+s3+$0x0] =	vst.idx.msk $0xffff, v8  }
0x561: {  	[tilespmem:v12+s3+$0x0] =	vst.idx.msk $0xffff, v8  }
0x562: {  	s7 =	simm.s32 $0x18220;
	[tilespmem:v13+s3+$0x0] =	vst.idx.msk $0xffff, v8  }
0x563: {  	v12 =	vld [tilespmem:s7+$0x180]  }
0x564: {  	v15 =	vld [tilespmem:s7+$0xFFFFFE80]  }
0x565: {  	p1 =	por $0x1, $0x1;
	v17 =	vld [tilespmem:s7+$0xFFFFFF00]  }
.Ltmp84:
0x566: {  	v13 =	vld [tilespmem:s7+$0xFFFFFF80];
	(pc) =	sbr.rel @!p1 .LBB2_119-.Ltmp84, $4  }
0x567: {  	v10 =	vld [tilespmem:s7+$0x0]  }
0x568: {  	v11 =	vld [tilespmem:s7+$0x80]  }
0x569: {  	v9 =	vld [tilespmem:s7+$0x100]  }
0x56a: {  	p0 =	por $0x0, $0x0;
	v14 =	vadd.s32 v2, v12;
	v16 =	vadd.s32 v2, v15;
	v12 =	vld [tilespmem:s7+$0xFFFFFE00];
	v15 =	vadd.s32 v2, v17;
	s7 =	simm.s32 $0x18620  }
0x56b: {  	_ = 	snop  }
0x56c: {  	v18 =	vadd.s32 v2, v13  }
0x56d: {  	v19 =	vld [tilespmem:s7+$0x180]  }
0x56e: {  	v20 =	vld [tilespmem:s7+$0xFFFFFE80];
	v21 =	vadd.s32 v2, v10  }
0x56f: {  	v22 =	vld [tilespmem:s7+$0xFFFFFF00];
	[tilespmem:v14+s3+$0x0] =	vst.idx.msk $0xffff, v8;
	p3 =	por $0x1, $0x1;
	v23 =	vadd.s32 v2, v11  }
.Ltmp85:
0x570: {  	v13 =	vld [tilespmem:s7+$0xFFFFFF80];
	[tilespmem:v16+s3+$0x0] =	vst.idx.msk $0xffff, v8;
	v17 =	vadd.s32 v2, v9;
	(pc) =	sbr.rel @!p3 .LBB2_122-.Ltmp85, $4  }
0x571: {  	v10 =	vld [tilespmem:s7+$0x0];
	[tilespmem:v18+s3+$0x0] =	vst.idx.msk $0xffff, v8;
	v18 =	vadd.s32 v2, v12  }
0x572: {  	[tilespmem:v15+s3+$0x0] =	vst.idx.msk $0xffff, v8;
	v11 =	vld [tilespmem:s7+$0x80];
	v14 =	vadd.s32 v2, v19  }
0x573: {  	v9 =	vld [tilespmem:s7+$0x100];
	v16 =	vadd.s32 v2, v20;
	[tilespmem:v21+s3+$0x0] =	vst.idx.msk $0xffff, v8  }
0x574: {  	s14 =	simm.s32 $0x8;
	p2 =	por $0x1, $0x1;
	v12 =	vld [tilespmem:s7+$0xFFFFFE00];
	v15 =	vadd.s32 v2, v22;
	s7 =	simm.s32 $0x18A20;
	[tilespmem:v23+s3+$0x0] =	vst.idx.msk $0xffff, v8  }
.LBB2_121:
0x575: {  	v19 =	vld [tilespmem:s7+$0x180];
	s14 =	sadd.s32 $0x8, s14;
	v20 =	vadd.s32 v2, v13;
	[tilespmem:v17+s3+$0x0] =	vst.idx.msk $0xffff, v8  }
0x576: {  	v21 =	vld [tilespmem:s7+$0xFFFFFE80];
	p3 =	slt.u32 s14, $0x18;
	v22 =	vadd.s32 v2, v10;
	[tilespmem:v18+s3+$0x0] =	vst.idx.msk $0xffff, v8  }
0x577: {  	v23 =	vld [tilespmem:s7+$0xFFFFFF00];
	v24 =	vadd.s32 v2, v11;
	[tilespmem:v14+s3+$0x0] =	vst.idx.msk $0xffff, v8  }
.Ltmp86:
0x578: {  	v13 =	vld [tilespmem:s7+$0xFFFFFF80];
	[tilespmem:v16+s3+$0x0] =	vst.idx.msk $0xffff, v8;
	v17 =	vadd.s32 v2, v9;
	(pc) =	sbr.rel @p3 .LBB2_121-.Ltmp86, $4  }
0x579: {  	v10 =	vld [tilespmem:s7+$0x0];
	v18 =	vadd.s32 v2, v12;
	[tilespmem:v15+s3+$0x0] =	vst.idx.msk $0xffff, v8  }
0x57a: {  	v11 =	vld [tilespmem:s7+$0x80];
	v14 =	vadd.s32 v2, v19;
	[tilespmem:v20+s3+$0x0] =	vst.idx.msk $0xffff, v8  }
0x57b: {  	v16 =	vadd.s32 v2, v21;
	v9 =	vld [tilespmem:s7+$0x100];
	[tilespmem:v22+s3+$0x0] =	vst.idx.msk $0xffff, v8  }
0x57c: {  	v12 =	vld [tilespmem:s7+$0xFFFFFE00];
	v15 =	vadd.s32 v2, v23;
	s7 =	sadd.s32 $0x400, s7;
	[tilespmem:v24+s3+$0x0] =	vst.idx.msk $0xffff, v8  }
.LBB2_122:
0x57d: {  	_ =	sdelay $0x3  }
0x57e: {  	v13 =	vadd.s32 v2, v13;
	[tilespmem:v17+s3+$0x0] =	vst.idx.msk @p2 $0xffff, v8  }
0x57f: {  	[tilespmem:v18+s3+$0x0] =	vst.idx.msk @p2 $0xffff, v8;
	v10 =	vadd.s32 v2, v10  }
0x580: {  	[tilespmem:v14+s3+$0x0] =	vst.idx.msk $0xffff, v8;
	v11 =	vadd.s32 v2, v11  }
0x581: {  	[tilespmem:v16+s3+$0x0] =	vst.idx.msk $0xffff, v8;
	v9 =	vadd.s32 v2, v9  }
0x582: {  	[tilespmem:v15+s3+$0x0] =	vst.idx.msk $0xffff, v8;
	v12 =	vadd.s32 v2, v12  }
0x583: {  	[tilespmem:v13+s3+$0x0] =	vst.idx.msk $0xffff, v8  }
0x584: {  	[tilespmem:v10+s3+$0x0] =	vst.idx.msk $0xffff, v8  }
0x585: {  	[tilespmem:v11+s3+$0x0] =	vst.idx.msk $0xffff, v8  }
0x586: {  	[tilespmem:v9+s3+$0x0] =	vst.idx.msk $0xffff, v8  }
0x587: {  	s7 =	simm.s32 $0x18230;
	[tilespmem:v12+s3+$0x0] =	vst.idx.msk $0xffff, v8  }
0x588: {  	v10 =	vld [tilespmem:s7+$0x180]  }
0x589: {  	v15 =	vld [tilespmem:s7+$0xFFFFFE80]  }
0x58a: {  	v17 =	vld [tilespmem:s7+$0xFFFFFF00]  }
.Ltmp87:
0x58b: {  	v13 =	vld [tilespmem:s7+$0xFFFFFF80];
	(pc) =	sbr.rel @!p1 .LBB2_123-.Ltmp87, $4  }
0x58c: {  	v11 =	vld [tilespmem:s7+$0x0]  }
0x58d: {  	v12 =	vld [tilespmem:s7+$0x80]  }
0x58e: {  	v9 =	vld [tilespmem:s7+$0x100]  }
0x58f: {  	v14 =	vadd.s32 v3, v10;
	v16 =	vadd.s32 v3, v15;
	v10 =	vld [tilespmem:s7+$0xFFFFFE00];
	v15 =	vadd.s32 v3, v17;
	s7 =	simm.s32 $0x18630  }
0x590: {  	_ = 	snop  }
0x591: {  	v18 =	vadd.s32 v3, v13  }
0x592: {  	v19 =	vld [tilespmem:s7+$0x180]  }
0x593: {  	v20 =	vld [tilespmem:s7+$0xFFFFFE80];
	v21 =	vadd.s32 v3, v11  }
0x594: {  	v22 =	vld [tilespmem:s7+$0xFFFFFF00];
	[tilespmem:v14+s3+$0x0] =	vst.idx.msk $0xffff, v8;
	p1 =	por $0x1, $0x1;
	v23 =	vadd.s32 v3, v12  }
.Ltmp88:
0x595: {  	v13 =	vld [tilespmem:s7+$0xFFFFFF80];
	[tilespmem:v16+s3+$0x0] =	vst.idx.msk $0xffff, v8;
	v17 =	vadd.s32 v3, v9;
	(pc) =	sbr.rel @!p1 .LBB2_126-.Ltmp88, $4  }
0x596: {  	v11 =	vld [tilespmem:s7+$0x0];
	[tilespmem:v18+s3+$0x0] =	vst.idx.msk $0xffff, v8;
	v18 =	vadd.s32 v3, v10  }
0x597: {  	[tilespmem:v15+s3+$0x0] =	vst.idx.msk $0xffff, v8;
	v12 =	vld [tilespmem:s7+$0x80];
	v14 =	vadd.s32 v3, v19  }
0x598: {  	v9 =	vld [tilespmem:s7+$0x100];
	v16 =	vadd.s32 v3, v20;
	[tilespmem:v21+s3+$0x0] =	vst.idx.msk $0xffff, v8  }
0x599: {  	s14 =	simm.s32 $0x8;
	p0 =	por $0x1, $0x1;
	v10 =	vld [tilespmem:s7+$0xFFFFFE00];
	v15 =	vadd.s32 v3, v22;
	s7 =	simm.s32 $0x18A30;
	[tilespmem:v23+s3+$0x0] =	vst.idx.msk $0xffff, v8  }
.LBB2_125:
0x59a: {  	v19 =	vld [tilespmem:s7+$0x180];
	s14 =	sadd.s32 $0x8, s14;
	v20 =	vadd.s32 v3, v13;
	[tilespmem:v17+s3+$0x0] =	vst.idx.msk $0xffff, v8  }
0x59b: {  	v21 =	vld [tilespmem:s7+$0xFFFFFE80];
	p1 =	slt.u32 s14, $0x18;
	v22 =	vadd.s32 v3, v11;
	[tilespmem:v18+s3+$0x0] =	vst.idx.msk $0xffff, v8  }
0x59c: {  	v23 =	vld [tilespmem:s7+$0xFFFFFF00];
	v24 =	vadd.s32 v3, v12;
	[tilespmem:v14+s3+$0x0] =	vst.idx.msk $0xffff, v8  }
.Ltmp89:
0x59d: {  	v13 =	vld [tilespmem:s7+$0xFFFFFF80];
	[tilespmem:v16+s3+$0x0] =	vst.idx.msk $0xffff, v8;
	v17 =	vadd.s32 v3, v9;
	(pc) =	sbr.rel @p1 .LBB2_125-.Ltmp89, $4  }
0x59e: {  	v11 =	vld [tilespmem:s7+$0x0];
	v18 =	vadd.s32 v3, v10;
	[tilespmem:v15+s3+$0x0] =	vst.idx.msk $0xffff, v8  }
0x59f: {  	v12 =	vld [tilespmem:s7+$0x80];
	v14 =	vadd.s32 v3, v19;
	[tilespmem:v20+s3+$0x0] =	vst.idx.msk $0xffff, v8  }
0x5a0: {  	v16 =	vadd.s32 v3, v21;
	v9 =	vld [tilespmem:s7+$0x100];
	[tilespmem:v22+s3+$0x0] =	vst.idx.msk $0xffff, v8  }
0x5a1: {  	v10 =	vld [tilespmem:s7+$0xFFFFFE00];
	v15 =	vadd.s32 v3, v23;
	s7 =	sadd.s32 $0x400, s7;
	[tilespmem:v24+s3+$0x0] =	vst.idx.msk $0xffff, v8  }
.LBB2_126:
0x5a2: {  	_ =	sdelay $0x3  }
0x5a3: {  	v13 =	vadd.s32 v3, v13;
	[tilespmem:v17+s3+$0x0] =	vst.idx.msk @p0 $0xffff, v8  }
0x5a4: {  	[tilespmem:v18+s3+$0x0] =	vst.idx.msk @p0 $0xffff, v8;
	v11 =	vadd.s32 v3, v11  }
0x5a5: {  	[tilespmem:v14+s3+$0x0] =	vst.idx.msk $0xffff, v8;
	v12 =	vadd.s32 v3, v12  }
0x5a6: {  	[tilespmem:v16+s3+$0x0] =	vst.idx.msk $0xffff, v8;
	v9 =	vadd.s32 v3, v9  }
0x5a7: {  	[tilespmem:v15+s3+$0x0] =	vst.idx.msk $0xffff, v8;
	v10 =	vadd.s32 v3, v10  }
0x5a8: {  	[tilespmem:v13+s3+$0x0] =	vst.idx.msk $0xffff, v8  }
0x5a9: {  	[tilespmem:v11+s3+$0x0] =	vst.idx.msk $0xffff, v8  }
0x5aa: {  	[tilespmem:v12+s3+$0x0] =	vst.idx.msk $0xffff, v8  }
0x5ab: {  	[tilespmem:v9+s3+$0x0] =	vst.idx.msk $0xffff, v8  }
0x5ac: {  	s7 =	simm.s32 $0x18240;
	[tilespmem:v10+s3+$0x0] =	vst.idx.msk $0xffff, v8  }
0x5ad: {  	v12 =	vld [tilespmem:s7+$0x180]  }
0x5ae: {  	v15 =	vld [tilespmem:s7+$0xFFFFFE80]  }
0x5af: {  	p1 =	por $0x1, $0x1;
	v17 =	vld [tilespmem:s7+$0xFFFFFF00]  }
.Ltmp90:
0x5b0: {  	v13 =	vld [tilespmem:s7+$0xFFFFFF80];
	(pc) =	sbr.rel @!p1 .LBB2_127-.Ltmp90, $4  }
0x5b1: {  	v10 =	vld [tilespmem:s7+$0x0]  }
0x5b2: {  	v11 =	vld [tilespmem:s7+$0x80]  }
0x5b3: {  	v9 =	vld [tilespmem:s7+$0x100]  }
0x5b4: {  	p0 =	por $0x0, $0x0;
	v14 =	vadd.s32 v4, v12;
	v16 =	vadd.s32 v4, v15;
	v12 =	vld [tilespmem:s7+$0xFFFFFE00];
	v15 =	vadd.s32 v4, v17;
	s7 =	simm.s32 $0x18640  }
0x5b5: {  	_ = 	snop  }
0x5b6: {  	v18 =	vadd.s32 v4, v13  }
0x5b7: {  	v19 =	vld [tilespmem:s7+$0x180]  }
0x5b8: {  	v20 =	vld [tilespmem:s7+$0xFFFFFE80];
	v21 =	vadd.s32 v4, v10  }
0x5b9: {  	v22 =	vld [tilespmem:s7+$0xFFFFFF00];
	[tilespmem:v14+s3+$0x0] =	vst.idx.msk $0xffff, v8;
	p3 =	por $0x1, $0x1;
	v23 =	vadd.s32 v4, v11  }
.Ltmp91:
0x5ba: {  	v13 =	vld [tilespmem:s7+$0xFFFFFF80];
	[tilespmem:v16+s3+$0x0] =	vst.idx.msk $0xffff, v8;
	v17 =	vadd.s32 v4, v9;
	(pc) =	sbr.rel @!p3 .LBB2_130-.Ltmp91, $4  }
0x5bb: {  	v10 =	vld [tilespmem:s7+$0x0];
	[tilespmem:v18+s3+$0x0] =	vst.idx.msk $0xffff, v8;
	v18 =	vadd.s32 v4, v12  }
0x5bc: {  	[tilespmem:v15+s3+$0x0] =	vst.idx.msk $0xffff, v8;
	v11 =	vld [tilespmem:s7+$0x80];
	v14 =	vadd.s32 v4, v19  }
0x5bd: {  	v9 =	vld [tilespmem:s7+$0x100];
	v16 =	vadd.s32 v4, v20;
	[tilespmem:v21+s3+$0x0] =	vst.idx.msk $0xffff, v8  }
0x5be: {  	s14 =	simm.s32 $0x8;
	p2 =	por $0x1, $0x1;
	v12 =	vld [tilespmem:s7+$0xFFFFFE00];
	v15 =	vadd.s32 v4, v22;
	s7 =	simm.s32 $0x18A40;
	[tilespmem:v23+s3+$0x0] =	vst.idx.msk $0xffff, v8  }
.LBB2_129:
0x5bf: {  	v19 =	vld [tilespmem:s7+$0x180];
	s14 =	sadd.s32 $0x8, s14;
	v20 =	vadd.s32 v4, v13;
	[tilespmem:v17+s3+$0x0] =	vst.idx.msk $0xffff, v8  }
0x5c0: {  	v21 =	vld [tilespmem:s7+$0xFFFFFE80];
	p3 =	slt.u32 s14, $0x18;
	v22 =	vadd.s32 v4, v10;
	[tilespmem:v18+s3+$0x0] =	vst.idx.msk $0xffff, v8  }
0x5c1: {  	v23 =	vld [tilespmem:s7+$0xFFFFFF00];
	v24 =	vadd.s32 v4, v11;
	[tilespmem:v14+s3+$0x0] =	vst.idx.msk $0xffff, v8  }
.Ltmp92:
0x5c2: {  	v13 =	vld [tilespmem:s7+$0xFFFFFF80];
	[tilespmem:v16+s3+$0x0] =	vst.idx.msk $0xffff, v8;
	v17 =	vadd.s32 v4, v9;
	(pc) =	sbr.rel @p3 .LBB2_129-.Ltmp92, $4  }
0x5c3: {  	v10 =	vld [tilespmem:s7+$0x0];
	v18 =	vadd.s32 v4, v12;
	[tilespmem:v15+s3+$0x0] =	vst.idx.msk $0xffff, v8  }
0x5c4: {  	v11 =	vld [tilespmem:s7+$0x80];
	v14 =	vadd.s32 v4, v19;
	[tilespmem:v20+s3+$0x0] =	vst.idx.msk $0xffff, v8  }
0x5c5: {  	v16 =	vadd.s32 v4, v21;
	v9 =	vld [tilespmem:s7+$0x100];
	[tilespmem:v22+s3+$0x0] =	vst.idx.msk $0xffff, v8  }
0x5c6: {  	v12 =	vld [tilespmem:s7+$0xFFFFFE00];
	v15 =	vadd.s32 v4, v23;
	s7 =	sadd.s32 $0x400, s7;
	[tilespmem:v24+s3+$0x0] =	vst.idx.msk $0xffff, v8  }
.LBB2_130:
0x5c7: {  	_ =	sdelay $0x3  }
0x5c8: {  	v13 =	vadd.s32 v4, v13;
	[tilespmem:v17+s3+$0x0] =	vst.idx.msk @p2 $0xffff, v8  }
0x5c9: {  	[tilespmem:v18+s3+$0x0] =	vst.idx.msk @p2 $0xffff, v8;
	v10 =	vadd.s32 v4, v10  }
0x5ca: {  	[tilespmem:v14+s3+$0x0] =	vst.idx.msk $0xffff, v8;
	v11 =	vadd.s32 v4, v11  }
0x5cb: {  	[tilespmem:v16+s3+$0x0] =	vst.idx.msk $0xffff, v8;
	v9 =	vadd.s32 v4, v9  }
0x5cc: {  	[tilespmem:v15+s3+$0x0] =	vst.idx.msk $0xffff, v8;
	v12 =	vadd.s32 v4, v12  }
0x5cd: {  	[tilespmem:v13+s3+$0x0] =	vst.idx.msk $0xffff, v8  }
0x5ce: {  	[tilespmem:v10+s3+$0x0] =	vst.idx.msk $0xffff, v8  }
0x5cf: {  	[tilespmem:v11+s3+$0x0] =	vst.idx.msk $0xffff, v8  }
0x5d0: {  	[tilespmem:v9+s3+$0x0] =	vst.idx.msk $0xffff, v8  }
0x5d1: {  	s7 =	simm.s32 $0x18250;
	[tilespmem:v12+s3+$0x0] =	vst.idx.msk $0xffff, v8  }
0x5d2: {  	v10 =	vld [tilespmem:s7+$0x180]  }
0x5d3: {  	v15 =	vld [tilespmem:s7+$0xFFFFFE80]  }
0x5d4: {  	v17 =	vld [tilespmem:s7+$0xFFFFFF00]  }
.Ltmp93:
0x5d5: {  	v13 =	vld [tilespmem:s7+$0xFFFFFF80];
	(pc) =	sbr.rel @!p1 .LBB2_131-.Ltmp93, $4  }
0x5d6: {  	v11 =	vld [tilespmem:s7+$0x0]  }
0x5d7: {  	v12 =	vld [tilespmem:s7+$0x80]  }
0x5d8: {  	v9 =	vld [tilespmem:s7+$0x100]  }
0x5d9: {  	v14 =	vadd.s32 v5, v10;
	v16 =	vadd.s32 v5, v15;
	v10 =	vld [tilespmem:s7+$0xFFFFFE00];
	v15 =	vadd.s32 v5, v17;
	s7 =	simm.s32 $0x18650  }
0x5da: {  	_ = 	snop  }
0x5db: {  	v18 =	vadd.s32 v5, v13  }
0x5dc: {  	v19 =	vld [tilespmem:s7+$0x180]  }
0x5dd: {  	v20 =	vld [tilespmem:s7+$0xFFFFFE80];
	v21 =	vadd.s32 v5, v11  }
0x5de: {  	v22 =	vld [tilespmem:s7+$0xFFFFFF00];
	[tilespmem:v14+s3+$0x0] =	vst.idx.msk $0xffff, v8;
	p1 =	por $0x1, $0x1;
	v23 =	vadd.s32 v5, v12  }
.Ltmp94:
0x5df: {  	v13 =	vld [tilespmem:s7+$0xFFFFFF80];
	[tilespmem:v16+s3+$0x0] =	vst.idx.msk $0xffff, v8;
	v17 =	vadd.s32 v5, v9;
	(pc) =	sbr.rel @!p1 .LBB2_134-.Ltmp94, $4  }
0x5e0: {  	v11 =	vld [tilespmem:s7+$0x0];
	[tilespmem:v18+s3+$0x0] =	vst.idx.msk $0xffff, v8;
	v18 =	vadd.s32 v5, v10  }
0x5e1: {  	[tilespmem:v15+s3+$0x0] =	vst.idx.msk $0xffff, v8;
	v12 =	vld [tilespmem:s7+$0x80];
	v14 =	vadd.s32 v5, v19  }
0x5e2: {  	v9 =	vld [tilespmem:s7+$0x100];
	v16 =	vadd.s32 v5, v20;
	[tilespmem:v21+s3+$0x0] =	vst.idx.msk $0xffff, v8  }
0x5e3: {  	s14 =	simm.s32 $0x8;
	p0 =	por $0x1, $0x1;
	v10 =	vld [tilespmem:s7+$0xFFFFFE00];
	v15 =	vadd.s32 v5, v22;
	s7 =	simm.s32 $0x18A50;
	[tilespmem:v23+s3+$0x0] =	vst.idx.msk $0xffff, v8  }
.LBB2_133:
0x5e4: {  	v19 =	vld [tilespmem:s7+$0x180];
	s14 =	sadd.s32 $0x8, s14;
	v20 =	vadd.s32 v5, v13;
	[tilespmem:v17+s3+$0x0] =	vst.idx.msk $0xffff, v8  }
0x5e5: {  	v21 =	vld [tilespmem:s7+$0xFFFFFE80];
	p1 =	slt.u32 s14, $0x18;
	v22 =	vadd.s32 v5, v11;
	[tilespmem:v18+s3+$0x0] =	vst.idx.msk $0xffff, v8  }
0x5e6: {  	v23 =	vld [tilespmem:s7+$0xFFFFFF00];
	v24 =	vadd.s32 v5, v12;
	[tilespmem:v14+s3+$0x0] =	vst.idx.msk $0xffff, v8  }
.Ltmp95:
0x5e7: {  	v13 =	vld [tilespmem:s7+$0xFFFFFF80];
	[tilespmem:v16+s3+$0x0] =	vst.idx.msk $0xffff, v8;
	v17 =	vadd.s32 v5, v9;
	(pc) =	sbr.rel @p1 .LBB2_133-.Ltmp95, $4  }
0x5e8: {  	v11 =	vld [tilespmem:s7+$0x0];
	v18 =	vadd.s32 v5, v10;
	[tilespmem:v15+s3+$0x0] =	vst.idx.msk $0xffff, v8  }
0x5e9: {  	v12 =	vld [tilespmem:s7+$0x80];
	v14 =	vadd.s32 v5, v19;
	[tilespmem:v20+s3+$0x0] =	vst.idx.msk $0xffff, v8  }
0x5ea: {  	v16 =	vadd.s32 v5, v21;
	v9 =	vld [tilespmem:s7+$0x100];
	[tilespmem:v22+s3+$0x0] =	vst.idx.msk $0xffff, v8  }
0x5eb: {  	v10 =	vld [tilespmem:s7+$0xFFFFFE00];
	v15 =	vadd.s32 v5, v23;
	s7 =	sadd.s32 $0x400, s7;
	[tilespmem:v24+s3+$0x0] =	vst.idx.msk $0xffff, v8  }
.LBB2_134:
0x5ec: {  	_ =	sdelay $0x3  }
0x5ed: {  	v13 =	vadd.s32 v5, v13;
	[tilespmem:v17+s3+$0x0] =	vst.idx.msk @p0 $0xffff, v8  }
0x5ee: {  	[tilespmem:v18+s3+$0x0] =	vst.idx.msk @p0 $0xffff, v8;
	v11 =	vadd.s32 v5, v11  }
0x5ef: {  	[tilespmem:v14+s3+$0x0] =	vst.idx.msk $0xffff, v8;
	v12 =	vadd.s32 v5, v12  }
0x5f0: {  	[tilespmem:v16+s3+$0x0] =	vst.idx.msk $0xffff, v8;
	v9 =	vadd.s32 v5, v9  }
0x5f1: {  	[tilespmem:v15+s3+$0x0] =	vst.idx.msk $0xffff, v8;
	v10 =	vadd.s32 v5, v10  }
0x5f2: {  	[tilespmem:v13+s3+$0x0] =	vst.idx.msk $0xffff, v8  }
0x5f3: {  	[tilespmem:v11+s3+$0x0] =	vst.idx.msk $0xffff, v8  }
0x5f4: {  	[tilespmem:v12+s3+$0x0] =	vst.idx.msk $0xffff, v8  }
0x5f5: {  	[tilespmem:v9+s3+$0x0] =	vst.idx.msk $0xffff, v8  }
0x5f6: {  	s7 =	simm.s32 $0x18260;
	[tilespmem:v10+s3+$0x0] =	vst.idx.msk $0xffff, v8  }
0x5f7: {  	v12 =	vld [tilespmem:s7+$0x180]  }
0x5f8: {  	v15 =	vld [tilespmem:s7+$0xFFFFFE80]  }
0x5f9: {  	p1 =	por $0x1, $0x1;
	v17 =	vld [tilespmem:s7+$0xFFFFFF00]  }
.Ltmp96:
0x5fa: {  	v13 =	vld [tilespmem:s7+$0xFFFFFF80];
	(pc) =	sbr.rel @!p1 .LBB2_135-.Ltmp96, $4  }
0x5fb: {  	v10 =	vld [tilespmem:s7+$0x0]  }
0x5fc: {  	v11 =	vld [tilespmem:s7+$0x80]  }
0x5fd: {  	v9 =	vld [tilespmem:s7+$0x100]  }
0x5fe: {  	p0 =	por $0x0, $0x0;
	v14 =	vadd.s32 v6, v12;
	v16 =	vadd.s32 v6, v15;
	v12 =	vld [tilespmem:s7+$0xFFFFFE00];
	v15 =	vadd.s32 v6, v17;
	s7 =	simm.s32 $0x18660  }
0x5ff: {  	_ = 	snop  }
0x600: {  	v18 =	vadd.s32 v6, v13  }
0x601: {  	v19 =	vld [tilespmem:s7+$0x180]  }
0x602: {  	v20 =	vld [tilespmem:s7+$0xFFFFFE80];
	v21 =	vadd.s32 v6, v10  }
0x603: {  	v22 =	vld [tilespmem:s7+$0xFFFFFF00];
	[tilespmem:v14+s3+$0x0] =	vst.idx.msk $0xffff, v8;
	p3 =	por $0x1, $0x1;
	v23 =	vadd.s32 v6, v11  }
.Ltmp97:
0x604: {  	v13 =	vld [tilespmem:s7+$0xFFFFFF80];
	[tilespmem:v16+s3+$0x0] =	vst.idx.msk $0xffff, v8;
	v17 =	vadd.s32 v6, v9;
	(pc) =	sbr.rel @!p3 .LBB2_138-.Ltmp97, $4  }
0x605: {  	v10 =	vld [tilespmem:s7+$0x0];
	[tilespmem:v18+s3+$0x0] =	vst.idx.msk $0xffff, v8;
	v18 =	vadd.s32 v6, v12  }
0x606: {  	[tilespmem:v15+s3+$0x0] =	vst.idx.msk $0xffff, v8;
	v11 =	vld [tilespmem:s7+$0x80];
	v14 =	vadd.s32 v6, v19  }
0x607: {  	v9 =	vld [tilespmem:s7+$0x100];
	v16 =	vadd.s32 v6, v20;
	[tilespmem:v21+s3+$0x0] =	vst.idx.msk $0xffff, v8  }
0x608: {  	s14 =	simm.s32 $0x8;
	p2 =	por $0x1, $0x1;
	v12 =	vld [tilespmem:s7+$0xFFFFFE00];
	v15 =	vadd.s32 v6, v22;
	s7 =	simm.s32 $0x18A60;
	[tilespmem:v23+s3+$0x0] =	vst.idx.msk $0xffff, v8  }
.LBB2_137:
0x609: {  	v19 =	vld [tilespmem:s7+$0x180];
	s14 =	sadd.s32 $0x8, s14;
	v20 =	vadd.s32 v6, v13;
	[tilespmem:v17+s3+$0x0] =	vst.idx.msk $0xffff, v8  }
0x60a: {  	v21 =	vld [tilespmem:s7+$0xFFFFFE80];
	p3 =	slt.u32 s14, $0x18;
	v22 =	vadd.s32 v6, v10;
	[tilespmem:v18+s3+$0x0] =	vst.idx.msk $0xffff, v8  }
0x60b: {  	v23 =	vld [tilespmem:s7+$0xFFFFFF00];
	v24 =	vadd.s32 v6, v11;
	[tilespmem:v14+s3+$0x0] =	vst.idx.msk $0xffff, v8  }
.Ltmp98:
0x60c: {  	v13 =	vld [tilespmem:s7+$0xFFFFFF80];
	[tilespmem:v16+s3+$0x0] =	vst.idx.msk $0xffff, v8;
	v17 =	vadd.s32 v6, v9;
	(pc) =	sbr.rel @p3 .LBB2_137-.Ltmp98, $4  }
0x60d: {  	v10 =	vld [tilespmem:s7+$0x0];
	v18 =	vadd.s32 v6, v12;
	[tilespmem:v15+s3+$0x0] =	vst.idx.msk $0xffff, v8  }
0x60e: {  	v11 =	vld [tilespmem:s7+$0x80];
	v14 =	vadd.s32 v6, v19;
	[tilespmem:v20+s3+$0x0] =	vst.idx.msk $0xffff, v8  }
0x60f: {  	v16 =	vadd.s32 v6, v21;
	v9 =	vld [tilespmem:s7+$0x100];
	[tilespmem:v22+s3+$0x0] =	vst.idx.msk $0xffff, v8  }
0x610: {  	v12 =	vld [tilespmem:s7+$0xFFFFFE00];
	v15 =	vadd.s32 v6, v23;
	s7 =	sadd.s32 $0x400, s7;
	[tilespmem:v24+s3+$0x0] =	vst.idx.msk $0xffff, v8  }
.LBB2_138:
0x611: {  	_ =	sdelay $0x3  }
0x612: {  	v13 =	vadd.s32 v6, v13;
	[tilespmem:v17+s3+$0x0] =	vst.idx.msk @p2 $0xffff, v8  }
0x613: {  	[tilespmem:v18+s3+$0x0] =	vst.idx.msk @p2 $0xffff, v8;
	v10 =	vadd.s32 v6, v10  }
0x614: {  	[tilespmem:v14+s3+$0x0] =	vst.idx.msk $0xffff, v8;
	v11 =	vadd.s32 v6, v11  }
0x615: {  	[tilespmem:v16+s3+$0x0] =	vst.idx.msk $0xffff, v8;
	v9 =	vadd.s32 v6, v9  }
0x616: {  	[tilespmem:v15+s3+$0x0] =	vst.idx.msk $0xffff, v8;
	v12 =	vadd.s32 v6, v12  }
0x617: {  	[tilespmem:v13+s3+$0x0] =	vst.idx.msk $0xffff, v8  }
0x618: {  	[tilespmem:v10+s3+$0x0] =	vst.idx.msk $0xffff, v8  }
0x619: {  	[tilespmem:v11+s3+$0x0] =	vst.idx.msk $0xffff, v8  }
0x61a: {  	[tilespmem:v9+s3+$0x0] =	vst.idx.msk $0xffff, v8  }
0x61b: {  	s7 =	simm.s32 $0x18270;
	[tilespmem:v12+s3+$0x0] =	vst.idx.msk $0xffff, v8  }
0x61c: {  	v10 =	vld [tilespmem:s7+$0x180]  }
0x61d: {  	v15 =	vld [tilespmem:s7+$0xFFFFFE80]  }
0x61e: {  	v17 =	vld [tilespmem:s7+$0xFFFFFF00]  }
.Ltmp99:
0x61f: {  	v13 =	vld [tilespmem:s7+$0xFFFFFF80];
	(pc) =	sbr.rel @!p1 .LBB2_139-.Ltmp99, $4  }
0x620: {  	v11 =	vld [tilespmem:s7+$0x0]  }
0x621: {  	v12 =	vld [tilespmem:s7+$0x80]  }
0x622: {  	v9 =	vld [tilespmem:s7+$0x100]  }
0x623: {  	v14 =	vadd.s32 v7, v10;
	v16 =	vadd.s32 v7, v15;
	v10 =	vld [tilespmem:s7+$0xFFFFFE00];
	v15 =	vadd.s32 v7, v17;
	s7 =	simm.s32 $0x18670  }
0x624: {  	_ = 	snop  }
0x625: {  	v18 =	vadd.s32 v7, v13  }
0x626: {  	v19 =	vld [tilespmem:s7+$0x180]  }
0x627: {  	v20 =	vld [tilespmem:s7+$0xFFFFFE80];
	v21 =	vadd.s32 v7, v11  }
0x628: {  	v22 =	vld [tilespmem:s7+$0xFFFFFF00];
	[tilespmem:v14+s3+$0x0] =	vst.idx.msk $0xffff, v8;
	p1 =	por $0x1, $0x1;
	v23 =	vadd.s32 v7, v12  }
.Ltmp100:
0x629: {  	v13 =	vld [tilespmem:s7+$0xFFFFFF80];
	[tilespmem:v16+s3+$0x0] =	vst.idx.msk $0xffff, v8;
	v17 =	vadd.s32 v7, v9;
	(pc) =	sbr.rel @!p1 .LBB2_142-.Ltmp100, $4  }
0x62a: {  	v11 =	vld [tilespmem:s7+$0x0];
	[tilespmem:v18+s3+$0x0] =	vst.idx.msk $0xffff, v8;
	v18 =	vadd.s32 v7, v10  }
0x62b: {  	[tilespmem:v15+s3+$0x0] =	vst.idx.msk $0xffff, v8;
	v12 =	vld [tilespmem:s7+$0x80];
	v14 =	vadd.s32 v7, v19  }
0x62c: {  	v9 =	vld [tilespmem:s7+$0x100];
	v16 =	vadd.s32 v7, v20;
	[tilespmem:v21+s3+$0x0] =	vst.idx.msk $0xffff, v8  }
0x62d: {  	s14 =	simm.s32 $0x8;
	p0 =	por $0x1, $0x1;
	v10 =	vld [tilespmem:s7+$0xFFFFFE00];
	v15 =	vadd.s32 v7, v22;
	s7 =	simm.s32 $0x18A70;
	[tilespmem:v23+s3+$0x0] =	vst.idx.msk $0xffff, v8  }
.LBB2_141:
0x62e: {  	v19 =	vld [tilespmem:s7+$0x180];
	s14 =	sadd.s32 $0x8, s14;
	v20 =	vadd.s32 v7, v13;
	[tilespmem:v17+s3+$0x0] =	vst.idx.msk $0xffff, v8  }
0x62f: {  	v21 =	vld [tilespmem:s7+$0xFFFFFE80];
	p1 =	slt.u32 s14, $0x18;
	v22 =	vadd.s32 v7, v11;
	[tilespmem:v18+s3+$0x0] =	vst.idx.msk $0xffff, v8  }
0x630: {  	v23 =	vld [tilespmem:s7+$0xFFFFFF00];
	v24 =	vadd.s32 v7, v12;
	[tilespmem:v14+s3+$0x0] =	vst.idx.msk $0xffff, v8  }
.Ltmp101:
0x631: {  	v13 =	vld [tilespmem:s7+$0xFFFFFF80];
	[tilespmem:v16+s3+$0x0] =	vst.idx.msk $0xffff, v8;
	v17 =	vadd.s32 v7, v9;
	(pc) =	sbr.rel @p1 .LBB2_141-.Ltmp101, $4  }
0x632: {  	v11 =	vld [tilespmem:s7+$0x0];
	v18 =	vadd.s32 v7, v10;
	[tilespmem:v15+s3+$0x0] =	vst.idx.msk $0xffff, v8  }
0x633: {  	v12 =	vld [tilespmem:s7+$0x80];
	v14 =	vadd.s32 v7, v19;
	[tilespmem:v20+s3+$0x0] =	vst.idx.msk $0xffff, v8  }
0x634: {  	v16 =	vadd.s32 v7, v21;
	v9 =	vld [tilespmem:s7+$0x100];
	[tilespmem:v22+s3+$0x0] =	vst.idx.msk $0xffff, v8  }
0x635: {  	v10 =	vld [tilespmem:s7+$0xFFFFFE00];
	v15 =	vadd.s32 v7, v23;
	s7 =	sadd.s32 $0x400, s7;
	[tilespmem:v24+s3+$0x0] =	vst.idx.msk $0xffff, v8  }
.LBB2_142:
0x636: {  	_ =	sdelay $0x3  }
0x637: {  	v13 =	vadd.s32 v7, v13;
	[tilespmem:v17+s3+$0x0] =	vst.idx.msk @p0 $0xffff, v8  }
0x638: {  	[tilespmem:v18+s3+$0x0] =	vst.idx.msk @p0 $0xffff, v8;
	v11 =	vadd.s32 v7, v11  }
0x639: {  	[tilespmem:v14+s3+$0x0] =	vst.idx.msk $0xffff, v8;
	v12 =	vadd.s32 v7, v12  }
0x63a: {  	[tilespmem:v16+s3+$0x0] =	vst.idx.msk $0xffff, v8;
	s7 =	sand.u32 $0x7, s9;
	v9 =	vadd.s32 v7, v9  }
0x63b: {  	[tilespmem:v15+s3+$0x0] =	vst.idx.msk $0xffff, v8;
	s30 =	sshll.u32 s9, $0x4;
	s8 =	sadd.s32 $0x1, s8;
	s7 =	smul.u32 $0x320000, s7;
	v10 =	vadd.s32 v7, v10  }
0x63c: {  	s14 =	sand.u32 $0x7FFFFC00, s30;
	p0 =	sne.s32 s8, $0xA;
	[tilespmem:v13+s3+$0x0] =	vst.idx.msk $0xffff, v8  }
.Ltmp102:
0x63d: {  	s9 =	sand.u32 $0x380, s30;
	s7 =	sadd.s32 s14, s7;
	[tilespmem:v11+s3+$0x0] =	vst.idx.msk $0xffff, v8;
	(pc) =	sbr.rel @p0 .LBB2_2-.Ltmp102, $4  }
.Ltmp103:
0x63e: {  	s7 =	sor.u32 s9, s7;
	[tilespmem:v12+s3+$0x0] =	vst.idx.msk $0xffff, v8;
	(pc) =	sbr.rel @!p0 .LBB2_143-.Ltmp103, $4  }
0x63f: {  	s7 =	sshrl.u32 s7, $0x3;
	[tilespmem:v9+s3+$0x0] =	vst.idx.msk $0xffff, v8  }
0x640: {  	s7 =	sadd.s32 s4, s7;
	[tilespmem:v10+s3+$0x0] =	vst.idx.msk $0xffff, v8  }
0x641: {  	[hbm4b:s7+s17] =	stream.strided.scatter [tilespmem:s3], [sflag:$0xA], $0x4000, s18, s17, $0x38;
	[tilespmem:$0x19080] =	vst v63  }
0x642: {  	_ = 	snop  }
.LBB2_7:
.Ltmp104:
0x643: {  	(pc) =	sbr.rel .LBB2_10-.Ltmp104, $2  }
0x644: {  	_ =	sdelay $0x2  }
0x645: {  	p3 =	por $0x0, $0x0  }
.LBB2_11:
.Ltmp105:
0x646: {  	(pc) =	sbr.rel .LBB2_14-.Ltmp105, $2  }
0x647: {  	_ =	sdelay $0x2  }
0x648: {  	_ = 	snop  }
.LBB2_15:
.Ltmp106:
0x649: {  	(pc) =	sbr.rel .LBB2_18-.Ltmp106, $2  }
0x64a: {  	_ =	sdelay $0x2  }
0x64b: {  	p3 =	por $0x0, $0x0  }
.LBB2_19:
.Ltmp107:
0x64c: {  	(pc) =	sbr.rel .LBB2_22-.Ltmp107, $2  }
0x64d: {  	_ =	sdelay $0x2  }
0x64e: {  	_ = 	snop  }
.LBB2_23:
.Ltmp108:
0x64f: {  	(pc) =	sbr.rel .LBB2_26-.Ltmp108, $2  }
0x650: {  	_ =	sdelay $0x2  }
0x651: {  	p3 =	por $0x0, $0x0  }
.LBB2_27:
.Ltmp109:
0x652: {  	(pc) =	sbr.rel .LBB2_30-.Ltmp109, $2  }
0x653: {  	_ =	sdelay $0x2  }
0x654: {  	_ = 	snop  }
.LBB2_35:
.Ltmp110:
0x655: {  	(pc) =	sbr.rel .LBB2_38-.Ltmp110, $2  }
0x656: {  	_ =	sdelay $0x2  }
0x657: {  	p3 =	por $0x0, $0x0  }
.LBB2_39:
.Ltmp111:
0x658: {  	(pc) =	sbr.rel .LBB2_42-.Ltmp111, $2  }
0x659: {  	_ =	sdelay $0x2  }
0x65a: {  	_ = 	snop  }
.LBB2_43:
.Ltmp112:
0x65b: {  	(pc) =	sbr.rel .LBB2_46-.Ltmp112, $2  }
0x65c: {  	_ =	sdelay $0x2  }
0x65d: {  	p3 =	por $0x0, $0x0  }
.LBB2_47:
.Ltmp113:
0x65e: {  	(pc) =	sbr.rel .LBB2_50-.Ltmp113, $2  }
0x65f: {  	_ =	sdelay $0x2  }
0x660: {  	_ = 	snop  }
.LBB2_51:
.Ltmp114:
0x661: {  	(pc) =	sbr.rel .LBB2_54-.Ltmp114, $2  }
0x662: {  	_ =	sdelay $0x2  }
0x663: {  	p3 =	por $0x0, $0x0  }
.LBB2_55:
.Ltmp115:
0x664: {  	(pc) =	sbr.rel .LBB2_58-.Ltmp115, $2  }
0x665: {  	_ =	sdelay $0x2  }
0x666: {  	_ = 	snop  }
.LBB2_63:
.Ltmp116:
0x667: {  	(pc) =	sbr.rel .LBB2_66-.Ltmp116, $2  }
0x668: {  	_ =	sdelay $0x2  }
0x669: {  	p3 =	por $0x0, $0x0  }
.LBB2_67:
.Ltmp117:
0x66a: {  	(pc) =	sbr.rel .LBB2_70-.Ltmp117, $2  }
0x66b: {  	_ =	sdelay $0x2  }
0x66c: {  	_ = 	snop  }
.LBB2_71:
.Ltmp118:
0x66d: {  	(pc) =	sbr.rel .LBB2_74-.Ltmp118, $2  }
0x66e: {  	_ =	sdelay $0x2  }
0x66f: {  	p3 =	por $0x0, $0x0  }
.LBB2_75:
.Ltmp119:
0x670: {  	(pc) =	sbr.rel .LBB2_78-.Ltmp119, $2  }
0x671: {  	_ =	sdelay $0x2  }
0x672: {  	_ = 	snop  }
.LBB2_79:
.Ltmp120:
0x673: {  	(pc) =	sbr.rel .LBB2_82-.Ltmp120, $2  }
0x674: {  	_ =	sdelay $0x2  }
0x675: {  	p3 =	por $0x0, $0x0  }
.LBB2_83:
.Ltmp121:
0x676: {  	(pc) =	sbr.rel .LBB2_86-.Ltmp121, $2  }
0x677: {  	_ =	sdelay $0x2  }
0x678: {  	_ = 	snop  }
.LBB2_91:
.Ltmp122:
0x679: {  	(pc) =	sbr.rel .LBB2_94-.Ltmp122, $2  }
0x67a: {  	_ =	sdelay $0x2  }
0x67b: {  	p2 =	por $0x0, $0x0  }
.LBB2_95:
.Ltmp123:
0x67c: {  	(pc) =	sbr.rel .LBB2_98-.Ltmp123, $2  }
0x67d: {  	_ =	sdelay $0x2  }
0x67e: {  	_ = 	snop  }
.LBB2_99:
.Ltmp124:
0x67f: {  	(pc) =	sbr.rel .LBB2_102-.Ltmp124, $2  }
0x680: {  	_ =	sdelay $0x2  }
0x681: {  	p2 =	por $0x0, $0x0  }
.LBB2_103:
.Ltmp125:
0x682: {  	(pc) =	sbr.rel .LBB2_106-.Ltmp125, $2  }
0x683: {  	_ =	sdelay $0x2  }
0x684: {  	_ = 	snop  }
.LBB2_107:
.Ltmp126:
0x685: {  	(pc) =	sbr.rel .LBB2_110-.Ltmp126, $2  }
0x686: {  	_ =	sdelay $0x2  }
0x687: {  	p2 =	por $0x0, $0x0  }
.LBB2_111:
.Ltmp127:
0x688: {  	(pc) =	sbr.rel .LBB2_114-.Ltmp127, $2  }
0x689: {  	_ =	sdelay $0x2  }
0x68a: {  	_ = 	snop  }
.LBB2_119:
.Ltmp128:
0x68b: {  	(pc) =	sbr.rel .LBB2_122-.Ltmp128, $2  }
0x68c: {  	_ =	sdelay $0x2  }
0x68d: {  	p2 =	por $0x0, $0x0  }
.LBB2_123:
.Ltmp129:
0x68e: {  	(pc) =	sbr.rel .LBB2_126-.Ltmp129, $2  }
0x68f: {  	_ =	sdelay $0x2  }
0x690: {  	_ = 	snop  }
.LBB2_127:
.Ltmp130:
0x691: {  	(pc) =	sbr.rel .LBB2_130-.Ltmp130, $2  }
0x692: {  	_ =	sdelay $0x2  }
0x693: {  	p2 =	por $0x0, $0x0  }
.LBB2_131:
.Ltmp131:
0x694: {  	(pc) =	sbr.rel .LBB2_134-.Ltmp131, $2  }
0x695: {  	_ =	sdelay $0x2  }
0x696: {  	_ = 	snop  }
.LBB2_135:
.Ltmp132:
0x697: {  	(pc) =	sbr.rel .LBB2_138-.Ltmp132, $2  }
0x698: {  	_ =	sdelay $0x2  }
0x699: {  	p2 =	por $0x0, $0x0  }
.LBB2_139:
.Ltmp133:
0x69a: {  	(pc) =	sbr.rel .LBB2_142-.Ltmp133, $2  }
0x69b: {  	_ =	sdelay $0x2  }
0x69c: {  	_ = 	snop  }
.LBB2_144:
0x69d: {  	_ =	sfence.sel $0x180000  }
0x69e: {  	[bflag:$0x0] =	sbarrier.arrive $0xFFFF  }
0x69f: {  	_ =	strace $0x90000047  }
0x6a0: {  	s0 =	stileid.u32;
	[bflag:$0x2] =	sbarrier.arrive $0xFFFF  }
0x6a1: {  	p0 =	sne.s32 s0, $0x0;
	s0 =	rddreg [dreg:$0x4]  }
0x6a2: {  	s0 =	sadd.s32 @!p0 $0x100000, s0  }
0x6a3: {  	[sflag:s0] =	ssyncadd.tile.s32 @!p0 $0x1;
	_ =	shalt  }
.Lfunc_end2:
_tile_overlayer_lowered:
.L_overlay_start_2:
0x6a4: {  	(tag) =	ssettag $0x2  }
0x6a5: {  	s0 =	rddreg [dreg:$0x0];
	s2 =	stileid.u32  }
0x6a6: {  	s1 =	rddreg [dreg:$0x1];
	p0 =	sne.s32 s2, $0x0  }
0x6a7: {  	s3 =	rddreg [dreg:$0x2];
	[bflag:$0x3] =	sbarrier.arrive $0xFFFF;
	s2 =	simm.s32 @!p0 $0x1C0B  }
0x6a8: {  	[timem:s3], [sflag:s2] =	dma.local @!p0 [hbm:s0], s1  }
0x6a9: {  	s0 =	simm.s32 @!p0 $0xB  }
0x6aa: {  	_ =	swait.ge @!p0 [sflag:s0], s1  }
0x6ab: {  	s1 =	ssub.s32 @!p0 $0x0, s1;
	[sflag:s0] =	ssyncset.done @!p0 $0x0  }
0x6ac: {  	[sflag:s0] =	ssyncadd.s32 @!p0 s1  }
0x6ad: {  	[bflag:$0x3] =	sbarrier.arrive $0xFFFF  }
0x6ae: {  	_ =	shalt  }

</sc_bundles>
